<compile_context>
chip_gen: v7x
topology: tpu7x:2x2x1
jax: 0.10.2.dev20260603
libtpu: 0.0.44.dev20260713+nightly
codegen_flags: <defaults>
</compile_context>

<pallas_src>
import jax
import jax.numpy as jnp
import numpy as np
from jax import lax
from jax.experimental import pallas as pl
from jax.experimental.pallas import tpu as pltpu
from jax.experimental.pallas import tpu_sc as plsc

_N = 20000
_C = 76
_NW = 32
_RW = 640
_H1 = 256
_MAIN = 19968
_TAIL = _N - _MAIN
_GROUPS = _RW // 16

_F32 = jnp.float32
_I32 = jnp.int32


def _trunc(x):
    return x.astype(_I32).astype(_F32)


def _floor(x):
    f = _trunc(x)
    return jnp.where(f > x, f - np.float32(1.0), f)


def _sincos(r):
    half = jnp.where(r >= 0, np.float32(0.5), np.float32(-0.5))
    jf = _trunc(r * np.float32(2.0 / np.pi) + half)
    j = jf.astype(_I32)
    t = r - jf * np.float32(1.5703125)
    t = t - jf * np.float32(4.837512969970703e-4)
    t = t - jf * np.float32(7.54978995489188e-8)
    z = t * t
    sin_t = t + t * z * (np.float32(-1.6666654611e-1)
                         + z * (np.float32(8.3321608736e-3)
                                + z * np.float32(-1.9515295891e-4)))
    cos_t = np.float32(1.0) + z * (np.float32(-0.5)
                                   + z * (np.float32(4.166664568298827e-2)
                                          + z * (np.float32(-1.388731625493765e-3)
                                                 + z * np.float32(2.443315711809948e-5))))
    q = j & 3
    swap = (q & 1) == 1
    sbase = jnp.where(swap, cos_t, sin_t)
    cbase = jnp.where(swap, sin_t, cos_t)
    sin_r = jnp.where(q >= 2, -sbase, sbase)
    cos_r = jnp.where((q == 1) | (q == 2), -cbase, cbase)
    return sin_r, cos_r


def _decode_rows(pred_v, roi_v, out_v, r_in, r_out, a0, a1, a2):
    def argmax_with_res(ch0, res0):
        bv = pred_v[ch0, pl.ds(r_in, 16)]
        br = pred_v[res0, pl.ds(r_in, 16)]
        bi = jnp.zeros((16,), _I32)
        for jj in range(1, 12):
            v = pred_v[ch0 + jj, pl.ds(r_in, 16)]
            rr = pred_v[res0 + jj, pl.ds(r_in, 16)]
            take = v > bv
            bv = jnp.where(take, v, bv)
            br = jnp.where(take, rr, br)
            bi = jnp.where(take, jj, bi)
        return bi, br

    x_bin, x_res = argmax_with_res(0, 24)
    z_bin, z_res = argmax_with_res(12, 36)
    ry_bin, ry_resn = argmax_with_res(49, 61)

    y_res = pred_v[48, pl.ds(r_in, 16)]
    s0 = pred_v[73, pl.ds(r_in, 16)]
    s1 = pred_v[74, pl.ds(r_in, 16)]
    s2 = pred_v[75, pl.ds(r_in, 16)]
    roi_x = roi_v[0, pl.ds(r_in, 16)]
    roi_y = roi_v[1, pl.ds(r_in, 16)]
    roi_z = roi_v[2, pl.ds(r_in, 16)]
    roi_ry = roi_v[6, pl.ds(r_in, 16)]

    pos_x = x_bin.astype(_F32) * np.float32(0.5) + np.float32(0.25 - 3.0) \
        + x_res * np.float32(0.5)
    pos_z = z_bin.astype(_F32) * np.float32(0.5) + np.float32(0.25 - 3.0) \
        + z_res * np.float32(0.5)
    pos_y = roi_y + y_res

    aps = np.float32(2.0 * np.pi / 12.0)
    v = ry_bin.astype(_F32) * aps + ry_resn * (aps * np.float32(0.5))
    twopi = np.float32(2.0 * np.pi)
    m = v - _floor(v * (np.float32(1.0) / twopi)) * twopi
    ry = jnp.where(m > np.float32(np.pi), m - twopi, m)

    h = s0 * a0 + a0
    w = s1 * a1 + a1
    l = s2 * a2 + a2

    sin_r, cos_r = _sincos(roi_ry)
    out_x = pos_x * cos_r + pos_z * sin_r + roi_x
    out_z = -pos_x * sin_r + pos_z * cos_r + roi_z
    out_ry = ry + roi_ry

    for ci, val in enumerate((out_x, pos_y, out_z, h, w, l, out_ry)):
        out_v[ci, pl.ds(r_out, 16)] = val


def _body(roi_hbm, pred_hbm, side_hbm, out_hbm, out_tail_hbm,
          pred_v, roi_v, out_v, anchor_v, ptail_v, rtail_v, sem1, sem2):
    c = lax.axis_index("c")
    s = lax.axis_index("s")
    wid = s * 2 + c
    base = wid * _RW

    pltpu.sync_copy(side_hbm.at[pl.ds(0, 8)], anchor_v)
    a0 = anchor_v[0, pl.ds(0, 16)]
    a1 = anchor_v[1, pl.ds(0, 16)]
    a2 = anchor_v[2, pl.ds(0, 16)]

    def group(g, carry):
        _decode_rows(pred_v, roi_v, out_v, g * 16, g * 16, a0, a1, a2)
        return carry

    @pl.when(wid < _NW - 1)
    def _run_main():
        cp1 = pltpu.async_copy(pred_hbm.at[:, pl.ds(base, _H1)],
                               pred_v.at[:, pl.ds(0, _H1)], sem1)
        cp2 = pltpu.async_copy(pred_hbm.at[:, pl.ds(base + _H1, _RW - _H1)],
                               pred_v.at[:, pl.ds(_H1, _RW - _H1)], sem2)
        pltpu.sync_copy(roi_hbm.at[:, pl.ds(base, _RW)], roi_v)
        cp1.wait()
        lax.fori_loop(0, _H1 // 16, group, 0, unroll=False)
        cp2.wait()
        lax.fori_loop(_H1 // 16, _GROUPS, group, 0, unroll=False)
        pltpu.sync_copy(out_v, out_hbm.at[:, pl.ds(base, _RW)])

    @pl.when(wid == _NW - 1)
    def _run_last():
        cp1 = pltpu.async_copy(pred_hbm.at[:, pl.ds(_MAIN - 128, 128)],
                               pred_v.at[:, pl.ds(0, 128)], sem1)
        pltpu.sync_copy(roi_hbm.at[:, pl.ds(_MAIN - 128, 128)],
                        roi_v.at[:, pl.ds(0, 128)])
        pltpu.sync_copy(side_hbm.at[pl.ds(8, 80)], ptail_v)
        pltpu.sync_copy(side_hbm.at[pl.ds(88, 8)], rtail_v)
        cp1.wait()
        lax.fori_loop(0, 8, group, 0, unroll=False)
        for gg in range(2):
            _decode_rows(ptail_v, rtail_v, out_v, gg * 16, 128 + gg * 16,
                         a0, a1, a2)
        pltpu.sync_copy(out_v.at[:, pl.ds(0, 128)],
                        out_hbm.at[:, pl.ds(_MAIN - 128, 128)])
        pltpu.sync_copy(out_v.at[:, pl.ds(128, 128)], out_tail_hbm)


@jax.jit
def _decode(roi_t, pred_t, side):
    mesh = plsc.VectorSubcoreMesh(core_axis_name="c", subcore_axis_name="s")
    run = pl.kernel(
        _body,
        mesh=mesh,
        compiler_params=pltpu.CompilerParams(
            needs_layout_passes=False, use_tc_tiling_on_sc=True,
            skip_device_barrier=True, disable_bounds_checks=True),
        out_type=(jax.ShapeDtypeStruct((7, _N), _F32),
                  jax.ShapeDtypeStruct((7, 128), _F32)),
        scratch_types=[
            pltpu.VMEM((_C, _RW), _F32),
            pltpu.VMEM((7, _RW), _F32),
            pltpu.VMEM((7, _RW), _F32),
            pltpu.VMEM((8, 128), _F32),
            pltpu.VMEM((80, 128), _F32),
            pltpu.VMEM((8, 128), _F32),
            pltpu.SemaphoreType.DMA,
            pltpu.SemaphoreType.DMA,
        ],
    )
    return run(roi_t, pred_t, side)


def kernel(roi_box3d, pred_reg, anchor_size):
    roi_t = roi_box3d.T
    pred_t = pred_reg.T
    anchor_blk = jnp.pad(jnp.broadcast_to(anchor_size[:, None].astype(_F32),
                                          (3, 128)), ((0, 5), (0, 0)))
    pred_blk = jnp.pad(lax.slice(pred_t, (0, _MAIN), (_C, _N)),
                       ((0, 4), (0, 128 - _TAIL)))
    roi_blk = jnp.pad(lax.slice(roi_t, (0, _MAIN), (7, _N)),
                      ((0, 1), (0, 128 - _TAIL)))
    side = jnp.concatenate([anchor_blk, pred_blk, roi_blk], axis=0)
    out_t, out_tail = _decode(roi_t, pred_t, side)
    out_t = lax.dynamic_update_slice(
        out_t, lax.slice(out_tail, (0, 0), (7, _TAIL)), (0, _MAIN))
    return out_t.T

# --- scband reference (transcript-rebuilt; emitter-appended) ---
"""Pipeline reference for scband-rcnn-69217692942972 (READ-ONLY COPY).

The authoritative reference and input builder live on the scoring server;
editing this copy changes nothing except your own understanding.
"""

import jax, jax.numpy as jnp
import numpy as np

LOC_SCOPE = 3.0
LOC_BIN_SIZE = 0.5
NUM_HEAD_BIN = 12
N = 20000
C = 76


def setup_inputs(seed: int = 0) -> dict:
    key = jax.random.key(seed)
    k1, k2 = jax.random.split(key, 2)
    roi_box3d = jax.random.normal(k1, (N, 7), dtype=jnp.float32)
    pred_reg = jax.random.normal(k2, (N, C), dtype=jnp.float32)
    anchor_size = jnp.array([1.53, 1.63, 3.88], dtype=jnp.float32)
    return {"roi_box3d": roi_box3d, "pred_reg": pred_reg, "anchor_size": anchor_size}


def _rotate_pc_along_y(pc, rot_angle):
    cosa = jnp.reshape(jnp.cos(rot_angle), (-1, 1))
    sina = jnp.reshape(jnp.sin(rot_angle), (-1, 1))
    raw_1 = jnp.concatenate([cosa, -sina], axis=1)
    raw_2 = jnp.concatenate([sina, cosa], axis=1)
    R = jnp.concatenate([raw_1[:, None, :], raw_2[:, None, :]], axis=1)
    pc_temp = jnp.stack([pc[..., 0], pc[..., 2]], axis=-1).reshape(pc.shape[0], -1, 2)
    pc_temp = jnp.matmul(pc_temp, jnp.transpose(R, (0, 2, 1)))
    pc_temp = pc_temp.reshape(pc.shape[:-1] + (2,))
    return jnp.concatenate([pc_temp[..., :1], pc[..., 1:2], pc_temp[..., 1:2], pc[..., 3:]], axis=-1)


def reference(roi_box3d, pred_reg, anchor_size):
    per_loc_bin_num = int(LOC_SCOPE / LOC_BIN_SIZE) * 2  # 12
    x_bin_l, x_bin_r = 0, per_loc_bin_num
    z_bin_l, z_bin_r = per_loc_bin_num, per_loc_bin_num * 2
    x_bin = jnp.argmax(pred_reg[:, x_bin_l:x_bin_r], axis=1)
    z_bin = jnp.argmax(pred_reg[:, z_bin_l:z_bin_r], axis=1)
    pos_x = x_bin.astype(jnp.float32) * LOC_BIN_SIZE + LOC_BIN_SIZE / 2 - LOC_SCOPE
    pos_z = z_bin.astype(jnp.float32) * LOC_BIN_SIZE + LOC_BIN_SIZE / 2 - LOC_SCOPE
    # get_xz_fine = True
    x_res_l, x_res_r = per_loc_bin_num * 2, per_loc_bin_num * 3
    z_res_l, z_res_r = per_loc_bin_num * 3, per_loc_bin_num * 4
    x_res_norm = jnp.take_along_axis(pred_reg[:, x_res_l:x_res_r], x_bin[:, None], axis=1)[:, 0]
    z_res_norm = jnp.take_along_axis(pred_reg[:, z_res_l:z_res_r], z_bin[:, None], axis=1)[:, 0]
    pos_x = pos_x + x_res_norm * LOC_BIN_SIZE
    pos_z = pos_z + z_res_norm * LOC_BIN_SIZE
    start_offset = z_res_r
    # get_y_by_bin = False
    pos_y = roi_box3d[:, 1] + pred_reg[:, start_offset]
    start_offset = start_offset + 1
    ry_bin_l, ry_bin_r = start_offset, start_offset + NUM_HEAD_BIN
    ry_res_l, ry_res_r = ry_bin_r, ry_bin_r + NUM_HEAD_BIN
    ry_bin = jnp.argmax(pred_reg[:, ry_bin_l:ry_bin_r], axis=1)
    ry_res_norm = jnp.take_along_axis(pred_reg[:, ry_res_l:ry_res_r], ry_bin[:, None], axis=1)[:, 0]
    # get_ry_fine = False
    angle_per_class = 2 * np.pi / NUM_HEAD_BIN
    ry_res = ry_res_norm * (angle_per_class / 2)
    ry = (ry_bin.astype(jnp.float32) * angle_per_class + ry_res) % (2 * np.pi)
    ry = jnp.where(ry > np.pi, ry - 2 * np.pi, ry)
    size_res_l, size_res_r = ry_res_r, ry_res_r + 3
    size_res_norm = pred_reg[:, size_res_l:size_res_r]
    hwl = size_res_norm * anchor_size + anchor_size
    roi_center = roi_box3d[:, 0:3]
    shift_ret_box3d = jnp.concatenate(
        [pos_x[:, None], pos_y[:, None], pos_z[:, None], hwl, ry[:, None]], axis=1)
    # roi_box3d has 7 columns
    roi_ry = roi_box3d[:, 6:7]
    ret_box3d = _rotate_pc_along_y(shift_ret_box3d, -roi_ry)
    ret_box3d = jnp.concatenate([ret_box3d[:, :6], ret_box3d[:, 6:7] + roi_ry], axis=1)
    ret_box3d = jnp.concatenate(
        [ret_box3d[:, :1] + roi_center[:, :1], ret_box3d[:, 1:2],
         ret_box3d[:, 2:3] + roi_center[:, 2:3], ret_box3d[:, 3:]], axis=1)
    return ret_box3d

if __name__ == "__main__":
    import jax
    _d = setup_inputs()
    print(jax.jit(kernel)(*tuple(_d.values())))

</pallas_src>

<mosaic_0001>
#map = affine_map<(d0, d1) -> (0, 0)>
module attributes {stable_mosaic.version = 14 : i64} {
  func.func @_body(%arg0: i32, %arg1: i32, %arg2: memref<7x20000xf32, #tpu.memory_space<hbm>>, %arg3: memref<76x20000xf32, #tpu.memory_space<hbm>>, %arg4: memref<96x128xf32, #tpu.memory_space<hbm>>, %arg5: memref<7x20000xf32, #tpu.memory_space<hbm>>, %arg6: memref<7x128xf32, #tpu.memory_space<hbm>>, %arg7: memref<76x640xf32, #tpu.memory_space<vmem>>, %arg8: memref<7x640xf32, #tpu.memory_space<vmem>>, %arg9: memref<7x640xf32, #tpu.memory_space<vmem>>, %arg10: memref<8x128xf32, #tpu.memory_space<vmem>>, %arg11: memref<80x128xf32, #tpu.memory_space<vmem>>, %arg12: memref<8x128xf32, #tpu.memory_space<vmem>>, %arg13: memref<!tpu.dma_semaphore, #tpu.memory_space<semaphore_mem>>, %arg14: memref<!tpu.dma_semaphore, #tpu.memory_space<semaphore_mem>>) attributes {dimension_semantics = [#tpu.dimension_semantics<core_parallel>, #tpu.dimension_semantics<subcore_parallel>], iteration_bounds = array<i64: 2, 16>, scalar_prefetch = 0 : i64, scratch_operands = 8 : i64, tpu.core_type = #tpu.core_type<sc_vector_subcore>, window_params = [{transform_indices = #map}, {transform_indices = #map}, {transform_indices = #map}, {transform_indices = #map}, {transform_indices = #map}]} {
    %mul3A = arith.constant 2 : i32
    %mul3A_0 = arith.muli %arg1, %mul3A : i32
    %add3A = arith.addi %mul3A_0, %arg0 : i32
    %mul3A_1 = arith.constant 640 : i32
    %mul3A_2 = arith.muli %add3A, %mul3A_1 : i32
    "tpu.region"() ({
      %run_scoped3A = tpu.sem_alloc : memref<!tpu.dma_semaphore, #tpu.memory_space<semaphore_mem>>
      %dma_start3A = arith.constant 0 : i32
      %dma_start3A_20 = arith.constant 0 : i32
      %dma_start3A_21 = tpu.memref_slice %arg4[%dma_start3A, %dma_start3A_20] : memref<96x128xf32, #tpu.memory_space<hbm>> -> memref<8x128xf32, #tpu.memory_space<hbm>>
      %dma_start3A_22 = arith.constant 0 : i32
      %dma_start3A_23 = arith.constant 0 : i32
      %dma_start3A_24 = tpu.memref_slice %arg4[%dma_start3A_22, %dma_start3A_23] : memref<96x128xf32, #tpu.memory_space<hbm>> -> memref<8x128xf32, #tpu.memory_space<hbm>>
      tpu.enqueue_dma source(%dma_start3A_24 : memref<8x128xf32, #tpu.memory_space<hbm>>) target(%arg10 : memref<8x128xf32, #tpu.memory_space<vmem>>) target_semaphore(%run_scoped3A : memref<!tpu.dma_semaphore, #tpu.memory_space<semaphore_mem>>)
      %dma_wait3A = arith.constant 0 : i32
      %dma_wait3A_25 = arith.constant 0 : i32
      %dma_wait3A_26 = tpu.memref_slice %arg4[%dma_wait3A, %dma_wait3A_25] : memref<96x128xf32, #tpu.memory_space<hbm>> -> memref<8x128xf32, #tpu.memory_space<hbm>>
      %dma_wait3A_27 = arith.constant 0 : i32
      %dma_wait3A_28 = arith.constant 0 : i32
      %dma_wait3A_29 = tpu.memref_slice %arg4[%dma_wait3A_27, %dma_wait3A_28] : memref<96x128xf32, #tpu.memory_space<hbm>> -> memref<8x128xf32, #tpu.memory_space<hbm>>
      tpu.wait_dma2 semaphore(%run_scoped3A : memref<!tpu.dma_semaphore, #tpu.memory_space<semaphore_mem>>) src(%dma_wait3A_29 : memref<8x128xf32, #tpu.memory_space<hbm>>) dst(%arg10 : memref<8x128xf32, #tpu.memory_space<vmem>>)
      tpu.yield
    }) : () -> ()
    %get3A = arith.constant 0 : i32
    %get3A_3 = arith.index_cast %get3A : i32 to index
    %get3A_4 = arith.constant 0 : index
    %get3A_5 = tpu.vector_load %arg10[%get3A_3, %get3A_4] {strides = array<i32>} : memref<8x128xf32, #tpu.memory_space<vmem>>, vector<16xf32>,
    %get3A_6 = arith.constant 1 : i32
    %get3A_7 = arith.index_cast %get3A_6 : i32 to index
    %get3A_8 = arith.constant 0 : index
    %get3A_9 = tpu.vector_load %arg10[%get3A_7, %get3A_8] {strides = array<i32>} : memref<8x128xf32, #tpu.memory_space<vmem>>, vector<16xf32>,
    %get3A_10 = arith.constant 2 : i32
    %get3A_11 = arith.index_cast %get3A_10 : i32 to index
    %get3A_12 = arith.constant 0 : index
    %get3A_13 = tpu.vector_load %arg10[%get3A_11, %get3A_12] {strides = array<i32>} : memref<8x128xf32, #tpu.memory_space<vmem>>, vector<16xf32>,
    %lt3A = arith.constant 31 : i32
    %lt3A_14 = arith.cmpi slt, %add3A, %lt3A : i32
    %convert_element_type3A = arith.extui %lt3A_14 : i1 to i32
    %cond3A = arith.constant 0 : i32
    %cond3A_15 = arith.cmpi ne, %convert_element_type3A, %cond3A : i32
    scf.if %cond3A_15 {
      %dma_start3A = arith.constant 0 : i32
      %dma_start3A_20 = arith.constant 0 : i32
      %dma_start3A_21 = tpu.memref_slice %arg7[%dma_start3A, %dma_start3A_20] : memref<76x640xf32, #tpu.memory_space<vmem>> -> memref<76x256xf32, #tpu.memory_space<vmem>>
      %dma_start3A_22 = arith.constant 0 : i32
      %dma_start3A_23 = tpu.memref_slice %arg3[%dma_start3A_22, %mul3A_2] : memref<76x20000xf32, #tpu.memory_space<hbm>> -> memref<76x256xf32, #tpu.memory_space<hbm>>
      %dma_start3A_24 = arith.constant 0 : i32
      %dma_start3A_25 = arith.constant 0 : i32
      %dma_start3A_26 = tpu.memref_slice %arg7[%dma_start3A_24, %dma_start3A_25] : memref<76x640xf32, #tpu.memory_space<vmem>> -> memref<76x256xf32, #tpu.memory_space<vmem>>
      %dma_start3A_27 = arith.constant 0 : i32
      %dma_start3A_28 = tpu.memref_slice %arg3[%dma_start3A_27, %mul3A_2] : memref<76x20000xf32, #tpu.memory_space<hbm>> -> memref<76x256xf32, #tpu.memory_space<hbm>>
      tpu.enqueue_dma source(%dma_start3A_28 : memref<76x256xf32, #tpu.memory_space<hbm>>) target(%dma_start3A_26 : memref<76x256xf32, #tpu.memory_space<vmem>>) target_semaphore(%arg13 : memref<!tpu.dma_semaphore, #tpu.memory_space<semaphore_mem>>)
      %add3A_29 = arith.constant 256 : i32
      %add3A_30 = arith.addi %mul3A_2, %add3A_29 : i32
      %dma_start3A_31 = arith.constant 0 : i32
      %dma_start3A_32 = arith.constant 256 : i32
      %dma_start3A_33 = tpu.memref_slice %arg7[%dma_start3A_31, %dma_start3A_32] : memref<76x640xf32, #tpu.memory_space<vmem>> -> memref<76x384xf32, #tpu.memory_space<vmem>>
      %dma_start3A_34 = arith.constant 0 : i32
      %dma_start3A_35 = tpu.memref_slice %arg3[%dma_start3A_34, %add3A_30] : memref<76x20000xf32, #tpu.memory_space<hbm>> -> memref<76x384xf32, #tpu.memory_space<hbm>>
      %dma_start3A_36 = arith.constant 0 : i32
      %dma_start3A_37 = arith.constant 256 : i32
      %dma_start3A_38 = tpu.memref_slice %arg7[%dma_start3A_36, %dma_start3A_37] : memref<76x640xf32, #tpu.memory_space<vmem>> -> memref<76x384xf32, #tpu.memory_space<vmem>>
      %dma_start3A_39 = arith.constant 0 : i32
      %dma_start3A_40 = tpu.memref_slice %arg3[%dma_start3A_39, %add3A_30] : memref<76x20000xf32, #tpu.memory_space<hbm>> -> memref<76x384xf32, #tpu.memory_space<hbm>>
      tpu.enqueue_dma source(%dma_start3A_40 : memref<76x384xf32, #tpu.memory_space<hbm>>) target(%dma_start3A_38 : memref<76x384xf32, #tpu.memory_space<vmem>>) target_semaphore(%arg14 : memref<!tpu.dma_semaphore, #tpu.memory_space<semaphore_mem>>)
      "tpu.region"() ({
        %run_scoped3A = tpu.sem_alloc : memref<!tpu.dma_semaphore, #tpu.memory_space<semaphore_mem>>
        %dma_start3A_71 = arith.constant 0 : i32
        %dma_start3A_72 = tpu.memref_slice %arg2[%dma_start3A_71, %mul3A_2] : memref<7x20000xf32, #tpu.memory_space<hbm>> -> memref<7x640xf32, #tpu.memory_space<hbm>>
        %dma_start3A_73 = arith.constant 0 : i32
        %dma_start3A_74 = tpu.memref_slice %arg2[%dma_start3A_73, %mul3A_2] : memref<7x20000xf32, #tpu.memory_space<hbm>> -> memref<7x640xf32, #tpu.memory_space<hbm>>
        tpu.enqueue_dma source(%dma_start3A_74 : memref<7x640xf32, #tpu.memory_space<hbm>>) target(%arg8 : memref<7x640xf32, #tpu.memory_space<vmem>>) target_semaphore(%run_scoped3A : memref<!tpu.dma_semaphore, #tpu.memory_space<semaphore_mem>>)
        %dma_wait3A_75 = arith.constant 0 : i32
        %dma_wait3A_76 = tpu.memref_slice %arg2[%dma_wait3A_75, %mul3A_2] : memref<7x20000xf32, #tpu.memory_space<hbm>> -> memref<7x640xf32, #tpu.memory_space<hbm>>
        %dma_wait3A_77 = arith.constant 0 : i32
        %dma_wait3A_78 = tpu.memref_slice %arg2[%dma_wait3A_77, %mul3A_2] : memref<7x20000xf32, #tpu.memory_space<hbm>> -> memref<7x640xf32, #tpu.memory_space<hbm>>
        tpu.wait_dma2 semaphore(%run_scoped3A : memref<!tpu.dma_semaphore, #tpu.memory_space<semaphore_mem>>) src(%dma_wait3A_78 : memref<7x640xf32, #tpu.memory_space<hbm>>) dst(%arg8 : memref<7x640xf32, #tpu.memory_space<vmem>>)
        tpu.yield
      }) : () -> ()
      %dma_wait3A = arith.constant 0 : i32
      %dma_wait3A_41 = arith.constant 0 : i32
      %dma_wait3A_42 = tpu.memref_slice %arg7[%dma_wait3A, %dma_wait3A_41] : memref<76x640xf32, #tpu.memory_space<vmem>> -> memref<76x256xf32, #tpu.memory_space<vmem>>
      %dma_wait3A_43 = arith.constant 0 : i32
      %dma_wait3A_44 = tpu.memref_slice %arg3[%dma_wait3A_43, %mul3A_2] : memref<76x20000xf32, #tpu.memory_space<hbm>> -> memref<76x256xf32, #tpu.memory_space<hbm>>
      %dma_wait3A_45 = arith.constant 0 : i32
      %dma_wait3A_46 = arith.constant 0 : i32
      %dma_wait3A_47 = tpu.memref_slice %arg7[%dma_wait3A_45, %dma_wait3A_46] : memref<76x640xf32, #tpu.memory_space<vmem>> -> memref<76x256xf32, #tpu.memory_space<vmem>>
      %dma_wait3A_48 = arith.constant 0 : i32
      %dma_wait3A_49 = tpu.memref_slice %arg3[%dma_wait3A_48, %mul3A_2] : memref<76x20000xf32, #tpu.memory_space<hbm>> -> memref<76x256xf32, #tpu.memory_space<hbm>>
      tpu.wait_dma2 semaphore(%arg13 : memref<!tpu.dma_semaphore, #tpu.memory_space<semaphore_mem>>) src(%dma_wait3A_49 : memref<76x256xf32, #tpu.memory_space<hbm>>) dst(%dma_wait3A_47 : memref<76x256xf32, #tpu.memory_space<vmem>>)
      %scan3A = arith.constant 0 : i32
      %scan3A_50 = arith.constant 0 : i32
      %scan3A_51 = arith.constant 16 : i32
      %scan3A_52 = arith.addi %scan3A_50, %scan3A_51 : i32
      %scan3A_53 = arith.constant 1 : i32
      scf.for %scan3A_71 = %scan3A_50 to %scan3A_52 step %scan3A_53  : i32 {
        %mul3A_72 = arith.constant 16 : i32
        %mul3A_73 = arith.muli %scan3A_71, %mul3A_72 : i32
        %mul3A_74 = arith.constant 16 : i32
        %mul3A_75 = arith.muli %scan3A_71, %mul3A_74 : i32
        %get3A_76 = arith.constant 0 : i32
        %get3A_77 = arith.index_cast %get3A_76 : i32 to index
        %get3A_78 = arith.index_cast %mul3A_73 : i32 to index
        %get3A_79 = tpu.vector_load %arg7[%get3A_77, %get3A_78] {strides = array<i32>} : memref<76x640xf32, #tpu.memory_space<vmem>>, vector<16xf32>,
        %get3A_80 = arith.constant 24 : i32
        %get3A_81 = arith.index_cast %get3A_80 : i32 to index
        %get3A_82 = arith.index_cast %mul3A_73 : i32 to index
        %get3A_83 = tpu.vector_load %arg7[%get3A_81, %get3A_82] {strides = array<i32>} : memref<76x640xf32, #tpu.memory_space<vmem>>, vector<16xf32>,
        %broadcast_in_dim3A = arith.constant 0 : i32
        %broadcast_in_dim3A_84 = vector.broadcast %broadcast_in_dim3A : i32 to vector<16xi32>
        %get3A_85 = arith.constant 1 : i32
        %get3A_86 = arith.index_cast %get3A_85 : i32 to index
        %get3A_87 = arith.index_cast %mul3A_73 : i32 to index
        %get3A_88 = tpu.vector_load %arg7[%get3A_86, %get3A_87] {strides = array<i32>} : memref<76x640xf32, #tpu.memory_space<vmem>>, vector<16xf32>,
        %get3A_89 = arith.constant 25 : i32
        %get3A_90 = arith.index_cast %get3A_89 : i32 to index
        %get3A_91 = arith.index_cast %mul3A_73 : i32 to index
        %get3A_92 = tpu.vector_load %arg7[%get3A_90, %get3A_91] {strides = array<i32>} : memref<76x640xf32, #tpu.memory_space<vmem>>, vector<16xf32>,
        %gt3A = arith.cmpf ogt, %get3A_88, %get3A_79 : vector<16xf32>
        %select_n3A = arith.select %gt3A, %get3A_88, %get3A_79 : vector<16xi1>, vector<16xf32>
        %select_n3A_93 = arith.select %gt3A, %get3A_92, %get3A_83 : vector<16xi1>, vector<16xf32>
        %jit3A = arith.constant 1 : i32
        %broadcast_in_dim3A_94 = vector.broadcast %jit3A : i32 to vector<16xi32>
        %select_n3A_95 = arith.select %gt3A, %broadcast_in_dim3A_94, %broadcast_in_dim3A_84 : vector<16xi1>, vector<16xi32>
        %get3A_96 = arith.constant 2 : i32
        %get3A_97 = arith.index_cast %get3A_96 : i32 to index
        %get3A_98 = arith.index_cast %mul3A_73 : i32 to index
        %get3A_99 = tpu.vector_load %arg7[%get3A_97, %get3A_98] {strides = array<i32>} : memref<76x640xf32, #tpu.memory_space<vmem>>, vector<16xf32>,
        %get3A_100 = arith.constant 26 : i32
        %get3A_101 = arith.index_cast %get3A_100 : i32 to index
        %get3A_102 = arith.index_cast %mul3A_73 : i32 to index
        %get3A_103 = tpu.vector_load %arg7[%get3A_101, %get3A_102] {strides = array<i32>} : memref<76x640xf32, #tpu.memory_space<vmem>>, vector<16xf32>,
        %gt3A_104 = arith.cmpf ogt, %get3A_99, %select_n3A : vector<16xf32>
        %select_n3A_105 = arith.select %gt3A_104, %get3A_99, %select_n3A : vector<16xi1>, vector<16xf32>
        %select_n3A_106 = arith.select %gt3A_104, %get3A_103, %select_n3A_93 : vector<16xi1>, vector<16xf32>
        %jit3A_107 = arith.constant 2 : i32
        %broadcast_in_dim3A_108 = vector.broadcast %jit3A_107 : i32 to vector<16xi32>
        %select_n3A_109 = arith.select %gt3A_104, %broadcast_in_dim3A_108, %select_n3A_95 : vector<16xi1>, vector<16xi32>
        %get3A_110 = arith.constant 3 : i32
        %get3A_111 = arith.index_cast %get3A_110 : i32 to index
        %get3A_112 = arith.index_cast %mul3A_73 : i32 to index
        %get3A_113 = tpu.vector_load %arg7[%get3A_111, %get3A_112] {strides = array<i32>} : memref<76x640xf32, #tpu.memory_space<vmem>>, vector<16xf32>,
        %get3A_114 = arith.constant 27 : i32
        %get3A_115 = arith.index_cast %get3A_114 : i32 to index
        %get3A_116 = arith.index_cast %mul3A_73 : i32 to index
        %get3A_117 = tpu.vector_load %arg7[%get3A_115, %get3A_116] {strides = array<i32>} : memref<76x640xf32, #tpu.memory_space<vmem>>, vector<16xf32>,
        %gt3A_118 = arith.cmpf ogt, %get3A_113, %select_n3A_105 : vector<16xf32>
        %select_n3A_119 = arith.select %gt3A_118, %get3A_113, %select_n3A_105 : vector<16xi1>, vector<16xf32>
        %select_n3A_120 = arith.select %gt3A_118, %get3A_117, %select_n3A_106 : vector<16xi1>, vector<16xf32>
        %jit3A_121 = arith.constant 3 : i32
        %broadcast_in_dim3A_122 = vector.broadcast %jit3A_121 : i32 to vector<16xi32>
        %select_n3A_123 = arith.select %gt3A_118, %broadcast_in_dim3A_122, %select_n3A_109 : vector<16xi1>, vector<16xi32>
        %get3A_124 = arith.constant 4 : i32
        %get3A_125 = arith.index_cast %get3A_124 : i32 to index
        %get3A_126 = arith.index_cast %mul3A_73 : i32 to index
        %get3A_127 = tpu.vector_load %arg7[%get3A_125, %get3A_126] {strides = array<i32>} : memref<76x640xf32, #tpu.memory_space<vmem>>, vector<16xf32>,
        %get3A_128 = arith.constant 28 : i32
        %get3A_129 = arith.index_cast %get3A_128 : i32 to index
        %get3A_130 = arith.index_cast %mul3A_73 : i32 to index
        %get3A_131 = tpu.vector_load %arg7[%get3A_129, %get3A_130] {strides = array<i32>} : memref<76x640xf32, #tpu.memory_space<vmem>>, vector<16xf32>,
        %gt3A_132 = arith.cmpf ogt, %get3A_127, %select_n3A_119 : vector<16xf32>
        %select_n3A_133 = arith.select %gt3A_132, %get3A_127, %select_n3A_119 : vector<16xi1>, vector<16xf32>
        %select_n3A_134 = arith.select %gt3A_132, %get3A_131, %select_n3A_120 : vector<16xi1>, vector<16xf32>
        %jit3A_135 = arith.constant 4 : i32
        %broadcast_in_dim3A_136 = vector.broadcast %jit3A_135 : i32 to vector<16xi32>
        %select_n3A_137 = arith.select %gt3A_132, %broadcast_in_dim3A_136, %select_n3A_123 : vector<16xi1>, vector<16xi32>
        %get3A_138 = arith.constant 5 : i32
        %get3A_139 = arith.index_cast %get3A_138 : i32 to index
        %get3A_140 = arith.index_cast %mul3A_73 : i32 to index
        %get3A_141 = tpu.vector_load %arg7[%get3A_139, %get3A_140] {strides = array<i32>} : memref<76x640xf32, #tpu.memory_space<vmem>>, vector<16xf32>,
        %get3A_142 = arith.constant 29 : i32
        %get3A_143 = arith.index_cast %get3A_142 : i32 to index
        %get3A_144 = arith.index_cast %mul3A_73 : i32 to index
        %get3A_145 = tpu.vector_load %arg7[%get3A_143, %get3A_144] {strides = array<i32>} : memref<76x640xf32, #tpu.memory_space<vmem>>, vector<16xf32>,
        %gt3A_146 = arith.cmpf ogt, %get3A_141, %select_n3A_133 : vector<16xf32>
        %select_n3A_147 = arith.select %gt3A_146, %get3A_141, %select_n3A_133 : vector<16xi1>, vector<16xf32>
        %select_n3A_148 = arith.select %gt3A_146, %get3A_145, %select_n3A_134 : vector<16xi1>, vector<16xf32>
        %jit3A_149 = arith.constant 5 : i32
        %broadcast_in_dim3A_150 = vector.broadcast %jit3A_149 : i32 to vector<16xi32>
        %select_n3A_151 = arith.select %gt3A_146, %broadcast_in_dim3A_150, %select_n3A_137 : vector<16xi1>, vector<16xi32>
        %get3A_152 = arith.constant 6 : i32
        %get3A_153 = arith.index_cast %get3A_152 : i32 to index
        %get3A_154 = arith.index_cast %mul3A_73 : i32 to index
        %get3A_155 = tpu.vector_load %arg7[%get3A_153, %get3A_154] {strides = array<i32>} : memref<76x640xf32, #tpu.memory_space<vmem>>, vector<16xf32>,
        %get3A_156 = arith.constant 30 : i32
        %get3A_157 = arith.index_cast %get3A_156 : i32 to index
        %get3A_158 = arith.index_cast %mul3A_73 : i32 to index
        %get3A_159 = tpu.vector_load %arg7[%get3A_157, %get3A_158] {strides = array<i32>} : memref<76x640xf32, #tpu.memory_space<vmem>>, vector<16xf32>,
        %gt3A_160 = arith.cmpf ogt, %get3A_155, %select_n3A_147 : vector<16xf32>
        %select_n3A_161 = arith.select %gt3A_160, %get3A_155, %select_n3A_147 : vector<16xi1>, vector<16xf32>
        %select_n3A_162 = arith.select %gt3A_160, %get3A_159, %select_n3A_148 : vector<16xi1>, vector<16xf32>
        %jit3A_163 = arith.constant 6 : i32
        %broadcast_in_dim3A_164 = vector.broadcast %jit3A_163 : i32 to vector<16xi32>
        %select_n3A_165 = arith.select %gt3A_160, %broadcast_in_dim3A_164, %select_n3A_151 : vector<16xi1>, vector<16xi32>
        %get3A_166 = arith.constant 7 : i32
        %get3A_167 = arith.index_cast %get3A_166 : i32 to index
        %get3A_168 = arith.index_cast %mul3A_73 : i32 to index
        %get3A_169 = tpu.vector_load %arg7[%get3A_167, %get3A_168] {strides = array<i32>} : memref<76x640xf32, #tpu.memory_space<vmem>>, vector<16xf32>,
        %get3A_170 = arith.constant 31 : i32
        %get3A_171 = arith.index_cast %get3A_170 : i32 to index
        %get3A_172 = arith.index_cast %mul3A_73 : i32 to index
        %get3A_173 = tpu.vector_load %arg7[%get3A_171, %get3A_172] {strides = array<i32>} : memref<76x640xf32, #tpu.memory_space<vmem>>, vector<16xf32>,
        %gt3A_174 = arith.cmpf ogt, %get3A_169, %select_n3A_161 : vector<16xf32>
        %select_n3A_175 = arith.select %gt3A_174, %get3A_169, %select_n3A_161 : vector<16xi1>, vector<16xf32>
        %select_n3A_176 = arith.select %gt3A_174, %get3A_173, %select_n3A_162 : vector<16xi1>, vector<16xf32>
        %jit3A_177 = arith.constant 7 : i32
        %broadcast_in_dim3A_178 = vector.broadcast %jit3A_177 : i32 to vector<16xi32>
        %select_n3A_179 = arith.select %gt3A_174, %broadcast_in_dim3A_178, %select_n3A_165 : vector<16xi1>, vector<16xi32>
        %get3A_180 = arith.constant 8 : i32
        %get3A_181 = arith.index_cast %get3A_180 : i32 to index
        %get3A_182 = arith.index_cast %mul3A_73 : i32 to index
        %get3A_183 = tpu.vector_load %arg7[%get3A_181, %get3A_182] {strides = array<i32>} : memref<76x640xf32, #tpu.memory_space<vmem>>, vector<16xf32>,
        %get3A_184 = arith.constant 32 : i32
        %get3A_185 = arith.index_cast %get3A_184 : i32 to index
        %get3A_186 = arith.index_cast %mul3A_73 : i32 to index
        %get3A_187 = tpu.vector_load %arg7[%get3A_185, %get3A_186] {strides = array<i32>} : memref<76x640xf32, #tpu.memory_space<vmem>>, vector<16xf32>,
        %gt3A_188 = arith.cmpf ogt, %get3A_183, %select_n3A_175 : vector<16xf32>
        %select_n3A_189 = arith.select %gt3A_188, %get3A_183, %select_n3A_175 : vector<16xi1>, vector<16xf32>
        %select_n3A_190 = arith.select %gt3A_188, %get3A_187, %select_n3A_176 : vector<16xi1>, vector<16xf32>
        %jit3A_191 = arith.constant 8 : i32
        %broadcast_in_dim3A_192 = vector.broadcast %jit3A_191 : i32 to vector<16xi32>
        %select_n3A_193 = arith.select %gt3A_188, %broadcast_in_dim3A_192, %select_n3A_179 : vector<16xi1>, vector<16xi32>
        %get3A_194 = arith.constant 9 : i32
        %get3A_195 = arith.index_cast %get3A_194 : i32 to index
        %get3A_196 = arith.index_cast %mul3A_73 : i32 to index
        %get3A_197 = tpu.vector_load %arg7[%get3A_195, %get3A_196] {strides = array<i32>} : memref<76x640xf32, #tpu.memory_space<vmem>>, vector<16xf32>,
        %get3A_198 = arith.constant 33 : i32
        %get3A_199 = arith.index_cast %get3A_198 : i32 to index
        %get3A_200 = arith.index_cast %mul3A_73 : i32 to index
        %get3A_201 = tpu.vector_load %arg7[%get3A_199, %get3A_200] {strides = array<i32>} : memref<76x640xf32, #tpu.memory_space<vmem>>, vector<16xf32>,
        %gt3A_202 = arith.cmpf ogt, %get3A_197, %select_n3A_189 : vector<16xf32>
        %select_n3A_203 = arith.select %gt3A_202, %get3A_197, %select_n3A_189 : vector<16xi1>, vector<16xf32>
        %select_n3A_204 = arith.select %gt3A_202, %get3A_201, %select_n3A_190 : vector<16xi1>, vector<16xf32>
        %jit3A_205 = arith.constant 9 : i32
        %broadcast_in_dim3A_206 = vector.broadcast %jit3A_205 : i32 to vector<16xi32>
        %select_n3A_207 = arith.select %gt3A_202, %broadcast_in_dim3A_206, %select_n3A_193 : vector<16xi1>, vector<16xi32>
        %get3A_208 = arith.constant 10 : i32
        %get3A_209 = arith.index_cast %get3A_208 : i32 to index
        %get3A_210 = arith.index_cast %mul3A_73 : i32 to index
        %get3A_211 = tpu.vector_load %arg7[%get3A_209, %get3A_210] {strides = array<i32>} : memref<76x640xf32, #tpu.memory_space<vmem>>, vector<16xf32>,
        %get3A_212 = arith.constant 34 : i32
        %get3A_213 = arith.index_cast %get3A_212 : i32 to index
        %get3A_214 = arith.index_cast %mul3A_73 : i32 to index
        %get3A_215 = tpu.vector_load %arg7[%get3A_213, %get3A_214] {strides = array<i32>} : memref<76x640xf32, #tpu.memory_space<vmem>>, vector<16xf32>,
        %gt3A_216 = arith.cmpf ogt, %get3A_211, %select_n3A_203 : vector<16xf32>
        %select_n3A_217 = arith.select %gt3A_216, %get3A_211, %select_n3A_203 : vector<16xi1>, vector<16xf32>
        %select_n3A_218 = arith.select %gt3A_216, %get3A_215, %select_n3A_204 : vector<16xi1>, vector<16xf32>
        %jit3A_219 = arith.constant 10 : i32
        %broadcast_in_dim3A_220 = vector.broadcast %jit3A_219 : i32 to vector<16xi32>
        %select_n3A_221 = arith.select %gt3A_216, %broadcast_in_dim3A_220, %select_n3A_207 : vector<16xi1>, vector<16xi32>
        %get3A_222 = arith.constant 11 : i32
        %get3A_223 = arith.index_cast %get3A_222 : i32 to index
        %get3A_224 = arith.index_cast %mul3A_73 : i32 to index
        %get3A_225 = tpu.vector_load %arg7[%get3A_223, %get3A_224] {strides = array<i32>} : memref<76x640xf32, #tpu.memory_space<vmem>>, vector<16xf32>,
        %get3A_226 = arith.constant 35 : i32
        %get3A_227 = arith.index_cast %get3A_226 : i32 to index
        %get3A_228 = arith.index_cast %mul3A_73 : i32 to index
        %get3A_229 = tpu.vector_load %arg7[%get3A_227, %get3A_228] {strides = array<i32>} : memref<76x640xf32, #tpu.memory_space<vmem>>, vector<16xf32>,
        %gt3A_230 = arith.cmpf ogt, %get3A_225, %select_n3A_217 : vector<16xf32>
        %select_n3A_231 = arith.select %gt3A_230, %get3A_225, %select_n3A_217 : vector<16xi1>, vector<16xf32>
        %select_n3A_232 = arith.select %gt3A_230, %get3A_229, %select_n3A_218 : vector<16xi1>, vector<16xf32>
        %jit3A_233 = arith.constant 11 : i32
        %broadcast_in_dim3A_234 = vector.broadcast %jit3A_233 : i32 to vector<16xi32>
        %select_n3A_235 = arith.select %gt3A_230, %broadcast_in_dim3A_234, %select_n3A_221 : vector<16xi1>, vector<16xi32>
        %get3A_236 = arith.constant 12 : i32
        %get3A_237 = arith.index_cast %get3A_236 : i32 to index
        %get3A_238 = arith.index_cast %mul3A_73 : i32 to index
        %get3A_239 = tpu.vector_load %arg7[%get3A_237, %get3A_238] {strides = array<i32>} : memref<76x640xf32, #tpu.memory_space<vmem>>, vector<16xf32>,
        %get3A_240 = arith.constant 36 : i32
        %get3A_241 = arith.index_cast %get3A_240 : i32 to index
        %get3A_242 = arith.index_cast %mul3A_73 : i32 to index
        %get3A_243 = tpu.vector_load %arg7[%get3A_241, %get3A_242] {strides = array<i32>} : memref<76x640xf32, #tpu.memory_space<vmem>>, vector<16xf32>,
        %broadcast_in_dim3A_244 = arith.constant 0 : i32
        %broadcast_in_dim3A_245 = vector.broadcast %broadcast_in_dim3A_244 : i32 to vector<16xi32>
        %get3A_246 = arith.constant 13 : i32
        %get3A_247 = arith.index_cast %get3A_246 : i32 to index
        %get3A_248 = arith.index_cast %mul3A_73 : i32 to index
        %get3A_249 = tpu.vector_load %arg7[%get3A_247, %get3A_248] {strides = array<i32>} : memref<76x640xf32, #tpu.memory_space<vmem>>, vector<16xf32>,
        %get3A_250 = arith.constant 37 : i32
        %get3A_251 = arith.index_cast %get3A_250 : i32 to index
        %get3A_252 = arith.index_cast %mul3A_73 : i32 to index
        %get3A_253 = tpu.vector_load %arg7[%get3A_251, %get3A_252] {strides = array<i32>} : memref<76x640xf32, #tpu.memory_space<vmem>>, vector<16xf32>,
        %gt3A_254 = arith.cmpf ogt, %get3A_249, %get3A_239 : vector<16xf32>
        %select_n3A_255 = arith.select %gt3A_254, %get3A_249, %get3A_239 : vector<16xi1>, vector<16xf32>
        %select_n3A_256 = arith.select %gt3A_254, %get3A_253, %get3A_243 : vector<16xi1>, vector<16xf32>
        %jit3A_257 = arith.constant 1 : i32
        %broadcast_in_dim3A_258 = vector.broadcast %jit3A_257 : i32 to vector<16xi32>
        %select_n3A_259 = arith.select %gt3A_254, %broadcast_in_dim3A_258, %broadcast_in_dim3A_245 : vector<16xi1>, vector<16xi32>
        %get3A_260 = arith.constant 14 : i32
        %get3A_261 = arith.index_cast %get3A_260 : i32 to index
        %get3A_262 = arith.index_cast %mul3A_73 : i32 to index
        %get3A_263 = tpu.vector_load %arg7[%get3A_261, %get3A_262] {strides = array<i32>} : memref<76x640xf32, #tpu.memory_space<vmem>>, vector<16xf32>,
        %get3A_264 = arith.constant 38 : i32
        %get3A_265 = arith.index_cast %get3A_264 : i32 to index
        %get3A_266 = arith.index_cast %mul3A_73 : i32 to index
        %get3A_267 = tpu.vector_load %arg7[%get3A_265, %get3A_266] {strides = array<i32>} : memref<76x640xf32, #tpu.memory_space<vmem>>, vector<16xf32>,
        %gt3A_268 = arith.cmpf ogt, %get3A_263, %select_n3A_255 : vector<16xf32>
        %select_n3A_269 = arith.select %gt3A_268, %get3A_263, %select_n3A_255 : vector<16xi1>, vector<16xf32>
        %select_n3A_270 = arith.select %gt3A_268, %get3A_267, %select_n3A_256 : vector<16xi1>, vector<16xf32>
        %jit3A_271 = arith.constant 2 : i32
        %broadcast_in_dim3A_272 = vector.broadcast %jit3A_271 : i32 to vector<16xi32>
        %select_n3A_273 = arith.select %gt3A_268, %broadcast_in_dim3A_272, %select_n3A_259 : vector<16xi1>, vector<16xi32>
        %get3A_274 = arith.constant 15 : i32
        %get3A_275 = arith.index_cast %get3A_274 : i32 to index
        %get3A_276 = arith.index_cast %mul3A_73 : i32 to index
        %get3A_277 = tpu.vector_load %arg7[%get3A_275, %get3A_276] {strides = array<i32>} : memref<76x640xf32, #tpu.memory_space<vmem>>, vector<16xf32>,
        %get3A_278 = arith.constant 39 : i32
        %get3A_279 = arith.index_cast %get3A_278 : i32 to index
        %get3A_280 = arith.index_cast %mul3A_73 : i32 to index
        %get3A_281 = tpu.vector_load %arg7[%get3A_279, %get3A_280] {strides = array<i32>} : memref<76x640xf32, #tpu.memory_space<vmem>>, vector<16xf32>,
        %gt3A_282 = arith.cmpf ogt, %get3A_277, %select_n3A_269 : vector<16xf32>
        %select_n3A_283 = arith.select %gt3A_282, %get3A_277, %select_n3A_269 : vector<16xi1>, vector<16xf32>
        %select_n3A_284 = arith.select %gt3A_282, %get3A_281, %select_n3A_270 : vector<16xi1>, vector<16xf32>
        %jit3A_285 = arith.constant 3 : i32
        %broadcast_in_dim3A_286 = vector.broadcast %jit3A_285 : i32 to vector<16xi32>
        %select_n3A_287 = arith.select %gt3A_282, %broadcast_in_dim3A_286, %select_n3A_273 : vector<16xi1>, vector<16xi32>
        %get3A_288 = arith.constant 16 : i32
        %get3A_289 = arith.index_cast %get3A_288 : i32 to index
        %get3A_290 = arith.index_cast %mul3A_73 : i32 to index
        %get3A_291 = tpu.vector_load %arg7[%get3A_289, %get3A_290] {strides = array<i32>} : memref<76x640xf32, #tpu.memory_space<vmem>>, vector<16xf32>,
        %get3A_292 = arith.constant 40 : i32
        %get3A_293 = arith.index_cast %get3A_292 : i32 to index
        %get3A_294 = arith.index_cast %mul3A_73 : i32 to index
        %get3A_295 = tpu.vector_load %arg7[%get3A_293, %get3A_294] {strides = array<i32>} : memref<76x640xf32, #tpu.memory_space<vmem>>, vector<16xf32>,
        %gt3A_296 = arith.cmpf ogt, %get3A_291, %select_n3A_283 : vector<16xf32>
        %select_n3A_297 = arith.select %gt3A_296, %get3A_291, %select_n3A_283 : vector<16xi1>, vector<16xf32>
        %select_n3A_298 = arith.select %gt3A_296, %get3A_295, %select_n3A_284 : vector<16xi1>, vector<16xf32>
        %jit3A_299 = arith.constant 4 : i32
        %broadcast_in_dim3A_300 = vector.broadcast %jit3A_299 : i32 to vector<16xi32>
        %select_n3A_301 = arith.select %gt3A_296, %broadcast_in_dim3A_300, %select_n3A_287 : vector<16xi1>, vector<16xi32>
        %get3A_302 = arith.constant 17 : i32
        %get3A_303 = arith.index_cast %get3A_302 : i32 to index
        %get3A_304 = arith.index_cast %mul3A_73 : i32 to index
        %get3A_305 = tpu.vector_load %arg7[%get3A_303, %get3A_304] {strides = array<i32>} : memref<76x640xf32, #tpu.memory_space<vmem>>, vector<16xf32>,
        %get3A_306 = arith.constant 41 : i32
        %get3A_307 = arith.index_cast %get3A_306 : i32 to index
        %get3A_308 = arith.index_cast %mul3A_73 : i32 to index
        %get3A_309 = tpu.vector_load %arg7[%get3A_307, %get3A_308] {strides = array<i32>} : memref<76x640xf32, #tpu.memory_space<vmem>>, vector<16xf32>,
        %gt3A_310 = arith.cmpf ogt, %get3A_305, %select_n3A_297 : vector<16xf32>
        %select_n3A_311 = arith.select %gt3A_310, %get3A_305, %select_n3A_297 : vector<16xi1>, vector<16xf32>
        %select_n3A_312 = arith.select %gt3A_310, %get3A_309, %select_n3A_298 : vector<16xi1>, vector<16xf32>
        %jit3A_313 = arith.constant 5 : i32
        %broadcast_in_dim3A_314 = vector.broadcast %jit3A_313 : i32 to vector<16xi32>
        %select_n3A_315 = arith.select %gt3A_310, %broadcast_in_dim3A_314, %select_n3A_301 : vector<16xi1>, vector<16xi32>
        %get3A_316 = arith.constant 18 : i32
        %get3A_317 = arith.index_cast %get3A_316 : i32 to index
        %get3A_318 = arith.index_cast %mul3A_73 : i32 to index
        %get3A_319 = tpu.vector_load %arg7[%get3A_317, %get3A_318] {strides = array<i32>} : memref<76x640xf32, #tpu.memory_space<vmem>>, vector<16xf32>,
        %get3A_320 = arith.constant 42 : i32
        %get3A_321 = arith.index_cast %get3A_320 : i32 to index
        %get3A_322 = arith.index_cast %mul3A_73 : i32 to index
        %get3A_323 = tpu.vector_load %arg7[%get3A_321, %get3A_322] {strides = array<i32>} : memref<76x640xf32, #tpu.memory_space<vmem>>, vector<16xf32>,
        %gt3A_324 = arith.cmpf ogt, %get3A_319, %select_n3A_311 : vector<16xf32>
        %select_n3A_325 = arith.select %gt3A_324, %get3A_319, %select_n3A_311 : vector<16xi1>, vector<16xf32>
        %select_n3A_326 = arith.select %gt3A_324, %get3A_323, %select_n3A_312 : vector<16xi1>, vector<16xf32>
        %jit3A_327 = arith.constant 6 : i32
        %broadcast_in_dim3A_328 = vector.broadcast %jit3A_327 : i32 to vector<16xi32>
        %select_n3A_329 = arith.select %gt3A_324, %broadcast_in_dim3A_328, %select_n3A_315 : vector<16xi1>, vector<16xi32>
        %get3A_330 = arith.constant 19 : i32
        %get3A_331 = arith.index_cast %get3A_330 : i32 to index
        %get3A_332 = arith.index_cast %mul3A_73 : i32 to index
        %get3A_333 = tpu.vector_load %arg7[%get3A_331, %get3A_332] {strides = array<i32>} : memref<76x640xf32, #tpu.memory_space<vmem>>, vector<16xf32>,
        %get3A_334 = arith.constant 43 : i32
        %get3A_335 = arith.index_cast %get3A_334 : i32 to index
        %get3A_336 = arith.index_cast %mul3A_73 : i32 to index
        %get3A_337 = tpu.vector_load %arg7[%get3A_335, %get3A_336] {strides = array<i32>} : memref<76x640xf32, #tpu.memory_space<vmem>>, vector<16xf32>,
        %gt3A_338 = arith.cmpf ogt, %get3A_333, %select_n3A_325 : vector<16xf32>
        %select_n3A_339 = arith.select %gt3A_338, %get3A_333, %select_n3A_325 : vector<16xi1>, vector<16xf32>
        %select_n3A_340 = arith.select %gt3A_338, %get3A_337, %select_n3A_326 : vector<16xi1>, vector<16xf32>
        %jit3A_341 = arith.constant 7 : i32
        %broadcast_in_dim3A_342 = vector.broadcast %jit3A_341 : i32 to vector<16xi32>
        %select_n3A_343 = arith.select %gt3A_338, %broadcast_in_dim3A_342, %select_n3A_329 : vector<16xi1>, vector<16xi32>
        %get3A_344 = arith.constant 20 : i32
        %get3A_345 = arith.index_cast %get3A_344 : i32 to index
        %get3A_346 = arith.index_cast %mul3A_73 : i32 to index
        %get3A_347 = tpu.vector_load %arg7[%get3A_345, %get3A_346] {strides = array<i32>} : memref<76x640xf32, #tpu.memory_space<vmem>>, vector<16xf32>,
        %get3A_348 = arith.constant 44 : i32
        %get3A_349 = arith.index_cast %get3A_348 : i32 to index
        %get3A_350 = arith.index_cast %mul3A_73 : i32 to index
        %get3A_351 = tpu.vector_load %arg7[%get3A_349, %get3A_350] {strides = array<i32>} : memref<76x640xf32, #tpu.memory_space<vmem>>, vector<16xf32>,
        %gt3A_352 = arith.cmpf ogt, %get3A_347, %select_n3A_339 : vector<16xf32>
        %select_n3A_353 = arith.select %gt3A_352, %get3A_347, %select_n3A_339 : vector<16xi1>, vector<16xf32>
        %select_n3A_354 = arith.select %gt3A_352, %get3A_351, %select_n3A_340 : vector<16xi1>, vector<16xf32>
        %jit3A_355 = arith.constant 8 : i32
        %broadcast_in_dim3A_356 = vector.broadcast %jit3A_355 : i32 to vector<16xi32>
        %select_n3A_357 = arith.select %gt3A_352, %broadcast_in_dim3A_356, %select_n3A_343 : vector<16xi1>, vector<16xi32>
        %get3A_358 = arith.constant 21 : i32
        %get3A_359 = arith.index_cast %get3A_358 : i32 to index
        %get3A_360 = arith.index_cast %mul3A_73 : i32 to index
        %get3A_361 = tpu.vector_load %arg7[%get3A_359, %get3A_360] {strides = array<i32>} : memref<76x640xf32, #tpu.memory_space<vmem>>, vector<16xf32>,
        %get3A_362 = arith.constant 45 : i32
        %get3A_363 = arith.index_cast %get3A_362 : i32 to index
        %get3A_364 = arith.index_cast %mul3A_73 : i32 to index
        %get3A_365 = tpu.vector_load %arg7[%get3A_363, %get3A_364] {strides = array<i32>} : memref<76x640xf32, #tpu.memory_space<vmem>>, vector<16xf32>,
        %gt3A_366 = arith.cmpf ogt, %get3A_361, %select_n3A_353 : vector<16xf32>
        %select_n3A_367 = arith.select %gt3A_366, %get3A_361, %select_n3A_353 : vector<16xi1>, vector<16xf32>
        %select_n3A_368 = arith.select %gt3A_366, %get3A_365, %select_n3A_354 : vector<16xi1>, vector<16xf32>
        %jit3A_369 = arith.constant 9 : i32
        %broadcast_in_dim3A_370 = vector.broadcast %jit3A_369 : i32 to vector<16xi32>
        %select_n3A_371 = arith.select %gt3A_366, %broadcast_in_dim3A_370, %select_n3A_357 : vector<16xi1>, vector<16xi32>
        %get3A_372 = arith.constant 22 : i32
        %get3A_373 = arith.index_cast %get3A_372 : i32 to index
        %get3A_374 = arith.index_cast %mul3A_73 : i32 to index
        %get3A_375 = tpu.vector_load %arg7[%get3A_373, %get3A_374] {strides = array<i32>} : memref<76x640xf32, #tpu.memory_space<vmem>>, vector<16xf32>,
        %get3A_376 = arith.constant 46 : i32
        %get3A_377 = arith.index_cast %get3A_376 : i32 to index
        %get3A_378 = arith.index_cast %mul3A_73 : i32 to index
        %get3A_379 = tpu.vector_load %arg7[%get3A_377, %get3A_378] {strides = array<i32>} : memref<76x640xf32, #tpu.memory_space<vmem>>, vector<16xf32>,
        %gt3A_380 = arith.cmpf ogt, %get3A_375, %select_n3A_367 : vector<16xf32>
        %select_n3A_381 = arith.select %gt3A_380, %get3A_375, %select_n3A_367 : vector<16xi1>, vector<16xf32>
        %select_n3A_382 = arith.select %gt3A_380, %get3A_379, %select_n3A_368 : vector<16xi1>, vector<16xf32>
        %jit3A_383 = arith.constant 10 : i32
        %broadcast_in_dim3A_384 = vector.broadcast %jit3A_383 : i32 to vector<16xi32>
        %select_n3A_385 = arith.select %gt3A_380, %broadcast_in_dim3A_384, %select_n3A_371 : vector<16xi1>, vector<16xi32>
        %get3A_386 = arith.constant 23 : i32
        %get3A_387 = arith.index_cast %get3A_386 : i32 to index
        %get3A_388 = arith.index_cast %mul3A_73 : i32 to index
        %get3A_389 = tpu.vector_load %arg7[%get3A_387, %get3A_388] {strides = array<i32>} : memref<76x640xf32, #tpu.memory_space<vmem>>, vector<16xf32>,
        %get3A_390 = arith.constant 47 : i32
        %get3A_391 = arith.index_cast %get3A_390 : i32 to index
        %get3A_392 = arith.index_cast %mul3A_73 : i32 to index
        %get3A_393 = tpu.vector_load %arg7[%get3A_391, %get3A_392] {strides = array<i32>} : memref<76x640xf32, #tpu.memory_space<vmem>>, vector<16xf32>,
        %gt3A_394 = arith.cmpf ogt, %get3A_389, %select_n3A_381 : vector<16xf32>
        %select_n3A_395 = arith.select %gt3A_394, %get3A_389, %select_n3A_381 : vector<16xi1>, vector<16xf32>
        %select_n3A_396 = arith.select %gt3A_394, %get3A_393, %select_n3A_382 : vector<16xi1>, vector<16xf32>
        %jit3A_397 = arith.constant 11 : i32
        %broadcast_in_dim3A_398 = vector.broadcast %jit3A_397 : i32 to vector<16xi32>
        %select_n3A_399 = arith.select %gt3A_394, %broadcast_in_dim3A_398, %select_n3A_385 : vector<16xi1>, vector<16xi32>
        %get3A_400 = arith.constant 49 : i32
        %get3A_401 = arith.index_cast %get3A_400 : i32 to index
        %get3A_402 = arith.index_cast %mul3A_73 : i32 to index
        %get3A_403 = tpu.vector_load %arg7[%get3A_401, %get3A_402] {strides = array<i32>} : memref<76x640xf32, #tpu.memory_space<vmem>>, vector<16xf32>,
        %get3A_404 = arith.constant 61 : i32
        %get3A_405 = arith.index_cast %get3A_404 : i32 to index
        %get3A_406 = arith.index_cast %mul3A_73 : i32 to index
        %get3A_407 = tpu.vector_load %arg7[%get3A_405, %get3A_406] {strides = array<i32>} : memref<76x640xf32, #tpu.memory_space<vmem>>, vector<16xf32>,
        %broadcast_in_dim3A_408 = arith.constant 0 : i32
        %broadcast_in_dim3A_409 = vector.broadcast %broadcast_in_dim3A_408 : i32 to vector<16xi32>
        %get3A_410 = arith.constant 50 : i32
        %get3A_411 = arith.index_cast %get3A_410 : i32 to index
        %get3A_412 = arith.index_cast %mul3A_73 : i32 to index
        %get3A_413 = tpu.vector_load %arg7[%get3A_411, %get3A_412] {strides = array<i32>} : memref<76x640xf32, #tpu.memory_space<vmem>>, vector<16xf32>,
        %get3A_414 = arith.constant 62 : i32
        %get3A_415 = arith.index_cast %get3A_414 : i32 to index
        %get3A_416 = arith.index_cast %mul3A_73 : i32 to index
        %get3A_417 = tpu.vector_load %arg7[%get3A_415, %get3A_416] {strides = array<i32>} : memref<76x640xf32, #tpu.memory_space<vmem>>, vector<16xf32>,
        %gt3A_418 = arith.cmpf ogt, %get3A_413, %get3A_403 : vector<16xf32>
        %select_n3A_419 = arith.select %gt3A_418, %get3A_413, %get3A_403 : vector<16xi1>, vector<16xf32>
        %select_n3A_420 = arith.select %gt3A_418, %get3A_417, %get3A_407 : vector<16xi1>, vector<16xf32>
        %jit3A_421 = arith.constant 1 : i32
        %broadcast_in_dim3A_422 = vector.broadcast %jit3A_421 : i32 to vector<16xi32>
        %select_n3A_423 = arith.select %gt3A_418, %broadcast_in_dim3A_422, %broadcast_in_dim3A_409 : vector<16xi1>, vector<16xi32>
        %get3A_424 = arith.constant 51 : i32
        %get3A_425 = arith.index_cast %get3A_424 : i32 to index
        %get3A_426 = arith.index_cast %mul3A_73 : i32 to index
        %get3A_427 = tpu.vector_load %arg7[%get3A_425, %get3A_426] {strides = array<i32>} : memref<76x640xf32, #tpu.memory_space<vmem>>, vector<16xf32>,
        %get3A_428 = arith.constant 63 : i32
        %get3A_429 = arith.index_cast %get3A_428 : i32 to index
        %get3A_430 = arith.index_cast %mul3A_73 : i32 to index
        %get3A_431 = tpu.vector_load %arg7[%get3A_429, %get3A_430] {strides = array<i32>} : memref<76x640xf32, #tpu.memory_space<vmem>>, vector<16xf32>,
        %gt3A_432 = arith.cmpf ogt, %get3A_427, %select_n3A_419 : vector<16xf32>
        %select_n3A_433 = arith.select %gt3A_432, %get3A_427, %select_n3A_419 : vector<16xi1>, vector<16xf32>
        %select_n3A_434 = arith.select %gt3A_432, %get3A_431, %select_n3A_420 : vector<16xi1>, vector<16xf32>
        %jit3A_435 = arith.constant 2 : i32
        %broadcast_in_dim3A_436 = vector.broadcast %jit3A_435 : i32 to vector<16xi32>
        %select_n3A_437 = arith.select %gt3A_432, %broadcast_in_dim3A_436, %select_n3A_423 : vector<16xi1>, vector<16xi32>
        %get3A_438 = arith.constant 52 : i32
        %get3A_439 = arith.index_cast %get3A_438 : i32 to index
        %get3A_440 = arith.index_cast %mul3A_73 : i32 to index
        %get3A_441 = tpu.vector_load %arg7[%get3A_439, %get3A_440] {strides = array<i32>} : memref<76x640xf32, #tpu.memory_space<vmem>>, vector<16xf32>,
        %get3A_442 = arith.constant 64 : i32
        %get3A_443 = arith.index_cast %get3A_442 : i32 to index
        %get3A_444 = arith.index_cast %mul3A_73 : i32 to index
        %get3A_445 = tpu.vector_load %arg7[%get3A_443, %get3A_444] {strides = array<i32>} : memref<76x640xf32, #tpu.memory_space<vmem>>, vector<16xf32>,
        %gt3A_446 = arith.cmpf ogt, %get3A_441, %select_n3A_433 : vector<16xf32>
        %select_n3A_447 = arith.select %gt3A_446, %get3A_441, %select_n3A_433 : vector<16xi1>, vector<16xf32>
        %select_n3A_448 = arith.select %gt3A_446, %get3A_445, %select_n3A_434 : vector<16xi1>, vector<16xf32>
        %jit3A_449 = arith.constant 3 : i32
        %broadcast_in_dim3A_450 = vector.broadcast %jit3A_449 : i32 to vector<16xi32>
        %select_n3A_451 = arith.select %gt3A_446, %broadcast_in_dim3A_450, %select_n3A_437 : vector<16xi1>, vector<16xi32>
        %get3A_452 = arith.constant 53 : i32
        %get3A_453 = arith.index_cast %get3A_452 : i32 to index
        %get3A_454 = arith.index_cast %mul3A_73 : i32 to index
        %get3A_455 = tpu.vector_load %arg7[%get3A_453, %get3A_454] {strides = array<i32>} : memref<76x640xf32, #tpu.memory_space<vmem>>, vector<16xf32>,
        %get3A_456 = arith.constant 65 : i32
        %get3A_457 = arith.index_cast %get3A_456 : i32 to index
        %get3A_458 = arith.index_cast %mul3A_73 : i32 to index
        %get3A_459 = tpu.vector_load %arg7[%get3A_457, %get3A_458] {strides = array<i32>} : memref<76x640xf32, #tpu.memory_space<vmem>>, vector<16xf32>,
        %gt3A_460 = arith.cmpf ogt, %get3A_455, %select_n3A_447 : vector<16xf32>
        %select_n3A_461 = arith.select %gt3A_460, %get3A_455, %select_n3A_447 : vector<16xi1>, vector<16xf32>
        %select_n3A_462 = arith.select %gt3A_460, %get3A_459, %select_n3A_448 : vector<16xi1>, vector<16xf32>
        %jit3A_463 = arith.constant 4 : i32
        %broadcast_in_dim3A_464 = vector.broadcast %jit3A_463 : i32 to vector<16xi32>
        %select_n3A_465 = arith.select %gt3A_460, %broadcast_in_dim3A_464, %select_n3A_451 : vector<16xi1>, vector<16xi32>
        %get3A_466 = arith.constant 54 : i32
        %get3A_467 = arith.index_cast %get3A_466 : i32 to index
        %get3A_468 = arith.index_cast %mul3A_73 : i32 to index
        %get3A_469 = tpu.vector_load %arg7[%get3A_467, %get3A_468] {strides = array<i32>} : memref<76x640xf32, #tpu.memory_space<vmem>>, vector<16xf32>,
        %get3A_470 = arith.constant 66 : i32
        %get3A_471 = arith.index_cast %get3A_470 : i32 to index
        %get3A_472 = arith.index_cast %mul3A_73 : i32 to index
        %get3A_473 = tpu.vector_load %arg7[%get3A_471, %get3A_472] {strides = array<i32>} : memref<76x640xf32, #tpu.memory_space<vmem>>, vector<16xf32>,
        %gt3A_474 = arith.cmpf ogt, %get3A_469, %select_n3A_461 : vector<16xf32>
        %select_n3A_475 = arith.select %gt3A_474, %get3A_469, %select_n3A_461 : vector<16xi1>, vector<16xf32>
        %select_n3A_476 = arith.select %gt3A_474, %get3A_473, %select_n3A_462 : vector<16xi1>, vector<16xf32>
        %jit3A_477 = arith.constant 5 : i32
        %broadcast_in_dim3A_478 = vector.broadcast %jit3A_477 : i32 to vector<16xi32>
        %select_n3A_479 = arith.select %gt3A_474, %broadcast_in_dim3A_478, %select_n3A_465 : vector<16xi1>, vector<16xi32>
        %get3A_480 = arith.constant 55 : i32
        %get3A_481 = arith.index_cast %get3A_480 : i32 to index
        %get3A_482 = arith.index_cast %mul3A_73 : i32 to index
        %get3A_483 = tpu.vector_load %arg7[%get3A_481, %get3A_482] {strides = array<i32>} : memref<76x640xf32, #tpu.memory_space<vmem>>, vector<16xf32>,
        %get3A_484 = arith.constant 67 : i32
        %get3A_485 = arith.index_cast %get3A_484 : i32 to index
        %get3A_486 = arith.index_cast %mul3A_73 : i32 to index
        %get3A_487 = tpu.vector_load %arg7[%get3A_485, %get3A_486] {strides = array<i32>} : memref<76x640xf32, #tpu.memory_space<vmem>>, vector<16xf32>,
        %gt3A_488 = arith.cmpf ogt, %get3A_483, %select_n3A_475 : vector<16xf32>
        %select_n3A_489 = arith.select %gt3A_488, %get3A_483, %select_n3A_475 : vector<16xi1>, vector<16xf32>
        %select_n3A_490 = arith.select %gt3A_488, %get3A_487, %select_n3A_476 : vector<16xi1>, vector<16xf32>
        %jit3A_491 = arith.constant 6 : i32
        %broadcast_in_dim3A_492 = vector.broadcast %jit3A_491 : i32 to vector<16xi32>
        %select_n3A_493 = arith.select %gt3A_488, %broadcast_in_dim3A_492, %select_n3A_479 : vector<16xi1>, vector<16xi32>
        %get3A_494 = arith.constant 56 : i32
        %get3A_495 = arith.index_cast %get3A_494 : i32 to index
        %get3A_496 = arith.index_cast %mul3A_73 : i32 to index
        %get3A_497 = tpu.vector_load %arg7[%get3A_495, %get3A_496] {strides = array<i32>} : memref<76x640xf32, #tpu.memory_space<vmem>>, vector<16xf32>,
        %get3A_498 = arith.constant 68 : i32
        %get3A_499 = arith.index_cast %get3A_498 : i32 to index
        %get3A_500 = arith.index_cast %mul3A_73 : i32 to index
        %get3A_501 = tpu.vector_load %arg7[%get3A_499, %get3A_500] {strides = array<i32>} : memref<76x640xf32, #tpu.memory_space<vmem>>, vector<16xf32>,
        %gt3A_502 = arith.cmpf ogt, %get3A_497, %select_n3A_489 : vector<16xf32>
        %select_n3A_503 = arith.select %gt3A_502, %get3A_497, %select_n3A_489 : vector<16xi1>, vector<16xf32>
        %select_n3A_504 = arith.select %gt3A_502, %get3A_501, %select_n3A_490 : vector<16xi1>, vector<16xf32>
        %jit3A_505 = arith.constant 7 : i32
        %broadcast_in_dim3A_506 = vector.broadcast %jit3A_505 : i32 to vector<16xi32>
        %select_n3A_507 = arith.select %gt3A_502, %broadcast_in_dim3A_506, %select_n3A_493 : vector<16xi1>, vector<16xi32>
        %get3A_508 = arith.constant 57 : i32
        %get3A_509 = arith.index_cast %get3A_508 : i32 to index
        %get3A_510 = arith.index_cast %mul3A_73 : i32 to index
        %get3A_511 = tpu.vector_load %arg7[%get3A_509, %get3A_510] {strides = array<i32>} : memref<76x640xf32, #tpu.memory_space<vmem>>, vector<16xf32>,
        %get3A_512 = arith.constant 69 : i32
        %get3A_513 = arith.index_cast %get3A_512 : i32 to index
        %get3A_514 = arith.index_cast %mul3A_73 : i32 to index
        %get3A_515 = tpu.vector_load %arg7[%get3A_513, %get3A_514] {strides = array<i32>} : memref<76x640xf32, #tpu.memory_space<vmem>>, vector<16xf32>,
        %gt3A_516 = arith.cmpf ogt, %get3A_511, %select_n3A_503 : vector<16xf32>
        %select_n3A_517 = arith.select %gt3A_516, %get3A_511, %select_n3A_503 : vector<16xi1>, vector<16xf32>
        %select_n3A_518 = arith.select %gt3A_516, %get3A_515, %select_n3A_504 : vector<16xi1>, vector<16xf32>
        %jit3A_519 = arith.constant 8 : i32
        %broadcast_in_dim3A_520 = vector.broadcast %jit3A_519 : i32 to vector<16xi32>
        %select_n3A_521 = arith.select %gt3A_516, %broadcast_in_dim3A_520, %select_n3A_507 : vector<16xi1>, vector<16xi32>
        %get3A_522 = arith.constant 58 : i32
        %get3A_523 = arith.index_cast %get3A_522 : i32 to index
        %get3A_524 = arith.index_cast %mul3A_73 : i32 to index
        %get3A_525 = tpu.vector_load %arg7[%get3A_523, %get3A_524] {strides = array<i32>} : memref<76x640xf32, #tpu.memory_space<vmem>>, vector<16xf32>,
        %get3A_526 = arith.constant 70 : i32
        %get3A_527 = arith.index_cast %get3A_526 : i32 to index
        %get3A_528 = arith.index_cast %mul3A_73 : i32 to index
        %get3A_529 = tpu.vector_load %arg7[%get3A_527, %get3A_528] {strides = array<i32>} : memref<76x640xf32, #tpu.memory_space<vmem>>, vector<16xf32>,
        %gt3A_530 = arith.cmpf ogt, %get3A_525, %select_n3A_517 : vector<16xf32>
        %select_n3A_531 = arith.select %gt3A_530, %get3A_525, %select_n3A_517 : vector<16xi1>, vector<16xf32>
        %select_n3A_532 = arith.select %gt3A_530, %get3A_529, %select_n3A_518 : vector<16xi1>, vector<16xf32>
        %jit3A_533 = arith.constant 9 : i32
        %broadcast_in_dim3A_534 = vector.broadcast %jit3A_533 : i32 to vector<16xi32>
        %select_n3A_535 = arith.select %gt3A_530, %broadcast_in_dim3A_534, %select_n3A_521 : vector<16xi1>, vector<16xi32>
        %get3A_536 = arith.constant 59 : i32
        %get3A_537 = arith.index_cast %get3A_536 : i32 to index
        %get3A_538 = arith.index_cast %mul3A_73 : i32 to index
        %get3A_539 = tpu.vector_load %arg7[%get3A_537, %get3A_538] {strides = array<i32>} : memref<76x640xf32, #tpu.memory_space<vmem>>, vector<16xf32>,
        %get3A_540 = arith.constant 71 : i32
        %get3A_541 = arith.index_cast %get3A_540 : i32 to index
        %get3A_542 = arith.index_cast %mul3A_73 : i32 to index
        %get3A_543 = tpu.vector_load %arg7[%get3A_541, %get3A_542] {strides = array<i32>} : memref<76x640xf32, #tpu.memory_space<vmem>>, vector<16xf32>,
        %gt3A_544 = arith.cmpf ogt, %get3A_539, %select_n3A_531 : vector<16xf32>
        %select_n3A_545 = arith.select %gt3A_544, %get3A_539, %select_n3A_531 : vector<16xi1>, vector<16xf32>
        %select_n3A_546 = arith.select %gt3A_544, %get3A_543, %select_n3A_532 : vector<16xi1>, vector<16xf32>
        %jit3A_547 = arith.constant 10 : i32
        %broadcast_in_dim3A_548 = vector.broadcast %jit3A_547 : i32 to vector<16xi32>
        %select_n3A_549 = arith.select %gt3A_544, %broadcast_in_dim3A_548, %select_n3A_535 : vector<16xi1>, vector<16xi32>
        %get3A_550 = arith.constant 60 : i32
        %get3A_551 = arith.index_cast %get3A_550 : i32 to index
        %get3A_552 = arith.index_cast %mul3A_73 : i32 to index
        %get3A_553 = tpu.vector_load %arg7[%get3A_551, %get3A_552] {strides = array<i32>} : memref<76x640xf32, #tpu.memory_space<vmem>>, vector<16xf32>,
        %get3A_554 = arith.constant 72 : i32
        %get3A_555 = arith.index_cast %get3A_554 : i32 to index
        %get3A_556 = arith.index_cast %mul3A_73 : i32 to index
        %get3A_557 = tpu.vector_load %arg7[%get3A_555, %get3A_556] {strides = array<i32>} : memref<76x640xf32, #tpu.memory_space<vmem>>, vector<16xf32>,
        %gt3A_558 = arith.cmpf ogt, %get3A_553, %select_n3A_545 : vector<16xf32>
        %select_n3A_559 = arith.select %gt3A_558, %get3A_553, %select_n3A_545 : vector<16xi1>, vector<16xf32>
        %select_n3A_560 = arith.select %gt3A_558, %get3A_557, %select_n3A_546 : vector<16xi1>, vector<16xf32>
        %jit3A_561 = arith.constant 11 : i32
        %broadcast_in_dim3A_562 = vector.broadcast %jit3A_561 : i32 to vector<16xi32>
        %select_n3A_563 = arith.select %gt3A_558, %broadcast_in_dim3A_562, %select_n3A_549 : vector<16xi1>, vector<16xi32>
        %get3A_564 = arith.constant 48 : i32
        %get3A_565 = arith.index_cast %get3A_564 : i32 to index
        %get3A_566 = arith.index_cast %mul3A_73 : i32 to index
        %get3A_567 = tpu.vector_load %arg7[%get3A_565, %get3A_566] {strides = array<i32>} : memref<76x640xf32, #tpu.memory_space<vmem>>, vector<16xf32>,
        %get3A_568 = arith.constant 73 : i32
        %get3A_569 = arith.index_cast %get3A_568 : i32 to index
        %get3A_570 = arith.index_cast %mul3A_73 : i32 to index
        %get3A_571 = tpu.vector_load %arg7[%get3A_569, %get3A_570] {strides = array<i32>} : memref<76x640xf32, #tpu.memory_space<vmem>>, vector<16xf32>,
        %get3A_572 = arith.constant 74 : i32
        %get3A_573 = arith.index_cast %get3A_572 : i32 to index
        %get3A_574 = arith.index_cast %mul3A_73 : i32 to index
        %get3A_575 = tpu.vector_load %arg7[%get3A_573, %get3A_574] {strides = array<i32>} : memref<76x640xf32, #tpu.memory_space<vmem>>, vector<16xf32>,
        %get3A_576 = arith.constant 75 : i32
        %get3A_577 = arith.index_cast %get3A_576 : i32 to index
        %get3A_578 = arith.index_cast %mul3A_73 : i32 to index
        %get3A_579 = tpu.vector_load %arg7[%get3A_577, %get3A_578] {strides = array<i32>} : memref<76x640xf32, #tpu.memory_space<vmem>>, vector<16xf32>,
        %get3A_580 = arith.constant 0 : i32
        %get3A_581 = arith.index_cast %get3A_580 : i32 to index
        %get3A_582 = arith.index_cast %mul3A_73 : i32 to index
        %get3A_583 = tpu.vector_load %arg8[%get3A_581, %get3A_582] {strides = array<i32>} : memref<7x640xf32, #tpu.memory_space<vmem>>, vector<16xf32>,
        %get3A_584 = arith.constant 1 : i32
        %get3A_585 = arith.index_cast %get3A_584 : i32 to index
        %get3A_586 = arith.index_cast %mul3A_73 : i32 to index
        %get3A_587 = tpu.vector_load %arg8[%get3A_585, %get3A_586] {strides = array<i32>} : memref<7x640xf32, #tpu.memory_space<vmem>>, vector<16xf32>,
        %get3A_588 = arith.constant 2 : i32
        %get3A_589 = arith.index_cast %get3A_588 : i32 to index
        %get3A_590 = arith.index_cast %mul3A_73 : i32 to index
        %get3A_591 = tpu.vector_load %arg8[%get3A_589, %get3A_590] {strides = array<i32>} : memref<7x640xf32, #tpu.memory_space<vmem>>, vector<16xf32>,
        %get3A_592 = arith.constant 6 : i32
        %get3A_593 = arith.index_cast %get3A_592 : i32 to index
        %get3A_594 = arith.index_cast %mul3A_73 : i32 to index
        %get3A_595 = tpu.vector_load %arg8[%get3A_593, %get3A_594] {strides = array<i32>} : memref<7x640xf32, #tpu.memory_space<vmem>>, vector<16xf32>,
        %convert_element_type3A_596 = arith.sitofp %select_n3A_235 : vector<16xi32> to vector<16xf32>
        %mul3A_597 = arith.constant 5.000000e-01 : f32
        %mul3A_598 = vector.broadcast %mul3A_597 : f32 to vector<16xf32>
        %mul3A_599 = arith.mulf %convert_element_type3A_596, %mul3A_598 : vector<16xf32>
        %add3A_600 = arith.constant -2.750000e+00 : f32
        %add3A_601 = vector.broadcast %add3A_600 : f32 to vector<16xf32>
        %add3A_602 = arith.addf %mul3A_599, %add3A_601 : vector<16xf32>
        %mul3A_603 = arith.constant 5.000000e-01 : f32
        %mul3A_604 = vector.broadcast %mul3A_603 : f32 to vector<16xf32>
        %mul3A_605 = arith.mulf %select_n3A_232, %mul3A_604 : vector<16xf32>
        %add3A_606 = arith.addf %add3A_602, %mul3A_605 : vector<16xf32>
        %convert_element_type3A_607 = arith.sitofp %select_n3A_399 : vector<16xi32> to vector<16xf32>
        %mul3A_608 = arith.constant 5.000000e-01 : f32
        %mul3A_609 = vector.broadcast %mul3A_608 : f32 to vector<16xf32>
        %mul3A_610 = arith.mulf %convert_element_type3A_607, %mul3A_609 : vector<16xf32>
        %add3A_611 = arith.constant -2.750000e+00 : f32
        %add3A_612 = vector.broadcast %add3A_611 : f32 to vector<16xf32>
        %add3A_613 = arith.addf %mul3A_610, %add3A_612 : vector<16xf32>
        %mul3A_614 = arith.constant 5.000000e-01 : f32
        %mul3A_615 = vector.broadcast %mul3A_614 : f32 to vector<16xf32>
        %mul3A_616 = arith.mulf %select_n3A_396, %mul3A_615 : vector<16xf32>
        %add3A_617 = arith.addf %add3A_613, %mul3A_616 : vector<16xf32>
        %add3A_618 = arith.addf %get3A_587, %get3A_567 : vector<16xf32>
        %convert_element_type3A_619 = arith.sitofp %select_n3A_563 : vector<16xi32> to vector<16xf32>
        %mul3A_620 = arith.constant 0.52359879 : f32
        %mul3A_621 = vector.broadcast %mul3A_620 : f32 to vector<16xf32>
        %mul3A_622 = arith.mulf %convert_element_type3A_619, %mul3A_621 : vector<16xf32>
        %mul3A_623 = arith.constant 0.261799395 : f32
        %mul3A_624 = vector.broadcast %mul3A_623 : f32 to vector<16xf32>
        %mul3A_625 = arith.mulf %select_n3A_560, %mul3A_624 : vector<16xf32>
        %add3A_626 = arith.addf %mul3A_622, %mul3A_625 : vector<16xf32>
        %mul3A_627 = arith.constant 0.159154937 : f32
        %mul3A_628 = vector.broadcast %mul3A_627 : f32 to vector<16xf32>
        %mul3A_629 = arith.mulf %add3A_626, %mul3A_628 : vector<16xf32>
        %convert_element_type3A_630 = arith.fptosi %mul3A_629 : vector<16xf32> to vector<16xi32>
        %convert_element_type3A_631 = arith.sitofp %convert_element_type3A_630 : vector<16xi32> to vector<16xf32>
        %gt3A_632 = arith.cmpf ogt, %convert_element_type3A_631, %mul3A_629 : vector<16xf32>
        %sub3A = arith.constant 1.000000e+00 : f32
        %sub3A_633 = vector.broadcast %sub3A : f32 to vector<16xf32>
        %sub3A_634 = arith.subf %convert_element_type3A_631, %sub3A_633 : vector<16xf32>
        %select_n3A_635 = arith.select %gt3A_632, %sub3A_634, %convert_element_type3A_631 : vector<16xi1>, vector<16xf32>
        %mul3A_636 = arith.constant 6.28318548 : f32
        %mul3A_637 = vector.broadcast %mul3A_636 : f32 to vector<16xf32>
        %mul3A_638 = arith.mulf %select_n3A_635, %mul3A_637 : vector<16xf32>
        %sub3A_639 = arith.subf %add3A_626, %mul3A_638 : vector<16xf32>
        %gt3A_640 = arith.constant 3.14159274 : f32
        %gt3A_641 = vector.broadcast %gt3A_640 : f32 to vector<16xf32>
        %gt3A_642 = arith.cmpf ogt, %sub3A_639, %gt3A_641 : vector<16xf32>
        %sub3A_643 = arith.constant 6.28318548 : f32
        %sub3A_644 = vector.broadcast %sub3A_643 : f32 to vector<16xf32>
        %sub3A_645 = arith.subf %sub3A_639, %sub3A_644 : vector<16xf32>
        %select_n3A_646 = arith.select %gt3A_642, %sub3A_645, %sub3A_639 : vector<16xi1>, vector<16xf32>
        %mul3A_647 = arith.mulf %get3A_571, %get3A_5 : vector<16xf32>
        %add3A_648 = arith.addf %mul3A_647, %get3A_5 : vector<16xf32>
        %mul3A_649 = arith.mulf %get3A_575, %get3A_9 : vector<16xf32>
        %add3A_650 = arith.addf %mul3A_649, %get3A_9 : vector<16xf32>
        %mul3A_651 = arith.mulf %get3A_579, %get3A_13 : vector<16xf32>
        %add3A_652 = arith.addf %mul3A_651, %get3A_13 : vector<16xf32>
        %ge3A = arith.constant 0.000000e+00 : f32
        %ge3A_653 = vector.broadcast %ge3A : f32 to vector<16xf32>
        %ge3A_654 = arith.cmpf oge, %get3A_595, %ge3A_653 : vector<16xf32>
        %jit3A_655 = arith.constant 5.000000e-01 : f32
        %jit3A_656 = arith.constant -5.000000e-01 : f32
        %broadcast_in_dim3A_657 = vector.broadcast %jit3A_655 : f32 to vector<16xf32>
        %broadcast_in_dim3A_658 = vector.broadcast %jit3A_656 : f32 to vector<16xf32>
        %select_n3A_659 = arith.select %ge3A_654, %broadcast_in_dim3A_657, %broadcast_in_dim3A_658 : vector<16xi1>, vector<16xf32>
        %mul3A_660 = arith.constant 0.636619746 : f32
        %mul3A_661 = vector.broadcast %mul3A_660 : f32 to vector<16xf32>
        %mul3A_662 = arith.mulf %get3A_595, %mul3A_661 : vector<16xf32>
        %add3A_663 = arith.addf %mul3A_662, %select_n3A_659 : vector<16xf32>
        %convert_element_type3A_664 = arith.fptosi %add3A_663 : vector<16xf32> to vector<16xi32>
        %convert_element_type3A_665 = arith.sitofp %convert_element_type3A_664 : vector<16xi32> to vector<16xf32>
        %convert_element_type3A_666 = arith.fptosi %convert_element_type3A_665 : vector<16xf32> to vector<16xi32>
        %mul3A_667 = arith.constant 1.5703125 : f32
        %mul3A_668 = vector.broadcast %mul3A_667 : f32 to vector<16xf32>
        %mul3A_669 = arith.mulf %convert_element_type3A_665, %mul3A_668 : vector<16xf32>
        %sub3A_670 = arith.subf %get3A_595, %mul3A_669 : vector<16xf32>
        %mul3A_671 = arith.constant 4.83751297E-4 : f32
        %mul3A_672 = vector.broadcast %mul3A_671 : f32 to vector<16xf32>
        %mul3A_673 = arith.mulf %convert_element_type3A_665, %mul3A_672 : vector<16xf32>
        %sub3A_674 = arith.subf %sub3A_670, %mul3A_673 : vector<16xf32>
        %mul3A_675 = arith.constant 7.549790e-08 : f32
        %mul3A_676 = vector.broadcast %mul3A_675 : f32 to vector<16xf32>
        %mul3A_677 = arith.mulf %convert_element_type3A_665, %mul3A_676 : vector<16xf32>
        %sub3A_678 = arith.subf %sub3A_674, %mul3A_677 : vector<16xf32>
        %mul3A_679 = arith.mulf %sub3A_678, %sub3A_678 : vector<16xf32>
        %mul3A_680 = arith.mulf %sub3A_678, %mul3A_679 : vector<16xf32>
        %mul3A_681 = arith.constant -1.95152956E-4 : f32
        %mul3A_682 = vector.broadcast %mul3A_681 : f32 to vector<16xf32>
        %mul3A_683 = arith.mulf %mul3A_679, %mul3A_682 : vector<16xf32>
        %add3A_684 = arith.constant 0.00833216123 : f32
        %add3A_685 = vector.broadcast %add3A_684 : f32 to vector<16xf32>
        %add3A_686 = arith.addf %add3A_685, %mul3A_683 : vector<16xf32>
        %mul3A_687 = arith.mulf %mul3A_679, %add3A_686 : vector<16xf32>
        %add3A_688 = arith.constant -0.166666552 : f32
        %add3A_689 = vector.broadcast %add3A_688 : f32 to vector<16xf32>
        %add3A_690 = arith.addf %add3A_689, %mul3A_687 : vector<16xf32>
        %mul3A_691 = arith.mulf %mul3A_680, %add3A_690 : vector<16xf32>
        %add3A_692 = arith.addf %sub3A_678, %mul3A_691 : vector<16xf32>
        %mul3A_693 = arith.constant 2.44331568E-5 : f32
        %mul3A_694 = vector.broadcast %mul3A_693 : f32 to vector<16xf32>
        %mul3A_695 = arith.mulf %mul3A_679, %mul3A_694 : vector<16xf32>
        %add3A_696 = arith.constant -0.00138873165 : f32
        %add3A_697 = vector.broadcast %add3A_696 : f32 to vector<16xf32>
        %add3A_698 = arith.addf %add3A_697, %mul3A_695 : vector<16xf32>
        %mul3A_699 = arith.mulf %mul3A_679, %add3A_698 : vector<16xf32>
        %add3A_700 = arith.constant 0.0416666456 : f32
        %add3A_701 = vector.broadcast %add3A_700 : f32 to vector<16xf32>
        %add3A_702 = arith.addf %add3A_701, %mul3A_699 : vector<16xf32>
        %mul3A_703 = arith.mulf %mul3A_679, %add3A_702 : vector<16xf32>
        %add3A_704 = arith.constant -5.000000e-01 : f32
        %add3A_705 = vector.broadcast %add3A_704 : f32 to vector<16xf32>
        %add3A_706 = arith.addf %add3A_705, %mul3A_703 : vector<16xf32>
        %mul3A_707 = arith.mulf %mul3A_679, %add3A_706 : vector<16xf32>
        %add3A_708 = arith.constant 1.000000e+00 : f32
        %add3A_709 = vector.broadcast %add3A_708 : f32 to vector<16xf32>
        %add3A_710 = arith.addf %add3A_709, %mul3A_707 : vector<16xf32>
        %and3A = arith.constant 3 : i32
        %and3A_711 = vector.broadcast %and3A : i32 to vector<16xi32>
        %and3A_712 = arith.andi %convert_element_type3A_666, %and3A_711 : vector<16xi32>
        %and3A_713 = arith.constant 1 : i32
        %and3A_714 = vector.broadcast %and3A_713 : i32 to vector<16xi32>
        %and3A_715 = arith.andi %and3A_712, %and3A_714 : vector<16xi32>
        %eq3A_716 = arith.constant 1 : i32
        %eq3A_717 = vector.broadcast %eq3A_716 : i32 to vector<16xi32>
        %eq3A_718 = arith.cmpi eq, %and3A_715, %eq3A_717 : vector<16xi32>
        %select_n3A_719 = arith.select %eq3A_718, %add3A_710, %add3A_692 : vector<16xi1>, vector<16xf32>
        %select_n3A_720 = arith.select %eq3A_718, %add3A_692, %add3A_710 : vector<16xi1>, vector<16xf32>
        %ge3A_721 = arith.constant 2 : i32
        %ge3A_722 = vector.broadcast %ge3A_721 : i32 to vector<16xi32>
        %ge3A_723 = arith.cmpi sge, %and3A_712, %ge3A_722 : vector<16xi32>
        %neg3A = arith.constant 0.000000e+00 : f32
        %neg3A_724 = vector.broadcast %neg3A : f32 to vector<16xf32>
        %neg3A_725 = arith.subf %neg3A_724, %select_n3A_719 : vector<16xf32>
        %select_n3A_726 = arith.select %ge3A_723, %neg3A_725, %select_n3A_719 : vector<16xi1>, vector<16xf32>
        %eq3A_727 = arith.constant 1 : i32
        %eq3A_728 = vector.broadcast %eq3A_727 : i32 to vector<16xi32>
        %eq3A_729 = arith.cmpi eq, %and3A_712, %eq3A_728 : vector<16xi32>
        %eq3A_730 = arith.constant 2 : i32
        %eq3A_731 = vector.broadcast %eq3A_730 : i32 to vector<16xi32>
        %eq3A_732 = arith.cmpi eq, %and3A_712, %eq3A_731 : vector<16xi32>
        %or3A = arith.ori %eq3A_729, %eq3A_732 : vector<16xi1>
        %neg3A_733 = arith.constant 0.000000e+00 : f32
        %neg3A_734 = vector.broadcast %neg3A_733 : f32 to vector<16xf32>
        %neg3A_735 = arith.subf %neg3A_734, %select_n3A_720 : vector<16xf32>
        %select_n3A_736 = arith.select %or3A, %neg3A_735, %select_n3A_720 : vector<16xi1>, vector<16xf32>
        %mul3A_737 = arith.mulf %add3A_606, %select_n3A_736 : vector<16xf32>
        %mul3A_738 = arith.mulf %add3A_617, %select_n3A_726 : vector<16xf32>
        %add3A_739 = arith.addf %mul3A_737, %mul3A_738 : vector<16xf32>
        %add3A_740 = arith.addf %add3A_739, %get3A_583 : vector<16xf32>
        %neg3A_741 = arith.constant 0.000000e+00 : f32
        %neg3A_742 = vector.broadcast %neg3A_741 : f32 to vector<16xf32>
        %neg3A_743 = arith.subf %neg3A_742, %add3A_606 : vector<16xf32>
        %mul3A_744 = arith.mulf %neg3A_743, %select_n3A_726 : vector<16xf32>
        %mul3A_745 = arith.mulf %add3A_617, %select_n3A_736 : vector<16xf32>
        %add3A_746 = arith.addf %mul3A_744, %mul3A_745 : vector<16xf32>
        %add3A_747 = arith.addf %add3A_746, %get3A_591 : vector<16xf32>
        %add3A_748 = arith.addf %select_n3A_646, %get3A_595 : vector<16xf32>
        %swap3A = arith.constant 0 : i32
        %swap3A_749 = arith.index_cast %swap3A : i32 to index
        %swap3A_750 = arith.index_cast %mul3A_75 : i32 to index
        %swap3A_751 = tpu.vector_load %arg9[%swap3A_749, %swap3A_750] {strides = array<i32>} : memref<7x640xf32, #tpu.memory_space<vmem>>, vector<16xf32>,
        tpu.vector_store %arg9[%swap3A_749, %swap3A_750], %add3A_740 {strides = array<i32>} : memref<7x640xf32, #tpu.memory_space<vmem>>, vector<16xf32>,
        %swap3A_752 = arith.constant 1 : i32
        %swap3A_753 = arith.index_cast %swap3A_752 : i32 to index
        %swap3A_754 = arith.index_cast %mul3A_75 : i32 to index
        %swap3A_755 = tpu.vector_load %arg9[%swap3A_753, %swap3A_754] {strides = array<i32>} : memref<7x640xf32, #tpu.memory_space<vmem>>, vector<16xf32>,
        tpu.vector_store %arg9[%swap3A_753, %swap3A_754], %add3A_618 {strides = array<i32>} : memref<7x640xf32, #tpu.memory_space<vmem>>, vector<16xf32>,
        %swap3A_756 = arith.constant 2 : i32
        %swap3A_757 = arith.index_cast %swap3A_756 : i32 to index
        %swap3A_758 = arith.index_cast %mul3A_75 : i32 to index
        %swap3A_759 = tpu.vector_load %arg9[%swap3A_757, %swap3A_758] {strides = array<i32>} : memref<7x640xf32, #tpu.memory_space<vmem>>, vector<16xf32>,
        tpu.vector_store %arg9[%swap3A_757, %swap3A_758], %add3A_747 {strides = array<i32>} : memref<7x640xf32, #tpu.memory_space<vmem>>, vector<16xf32>,
        %swap3A_760 = arith.constant 3 : i32
        %swap3A_761 = arith.index_cast %swap3A_760 : i32 to index
        %swap3A_762 = arith.index_cast %mul3A_75 : i32 to index
        %swap3A_763 = tpu.vector_load %arg9[%swap3A_761, %swap3A_762] {strides = array<i32>} : memref<7x640xf32, #tpu.memory_space<vmem>>, vector<16xf32>,
        tpu.vector_store %arg9[%swap3A_761, %swap3A_762], %add3A_648 {strides = array<i32>} : memref<7x640xf32, #tpu.memory_space<vmem>>, vector<16xf32>,
        %swap3A_764 = arith.constant 4 : i32
        %swap3A_765 = arith.index_cast %swap3A_764 : i32 to index
        %swap3A_766 = arith.index_cast %mul3A_75 : i32 to index
        %swap3A_767 = tpu.vector_load %arg9[%swap3A_765, %swap3A_766] {strides = array<i32>} : memref<7x640xf32, #tpu.memory_space<vmem>>, vector<16xf32>,
        tpu.vector_store %arg9[%swap3A_765, %swap3A_766], %add3A_650 {strides = array<i32>} : memref<7x640xf32, #tpu.memory_space<vmem>>, vector<16xf32>,
        %swap3A_768 = arith.constant 5 : i32
        %swap3A_769 = arith.index_cast %swap3A_768 : i32 to index
        %swap3A_770 = arith.index_cast %mul3A_75 : i32 to index
        %swap3A_771 = tpu.vector_load %arg9[%swap3A_769, %swap3A_770] {strides = array<i32>} : memref<7x640xf32, #tpu.memory_space<vmem>>, vector<16xf32>,
        tpu.vector_store %arg9[%swap3A_769, %swap3A_770], %add3A_652 {strides = array<i32>} : memref<7x640xf32, #tpu.memory_space<vmem>>, vector<16xf32>,
        %swap3A_772 = arith.constant 6 : i32
        %swap3A_773 = arith.index_cast %swap3A_772 : i32 to index
        %swap3A_774 = arith.index_cast %mul3A_75 : i32 to index
        %swap3A_775 = tpu.vector_load %arg9[%swap3A_773, %swap3A_774] {strides = array<i32>} : memref<7x640xf32, #tpu.memory_space<vmem>>, vector<16xf32>,
        tpu.vector_store %arg9[%swap3A_773, %swap3A_774], %add3A_748 {strides = array<i32>} : memref<7x640xf32, #tpu.memory_space<vmem>>, vector<16xf32>,
      }
      %scan3A_54 = arith.constant 16 : i32
      %dma_wait3A_55 = arith.constant 0 : i32
      %dma_wait3A_56 = arith.constant 256 : i32
      %dma_wait3A_57 = tpu.memref_slice %arg7[%dma_wait3A_55, %dma_wait3A_56] : memref<76x640xf32, #tpu.memory_space<vmem>> -> memref<76x384xf32, #tpu.memory_space<vmem>>
      %dma_wait3A_58 = arith.constant 0 : i32
      %dma_wait3A_59 = tpu.memref_slice %arg3[%dma_wait3A_58, %add3A_30] : memref<76x20000xf32, #tpu.memory_space<hbm>> -> memref<76x384xf32, #tpu.memory_space<hbm>>
      %dma_wait3A_60 = arith.constant 0 : i32
      %dma_wait3A_61 = arith.constant 256 : i32
      %dma_wait3A_62 = tpu.memref_slice %arg7[%dma_wait3A_60, %dma_wait3A_61] : memref<76x640xf32, #tpu.memory_space<vmem>> -> memref<76x384xf32, #tpu.memory_space<vmem>>
      %dma_wait3A_63 = arith.constant 0 : i32
      %dma_wait3A_64 = tpu.memref_slice %arg3[%dma_wait3A_63, %add3A_30] : memref<76x20000xf32, #tpu.memory_space<hbm>> -> memref<76x384xf32, #tpu.memory_space<hbm>>
      tpu.wait_dma2 semaphore(%arg14 : memref<!tpu.dma_semaphore, #tpu.memory_space<semaphore_mem>>) src(%dma_wait3A_64 : memref<76x384xf32, #tpu.memory_space<hbm>>) dst(%dma_wait3A_62 : memref<76x384xf32, #tpu.memory_space<vmem>>)
      %scan3A_65 = arith.constant 0 : i32
      %scan3A_66 = arith.constant 16 : i32
      %scan3A_67 = arith.constant 24 : i32
      %scan3A_68 = arith.addi %scan3A_66, %scan3A_67 : i32
      %scan3A_69 = arith.constant 1 : i32
      scf.for %scan3A_71 = %scan3A_66 to %scan3A_68 step %scan3A_69  : i32 {
        %mul3A_72 = arith.constant 16 : i32
        %mul3A_73 = arith.muli %scan3A_71, %mul3A_72 : i32
        %mul3A_74 = arith.constant 16 : i32
        %mul3A_75 = arith.muli %scan3A_71, %mul3A_74 : i32
        %get3A_76 = arith.constant 0 : i32
        %get3A_77 = arith.index_cast %get3A_76 : i32 to index
        %get3A_78 = arith.index_cast %mul3A_73 : i32 to index
        %get3A_79 = tpu.vector_load %arg7[%get3A_77, %get3A_78] {strides = array<i32>} : memref<76x640xf32, #tpu.memory_space<vmem>>, vector<16xf32>,
        %get3A_80 = arith.constant 24 : i32
        %get3A_81 = arith.index_cast %get3A_80 : i32 to index
        %get3A_82 = arith.index_cast %mul3A_73 : i32 to index
        %get3A_83 = tpu.vector_load %arg7[%get3A_81, %get3A_82] {strides = array<i32>} : memref<76x640xf32, #tpu.memory_space<vmem>>, vector<16xf32>,
        %broadcast_in_dim3A = arith.constant 0 : i32
        %broadcast_in_dim3A_84 = vector.broadcast %broadcast_in_dim3A : i32 to vector<16xi32>
        %get3A_85 = arith.constant 1 : i32
        %get3A_86 = arith.index_cast %get3A_85 : i32 to index
        %get3A_87 = arith.index_cast %mul3A_73 : i32 to index
        %get3A_88 = tpu.vector_load %arg7[%get3A_86, %get3A_87] {strides = array<i32>} : memref<76x640xf32, #tpu.memory_space<vmem>>, vector<16xf32>,
        %get3A_89 = arith.constant 25 : i32
        %get3A_90 = arith.index_cast %get3A_89 : i32 to index
        %get3A_91 = arith.index_cast %mul3A_73 : i32 to index
        %get3A_92 = tpu.vector_load %arg7[%get3A_90, %get3A_91] {strides = array<i32>} : memref<76x640xf32, #tpu.memory_space<vmem>>, vector<16xf32>,
        %gt3A = arith.cmpf ogt, %get3A_88, %get3A_79 : vector<16xf32>
        %select_n3A = arith.select %gt3A, %get3A_88, %get3A_79 : vector<16xi1>, vector<16xf32>
        %select_n3A_93 = arith.select %gt3A, %get3A_92, %get3A_83 : vector<16xi1>, vector<16xf32>
        %jit3A = arith.constant 1 : i32
        %broadcast_in_dim3A_94 = vector.broadcast %jit3A : i32 to vector<16xi32>
        %select_n3A_95 = arith.select %gt3A, %broadcast_in_dim3A_94, %broadcast_in_dim3A_84 : vector<16xi1>, vector<16xi32>
        %get3A_96 = arith.constant 2 : i32
        %get3A_97 = arith.index_cast %get3A_96 : i32 to index
        %get3A_98 = arith.index_cast %mul3A_73 : i32 to index
        %get3A_99 = tpu.vector_load %arg7[%get3A_97, %get3A_98] {strides = array<i32>} : memref<76x640xf32, #tpu.memory_space<vmem>>, vector<16xf32>,
        %get3A_100 = arith.constant 26 : i32
        %get3A_101 = arith.index_cast %get3A_100 : i32 to index
        %get3A_102 = arith.index_cast %mul3A_73 : i32 to index
        %get3A_103 = tpu.vector_load %arg7[%get3A_101, %get3A_102] {strides = array<i32>} : memref<76x640xf32, #tpu.memory_space<vmem>>, vector<16xf32>,
        %gt3A_104 = arith.cmpf ogt, %get3A_99, %select_n3A : vector<16xf32>
        %select_n3A_105 = arith.select %gt3A_104, %get3A_99, %select_n3A : vector<16xi1>, vector<16xf32>
        %select_n3A_106 = arith.select %gt3A_104, %get3A_103, %select_n3A_93 : vector<16xi1>, vector<16xf32>
        %jit3A_107 = arith.constant 2 : i32
        %broadcast_in_dim3A_108 = vector.broadcast %jit3A_107 : i32 to vector<16xi32>
        %select_n3A_109 = arith.select %gt3A_104, %broadcast_in_dim3A_108, %select_n3A_95 : vector<16xi1>, vector<16xi32>
        %get3A_110 = arith.constant 3 : i32
        %get3A_111 = arith.index_cast %get3A_110 : i32 to index
        %get3A_112 = arith.index_cast %mul3A_73 : i32 to index
        %get3A_113 = tpu.vector_load %arg7[%get3A_111, %get3A_112] {strides = array<i32>} : memref<76x640xf32, #tpu.memory_space<vmem>>, vector<16xf32>,
        %get3A_114 = arith.constant 27 : i32
        %get3A_115 = arith.index_cast %get3A_114 : i32 to index
        %get3A_116 = arith.index_cast %mul3A_73 : i32 to index
        %get3A_117 = tpu.vector_load %arg7[%get3A_115, %get3A_116] {strides = array<i32>} : memref<76x640xf32, #tpu.memory_space<vmem>>, vector<16xf32>,
        %gt3A_118 = arith.cmpf ogt, %get3A_113, %select_n3A_105 : vector<16xf32>
        %select_n3A_119 = arith.select %gt3A_118, %get3A_113, %select_n3A_105 : vector<16xi1>, vector<16xf32>
        %select_n3A_120 = arith.select %gt3A_118, %get3A_117, %select_n3A_106 : vector<16xi1>, vector<16xf32>
        %jit3A_121 = arith.constant 3 : i32
        %broadcast_in_dim3A_122 = vector.broadcast %jit3A_121 : i32 to vector<16xi32>
        %select_n3A_123 = arith.select %gt3A_118, %broadcast_in_dim3A_122, %select_n3A_109 : vector<16xi1>, vector<16xi32>
        %get3A_124 = arith.constant 4 : i32
        %get3A_125 = arith.index_cast %get3A_124 : i32 to index
        %get3A_126 = arith.index_cast %mul3A_73 : i32 to index
        %get3A_127 = tpu.vector_load %arg7[%get3A_125, %get3A_126] {strides = array<i32>} : memref<76x640xf32, #tpu.memory_space<vmem>>, vector<16xf32>,
        %get3A_128 = arith.constant 28 : i32
        %get3A_129 = arith.index_cast %get3A_128 : i32 to index
        %get3A_130 = arith.index_cast %mul3A_73 : i32 to index
        %get3A_131 = tpu.vector_load %arg7[%get3A_129, %get3A_130] {strides = array<i32>} : memref<76x640xf32, #tpu.memory_space<vmem>>, vector<16xf32>,
        %gt3A_132 = arith.cmpf ogt, %get3A_127, %select_n3A_119 : vector<16xf32>
        %select_n3A_133 = arith.select %gt3A_132, %get3A_127, %select_n3A_119 : vector<16xi1>, vector<16xf32>
        %select_n3A_134 = arith.select %gt3A_132, %get3A_131, %select_n3A_120 : vector<16xi1>, vector<16xf32>
        %jit3A_135 = arith.constant 4 : i32
        %broadcast_in_dim3A_136 = vector.broadcast %jit3A_135 : i32 to vector<16xi32>
        %select_n3A_137 = arith.select %gt3A_132, %broadcast_in_dim3A_136, %select_n3A_123 : vector<16xi1>, vector<16xi32>
        %get3A_138 = arith.constant 5 : i32
        %get3A_139 = arith.index_cast %get3A_138 : i32 to index
        %get3A_140 = arith.index_cast %mul3A_73 : i32 to index
        %get3A_141 = tpu.vector_load %arg7[%get3A_139, %get3A_140] {strides = array<i32>} : memref<76x640xf32, #tpu.memory_space<vmem>>, vector<16xf32>,
        %get3A_142 = arith.constant 29 : i32
        %get3A_143 = arith.index_cast %get3A_142 : i32 to index
        %get3A_144 = arith.index_cast %mul3A_73 : i32 to index
        %get3A_145 = tpu.vector_load %arg7[%get3A_143, %get3A_144] {strides = array<i32>} : memref<76x640xf32, #tpu.memory_space<vmem>>, vector<16xf32>,
        %gt3A_146 = arith.cmpf ogt, %get3A_141, %select_n3A_133 : vector<16xf32>
        %select_n3A_147 = arith.select %gt3A_146, %get3A_141, %select_n3A_133 : vector<16xi1>, vector<16xf32>
        %select_n3A_148 = arith.select %gt3A_146, %get3A_145, %select_n3A_134 : vector<16xi1>, vector<16xf32>
        %jit3A_149 = arith.constant 5 : i32
        %broadcast_in_dim3A_150 = vector.broadcast %jit3A_149 : i32 to vector<16xi32>
        %select_n3A_151 = arith.select %gt3A_146, %broadcast_in_dim3A_150, %select_n3A_137 : vector<16xi1>, vector<16xi32>
        %get3A_152 = arith.constant 6 : i32
        %get3A_153 = arith.index_cast %get3A_152 : i32 to index
        %get3A_154 = arith.index_cast %mul3A_73 : i32 to index
        %get3A_155 = tpu.vector_load %arg7[%get3A_153, %get3A_154] {strides = array<i32>} : memref<76x640xf32, #tpu.memory_space<vmem>>, vector<16xf32>,
        %get3A_156 = arith.constant 30 : i32
        %get3A_157 = arith.index_cast %get3A_156 : i32 to index
        %get3A_158 = arith.index_cast %mul3A_73 : i32 to index
        %get3A_159 = tpu.vector_load %arg7[%get3A_157, %get3A_158] {strides = array<i32>} : memref<76x640xf32, #tpu.memory_space<vmem>>, vector<16xf32>,
        %gt3A_160 = arith.cmpf ogt, %get3A_155, %select_n3A_147 : vector<16xf32>
        %select_n3A_161 = arith.select %gt3A_160, %get3A_155, %select_n3A_147 : vector<16xi1>, vector<16xf32>
        %select_n3A_162 = arith.select %gt3A_160, %get3A_159, %select_n3A_148 : vector<16xi1>, vector<16xf32>
        %jit3A_163 = arith.constant 6 : i32
        %broadcast_in_dim3A_164 = vector.broadcast %jit3A_163 : i32 to vector<16xi32>
        %select_n3A_165 = arith.select %gt3A_160, %broadcast_in_dim3A_164, %select_n3A_151 : vector<16xi1>, vector<16xi32>
        %get3A_166 = arith.constant 7 : i32
        %get3A_167 = arith.index_cast %get3A_166 : i32 to index
        %get3A_168 = arith.index_cast %mul3A_73 : i32 to index
        %get3A_169 = tpu.vector_load %arg7[%get3A_167, %get3A_168] {strides = array<i32>} : memref<76x640xf32, #tpu.memory_space<vmem>>, vector<16xf32>,
        %get3A_170 = arith.constant 31 : i32
        %get3A_171 = arith.index_cast %get3A_170 : i32 to index
        %get3A_172 = arith.index_cast %mul3A_73 : i32 to index
        %get3A_173 = tpu.vector_load %arg7[%get3A_171, %get3A_172] {strides = array<i32>} : memref<76x640xf32, #tpu.memory_space<vmem>>, vector<16xf32>,
        %gt3A_174 = arith.cmpf ogt, %get3A_169, %select_n3A_161 : vector<16xf32>
        %select_n3A_175 = arith.select %gt3A_174, %get3A_169, %select_n3A_161 : vector<16xi1>, vector<16xf32>
        %select_n3A_176 = arith.select %gt3A_174, %get3A_173, %select_n3A_162 : vector<16xi1>, vector<16xf32>
        %jit3A_177 = arith.constant 7 : i32
        %broadcast_in_dim3A_178 = vector.broadcast %jit3A_177 : i32 to vector<16xi32>
        %select_n3A_179 = arith.select %gt3A_174, %broadcast_in_dim3A_178, %select_n3A_165 : vector<16xi1>, vector<16xi32>
        %get3A_180 = arith.constant 8 : i32
        %get3A_181 = arith.index_cast %get3A_180 : i32 to index
        %get3A_182 = arith.index_cast %mul3A_73 : i32 to index
        %get3A_183 = tpu.vector_load %arg7[%get3A_181, %get3A_182] {strides = array<i32>} : memref<76x640xf32, #tpu.memory_space<vmem>>, vector<16xf32>,
        %get3A_184 = arith.constant 32 : i32
        %get3A_185 = arith.index_cast %get3A_184 : i32 to index
        %get3A_186 = arith.index_cast %mul3A_73 : i32 to index
        %get3A_187 = tpu.vector_load %arg7[%get3A_185, %get3A_186] {strides = array<i32>} : memref<76x640xf32, #tpu.memory_space<vmem>>, vector<16xf32>,
        %gt3A_188 = arith.cmpf ogt, %get3A_183, %select_n3A_175 : vector<16xf32>
        %select_n3A_189 = arith.select %gt3A_188, %get3A_183, %select_n3A_175 : vector<16xi1>, vector<16xf32>
        %select_n3A_190 = arith.select %gt3A_188, %get3A_187, %select_n3A_176 : vector<16xi1>, vector<16xf32>
        %jit3A_191 = arith.constant 8 : i32
        %broadcast_in_dim3A_192 = vector.broadcast %jit3A_191 : i32 to vector<16xi32>
        %select_n3A_193 = arith.select %gt3A_188, %broadcast_in_dim3A_192, %select_n3A_179 : vector<16xi1>, vector<16xi32>
        %get3A_194 = arith.constant 9 : i32
        %get3A_195 = arith.index_cast %get3A_194 : i32 to index
        %get3A_196 = arith.index_cast %mul3A_73 : i32 to index
        %get3A_197 = tpu.vector_load %arg7[%get3A_195, %get3A_196] {strides = array<i32>} : memref<76x640xf32, #tpu.memory_space<vmem>>, vector<16xf32>,
        %get3A_198 = arith.constant 33 : i32
        %get3A_199 = arith.index_cast %get3A_198 : i32 to index
        %get3A_200 = arith.index_cast %mul3A_73 : i32 to index
        %get3A_201 = tpu.vector_load %arg7[%get3A_199, %get3A_200] {strides = array<i32>} : memref<76x640xf32, #tpu.memory_space<vmem>>, vector<16xf32>,
        %gt3A_202 = arith.cmpf ogt, %get3A_197, %select_n3A_189 : vector<16xf32>
        %select_n3A_203 = arith.select %gt3A_202, %get3A_197, %select_n3A_189 : vector<16xi1>, vector<16xf32>
        %select_n3A_204 = arith.select %gt3A_202, %get3A_201, %select_n3A_190 : vector<16xi1>, vector<16xf32>
        %jit3A_205 = arith.constant 9 : i32
        %broadcast_in_dim3A_206 = vector.broadcast %jit3A_205 : i32 to vector<16xi32>
        %select_n3A_207 = arith.select %gt3A_202, %broadcast_in_dim3A_206, %select_n3A_193 : vector<16xi1>, vector<16xi32>
        %get3A_208 = arith.constant 10 : i32
        %get3A_209 = arith.index_cast %get3A_208 : i32 to index
        %get3A_210 = arith.index_cast %mul3A_73 : i32 to index
        %get3A_211 = tpu.vector_load %arg7[%get3A_209, %get3A_210] {strides = array<i32>} : memref<76x640xf32, #tpu.memory_space<vmem>>, vector<16xf32>,
        %get3A_212 = arith.constant 34 : i32
        %get3A_213 = arith.index_cast %get3A_212 : i32 to index
        %get3A_214 = arith.index_cast %mul3A_73 : i32 to index
        %get3A_215 = tpu.vector_load %arg7[%get3A_213, %get3A_214] {strides = array<i32>} : memref<76x640xf32, #tpu.memory_space<vmem>>, vector<16xf32>,
        %gt3A_216 = arith.cmpf ogt, %get3A_211, %select_n3A_203 : vector<16xf32>
        %select_n3A_217 = arith.select %gt3A_216, %get3A_211, %select_n3A_203 : vector<16xi1>, vector<16xf32>
        %select_n3A_218 = arith.select %gt3A_216, %get3A_215, %select_n3A_204 : vector<16xi1>, vector<16xf32>
        %jit3A_219 = arith.constant 10 : i32
        %broadcast_in_dim3A_220 = vector.broadcast %jit3A_219 : i32 to vector<16xi32>
        %select_n3A_221 = arith.select %gt3A_216, %broadcast_in_dim3A_220, %select_n3A_207 : vector<16xi1>, vector<16xi32>
        %get3A_222 = arith.constant 11 : i32
        %get3A_223 = arith.index_cast %get3A_222 : i32 to index
        %get3A_224 = arith.index_cast %mul3A_73 : i32 to index
        %get3A_225 = tpu.vector_load %arg7[%get3A_223, %get3A_224] {strides = array<i32>} : memref<76x640xf32, #tpu.memory_space<vmem>>, vector<16xf32>,
        %get3A_226 = arith.constant 35 : i32
        %get3A_227 = arith.index_cast %get3A_226 : i32 to index
        %get3A_228 = arith.index_cast %mul3A_73 : i32 to index
        %get3A_229 = tpu.vector_load %arg7[%get3A_227, %get3A_228] {strides = array<i32>} : memref<76x640xf32, #tpu.memory_space<vmem>>, vector<16xf32>,
        %gt3A_230 = arith.cmpf ogt, %get3A_225, %select_n3A_217 : vector<16xf32>
        %select_n3A_231 = arith.select %gt3A_230, %get3A_225, %select_n3A_217 : vector<16xi1>, vector<16xf32>
        %select_n3A_232 = arith.select %gt3A_230, %get3A_229, %select_n3A_218 : vector<16xi1>, vector<16xf32>
        %jit3A_233 = arith.constant 11 : i32
        %broadcast_in_dim3A_234 = vector.broadcast %jit3A_233 : i32 to vector<16xi32>
        %select_n3A_235 = arith.select %gt3A_230, %broadcast_in_dim3A_234, %select_n3A_221 : vector<16xi1>, vector<16xi32>
        %get3A_236 = arith.constant 12 : i32
        %get3A_237 = arith.index_cast %get3A_236 : i32 to index
        %get3A_238 = arith.index_cast %mul3A_73 : i32 to index
        %get3A_239 = tpu.vector_load %arg7[%get3A_237, %get3A_238] {strides = array<i32>} : memref<76x640xf32, #tpu.memory_space<vmem>>, vector<16xf32>,
        %get3A_240 = arith.constant 36 : i32
        %get3A_241 = arith.index_cast %get3A_240 : i32 to index
        %get3A_242 = arith.index_cast %mul3A_73 : i32 to index
        %get3A_243 = tpu.vector_load %arg7[%get3A_241, %get3A_242] {strides = array<i32>} : memref<76x640xf32, #tpu.memory_space<vmem>>, vector<16xf32>,
        %broadcast_in_dim3A_244 = arith.constant 0 : i32
        %broadcast_in_dim3A_245 = vector.broadcast %broadcast_in_dim3A_244 : i32 to vector<16xi32>
        %get3A_246 = arith.constant 13 : i32
        %get3A_247 = arith.index_cast %get3A_246 : i32 to index
        %get3A_248 = arith.index_cast %mul3A_73 : i32 to index
        %get3A_249 = tpu.vector_load %arg7[%get3A_247, %get3A_248] {strides = array<i32>} : memref<76x640xf32, #tpu.memory_space<vmem>>, vector<16xf32>,
        %get3A_250 = arith.constant 37 : i32
        %get3A_251 = arith.index_cast %get3A_250 : i32 to index
        %get3A_252 = arith.index_cast %mul3A_73 : i32 to index
        %get3A_253 = tpu.vector_load %arg7[%get3A_251, %get3A_252] {strides = array<i32>} : memref<76x640xf32, #tpu.memory_space<vmem>>, vector<16xf32>,
        %gt3A_254 = arith.cmpf ogt, %get3A_249, %get3A_239 : vector<16xf32>
        %select_n3A_255 = arith.select %gt3A_254, %get3A_249, %get3A_239 : vector<16xi1>, vector<16xf32>
        %select_n3A_256 = arith.select %gt3A_254, %get3A_253, %get3A_243 : vector<16xi1>, vector<16xf32>
        %jit3A_257 = arith.constant 1 : i32
        %broadcast_in_dim3A_258 = vector.broadcast %jit3A_257 : i32 to vector<16xi32>
        %select_n3A_259 = arith.select %gt3A_254, %broadcast_in_dim3A_258, %broadcast_in_dim3A_245 : vector<16xi1>, vector<16xi32>
        %get3A_260 = arith.constant 14 : i32
        %get3A_261 = arith.index_cast %get3A_260 : i32 to index
        %get3A_262 = arith.index_cast %mul3A_73 : i32 to index
        %get3A_263 = tpu.vector_load %arg7[%get3A_261, %get3A_262] {strides = array<i32>} : memref<76x640xf32, #tpu.memory_space<vmem>>, vector<16xf32>,
        %get3A_264 = arith.constant 38 : i32
        %get3A_265 = arith.index_cast %get3A_264 : i32 to index
        %get3A_266 = arith.index_cast %mul3A_73 : i32 to index
        %get3A_267 = tpu.vector_load %arg7[%get3A_265, %get3A_266] {strides = array<i32>} : memref<76x640xf32, #tpu.memory_space<vmem>>, vector<16xf32>,
        %gt3A_268 = arith.cmpf ogt, %get3A_263, %select_n3A_255 : vector<16xf32>
        %select_n3A_269 = arith.select %gt3A_268, %get3A_263, %select_n3A_255 : vector<16xi1>, vector<16xf32>
        %select_n3A_270 = arith.select %gt3A_268, %get3A_267, %select_n3A_256 : vector<16xi1>, vector<16xf32>
        %jit3A_271 = arith.constant 2 : i32
        %broadcast_in_dim3A_272 = vector.broadcast %jit3A_271 : i32 to vector<16xi32>
        %select_n3A_273 = arith.select %gt3A_268, %broadcast_in_dim3A_272, %select_n3A_259 : vector<16xi1>, vector<16xi32>
        %get3A_274 = arith.constant 15 : i32
        %get3A_275 = arith.index_cast %get3A_274 : i32 to index
        %get3A_276 = arith.index_cast %mul3A_73 : i32 to index
        %get3A_277 = tpu.vector_load %arg7[%get3A_275, %get3A_276] {strides = array<i32>} : memref<76x640xf32, #tpu.memory_space<vmem>>, vector<16xf32>,
        %get3A_278 = arith.constant 39 : i32
        %get3A_279 = arith.index_cast %get3A_278 : i32 to index
        %get3A_280 = arith.index_cast %mul3A_73 : i32 to index
        %get3A_281 = tpu.vector_load %arg7[%get3A_279, %get3A_280] {strides = array<i32>} : memref<76x640xf32, #tpu.memory_space<vmem>>, vector<16xf32>,
        %gt3A_282 = arith.cmpf ogt, %get3A_277, %select_n3A_269 : vector<16xf32>
        %select_n3A_283 = arith.select %gt3A_282, %get3A_277, %select_n3A_269 : vector<16xi1>, vector<16xf32>
        %select_n3A_284 = arith.select %gt3A_282, %get3A_281, %select_n3A_270 : vector<16xi1>, vector<16xf32>
        %jit3A_285 = arith.constant 3 : i32
        %broadcast_in_dim3A_286 = vector.broadcast %jit3A_285 : i32 to vector<16xi32>
        %select_n3A_287 = arith.select %gt3A_282, %broadcast_in_dim3A_286, %select_n3A_273 : vector<16xi1>, vector<16xi32>
        %get3A_288 = arith.constant 16 : i32
        %get3A_289 = arith.index_cast %get3A_288 : i32 to index
        %get3A_290 = arith.index_cast %mul3A_73 : i32 to index
        %get3A_291 = tpu.vector_load %arg7[%get3A_289, %get3A_290] {strides = array<i32>} : memref<76x640xf32, #tpu.memory_space<vmem>>, vector<16xf32>,
        %get3A_292 = arith.constant 40 : i32
        %get3A_293 = arith.index_cast %get3A_292 : i32 to index
        %get3A_294 = arith.index_cast %mul3A_73 : i32 to index
        %get3A_295 = tpu.vector_load %arg7[%get3A_293, %get3A_294] {strides = array<i32>} : memref<76x640xf32, #tpu.memory_space<vmem>>, vector<16xf32>,
        %gt3A_296 = arith.cmpf ogt, %get3A_291, %select_n3A_283 : vector<16xf32>
        %select_n3A_297 = arith.select %gt3A_296, %get3A_291, %select_n3A_283 : vector<16xi1>, vector<16xf32>
        %select_n3A_298 = arith.select %gt3A_296, %get3A_295, %select_n3A_284 : vector<16xi1>, vector<16xf32>
        %jit3A_299 = arith.constant 4 : i32
        %broadcast_in_dim3A_300 = vector.broadcast %jit3A_299 : i32 to vector<16xi32>
        %select_n3A_301 = arith.select %gt3A_296, %broadcast_in_dim3A_300, %select_n3A_287 : vector<16xi1>, vector<16xi32>
        %get3A_302 = arith.constant 17 : i32
        %get3A_303 = arith.index_cast %get3A_302 : i32 to index
        %get3A_304 = arith.index_cast %mul3A_73 : i32 to index
        %get3A_305 = tpu.vector_load %arg7[%get3A_303, %get3A_304] {strides = array<i32>} : memref<76x640xf32, #tpu.memory_space<vmem>>, vector<16xf32>,
        %get3A_306 = arith.constant 41 : i32
        %get3A_307 = arith.index_cast %get3A_306 : i32 to index
        %get3A_308 = arith.index_cast %mul3A_73 : i32 to index
        %get3A_309 = tpu.vector_load %arg7[%get3A_307, %get3A_308] {strides = array<i32>} : memref<76x640xf32, #tpu.memory_space<vmem>>, vector<16xf32>,
        %gt3A_310 = arith.cmpf ogt, %get3A_305, %select_n3A_297 : vector<16xf32>
        %select_n3A_311 = arith.select %gt3A_310, %get3A_305, %select_n3A_297 : vector<16xi1>, vector<16xf32>
        %select_n3A_312 = arith.select %gt3A_310, %get3A_309, %select_n3A_298 : vector<16xi1>, vector<16xf32>
        %jit3A_313 = arith.constant 5 : i32
        %broadcast_in_dim3A_314 = vector.broadcast %jit3A_313 : i32 to vector<16xi32>
        %select_n3A_315 = arith.select %gt3A_310, %broadcast_in_dim3A_314, %select_n3A_301 : vector<16xi1>, vector<16xi32>
        %get3A_316 = arith.constant 18 : i32
        %get3A_317 = arith.index_cast %get3A_316 : i32 to index
        %get3A_318 = arith.index_cast %mul3A_73 : i32 to index
        %get3A_319 = tpu.vector_load %arg7[%get3A_317, %get3A_318] {strides = array<i32>} : memref<76x640xf32, #tpu.memory_space<vmem>>, vector<16xf32>,
        %get3A_320 = arith.constant 42 : i32
        %get3A_321 = arith.index_cast %get3A_320 : i32 to index
        %get3A_322 = arith.index_cast %mul3A_73 : i32 to index
        %get3A_323 = tpu.vector_load %arg7[%get3A_321, %get3A_322] {strides = array<i32>} : memref<76x640xf32, #tpu.memory_space<vmem>>, vector<16xf32>,
        %gt3A_324 = arith.cmpf ogt, %get3A_319, %select_n3A_311 : vector<16xf32>
        %select_n3A_325 = arith.select %gt3A_324, %get3A_319, %select_n3A_311 : vector<16xi1>, vector<16xf32>
        %select_n3A_326 = arith.select %gt3A_324, %get3A_323, %select_n3A_312 : vector<16xi1>, vector<16xf32>
        %jit3A_327 = arith.constant 6 : i32
        %broadcast_in_dim3A_328 = vector.broadcast %jit3A_327 : i32 to vector<16xi32>
        %select_n3A_329 = arith.select %gt3A_324, %broadcast_in_dim3A_328, %select_n3A_315 : vector<16xi1>, vector<16xi32>
        %get3A_330 = arith.constant 19 : i32
        %get3A_331 = arith.index_cast %get3A_330 : i32 to index
        %get3A_332 = arith.index_cast %mul3A_73 : i32 to index
        %get3A_333 = tpu.vector_load %arg7[%get3A_331, %get3A_332] {strides = array<i32>} : memref<76x640xf32, #tpu.memory_space<vmem>>, vector<16xf32>,
        %get3A_334 = arith.constant 43 : i32
        %get3A_335 = arith.index_cast %get3A_334 : i32 to index
        %get3A_336 = arith.index_cast %mul3A_73 : i32 to index
        %get3A_337 = tpu.vector_load %arg7[%get3A_335, %get3A_336] {strides = array<i32>} : memref<76x640xf32, #tpu.memory_space<vmem>>, vector<16xf32>,
        %gt3A_338 = arith.cmpf ogt, %get3A_333, %select_n3A_325 : vector<16xf32>
        %select_n3A_339 = arith.select %gt3A_338, %get3A_333, %select_n3A_325 : vector<16xi1>, vector<16xf32>
        %select_n3A_340 = arith.select %gt3A_338, %get3A_337, %select_n3A_326 : vector<16xi1>, vector<16xf32>
        %jit3A_341 = arith.constant 7 : i32
        %broadcast_in_dim3A_342 = vector.broadcast %jit3A_341 : i32 to vector<16xi32>
        %select_n3A_343 = arith.select %gt3A_338, %broadcast_in_dim3A_342, %select_n3A_329 : vector<16xi1>, vector<16xi32>
        %get3A_344 = arith.constant 20 : i32
        %get3A_345 = arith.index_cast %get3A_344 : i32 to index
        %get3A_346 = arith.index_cast %mul3A_73 : i32 to index
        %get3A_347 = tpu.vector_load %arg7[%get3A_345, %get3A_346] {strides = array<i32>} : memref<76x640xf32, #tpu.memory_space<vmem>>, vector<16xf32>,
        %get3A_348 = arith.constant 44 : i32
        %get3A_349 = arith.index_cast %get3A_348 : i32 to index
        %get3A_350 = arith.index_cast %mul3A_73 : i32 to index
        %get3A_351 = tpu.vector_load %arg7[%get3A_349, %get3A_350] {strides = array<i32>} : memref<76x640xf32, #tpu.memory_space<vmem>>, vector<16xf32>,
        %gt3A_352 = arith.cmpf ogt, %get3A_347, %select_n3A_339 : vector<16xf32>
        %select_n3A_353 = arith.select %gt3A_352, %get3A_347, %select_n3A_339 : vector<16xi1>, vector<16xf32>
        %select_n3A_354 = arith.select %gt3A_352, %get3A_351, %select_n3A_340 : vector<16xi1>, vector<16xf32>
        %jit3A_355 = arith.constant 8 : i32
        %broadcast_in_dim3A_356 = vector.broadcast %jit3A_355 : i32 to vector<16xi32>
        %select_n3A_357 = arith.select %gt3A_352, %broadcast_in_dim3A_356, %select_n3A_343 : vector<16xi1>, vector<16xi32>
        %get3A_358 = arith.constant 21 : i32
        %get3A_359 = arith.index_cast %get3A_358 : i32 to index
        %get3A_360 = arith.index_cast %mul3A_73 : i32 to index
        %get3A_361 = tpu.vector_load %arg7[%get3A_359, %get3A_360] {strides = array<i32>} : memref<76x640xf32, #tpu.memory_space<vmem>>, vector<16xf32>,
        %get3A_362 = arith.constant 45 : i32
        %get3A_363 = arith.index_cast %get3A_362 : i32 to index
        %get3A_364 = arith.index_cast %mul3A_73 : i32 to index
        %get3A_365 = tpu.vector_load %arg7[%get3A_363, %get3A_364] {strides = array<i32>} : memref<76x640xf32, #tpu.memory_space<vmem>>, vector<16xf32>,
        %gt3A_366 = arith.cmpf ogt, %get3A_361, %select_n3A_353 : vector<16xf32>
        %select_n3A_367 = arith.select %gt3A_366, %get3A_361, %select_n3A_353 : vector<16xi1>, vector<16xf32>
        %select_n3A_368 = arith.select %gt3A_366, %get3A_365, %select_n3A_354 : vector<16xi1>, vector<16xf32>
        %jit3A_369 = arith.constant 9 : i32
        %broadcast_in_dim3A_370 = vector.broadcast %jit3A_369 : i32 to vector<16xi32>
        %select_n3A_371 = arith.select %gt3A_366, %broadcast_in_dim3A_370, %select_n3A_357 : vector<16xi1>, vector<16xi32>
        %get3A_372 = arith.constant 22 : i32
        %get3A_373 = arith.index_cast %get3A_372 : i32 to index
        %get3A_374 = arith.index_cast %mul3A_73 : i32 to index
        %get3A_375 = tpu.vector_load %arg7[%get3A_373, %get3A_374] {strides = array<i32>} : memref<76x640xf32, #tpu.memory_space<vmem>>, vector<16xf32>,
        %get3A_376 = arith.constant 46 : i32
        %get3A_377 = arith.index_cast %get3A_376 : i32 to index
        %get3A_378 = arith.index_cast %mul3A_73 : i32 to index
        %get3A_379 = tpu.vector_load %arg7[%get3A_377, %get3A_378] {strides = array<i32>} : memref<76x640xf32, #tpu.memory_space<vmem>>, vector<16xf32>,
        %gt3A_380 = arith.cmpf ogt, %get3A_375, %select_n3A_367 : vector<16xf32>
        %select_n3A_381 = arith.select %gt3A_380, %get3A_375, %select_n3A_367 : vector<16xi1>, vector<16xf32>
        %select_n3A_382 = arith.select %gt3A_380, %get3A_379, %select_n3A_368 : vector<16xi1>, vector<16xf32>
        %jit3A_383 = arith.constant 10 : i32
        %broadcast_in_dim3A_384 = vector.broadcast %jit3A_383 : i32 to vector<16xi32>
        %select_n3A_385 = arith.select %gt3A_380, %broadcast_in_dim3A_384, %select_n3A_371 : vector<16xi1>, vector<16xi32>
        %get3A_386 = arith.constant 23 : i32
        %get3A_387 = arith.index_cast %get3A_386 : i32 to index
        %get3A_388 = arith.index_cast %mul3A_73 : i32 to index
        %get3A_389 = tpu.vector_load %arg7[%get3A_387, %get3A_388] {strides = array<i32>} : memref<76x640xf32, #tpu.memory_space<vmem>>, vector<16xf32>,
        %get3A_390 = arith.constant 47 : i32
        %get3A_391 = arith.index_cast %get3A_390 : i32 to index
        %get3A_392 = arith.index_cast %mul3A_73 : i32 to index
        %get3A_393 = tpu.vector_load %arg7[%get3A_391, %get3A_392] {strides = array<i32>} : memref<76x640xf32, #tpu.memory_space<vmem>>, vector<16xf32>,
        %gt3A_394 = arith.cmpf ogt, %get3A_389, %select_n3A_381 : vector<16xf32>
        %select_n3A_395 = arith.select %gt3A_394, %get3A_389, %select_n3A_381 : vector<16xi1>, vector<16xf32>
        %select_n3A_396 = arith.select %gt3A_394, %get3A_393, %select_n3A_382 : vector<16xi1>, vector<16xf32>
        %jit3A_397 = arith.constant 11 : i32
        %broadcast_in_dim3A_398 = vector.broadcast %jit3A_397 : i32 to vector<16xi32>
        %select_n3A_399 = arith.select %gt3A_394, %broadcast_in_dim3A_398, %select_n3A_385 : vector<16xi1>, vector<16xi32>
        %get3A_400 = arith.constant 49 : i32
        %get3A_401 = arith.index_cast %get3A_400 : i32 to index
        %get3A_402 = arith.index_cast %mul3A_73 : i32 to index
        %get3A_403 = tpu.vector_load %arg7[%get3A_401, %get3A_402] {strides = array<i32>} : memref<76x640xf32, #tpu.memory_space<vmem>>, vector<16xf32>,
        %get3A_404 = arith.constant 61 : i32
        %get3A_405 = arith.index_cast %get3A_404 : i32 to index
        %get3A_406 = arith.index_cast %mul3A_73 : i32 to index
        %get3A_407 = tpu.vector_load %arg7[%get3A_405, %get3A_406] {strides = array<i32>} : memref<76x640xf32, #tpu.memory_space<vmem>>, vector<16xf32>,
        %broadcast_in_dim3A_408 = arith.constant 0 : i32
        %broadcast_in_dim3A_409 = vector.broadcast %broadcast_in_dim3A_408 : i32 to vector<16xi32>
        %get3A_410 = arith.constant 50 : i32
        %get3A_411 = arith.index_cast %get3A_410 : i32 to index
        %get3A_412 = arith.index_cast %mul3A_73 : i32 to index
        %get3A_413 = tpu.vector_load %arg7[%get3A_411, %get3A_412] {strides = array<i32>} : memref<76x640xf32, #tpu.memory_space<vmem>>, vector<16xf32>,
        %get3A_414 = arith.constant 62 : i32
        %get3A_415 = arith.index_cast %get3A_414 : i32 to index
        %get3A_416 = arith.index_cast %mul3A_73 : i32 to index
        %get3A_417 = tpu.vector_load %arg7[%get3A_415, %get3A_416] {strides = array<i32>} : memref<76x640xf32, #tpu.memory_space<vmem>>, vector<16xf32>,
        %gt3A_418 = arith.cmpf ogt, %get3A_413, %get3A_403 : vector<16xf32>
        %select_n3A_419 = arith.select %gt3A_418, %get3A_413, %get3A_403 : vector<16xi1>, vector<16xf32>
        %select_n3A_420 = arith.select %gt3A_418, %get3A_417, %get3A_407 : vector<16xi1>, vector<16xf32>
        %jit3A_421 = arith.constant 1 : i32
        %broadcast_in_dim3A_422 = vector.broadcast %jit3A_421 : i32 to vector<16xi32>
        %select_n3A_423 = arith.select %gt3A_418, %broadcast_in_dim3A_422, %broadcast_in_dim3A_409 : vector<16xi1>, vector<16xi32>
        %get3A_424 = arith.constant 51 : i32
        %get3A_425 = arith.index_cast %get3A_424 : i32 to index
        %get3A_426 = arith.index_cast %mul3A_73 : i32 to index
        %get3A_427 = tpu.vector_load %arg7[%get3A_425, %get3A_426] {strides = array<i32>} : memref<76x640xf32, #tpu.memory_space<vmem>>, vector<16xf32>,
        %get3A_428 = arith.constant 63 : i32
        %get3A_429 = arith.index_cast %get3A_428 : i32 to index
        %get3A_430 = arith.index_cast %mul3A_73 : i32 to index
        %get3A_431 = tpu.vector_load %arg7[%get3A_429, %get3A_430] {strides = array<i32>} : memref<76x640xf32, #tpu.memory_space<vmem>>, vector<16xf32>,
        %gt3A_432 = arith.cmpf ogt, %get3A_427, %select_n3A_419 : vector<16xf32>
        %select_n3A_433 = arith.select %gt3A_432, %get3A_427, %select_n3A_419 : vector<16xi1>, vector<16xf32>
        %select_n3A_434 = arith.select %gt3A_432, %get3A_431, %select_n3A_420 : vector<16xi1>, vector<16xf32>
        %jit3A_435 = arith.constant 2 : i32
        %broadcast_in_dim3A_436 = vector.broadcast %jit3A_435 : i32 to vector<16xi32>
        %select_n3A_437 = arith.select %gt3A_432, %broadcast_in_dim3A_436, %select_n3A_423 : vector<16xi1>, vector<16xi32>
        %get3A_438 = arith.constant 52 : i32
        %get3A_439 = arith.index_cast %get3A_438 : i32 to index
        %get3A_440 = arith.index_cast %mul3A_73 : i32 to index
        %get3A_441 = tpu.vector_load %arg7[%get3A_439, %get3A_440] {strides = array<i32>} : memref<76x640xf32, #tpu.memory_space<vmem>>, vector<16xf32>,
        %get3A_442 = arith.constant 64 : i32
        %get3A_443 = arith.index_cast %get3A_442 : i32 to index
        %get3A_444 = arith.index_cast %mul3A_73 : i32 to index
        %get3A_445 = tpu.vector_load %arg7[%get3A_443, %get3A_444] {strides = array<i32>} : memref<76x640xf32, #tpu.memory_space<vmem>>, vector<16xf32>,
        %gt3A_446 = arith.cmpf ogt, %get3A_441, %select_n3A_433 : vector<16xf32>
        %select_n3A_447 = arith.select %gt3A_446, %get3A_441, %select_n3A_433 : vector<16xi1>, vector<16xf32>
        %select_n3A_448 = arith.select %gt3A_446, %get3A_445, %select_n3A_434 : vector<16xi1>, vector<16xf32>
        %jit3A_449 = arith.constant 3 : i32
        %broadcast_in_dim3A_450 = vector.broadcast %jit3A_449 : i32 to vector<16xi32>
        %select_n3A_451 = arith.select %gt3A_446, %broadcast_in_dim3A_450, %select_n3A_437 : vector<16xi1>, vector<16xi32>
        %get3A_452 = arith.constant 53 : i32
        %get3A_453 = arith.index_cast %get3A_452 : i32 to index
        %get3A_454 = arith.index_cast %mul3A_73 : i32 to index
        %get3A_455 = tpu.vector_load %arg7[%get3A_453, %get3A_454] {strides = array<i32>} : memref<76x640xf32, #tpu.memory_space<vmem>>, vector<16xf32>,
        %get3A_456 = arith.constant 65 : i32
        %get3A_457 = arith.index_cast %get3A_456 : i32 to index
        %get3A_458 = arith.index_cast %mul3A_73 : i32 to index
        %get3A_459 = tpu.vector_load %arg7[%get3A_457, %get3A_458] {strides = array<i32>} : memref<76x640xf32, #tpu.memory_space<vmem>>, vector<16xf32>,
        %gt3A_460 = arith.cmpf ogt, %get3A_455, %select_n3A_447 : vector<16xf32>
        %select_n3A_461 = arith.select %gt3A_460, %get3A_455, %select_n3A_447 : vector<16xi1>, vector<16xf32>
        %select_n3A_462 = arith.select %gt3A_460, %get3A_459, %select_n3A_448 : vector<16xi1>, vector<16xf32>
        %jit3A_463 = arith.constant 4 : i32
        %broadcast_in_dim3A_464 = vector.broadcast %jit3A_463 : i32 to vector<16xi32>
        %select_n3A_465 = arith.select %gt3A_460, %broadcast_in_dim3A_464, %select_n3A_451 : vector<16xi1>, vector<16xi32>
        %get3A_466 = arith.constant 54 : i32
        %get3A_467 = arith.index_cast %get3A_466 : i32 to index
        %get3A_468 = arith.index_cast %mul3A_73 : i32 to index
        %get3A_469 = tpu.vector_load %arg7[%get3A_467, %get3A_468] {strides = array<i32>} : memref<76x640xf32, #tpu.memory_space<vmem>>, vector<16xf32>,
        %get3A_470 = arith.constant 66 : i32
        %get3A_471 = arith.index_cast %get3A_470 : i32 to index
        %get3A_472 = arith.index_cast %mul3A_73 : i32 to index
        %get3A_473 = tpu.vector_load %arg7[%get3A_471, %get3A_472] {strides = array<i32>} : memref<76x640xf32, #tpu.memory_space<vmem>>, vector<16xf32>,
        %gt3A_474 = arith.cmpf ogt, %get3A_469, %select_n3A_461 : vector<16xf32>
        %select_n3A_475 = arith.select %gt3A_474, %get3A_469, %select_n3A_461 : vector<16xi1>, vector<16xf32>
        %select_n3A_476 = arith.select %gt3A_474, %get3A_473, %select_n3A_462 : vector<16xi1>, vector<16xf32>
        %jit3A_477 = arith.constant 5 : i32
        %broadcast_in_dim3A_478 = vector.broadcast %jit3A_477 : i32 to vector<16xi32>
        %select_n3A_479 = arith.select %gt3A_474, %broadcast_in_dim3A_478, %select_n3A_465 : vector<16xi1>, vector<16xi32>
        %get3A_480 = arith.constant 55 : i32
        %get3A_481 = arith.index_cast %get3A_480 : i32 to index
        %get3A_482 = arith.index_cast %mul3A_73 : i32 to index
        %get3A_483 = tpu.vector_load %arg7[%get3A_481, %get3A_482] {strides = array<i32>} : memref<76x640xf32, #tpu.memory_space<vmem>>, vector<16xf32>,
        %get3A_484 = arith.constant 67 : i32
        %get3A_485 = arith.index_cast %get3A_484 : i32 to index
        %get3A_486 = arith.index_cast %mul3A_73 : i32 to index
        %get3A_487 = tpu.vector_load %arg7[%get3A_485, %get3A_486] {strides = array<i32>} : memref<76x640xf32, #tpu.memory_space<vmem>>, vector<16xf32>,
        %gt3A_488 = arith.cmpf ogt, %get3A_483, %select_n3A_475 : vector<16xf32>
        %select_n3A_489 = arith.select %gt3A_488, %get3A_483, %select_n3A_475 : vector<16xi1>, vector<16xf32>
        %select_n3A_490 = arith.select %gt3A_488, %get3A_487, %select_n3A_476 : vector<16xi1>, vector<16xf32>
        %jit3A_491 = arith.constant 6 : i32
        %broadcast_in_dim3A_492 = vector.broadcast %jit3A_491 : i32 to vector<16xi32>
        %select_n3A_493 = arith.select %gt3A_488, %broadcast_in_dim3A_492, %select_n3A_479 : vector<16xi1>, vector<16xi32>
        %get3A_494 = arith.constant 56 : i32
        %get3A_495 = arith.index_cast %get3A_494 : i32 to index
        %get3A_496 = arith.index_cast %mul3A_73 : i32 to index
        %get3A_497 = tpu.vector_load %arg7[%get3A_495, %get3A_496] {strides = array<i32>} : memref<76x640xf32, #tpu.memory_space<vmem>>, vector<16xf32>,
        %get3A_498 = arith.constant 68 : i32
        %get3A_499 = arith.index_cast %get3A_498 : i32 to index
        %get3A_500 = arith.index_cast %mul3A_73 : i32 to index
        %get3A_501 = tpu.vector_load %arg7[%get3A_499, %get3A_500] {strides = array<i32>} : memref<76x640xf32, #tpu.memory_space<vmem>>, vector<16xf32>,
        %gt3A_502 = arith.cmpf ogt, %get3A_497, %select_n3A_489 : vector<16xf32>
        %select_n3A_503 = arith.select %gt3A_502, %get3A_497, %select_n3A_489 : vector<16xi1>, vector<16xf32>
        %select_n3A_504 = arith.select %gt3A_502, %get3A_501, %select_n3A_490 : vector<16xi1>, vector<16xf32>
        %jit3A_505 = arith.constant 7 : i32
        %broadcast_in_dim3A_506 = vector.broadcast %jit3A_505 : i32 to vector<16xi32>
        %select_n3A_507 = arith.select %gt3A_502, %broadcast_in_dim3A_506, %select_n3A_493 : vector<16xi1>, vector<16xi32>
        %get3A_508 = arith.constant 57 : i32
        %get3A_509 = arith.index_cast %get3A_508 : i32 to index
        %get3A_510 = arith.index_cast %mul3A_73 : i32 to index
        %get3A_511 = tpu.vector_load %arg7[%get3A_509, %get3A_510] {strides = array<i32>} : memref<76x640xf32, #tpu.memory_space<vmem>>, vector<16xf32>,
        %get3A_512 = arith.constant 69 : i32
        %get3A_513 = arith.index_cast %get3A_512 : i32 to index
        %get3A_514 = arith.index_cast %mul3A_73 : i32 to index
        %get3A_515 = tpu.vector_load %arg7[%get3A_513, %get3A_514] {strides = array<i32>} : memref<76x640xf32, #tpu.memory_space<vmem>>, vector<16xf32>,
        %gt3A_516 = arith.cmpf ogt, %get3A_511, %select_n3A_503 : vector<16xf32>
        %select_n3A_517 = arith.select %gt3A_516, %get3A_511, %select_n3A_503 : vector<16xi1>, vector<16xf32>
        %select_n3A_518 = arith.select %gt3A_516, %get3A_515, %select_n3A_504 : vector<16xi1>, vector<16xf32>
        %jit3A_519 = arith.constant 8 : i32
        %broadcast_in_dim3A_520 = vector.broadcast %jit3A_519 : i32 to vector<16xi32>
        %select_n3A_521 = arith.select %gt3A_516, %broadcast_in_dim3A_520, %select_n3A_507 : vector<16xi1>, vector<16xi32>
        %get3A_522 = arith.constant 58 : i32
        %get3A_523 = arith.index_cast %get3A_522 : i32 to index
        %get3A_524 = arith.index_cast %mul3A_73 : i32 to index
        %get3A_525 = tpu.vector_load %arg7[%get3A_523, %get3A_524] {strides = array<i32>} : memref<76x640xf32, #tpu.memory_space<vmem>>, vector<16xf32>,
        %get3A_526 = arith.constant 70 : i32
        %get3A_527 = arith.index_cast %get3A_526 : i32 to index
        %get3A_528 = arith.index_cast %mul3A_73 : i32 to index
        %get3A_529 = tpu.vector_load %arg7[%get3A_527, %get3A_528] {strides = array<i32>} : memref<76x640xf32, #tpu.memory_space<vmem>>, vector<16xf32>,
        %gt3A_530 = arith.cmpf ogt, %get3A_525, %select_n3A_517 : vector<16xf32>
        %select_n3A_531 = arith.select %gt3A_530, %get3A_525, %select_n3A_517 : vector<16xi1>, vector<16xf32>
        %select_n3A_532 = arith.select %gt3A_530, %get3A_529, %select_n3A_518 : vector<16xi1>, vector<16xf32>
        %jit3A_533 = arith.constant 9 : i32
        %broadcast_in_dim3A_534 = vector.broadcast %jit3A_533 : i32 to vector<16xi32>
        %select_n3A_535 = arith.select %gt3A_530, %broadcast_in_dim3A_534, %select_n3A_521 : vector<16xi1>, vector<16xi32>
        %get3A_536 = arith.constant 59 : i32
        %get3A_537 = arith.index_cast %get3A_536 : i32 to index
        %get3A_538 = arith.index_cast %mul3A_73 : i32 to index
        %get3A_539 = tpu.vector_load %arg7[%get3A_537, %get3A_538] {strides = array<i32>} : memref<76x640xf32, #tpu.memory_space<vmem>>, vector<16xf32>,
        %get3A_540 = arith.constant 71 : i32
        %get3A_541 = arith.index_cast %get3A_540 : i32 to index
        %get3A_542 = arith.index_cast %mul3A_73 : i32 to index
        %get3A_543 = tpu.vector_load %arg7[%get3A_541, %get3A_542] {strides = array<i32>} : memref<76x640xf32, #tpu.memory_space<vmem>>, vector<16xf32>,
        %gt3A_544 = arith.cmpf ogt, %get3A_539, %select_n3A_531 : vector<16xf32>
        %select_n3A_545 = arith.select %gt3A_544, %get3A_539, %select_n3A_531 : vector<16xi1>, vector<16xf32>
        %select_n3A_546 = arith.select %gt3A_544, %get3A_543, %select_n3A_532 : vector<16xi1>, vector<16xf32>
        %jit3A_547 = arith.constant 10 : i32
        %broadcast_in_dim3A_548 = vector.broadcast %jit3A_547 : i32 to vector<16xi32>
        %select_n3A_549 = arith.select %gt3A_544, %broadcast_in_dim3A_548, %select_n3A_535 : vector<16xi1>, vector<16xi32>
        %get3A_550 = arith.constant 60 : i32
        %get3A_551 = arith.index_cast %get3A_550 : i32 to index
        %get3A_552 = arith.index_cast %mul3A_73 : i32 to index
        %get3A_553 = tpu.vector_load %arg7[%get3A_551, %get3A_552] {strides = array<i32>} : memref<76x640xf32, #tpu.memory_space<vmem>>, vector<16xf32>,
        %get3A_554 = arith.constant 72 : i32
        %get3A_555 = arith.index_cast %get3A_554 : i32 to index
        %get3A_556 = arith.index_cast %mul3A_73 : i32 to index
        %get3A_557 = tpu.vector_load %arg7[%get3A_555, %get3A_556] {strides = array<i32>} : memref<76x640xf32, #tpu.memory_space<vmem>>, vector<16xf32>,
        %gt3A_558 = arith.cmpf ogt, %get3A_553, %select_n3A_545 : vector<16xf32>
        %select_n3A_559 = arith.select %gt3A_558, %get3A_553, %select_n3A_545 : vector<16xi1>, vector<16xf32>
        %select_n3A_560 = arith.select %gt3A_558, %get3A_557, %select_n3A_546 : vector<16xi1>, vector<16xf32>
        %jit3A_561 = arith.constant 11 : i32
        %broadcast_in_dim3A_562 = vector.broadcast %jit3A_561 : i32 to vector<16xi32>
        %select_n3A_563 = arith.select %gt3A_558, %broadcast_in_dim3A_562, %select_n3A_549 : vector<16xi1>, vector<16xi32>
        %get3A_564 = arith.constant 48 : i32
        %get3A_565 = arith.index_cast %get3A_564 : i32 to index
        %get3A_566 = arith.index_cast %mul3A_73 : i32 to index
        %get3A_567 = tpu.vector_load %arg7[%get3A_565, %get3A_566] {strides = array<i32>} : memref<76x640xf32, #tpu.memory_space<vmem>>, vector<16xf32>,
        %get3A_568 = arith.constant 73 : i32
        %get3A_569 = arith.index_cast %get3A_568 : i32 to index
        %get3A_570 = arith.index_cast %mul3A_73 : i32 to index
        %get3A_571 = tpu.vector_load %arg7[%get3A_569, %get3A_570] {strides = array<i32>} : memref<76x640xf32, #tpu.memory_space<vmem>>, vector<16xf32>,
        %get3A_572 = arith.constant 74 : i32
        %get3A_573 = arith.index_cast %get3A_572 : i32 to index
        %get3A_574 = arith.index_cast %mul3A_73 : i32 to index
        %get3A_575 = tpu.vector_load %arg7[%get3A_573, %get3A_574] {strides = array<i32>} : memref<76x640xf32, #tpu.memory_space<vmem>>, vector<16xf32>,
        %get3A_576 = arith.constant 75 : i32
        %get3A_577 = arith.index_cast %get3A_576 : i32 to index
        %get3A_578 = arith.index_cast %mul3A_73 : i32 to index
        %get3A_579 = tpu.vector_load %arg7[%get3A_577, %get3A_578] {strides = array<i32>} : memref<76x640xf32, #tpu.memory_space<vmem>>, vector<16xf32>,
        %get3A_580 = arith.constant 0 : i32
        %get3A_581 = arith.index_cast %get3A_580 : i32 to index
        %get3A_582 = arith.index_cast %mul3A_73 : i32 to index
        %get3A_583 = tpu.vector_load %arg8[%get3A_581, %get3A_582] {strides = array<i32>} : memref<7x640xf32, #tpu.memory_space<vmem>>, vector<16xf32>,
        %get3A_584 = arith.constant 1 : i32
        %get3A_585 = arith.index_cast %get3A_584 : i32 to index
        %get3A_586 = arith.index_cast %mul3A_73 : i32 to index
        %get3A_587 = tpu.vector_load %arg8[%get3A_585, %get3A_586] {strides = array<i32>} : memref<7x640xf32, #tpu.memory_space<vmem>>, vector<16xf32>,
        %get3A_588 = arith.constant 2 : i32
        %get3A_589 = arith.index_cast %get3A_588 : i32 to index
        %get3A_590 = arith.index_cast %mul3A_73 : i32 to index
        %get3A_591 = tpu.vector_load %arg8[%get3A_589, %get3A_590] {strides = array<i32>} : memref<7x640xf32, #tpu.memory_space<vmem>>, vector<16xf32>,
        %get3A_592 = arith.constant 6 : i32
        %get3A_593 = arith.index_cast %get3A_592 : i32 to index
        %get3A_594 = arith.index_cast %mul3A_73 : i32 to index
        %get3A_595 = tpu.vector_load %arg8[%get3A_593, %get3A_594] {strides = array<i32>} : memref<7x640xf32, #tpu.memory_space<vmem>>, vector<16xf32>,
        %convert_element_type3A_596 = arith.sitofp %select_n3A_235 : vector<16xi32> to vector<16xf32>
        %mul3A_597 = arith.constant 5.000000e-01 : f32
        %mul3A_598 = vector.broadcast %mul3A_597 : f32 to vector<16xf32>
        %mul3A_599 = arith.mulf %convert_element_type3A_596, %mul3A_598 : vector<16xf32>
        %add3A_600 = arith.constant -2.750000e+00 : f32
        %add3A_601 = vector.broadcast %add3A_600 : f32 to vector<16xf32>
        %add3A_602 = arith.addf %mul3A_599, %add3A_601 : vector<16xf32>
        %mul3A_603 = arith.constant 5.000000e-01 : f32
        %mul3A_604 = vector.broadcast %mul3A_603 : f32 to vector<16xf32>
        %mul3A_605 = arith.mulf %select_n3A_232, %mul3A_604 : vector<16xf32>
        %add3A_606 = arith.addf %add3A_602, %mul3A_605 : vector<16xf32>
        %convert_element_type3A_607 = arith.sitofp %select_n3A_399 : vector<16xi32> to vector<16xf32>
        %mul3A_608 = arith.constant 5.000000e-01 : f32
        %mul3A_609 = vector.broadcast %mul3A_608 : f32 to vector<16xf32>
        %mul3A_610 = arith.mulf %convert_element_type3A_607, %mul3A_609 : vector<16xf32>
        %add3A_611 = arith.constant -2.750000e+00 : f32
        %add3A_612 = vector.broadcast %add3A_611 : f32 to vector<16xf32>
        %add3A_613 = arith.addf %mul3A_610, %add3A_612 : vector<16xf32>
        %mul3A_614 = arith.constant 5.000000e-01 : f32
        %mul3A_615 = vector.broadcast %mul3A_614 : f32 to vector<16xf32>
        %mul3A_616 = arith.mulf %select_n3A_396, %mul3A_615 : vector<16xf32>
        %add3A_617 = arith.addf %add3A_613, %mul3A_616 : vector<16xf32>
        %add3A_618 = arith.addf %get3A_587, %get3A_567 : vector<16xf32>
        %convert_element_type3A_619 = arith.sitofp %select_n3A_563 : vector<16xi32> to vector<16xf32>
        %mul3A_620 = arith.constant 0.52359879 : f32
        %mul3A_621 = vector.broadcast %mul3A_620 : f32 to vector<16xf32>
        %mul3A_622 = arith.mulf %convert_element_type3A_619, %mul3A_621 : vector<16xf32>
        %mul3A_623 = arith.constant 0.261799395 : f32
        %mul3A_624 = vector.broadcast %mul3A_623 : f32 to vector<16xf32>
        %mul3A_625 = arith.mulf %select_n3A_560, %mul3A_624 : vector<16xf32>
        %add3A_626 = arith.addf %mul3A_622, %mul3A_625 : vector<16xf32>
        %mul3A_627 = arith.constant 0.159154937 : f32
        %mul3A_628 = vector.broadcast %mul3A_627 : f32 to vector<16xf32>
        %mul3A_629 = arith.mulf %add3A_626, %mul3A_628 : vector<16xf32>
        %convert_element_type3A_630 = arith.fptosi %mul3A_629 : vector<16xf32> to vector<16xi32>
        %convert_element_type3A_631 = arith.sitofp %convert_element_type3A_630 : vector<16xi32> to vector<16xf32>
        %gt3A_632 = arith.cmpf ogt, %convert_element_type3A_631, %mul3A_629 : vector<16xf32>
        %sub3A = arith.constant 1.000000e+00 : f32
        %sub3A_633 = vector.broadcast %sub3A : f32 to vector<16xf32>
        %sub3A_634 = arith.subf %convert_element_type3A_631, %sub3A_633 : vector<16xf32>
        %select_n3A_635 = arith.select %gt3A_632, %sub3A_634, %convert_element_type3A_631 : vector<16xi1>, vector<16xf32>
        %mul3A_636 = arith.constant 6.28318548 : f32
        %mul3A_637 = vector.broadcast %mul3A_636 : f32 to vector<16xf32>
        %mul3A_638 = arith.mulf %select_n3A_635, %mul3A_637 : vector<16xf32>
        %sub3A_639 = arith.subf %add3A_626, %mul3A_638 : vector<16xf32>
        %gt3A_640 = arith.constant 3.14159274 : f32
        %gt3A_641 = vector.broadcast %gt3A_640 : f32 to vector<16xf32>
        %gt3A_642 = arith.cmpf ogt, %sub3A_639, %gt3A_641 : vector<16xf32>
        %sub3A_643 = arith.constant 6.28318548 : f32
        %sub3A_644 = vector.broadcast %sub3A_643 : f32 to vector<16xf32>
        %sub3A_645 = arith.subf %sub3A_639, %sub3A_644 : vector<16xf32>
        %select_n3A_646 = arith.select %gt3A_642, %sub3A_645, %sub3A_639 : vector<16xi1>, vector<16xf32>
        %mul3A_647 = arith.mulf %get3A_571, %get3A_5 : vector<16xf32>
        %add3A_648 = arith.addf %mul3A_647, %get3A_5 : vector<16xf32>
        %mul3A_649 = arith.mulf %get3A_575, %get3A_9 : vector<16xf32>
        %add3A_650 = arith.addf %mul3A_649, %get3A_9 : vector<16xf32>
        %mul3A_651 = arith.mulf %get3A_579, %get3A_13 : vector<16xf32>
        %add3A_652 = arith.addf %mul3A_651, %get3A_13 : vector<16xf32>
        %ge3A = arith.constant 0.000000e+00 : f32
        %ge3A_653 = vector.broadcast %ge3A : f32 to vector<16xf32>
        %ge3A_654 = arith.cmpf oge, %get3A_595, %ge3A_653 : vector<16xf32>
        %jit3A_655 = arith.constant 5.000000e-01 : f32
        %jit3A_656 = arith.constant -5.000000e-01 : f32
        %broadcast_in_dim3A_657 = vector.broadcast %jit3A_655 : f32 to vector<16xf32>
        %broadcast_in_dim3A_658 = vector.broadcast %jit3A_656 : f32 to vector<16xf32>
        %select_n3A_659 = arith.select %ge3A_654, %broadcast_in_dim3A_657, %broadcast_in_dim3A_658 : vector<16xi1>, vector<16xf32>
        %mul3A_660 = arith.constant 0.636619746 : f32
        %mul3A_661 = vector.broadcast %mul3A_660 : f32 to vector<16xf32>
        %mul3A_662 = arith.mulf %get3A_595, %mul3A_661 : vector<16xf32>
        %add3A_663 = arith.addf %mul3A_662, %select_n3A_659 : vector<16xf32>
        %convert_element_type3A_664 = arith.fptosi %add3A_663 : vector<16xf32> to vector<16xi32>
        %convert_element_type3A_665 = arith.sitofp %convert_element_type3A_664 : vector<16xi32> to vector<16xf32>
        %convert_element_type3A_666 = arith.fptosi %convert_element_type3A_665 : vector<16xf32> to vector<16xi32>
        %mul3A_667 = arith.constant 1.5703125 : f32
        %mul3A_668 = vector.broadcast %mul3A_667 : f32 to vector<16xf32>
        %mul3A_669 = arith.mulf %convert_element_type3A_665, %mul3A_668 : vector<16xf32>
        %sub3A_670 = arith.subf %get3A_595, %mul3A_669 : vector<16xf32>
        %mul3A_671 = arith.constant 4.83751297E-4 : f32
        %mul3A_672 = vector.broadcast %mul3A_671 : f32 to vector<16xf32>
        %mul3A_673 = arith.mulf %convert_element_type3A_665, %mul3A_672 : vector<16xf32>
        %sub3A_674 = arith.subf %sub3A_670, %mul3A_673 : vector<16xf32>
        %mul3A_675 = arith.constant 7.549790e-08 : f32
        %mul3A_676 = vector.broadcast %mul3A_675 : f32 to vector<16xf32>
        %mul3A_677 = arith.mulf %convert_element_type3A_665, %mul3A_676 : vector<16xf32>
        %sub3A_678 = arith.subf %sub3A_674, %mul3A_677 : vector<16xf32>
        %mul3A_679 = arith.mulf %sub3A_678, %sub3A_678 : vector<16xf32>
        %mul3A_680 = arith.mulf %sub3A_678, %mul3A_679 : vector<16xf32>
        %mul3A_681 = arith.constant -1.95152956E-4 : f32
        %mul3A_682 = vector.broadcast %mul3A_681 : f32 to vector<16xf32>
        %mul3A_683 = arith.mulf %mul3A_679, %mul3A_682 : vector<16xf32>
        %add3A_684 = arith.constant 0.00833216123 : f32
        %add3A_685 = vector.broadcast %add3A_684 : f32 to vector<16xf32>
        %add3A_686 = arith.addf %add3A_685, %mul3A_683 : vector<16xf32>
        %mul3A_687 = arith.mulf %mul3A_679, %add3A_686 : vector<16xf32>
        %add3A_688 = arith.constant -0.166666552 : f32
        %add3A_689 = vector.broadcast %add3A_688 : f32 to vector<16xf32>
        %add3A_690 = arith.addf %add3A_689, %mul3A_687 : vector<16xf32>
        %mul3A_691 = arith.mulf %mul3A_680, %add3A_690 : vector<16xf32>
        %add3A_692 = arith.addf %sub3A_678, %mul3A_691 : vector<16xf32>
        %mul3A_693 = arith.constant 2.44331568E-5 : f32
        %mul3A_694 = vector.broadcast %mul3A_693 : f32 to vector<16xf32>
        %mul3A_695 = arith.mulf %mul3A_679, %mul3A_694 : vector<16xf32>
        %add3A_696 = arith.constant -0.00138873165 : f32
        %add3A_697 = vector.broadcast %add3A_696 : f32 to vector<16xf32>
        %add3A_698 = arith.addf %add3A_697, %mul3A_695 : vector<16xf32>
        %mul3A_699 = arith.mulf %mul3A_679, %add3A_698 : vector<16xf32>
        %add3A_700 = arith.constant 0.0416666456 : f32
        %add3A_701 = vector.broadcast %add3A_700 : f32 to vector<16xf32>
        %add3A_702 = arith.addf %add3A_701, %mul3A_699 : vector<16xf32>
        %mul3A_703 = arith.mulf %mul3A_679, %add3A_702 : vector<16xf32>
        %add3A_704 = arith.constant -5.000000e-01 : f32
        %add3A_705 = vector.broadcast %add3A_704 : f32 to vector<16xf32>
        %add3A_706 = arith.addf %add3A_705, %mul3A_703 : vector<16xf32>
        %mul3A_707 = arith.mulf %mul3A_679, %add3A_706 : vector<16xf32>
        %add3A_708 = arith.constant 1.000000e+00 : f32
        %add3A_709 = vector.broadcast %add3A_708 : f32 to vector<16xf32>
        %add3A_710 = arith.addf %add3A_709, %mul3A_707 : vector<16xf32>
        %and3A = arith.constant 3 : i32
        %and3A_711 = vector.broadcast %and3A : i32 to vector<16xi32>
        %and3A_712 = arith.andi %convert_element_type3A_666, %and3A_711 : vector<16xi32>
        %and3A_713 = arith.constant 1 : i32
        %and3A_714 = vector.broadcast %and3A_713 : i32 to vector<16xi32>
        %and3A_715 = arith.andi %and3A_712, %and3A_714 : vector<16xi32>
        %eq3A_716 = arith.constant 1 : i32
        %eq3A_717 = vector.broadcast %eq3A_716 : i32 to vector<16xi32>
        %eq3A_718 = arith.cmpi eq, %and3A_715, %eq3A_717 : vector<16xi32>
        %select_n3A_719 = arith.select %eq3A_718, %add3A_710, %add3A_692 : vector<16xi1>, vector<16xf32>
        %select_n3A_720 = arith.select %eq3A_718, %add3A_692, %add3A_710 : vector<16xi1>, vector<16xf32>
        %ge3A_721 = arith.constant 2 : i32
        %ge3A_722 = vector.broadcast %ge3A_721 : i32 to vector<16xi32>
        %ge3A_723 = arith.cmpi sge, %and3A_712, %ge3A_722 : vector<16xi32>
        %neg3A = arith.constant 0.000000e+00 : f32
        %neg3A_724 = vector.broadcast %neg3A : f32 to vector<16xf32>
        %neg3A_725 = arith.subf %neg3A_724, %select_n3A_719 : vector<16xf32>
        %select_n3A_726 = arith.select %ge3A_723, %neg3A_725, %select_n3A_719 : vector<16xi1>, vector<16xf32>
        %eq3A_727 = arith.constant 1 : i32
        %eq3A_728 = vector.broadcast %eq3A_727 : i32 to vector<16xi32>
        %eq3A_729 = arith.cmpi eq, %and3A_712, %eq3A_728 : vector<16xi32>
        %eq3A_730 = arith.constant 2 : i32
        %eq3A_731 = vector.broadcast %eq3A_730 : i32 to vector<16xi32>
        %eq3A_732 = arith.cmpi eq, %and3A_712, %eq3A_731 : vector<16xi32>
        %or3A = arith.ori %eq3A_729, %eq3A_732 : vector<16xi1>
        %neg3A_733 = arith.constant 0.000000e+00 : f32
        %neg3A_734 = vector.broadcast %neg3A_733 : f32 to vector<16xf32>
        %neg3A_735 = arith.subf %neg3A_734, %select_n3A_720 : vector<16xf32>
        %select_n3A_736 = arith.select %or3A, %neg3A_735, %select_n3A_720 : vector<16xi1>, vector<16xf32>
        %mul3A_737 = arith.mulf %add3A_606, %select_n3A_736 : vector<16xf32>
        %mul3A_738 = arith.mulf %add3A_617, %select_n3A_726 : vector<16xf32>
        %add3A_739 = arith.addf %mul3A_737, %mul3A_738 : vector<16xf32>
        %add3A_740 = arith.addf %add3A_739, %get3A_583 : vector<16xf32>
        %neg3A_741 = arith.constant 0.000000e+00 : f32
        %neg3A_742 = vector.broadcast %neg3A_741 : f32 to vector<16xf32>
        %neg3A_743 = arith.subf %neg3A_742, %add3A_606 : vector<16xf32>
        %mul3A_744 = arith.mulf %neg3A_743, %select_n3A_726 : vector<16xf32>
        %mul3A_745 = arith.mulf %add3A_617, %select_n3A_736 : vector<16xf32>
        %add3A_746 = arith.addf %mul3A_744, %mul3A_745 : vector<16xf32>
        %add3A_747 = arith.addf %add3A_746, %get3A_591 : vector<16xf32>
        %add3A_748 = arith.addf %select_n3A_646, %get3A_595 : vector<16xf32>
        %swap3A = arith.constant 0 : i32
        %swap3A_749 = arith.index_cast %swap3A : i32 to index
        %swap3A_750 = arith.index_cast %mul3A_75 : i32 to index
        %swap3A_751 = tpu.vector_load %arg9[%swap3A_749, %swap3A_750] {strides = array<i32>} : memref<7x640xf32, #tpu.memory_space<vmem>>, vector<16xf32>,
        tpu.vector_store %arg9[%swap3A_749, %swap3A_750], %add3A_740 {strides = array<i32>} : memref<7x640xf32, #tpu.memory_space<vmem>>, vector<16xf32>,
        %swap3A_752 = arith.constant 1 : i32
        %swap3A_753 = arith.index_cast %swap3A_752 : i32 to index
        %swap3A_754 = arith.index_cast %mul3A_75 : i32 to index
        %swap3A_755 = tpu.vector_load %arg9[%swap3A_753, %swap3A_754] {strides = array<i32>} : memref<7x640xf32, #tpu.memory_space<vmem>>, vector<16xf32>,
        tpu.vector_store %arg9[%swap3A_753, %swap3A_754], %add3A_618 {strides = array<i32>} : memref<7x640xf32, #tpu.memory_space<vmem>>, vector<16xf32>,
        %swap3A_756 = arith.constant 2 : i32
        %swap3A_757 = arith.index_cast %swap3A_756 : i32 to index
        %swap3A_758 = arith.index_cast %mul3A_75 : i32 to index
        %swap3A_759 = tpu.vector_load %arg9[%swap3A_757, %swap3A_758] {strides = array<i32>} : memref<7x640xf32, #tpu.memory_space<vmem>>, vector<16xf32>,
        tpu.vector_store %arg9[%swap3A_757, %swap3A_758], %add3A_747 {strides = array<i32>} : memref<7x640xf32, #tpu.memory_space<vmem>>, vector<16xf32>,
        %swap3A_760 = arith.constant 3 : i32
        %swap3A_761 = arith.index_cast %swap3A_760 : i32 to index
        %swap3A_762 = arith.index_cast %mul3A_75 : i32 to index
        %swap3A_763 = tpu.vector_load %arg9[%swap3A_761, %swap3A_762] {strides = array<i32>} : memref<7x640xf32, #tpu.memory_space<vmem>>, vector<16xf32>,
        tpu.vector_store %arg9[%swap3A_761, %swap3A_762], %add3A_648 {strides = array<i32>} : memref<7x640xf32, #tpu.memory_space<vmem>>, vector<16xf32>,
        %swap3A_764 = arith.constant 4 : i32
        %swap3A_765 = arith.index_cast %swap3A_764 : i32 to index
        %swap3A_766 = arith.index_cast %mul3A_75 : i32 to index
        %swap3A_767 = tpu.vector_load %arg9[%swap3A_765, %swap3A_766] {strides = array<i32>} : memref<7x640xf32, #tpu.memory_space<vmem>>, vector<16xf32>,
        tpu.vector_store %arg9[%swap3A_765, %swap3A_766], %add3A_650 {strides = array<i32>} : memref<7x640xf32, #tpu.memory_space<vmem>>, vector<16xf32>,
        %swap3A_768 = arith.constant 5 : i32
        %swap3A_769 = arith.index_cast %swap3A_768 : i32 to index
        %swap3A_770 = arith.index_cast %mul3A_75 : i32 to index
        %swap3A_771 = tpu.vector_load %arg9[%swap3A_769, %swap3A_770] {strides = array<i32>} : memref<7x640xf32, #tpu.memory_space<vmem>>, vector<16xf32>,
        tpu.vector_store %arg9[%swap3A_769, %swap3A_770], %add3A_652 {strides = array<i32>} : memref<7x640xf32, #tpu.memory_space<vmem>>, vector<16xf32>,
        %swap3A_772 = arith.constant 6 : i32
        %swap3A_773 = arith.index_cast %swap3A_772 : i32 to index
        %swap3A_774 = arith.index_cast %mul3A_75 : i32 to index
        %swap3A_775 = tpu.vector_load %arg9[%swap3A_773, %swap3A_774] {strides = array<i32>} : memref<7x640xf32, #tpu.memory_space<vmem>>, vector<16xf32>,
        tpu.vector_store %arg9[%swap3A_773, %swap3A_774], %add3A_748 {strides = array<i32>} : memref<7x640xf32, #tpu.memory_space<vmem>>, vector<16xf32>,
      }
      %scan3A_70 = arith.constant 24 : i32
      "tpu.region"() ({
        %run_scoped3A = tpu.sem_alloc : memref<!tpu.dma_semaphore, #tpu.memory_space<semaphore_mem>>
        %dma_start3A_71 = arith.constant 0 : i32
        %dma_start3A_72 = tpu.memref_slice %arg5[%dma_start3A_71, %mul3A_2] : memref<7x20000xf32, #tpu.memory_space<hbm>> -> memref<7x640xf32, #tpu.memory_space<hbm>>
        %dma_start3A_73 = arith.constant 0 : i32
        %dma_start3A_74 = tpu.memref_slice %arg5[%dma_start3A_73, %mul3A_2] : memref<7x20000xf32, #tpu.memory_space<hbm>> -> memref<7x640xf32, #tpu.memory_space<hbm>>
        tpu.enqueue_dma source(%arg9 : memref<7x640xf32, #tpu.memory_space<vmem>>) target(%dma_start3A_74 : memref<7x640xf32, #tpu.memory_space<hbm>>) target_semaphore(%run_scoped3A : memref<!tpu.dma_semaphore, #tpu.memory_space<semaphore_mem>>)
        %dma_wait3A_75 = arith.constant 0 : i32
        %dma_wait3A_76 = tpu.memref_slice %arg5[%dma_wait3A_75, %mul3A_2] : memref<7x20000xf32, #tpu.memory_space<hbm>> -> memref<7x640xf32, #tpu.memory_space<hbm>>
        %dma_wait3A_77 = arith.constant 0 : i32
        %dma_wait3A_78 = tpu.memref_slice %arg5[%dma_wait3A_77, %mul3A_2] : memref<7x20000xf32, #tpu.memory_space<hbm>> -> memref<7x640xf32, #tpu.memory_space<hbm>>
        tpu.wait_dma2 semaphore(%run_scoped3A : memref<!tpu.dma_semaphore, #tpu.memory_space<semaphore_mem>>) src(%arg9 : memref<7x640xf32, #tpu.memory_space<vmem>>) dst(%dma_wait3A_78 : memref<7x640xf32, #tpu.memory_space<hbm>>)
        tpu.yield
      }) : () -> ()
    } else {
    }
    %eq3A = arith.constant 31 : i32
    %eq3A_16 = arith.cmpi eq, %add3A, %eq3A : i32
    %convert_element_type3A_17 = arith.extui %eq3A_16 : i1 to i32
    %cond3A_18 = arith.constant 0 : i32
    %cond3A_19 = arith.cmpi ne, %convert_element_type3A_17, %cond3A_18 : i32
    scf.if %cond3A_19 {
      %dma_start3A = arith.constant 0 : i32
      %dma_start3A_20 = arith.constant 0 : i32
      %dma_start3A_21 = tpu.memref_slice %arg7[%dma_start3A, %dma_start3A_20] : memref<76x640xf32, #tpu.memory_space<vmem>> -> memref<76x128xf32, #tpu.memory_space<vmem>>
      %dma_start3A_22 = arith.constant 0 : i32
      %dma_start3A_23 = arith.constant 19840 : i32
      %dma_start3A_24 = tpu.memref_slice %arg3[%dma_start3A_22, %dma_start3A_23] : memref<76x20000xf32, #tpu.memory_space<hbm>> -> memref<76x128xf32, #tpu.memory_space<hbm>>
      %dma_start3A_25 = arith.constant 0 : i32
      %dma_start3A_26 = arith.constant 0 : i32
      %dma_start3A_27 = tpu.memref_slice %arg7[%dma_start3A_25, %dma_start3A_26] : memref<76x640xf32, #tpu.memory_space<vmem>> -> memref<76x128xf32, #tpu.memory_space<vmem>>
      %dma_start3A_28 = arith.constant 0 : i32
      %dma_start3A_29 = arith.constant 19840 : i32
      %dma_start3A_30 = tpu.memref_slice %arg3[%dma_start3A_28, %dma_start3A_29] : memref<76x20000xf32, #tpu.memory_space<hbm>> -> memref<76x128xf32, #tpu.memory_space<hbm>>
      tpu.enqueue_dma source(%dma_start3A_30 : memref<76x128xf32, #tpu.memory_space<hbm>>) target(%dma_start3A_27 : memref<76x128xf32, #tpu.memory_space<vmem>>) target_semaphore(%arg13 : memref<!tpu.dma_semaphore, #tpu.memory_space<semaphore_mem>>)
      "tpu.region"() ({
        %run_scoped3A = tpu.sem_alloc : memref<!tpu.dma_semaphore, #tpu.memory_space<semaphore_mem>>
        %dma_start3A_1457 = arith.constant 0 : i32
        %dma_start3A_1458 = arith.constant 0 : i32
        %dma_start3A_1459 = tpu.memref_slice %arg8[%dma_start3A_1457, %dma_start3A_1458] : memref<7x640xf32, #tpu.memory_space<vmem>> -> memref<7x128xf32, #tpu.memory_space<vmem>>
        %dma_start3A_1460 = arith.constant 0 : i32
        %dma_start3A_1461 = arith.constant 19840 : i32
        %dma_start3A_1462 = tpu.memref_slice %arg2[%dma_start3A_1460, %dma_start3A_1461] : memref<7x20000xf32, #tpu.memory_space<hbm>> -> memref<7x128xf32, #tpu.memory_space<hbm>>
        %dma_start3A_1463 = arith.constant 0 : i32
        %dma_start3A_1464 = arith.constant 0 : i32
        %dma_start3A_1465 = tpu.memref_slice %arg8[%dma_start3A_1463, %dma_start3A_1464] : memref<7x640xf32, #tpu.memory_space<vmem>> -> memref<7x128xf32, #tpu.memory_space<vmem>>
        %dma_start3A_1466 = arith.constant 0 : i32
        %dma_start3A_1467 = arith.constant 19840 : i32
        %dma_start3A_1468 = tpu.memref_slice %arg2[%dma_start3A_1466, %dma_start3A_1467] : memref<7x20000xf32, #tpu.memory_space<hbm>> -> memref<7x128xf32, #tpu.memory_space<hbm>>
        tpu.enqueue_dma source(%dma_start3A_1468 : memref<7x128xf32, #tpu.memory_space<hbm>>) target(%dma_start3A_1465 : memref<7x128xf32, #tpu.memory_space<vmem>>) target_semaphore(%run_scoped3A : memref<!tpu.dma_semaphore, #tpu.memory_space<semaphore_mem>>)
        %dma_wait3A_1469 = arith.constant 0 : i32
        %dma_wait3A_1470 = arith.constant 0 : i32
        %dma_wait3A_1471 = tpu.memref_slice %arg8[%dma_wait3A_1469, %dma_wait3A_1470] : memref<7x640xf32, #tpu.memory_space<vmem>> -> memref<7x128xf32, #tpu.memory_space<vmem>>
        %dma_wait3A_1472 = arith.constant 0 : i32
        %dma_wait3A_1473 = arith.constant 19840 : i32
        %dma_wait3A_1474 = tpu.memref_slice %arg2[%dma_wait3A_1472, %dma_wait3A_1473] : memref<7x20000xf32, #tpu.memory_space<hbm>> -> memref<7x128xf32, #tpu.memory_space<hbm>>
        %dma_wait3A_1475 = arith.constant 0 : i32
        %dma_wait3A_1476 = arith.constant 0 : i32
        %dma_wait3A_1477 = tpu.memref_slice %arg8[%dma_wait3A_1475, %dma_wait3A_1476] : memref<7x640xf32, #tpu.memory_space<vmem>> -> memref<7x128xf32, #tpu.memory_space<vmem>>
        %dma_wait3A_1478 = arith.constant 0 : i32
        %dma_wait3A_1479 = arith.constant 19840 : i32
        %dma_wait3A_1480 = tpu.memref_slice %arg2[%dma_wait3A_1478, %dma_wait3A_1479] : memref<7x20000xf32, #tpu.memory_space<hbm>> -> memref<7x128xf32, #tpu.memory_space<hbm>>
        tpu.wait_dma2 semaphore(%run_scoped3A : memref<!tpu.dma_semaphore, #tpu.memory_space<semaphore_mem>>) src(%dma_wait3A_1480 : memref<7x128xf32, #tpu.memory_space<hbm>>) dst(%dma_wait3A_1477 : memref<7x128xf32, #tpu.memory_space<vmem>>)
        tpu.yield
      }) : () -> ()
      "tpu.region"() ({
        %run_scoped3A = tpu.sem_alloc : memref<!tpu.dma_semaphore, #tpu.memory_space<semaphore_mem>>
        %dma_start3A_1457 = arith.constant 8 : i32
        %dma_start3A_1458 = arith.constant 0 : i32
        %dma_start3A_1459 = tpu.memref_slice %arg4[%dma_start3A_1457, %dma_start3A_1458] : memref<96x128xf32, #tpu.memory_space<hbm>> -> memref<80x128xf32, #tpu.memory_space<hbm>>
        %dma_start3A_1460 = arith.constant 8 : i32
        %dma_start3A_1461 = arith.constant 0 : i32
        %dma_start3A_1462 = tpu.memref_slice %arg4[%dma_start3A_1460, %dma_start3A_1461] : memref<96x128xf32, #tpu.memory_space<hbm>> -> memref<80x128xf32, #tpu.memory_space<hbm>>
        tpu.enqueue_dma source(%dma_start3A_1462 : memref<80x128xf32, #tpu.memory_space<hbm>>) target(%arg11 : memref<80x128xf32, #tpu.memory_space<vmem>>) target_semaphore(%run_scoped3A : memref<!tpu.dma_semaphore, #tpu.memory_space<semaphore_mem>>)
        %dma_wait3A_1463 = arith.constant 8 : i32
        %dma_wait3A_1464 = arith.constant 0 : i32
        %dma_wait3A_1465 = tpu.memref_slice %arg4[%dma_wait3A_1463, %dma_wait3A_1464] : memref<96x128xf32, #tpu.memory_space<hbm>> -> memref<80x128xf32, #tpu.memory_space<hbm>>
        %dma_wait3A_1466 = arith.constant 8 : i32
        %dma_wait3A_1467 = arith.constant 0 : i32
        %dma_wait3A_1468 = tpu.memref_slice %arg4[%dma_wait3A_1466, %dma_wait3A_1467] : memref<96x128xf32, #tpu.memory_space<hbm>> -> memref<80x128xf32, #tpu.memory_space<hbm>>
        tpu.wait_dma2 semaphore(%run_scoped3A : memref<!tpu.dma_semaphore, #tpu.memory_space<semaphore_mem>>) src(%dma_wait3A_1468 : memref<80x128xf32, #tpu.memory_space<hbm>>) dst(%arg11 : memref<80x128xf32, #tpu.memory_space<vmem>>)
        tpu.yield
      }) : () -> ()
      "tpu.region"() ({
        %run_scoped3A = tpu.sem_alloc : memref<!tpu.dma_semaphore, #tpu.memory_space<semaphore_mem>>
        %dma_start3A_1457 = arith.constant 88 : i32
        %dma_start3A_1458 = arith.constant 0 : i32
        %dma_start3A_1459 = tpu.memref_slice %arg4[%dma_start3A_1457, %dma_start3A_1458] : memref<96x128xf32, #tpu.memory_space<hbm>> -> memref<8x128xf32, #tpu.memory_space<hbm>>
        %dma_start3A_1460 = arith.constant 88 : i32
        %dma_start3A_1461 = arith.constant 0 : i32
        %dma_start3A_1462 = tpu.memref_slice %arg4[%dma_start3A_1460, %dma_start3A_1461] : memref<96x128xf32, #tpu.memory_space<hbm>> -> memref<8x128xf32, #tpu.memory_space<hbm>>
        tpu.enqueue_dma source(%dma_start3A_1462 : memref<8x128xf32, #tpu.memory_space<hbm>>) target(%arg12 : memref<8x128xf32, #tpu.memory_space<vmem>>) target_semaphore(%run_scoped3A : memref<!tpu.dma_semaphore, #tpu.memory_space<semaphore_mem>>)
        %dma_wait3A_1463 = arith.constant 88 : i32
        %dma_wait3A_1464 = arith.constant 0 : i32
        %dma_wait3A_1465 = tpu.memref_slice %arg4[%dma_wait3A_1463, %dma_wait3A_1464] : memref<96x128xf32, #tpu.memory_space<hbm>> -> memref<8x128xf32, #tpu.memory_space<hbm>>
        %dma_wait3A_1466 = arith.constant 88 : i32
        %dma_wait3A_1467 = arith.constant 0 : i32
        %dma_wait3A_1468 = tpu.memref_slice %arg4[%dma_wait3A_1466, %dma_wait3A_1467] : memref<96x128xf32, #tpu.memory_space<hbm>> -> memref<8x128xf32, #tpu.memory_space<hbm>>
        tpu.wait_dma2 semaphore(%run_scoped3A : memref<!tpu.dma_semaphore, #tpu.memory_space<semaphore_mem>>) src(%dma_wait3A_1468 : memref<8x128xf32, #tpu.memory_space<hbm>>) dst(%arg12 : memref<8x128xf32, #tpu.memory_space<vmem>>)
        tpu.yield
      }) : () -> ()
      %dma_wait3A = arith.constant 0 : i32
      %dma_wait3A_31 = arith.constant 0 : i32
      %dma_wait3A_32 = tpu.memref_slice %arg7[%dma_wait3A, %dma_wait3A_31] : memref<76x640xf32, #tpu.memory_space<vmem>> -> memref<76x128xf32, #tpu.memory_space<vmem>>
      %dma_wait3A_33 = arith.constant 0 : i32
      %dma_wait3A_34 = arith.constant 19840 : i32
      %dma_wait3A_35 = tpu.memref_slice %arg3[%dma_wait3A_33, %dma_wait3A_34] : memref<76x20000xf32, #tpu.memory_space<hbm>> -> memref<76x128xf32, #tpu.memory_space<hbm>>
      %dma_wait3A_36 = arith.constant 0 : i32
      %dma_wait3A_37 = arith.constant 0 : i32
      %dma_wait3A_38 = tpu.memref_slice %arg7[%dma_wait3A_36, %dma_wait3A_37] : memref<76x640xf32, #tpu.memory_space<vmem>> -> memref<76x128xf32, #tpu.memory_space<vmem>>
      %dma_wait3A_39 = arith.constant 0 : i32
      %dma_wait3A_40 = arith.constant 19840 : i32
      %dma_wait3A_41 = tpu.memref_slice %arg3[%dma_wait3A_39, %dma_wait3A_40] : memref<76x20000xf32, #tpu.memory_space<hbm>> -> memref<76x128xf32, #tpu.memory_space<hbm>>
      tpu.wait_dma2 semaphore(%arg13 : memref<!tpu.dma_semaphore, #tpu.memory_space<semaphore_mem>>) src(%dma_wait3A_41 : memref<76x128xf32, #tpu.memory_space<hbm>>) dst(%dma_wait3A_38 : memref<76x128xf32, #tpu.memory_space<vmem>>)
      %scan3A = arith.constant 0 : i32
      %scan3A_42 = arith.constant 0 : i32
      %scan3A_43 = arith.constant 8 : i32
      %scan3A_44 = arith.addi %scan3A_42, %scan3A_43 : i32
      %scan3A_45 = arith.constant 1 : i32
      scf.for %scan3A_1457 = %scan3A_42 to %scan3A_44 step %scan3A_45  : i32 {
        %mul3A_1458 = arith.constant 16 : i32
        %mul3A_1459 = arith.muli %scan3A_1457, %mul3A_1458 : i32
        %mul3A_1460 = arith.constant 16 : i32
        %mul3A_1461 = arith.muli %scan3A_1457, %mul3A_1460 : i32
        %get3A_1462 = arith.constant 0 : i32
        %get3A_1463 = arith.index_cast %get3A_1462 : i32 to index
        %get3A_1464 = arith.index_cast %mul3A_1459 : i32 to index
        %get3A_1465 = tpu.vector_load %arg7[%get3A_1463, %get3A_1464] {strides = array<i32>} : memref<76x640xf32, #tpu.memory_space<vmem>>, vector<16xf32>,
        %get3A_1466 = arith.constant 24 : i32
        %get3A_1467 = arith.index_cast %get3A_1466 : i32 to index
        %get3A_1468 = arith.index_cast %mul3A_1459 : i32 to index
        %get3A_1469 = tpu.vector_load %arg7[%get3A_1467, %get3A_1468] {strides = array<i32>} : memref<76x640xf32, #tpu.memory_space<vmem>>, vector<16xf32>,
        %broadcast_in_dim3A_1470 = arith.constant 0 : i32
        %broadcast_in_dim3A_1471 = vector.broadcast %broadcast_in_dim3A_1470 : i32 to vector<16xi32>
        %get3A_1472 = arith.constant 1 : i32
        %get3A_1473 = arith.index_cast %get3A_1472 : i32 to index
        %get3A_1474 = arith.index_cast %mul3A_1459 : i32 to index
        %get3A_1475 = tpu.vector_load %arg7[%get3A_1473, %get3A_1474] {strides = array<i32>} : memref<76x640xf32, #tpu.memory_space<vmem>>, vector<16xf32>,
        %get3A_1476 = arith.constant 25 : i32
        %get3A_1477 = arith.index_cast %get3A_1476 : i32 to index
        %get3A_1478 = arith.index_cast %mul3A_1459 : i32 to index
        %get3A_1479 = tpu.vector_load %arg7[%get3A_1477, %get3A_1478] {strides = array<i32>} : memref<76x640xf32, #tpu.memory_space<vmem>>, vector<16xf32>,
        %gt3A_1480 = arith.cmpf ogt, %get3A_1475, %get3A_1465 : vector<16xf32>
        %select_n3A_1481 = arith.select %gt3A_1480, %get3A_1475, %get3A_1465 : vector<16xi1>, vector<16xf32>
        %select_n3A_1482 = arith.select %gt3A_1480, %get3A_1479, %get3A_1469 : vector<16xi1>, vector<16xf32>
        %jit3A_1483 = arith.constant 1 : i32
        %broadcast_in_dim3A_1484 = vector.broadcast %jit3A_1483 : i32 to vector<16xi32>
        %select_n3A_1485 = arith.select %gt3A_1480, %broadcast_in_dim3A_1484, %broadcast_in_dim3A_1471 : vector<16xi1>, vector<16xi32>
        %get3A_1486 = arith.constant 2 : i32
        %get3A_1487 = arith.index_cast %get3A_1486 : i32 to index
        %get3A_1488 = arith.index_cast %mul3A_1459 : i32 to index
        %get3A_1489 = tpu.vector_load %arg7[%get3A_1487, %get3A_1488] {strides = array<i32>} : memref<76x640xf32, #tpu.memory_space<vmem>>, vector<16xf32>,
        %get3A_1490 = arith.constant 26 : i32
        %get3A_1491 = arith.index_cast %get3A_1490 : i32 to index
        %get3A_1492 = arith.index_cast %mul3A_1459 : i32 to index
        %get3A_1493 = tpu.vector_load %arg7[%get3A_1491, %get3A_1492] {strides = array<i32>} : memref<76x640xf32, #tpu.memory_space<vmem>>, vector<16xf32>,
        %gt3A_1494 = arith.cmpf ogt, %get3A_1489, %select_n3A_1481 : vector<16xf32>
        %select_n3A_1495 = arith.select %gt3A_1494, %get3A_1489, %select_n3A_1481 : vector<16xi1>, vector<16xf32>
        %select_n3A_1496 = arith.select %gt3A_1494, %get3A_1493, %select_n3A_1482 : vector<16xi1>, vector<16xf32>
        %jit3A_1497 = arith.constant 2 : i32
        %broadcast_in_dim3A_1498 = vector.broadcast %jit3A_1497 : i32 to vector<16xi32>
        %select_n3A_1499 = arith.select %gt3A_1494, %broadcast_in_dim3A_1498, %select_n3A_1485 : vector<16xi1>, vector<16xi32>
        %get3A_1500 = arith.constant 3 : i32
        %get3A_1501 = arith.index_cast %get3A_1500 : i32 to index
        %get3A_1502 = arith.index_cast %mul3A_1459 : i32 to index
        %get3A_1503 = tpu.vector_load %arg7[%get3A_1501, %get3A_1502] {strides = array<i32>} : memref<76x640xf32, #tpu.memory_space<vmem>>, vector<16xf32>,
        %get3A_1504 = arith.constant 27 : i32
        %get3A_1505 = arith.index_cast %get3A_1504 : i32 to index
        %get3A_1506 = arith.index_cast %mul3A_1459 : i32 to index
        %get3A_1507 = tpu.vector_load %arg7[%get3A_1505, %get3A_1506] {strides = array<i32>} : memref<76x640xf32, #tpu.memory_space<vmem>>, vector<16xf32>,
        %gt3A_1508 = arith.cmpf ogt, %get3A_1503, %select_n3A_1495 : vector<16xf32>
        %select_n3A_1509 = arith.select %gt3A_1508, %get3A_1503, %select_n3A_1495 : vector<16xi1>, vector<16xf32>
        %select_n3A_1510 = arith.select %gt3A_1508, %get3A_1507, %select_n3A_1496 : vector<16xi1>, vector<16xf32>
        %jit3A_1511 = arith.constant 3 : i32
        %broadcast_in_dim3A_1512 = vector.broadcast %jit3A_1511 : i32 to vector<16xi32>
        %select_n3A_1513 = arith.select %gt3A_1508, %broadcast_in_dim3A_1512, %select_n3A_1499 : vector<16xi1>, vector<16xi32>
        %get3A_1514 = arith.constant 4 : i32
        %get3A_1515 = arith.index_cast %get3A_1514 : i32 to index
        %get3A_1516 = arith.index_cast %mul3A_1459 : i32 to index
        %get3A_1517 = tpu.vector_load %arg7[%get3A_1515, %get3A_1516] {strides = array<i32>} : memref<76x640xf32, #tpu.memory_space<vmem>>, vector<16xf32>,
        %get3A_1518 = arith.constant 28 : i32
        %get3A_1519 = arith.index_cast %get3A_1518 : i32 to index
        %get3A_1520 = arith.index_cast %mul3A_1459 : i32 to index
        %get3A_1521 = tpu.vector_load %arg7[%get3A_1519, %get3A_1520] {strides = array<i32>} : memref<76x640xf32, #tpu.memory_space<vmem>>, vector<16xf32>,
        %gt3A_1522 = arith.cmpf ogt, %get3A_1517, %select_n3A_1509 : vector<16xf32>
        %select_n3A_1523 = arith.select %gt3A_1522, %get3A_1517, %select_n3A_1509 : vector<16xi1>, vector<16xf32>
        %select_n3A_1524 = arith.select %gt3A_1522, %get3A_1521, %select_n3A_1510 : vector<16xi1>, vector<16xf32>
        %jit3A_1525 = arith.constant 4 : i32
        %broadcast_in_dim3A_1526 = vector.broadcast %jit3A_1525 : i32 to vector<16xi32>
        %select_n3A_1527 = arith.select %gt3A_1522, %broadcast_in_dim3A_1526, %select_n3A_1513 : vector<16xi1>, vector<16xi32>
        %get3A_1528 = arith.constant 5 : i32
        %get3A_1529 = arith.index_cast %get3A_1528 : i32 to index
        %get3A_1530 = arith.index_cast %mul3A_1459 : i32 to index
        %get3A_1531 = tpu.vector_load %arg7[%get3A_1529, %get3A_1530] {strides = array<i32>} : memref<76x640xf32, #tpu.memory_space<vmem>>, vector<16xf32>,
        %get3A_1532 = arith.constant 29 : i32
        %get3A_1533 = arith.index_cast %get3A_1532 : i32 to index
        %get3A_1534 = arith.index_cast %mul3A_1459 : i32 to index
        %get3A_1535 = tpu.vector_load %arg7[%get3A_1533, %get3A_1534] {strides = array<i32>} : memref<76x640xf32, #tpu.memory_space<vmem>>, vector<16xf32>,
        %gt3A_1536 = arith.cmpf ogt, %get3A_1531, %select_n3A_1523 : vector<16xf32>
        %select_n3A_1537 = arith.select %gt3A_1536, %get3A_1531, %select_n3A_1523 : vector<16xi1>, vector<16xf32>
        %select_n3A_1538 = arith.select %gt3A_1536, %get3A_1535, %select_n3A_1524 : vector<16xi1>, vector<16xf32>
        %jit3A_1539 = arith.constant 5 : i32
        %broadcast_in_dim3A_1540 = vector.broadcast %jit3A_1539 : i32 to vector<16xi32>
        %select_n3A_1541 = arith.select %gt3A_1536, %broadcast_in_dim3A_1540, %select_n3A_1527 : vector<16xi1>, vector<16xi32>
        %get3A_1542 = arith.constant 6 : i32
        %get3A_1543 = arith.index_cast %get3A_1542 : i32 to index
        %get3A_1544 = arith.index_cast %mul3A_1459 : i32 to index
        %get3A_1545 = tpu.vector_load %arg7[%get3A_1543, %get3A_1544] {strides = array<i32>} : memref<76x640xf32, #tpu.memory_space<vmem>>, vector<16xf32>,
        %get3A_1546 = arith.constant 30 : i32
        %get3A_1547 = arith.index_cast %get3A_1546 : i32 to index
        %get3A_1548 = arith.index_cast %mul3A_1459 : i32 to index
        %get3A_1549 = tpu.vector_load %arg7[%get3A_1547, %get3A_1548] {strides = array<i32>} : memref<76x640xf32, #tpu.memory_space<vmem>>, vector<16xf32>,
        %gt3A_1550 = arith.cmpf ogt, %get3A_1545, %select_n3A_1537 : vector<16xf32>
        %select_n3A_1551 = arith.select %gt3A_1550, %get3A_1545, %select_n3A_1537 : vector<16xi1>, vector<16xf32>
        %select_n3A_1552 = arith.select %gt3A_1550, %get3A_1549, %select_n3A_1538 : vector<16xi1>, vector<16xf32>
        %jit3A_1553 = arith.constant 6 : i32
        %broadcast_in_dim3A_1554 = vector.broadcast %jit3A_1553 : i32 to vector<16xi32>
        %select_n3A_1555 = arith.select %gt3A_1550, %broadcast_in_dim3A_1554, %select_n3A_1541 : vector<16xi1>, vector<16xi32>
        %get3A_1556 = arith.constant 7 : i32
        %get3A_1557 = arith.index_cast %get3A_1556 : i32 to index
        %get3A_1558 = arith.index_cast %mul3A_1459 : i32 to index
        %get3A_1559 = tpu.vector_load %arg7[%get3A_1557, %get3A_1558] {strides = array<i32>} : memref<76x640xf32, #tpu.memory_space<vmem>>, vector<16xf32>,
        %get3A_1560 = arith.constant 31 : i32
        %get3A_1561 = arith.index_cast %get3A_1560 : i32 to index
        %get3A_1562 = arith.index_cast %mul3A_1459 : i32 to index
        %get3A_1563 = tpu.vector_load %arg7[%get3A_1561, %get3A_1562] {strides = array<i32>} : memref<76x640xf32, #tpu.memory_space<vmem>>, vector<16xf32>,
        %gt3A_1564 = arith.cmpf ogt, %get3A_1559, %select_n3A_1551 : vector<16xf32>
        %select_n3A_1565 = arith.select %gt3A_1564, %get3A_1559, %select_n3A_1551 : vector<16xi1>, vector<16xf32>
        %select_n3A_1566 = arith.select %gt3A_1564, %get3A_1563, %select_n3A_1552 : vector<16xi1>, vector<16xf32>
        %jit3A_1567 = arith.constant 7 : i32
        %broadcast_in_dim3A_1568 = vector.broadcast %jit3A_1567 : i32 to vector<16xi32>
        %select_n3A_1569 = arith.select %gt3A_1564, %broadcast_in_dim3A_1568, %select_n3A_1555 : vector<16xi1>, vector<16xi32>
        %get3A_1570 = arith.constant 8 : i32
        %get3A_1571 = arith.index_cast %get3A_1570 : i32 to index
        %get3A_1572 = arith.index_cast %mul3A_1459 : i32 to index
        %get3A_1573 = tpu.vector_load %arg7[%get3A_1571, %get3A_1572] {strides = array<i32>} : memref<76x640xf32, #tpu.memory_space<vmem>>, vector<16xf32>,
        %get3A_1574 = arith.constant 32 : i32
        %get3A_1575 = arith.index_cast %get3A_1574 : i32 to index
        %get3A_1576 = arith.index_cast %mul3A_1459 : i32 to index
        %get3A_1577 = tpu.vector_load %arg7[%get3A_1575, %get3A_1576] {strides = array<i32>} : memref<76x640xf32, #tpu.memory_space<vmem>>, vector<16xf32>,
        %gt3A_1578 = arith.cmpf ogt, %get3A_1573, %select_n3A_1565 : vector<16xf32>
        %select_n3A_1579 = arith.select %gt3A_1578, %get3A_1573, %select_n3A_1565 : vector<16xi1>, vector<16xf32>
        %select_n3A_1580 = arith.select %gt3A_1578, %get3A_1577, %select_n3A_1566 : vector<16xi1>, vector<16xf32>
        %jit3A_1581 = arith.constant 8 : i32
        %broadcast_in_dim3A_1582 = vector.broadcast %jit3A_1581 : i32 to vector<16xi32>
        %select_n3A_1583 = arith.select %gt3A_1578, %broadcast_in_dim3A_1582, %select_n3A_1569 : vector<16xi1>, vector<16xi32>
        %get3A_1584 = arith.constant 9 : i32
        %get3A_1585 = arith.index_cast %get3A_1584 : i32 to index
        %get3A_1586 = arith.index_cast %mul3A_1459 : i32 to index
        %get3A_1587 = tpu.vector_load %arg7[%get3A_1585, %get3A_1586] {strides = array<i32>} : memref<76x640xf32, #tpu.memory_space<vmem>>, vector<16xf32>,
        %get3A_1588 = arith.constant 33 : i32
        %get3A_1589 = arith.index_cast %get3A_1588 : i32 to index
        %get3A_1590 = arith.index_cast %mul3A_1459 : i32 to index
        %get3A_1591 = tpu.vector_load %arg7[%get3A_1589, %get3A_1590] {strides = array<i32>} : memref<76x640xf32, #tpu.memory_space<vmem>>, vector<16xf32>,
        %gt3A_1592 = arith.cmpf ogt, %get3A_1587, %select_n3A_1579 : vector<16xf32>
        %select_n3A_1593 = arith.select %gt3A_1592, %get3A_1587, %select_n3A_1579 : vector<16xi1>, vector<16xf32>
        %select_n3A_1594 = arith.select %gt3A_1592, %get3A_1591, %select_n3A_1580 : vector<16xi1>, vector<16xf32>
        %jit3A_1595 = arith.constant 9 : i32
        %broadcast_in_dim3A_1596 = vector.broadcast %jit3A_1595 : i32 to vector<16xi32>
        %select_n3A_1597 = arith.select %gt3A_1592, %broadcast_in_dim3A_1596, %select_n3A_1583 : vector<16xi1>, vector<16xi32>
        %get3A_1598 = arith.constant 10 : i32
        %get3A_1599 = arith.index_cast %get3A_1598 : i32 to index
        %get3A_1600 = arith.index_cast %mul3A_1459 : i32 to index
        %get3A_1601 = tpu.vector_load %arg7[%get3A_1599, %get3A_1600] {strides = array<i32>} : memref<76x640xf32, #tpu.memory_space<vmem>>, vector<16xf32>,
        %get3A_1602 = arith.constant 34 : i32
        %get3A_1603 = arith.index_cast %get3A_1602 : i32 to index
        %get3A_1604 = arith.index_cast %mul3A_1459 : i32 to index
        %get3A_1605 = tpu.vector_load %arg7[%get3A_1603, %get3A_1604] {strides = array<i32>} : memref<76x640xf32, #tpu.memory_space<vmem>>, vector<16xf32>,
        %gt3A_1606 = arith.cmpf ogt, %get3A_1601, %select_n3A_1593 : vector<16xf32>
        %select_n3A_1607 = arith.select %gt3A_1606, %get3A_1601, %select_n3A_1593 : vector<16xi1>, vector<16xf32>
        %select_n3A_1608 = arith.select %gt3A_1606, %get3A_1605, %select_n3A_1594 : vector<16xi1>, vector<16xf32>
        %jit3A_1609 = arith.constant 10 : i32
        %broadcast_in_dim3A_1610 = vector.broadcast %jit3A_1609 : i32 to vector<16xi32>
        %select_n3A_1611 = arith.select %gt3A_1606, %broadcast_in_dim3A_1610, %select_n3A_1597 : vector<16xi1>, vector<16xi32>
        %get3A_1612 = arith.constant 11 : i32
        %get3A_1613 = arith.index_cast %get3A_1612 : i32 to index
        %get3A_1614 = arith.index_cast %mul3A_1459 : i32 to index
        %get3A_1615 = tpu.vector_load %arg7[%get3A_1613, %get3A_1614] {strides = array<i32>} : memref<76x640xf32, #tpu.memory_space<vmem>>, vector<16xf32>,
        %get3A_1616 = arith.constant 35 : i32
        %get3A_1617 = arith.index_cast %get3A_1616 : i32 to index
        %get3A_1618 = arith.index_cast %mul3A_1459 : i32 to index
        %get3A_1619 = tpu.vector_load %arg7[%get3A_1617, %get3A_1618] {strides = array<i32>} : memref<76x640xf32, #tpu.memory_space<vmem>>, vector<16xf32>,
        %gt3A_1620 = arith.cmpf ogt, %get3A_1615, %select_n3A_1607 : vector<16xf32>
        %select_n3A_1621 = arith.select %gt3A_1620, %get3A_1615, %select_n3A_1607 : vector<16xi1>, vector<16xf32>
        %select_n3A_1622 = arith.select %gt3A_1620, %get3A_1619, %select_n3A_1608 : vector<16xi1>, vector<16xf32>
        %jit3A_1623 = arith.constant 11 : i32
        %broadcast_in_dim3A_1624 = vector.broadcast %jit3A_1623 : i32 to vector<16xi32>
        %select_n3A_1625 = arith.select %gt3A_1620, %broadcast_in_dim3A_1624, %select_n3A_1611 : vector<16xi1>, vector<16xi32>
        %get3A_1626 = arith.constant 12 : i32
        %get3A_1627 = arith.index_cast %get3A_1626 : i32 to index
        %get3A_1628 = arith.index_cast %mul3A_1459 : i32 to index
        %get3A_1629 = tpu.vector_load %arg7[%get3A_1627, %get3A_1628] {strides = array<i32>} : memref<76x640xf32, #tpu.memory_space<vmem>>, vector<16xf32>,
        %get3A_1630 = arith.constant 36 : i32
        %get3A_1631 = arith.index_cast %get3A_1630 : i32 to index
        %get3A_1632 = arith.index_cast %mul3A_1459 : i32 to index
        %get3A_1633 = tpu.vector_load %arg7[%get3A_1631, %get3A_1632] {strides = array<i32>} : memref<76x640xf32, #tpu.memory_space<vmem>>, vector<16xf32>,
        %broadcast_in_dim3A_1634 = arith.constant 0 : i32
        %broadcast_in_dim3A_1635 = vector.broadcast %broadcast_in_dim3A_1634 : i32 to vector<16xi32>
        %get3A_1636 = arith.constant 13 : i32
        %get3A_1637 = arith.index_cast %get3A_1636 : i32 to index
        %get3A_1638 = arith.index_cast %mul3A_1459 : i32 to index
        %get3A_1639 = tpu.vector_load %arg7[%get3A_1637, %get3A_1638] {strides = array<i32>} : memref<76x640xf32, #tpu.memory_space<vmem>>, vector<16xf32>,
        %get3A_1640 = arith.constant 37 : i32
        %get3A_1641 = arith.index_cast %get3A_1640 : i32 to index
        %get3A_1642 = arith.index_cast %mul3A_1459 : i32 to index
        %get3A_1643 = tpu.vector_load %arg7[%get3A_1641, %get3A_1642] {strides = array<i32>} : memref<76x640xf32, #tpu.memory_space<vmem>>, vector<16xf32>,
        %gt3A_1644 = arith.cmpf ogt, %get3A_1639, %get3A_1629 : vector<16xf32>
        %select_n3A_1645 = arith.select %gt3A_1644, %get3A_1639, %get3A_1629 : vector<16xi1>, vector<16xf32>
        %select_n3A_1646 = arith.select %gt3A_1644, %get3A_1643, %get3A_1633 : vector<16xi1>, vector<16xf32>
        %jit3A_1647 = arith.constant 1 : i32
        %broadcast_in_dim3A_1648 = vector.broadcast %jit3A_1647 : i32 to vector<16xi32>
        %select_n3A_1649 = arith.select %gt3A_1644, %broadcast_in_dim3A_1648, %broadcast_in_dim3A_1635 : vector<16xi1>, vector<16xi32>
        %get3A_1650 = arith.constant 14 : i32
        %get3A_1651 = arith.index_cast %get3A_1650 : i32 to index
        %get3A_1652 = arith.index_cast %mul3A_1459 : i32 to index
        %get3A_1653 = tpu.vector_load %arg7[%get3A_1651, %get3A_1652] {strides = array<i32>} : memref<76x640xf32, #tpu.memory_space<vmem>>, vector<16xf32>,
        %get3A_1654 = arith.constant 38 : i32
        %get3A_1655 = arith.index_cast %get3A_1654 : i32 to index
        %get3A_1656 = arith.index_cast %mul3A_1459 : i32 to index
        %get3A_1657 = tpu.vector_load %arg7[%get3A_1655, %get3A_1656] {strides = array<i32>} : memref<76x640xf32, #tpu.memory_space<vmem>>, vector<16xf32>,
        %gt3A_1658 = arith.cmpf ogt, %get3A_1653, %select_n3A_1645 : vector<16xf32>
        %select_n3A_1659 = arith.select %gt3A_1658, %get3A_1653, %select_n3A_1645 : vector<16xi1>, vector<16xf32>
        %select_n3A_1660 = arith.select %gt3A_1658, %get3A_1657, %select_n3A_1646 : vector<16xi1>, vector<16xf32>
        %jit3A_1661 = arith.constant 2 : i32
        %broadcast_in_dim3A_1662 = vector.broadcast %jit3A_1661 : i32 to vector<16xi32>
        %select_n3A_1663 = arith.select %gt3A_1658, %broadcast_in_dim3A_1662, %select_n3A_1649 : vector<16xi1>, vector<16xi32>
        %get3A_1664 = arith.constant 15 : i32
        %get3A_1665 = arith.index_cast %get3A_1664 : i32 to index
        %get3A_1666 = arith.index_cast %mul3A_1459 : i32 to index
        %get3A_1667 = tpu.vector_load %arg7[%get3A_1665, %get3A_1666] {strides = array<i32>} : memref<76x640xf32, #tpu.memory_space<vmem>>, vector<16xf32>,
        %get3A_1668 = arith.constant 39 : i32
        %get3A_1669 = arith.index_cast %get3A_1668 : i32 to index
        %get3A_1670 = arith.index_cast %mul3A_1459 : i32 to index
        %get3A_1671 = tpu.vector_load %arg7[%get3A_1669, %get3A_1670] {strides = array<i32>} : memref<76x640xf32, #tpu.memory_space<vmem>>, vector<16xf32>,
        %gt3A_1672 = arith.cmpf ogt, %get3A_1667, %select_n3A_1659 : vector<16xf32>
        %select_n3A_1673 = arith.select %gt3A_1672, %get3A_1667, %select_n3A_1659 : vector<16xi1>, vector<16xf32>
        %select_n3A_1674 = arith.select %gt3A_1672, %get3A_1671, %select_n3A_1660 : vector<16xi1>, vector<16xf32>
        %jit3A_1675 = arith.constant 3 : i32
        %broadcast_in_dim3A_1676 = vector.broadcast %jit3A_1675 : i32 to vector<16xi32>
        %select_n3A_1677 = arith.select %gt3A_1672, %broadcast_in_dim3A_1676, %select_n3A_1663 : vector<16xi1>, vector<16xi32>
        %get3A_1678 = arith.constant 16 : i32
        %get3A_1679 = arith.index_cast %get3A_1678 : i32 to index
        %get3A_1680 = arith.index_cast %mul3A_1459 : i32 to index
        %get3A_1681 = tpu.vector_load %arg7[%get3A_1679, %get3A_1680] {strides = array<i32>} : memref<76x640xf32, #tpu.memory_space<vmem>>, vector<16xf32>,
        %get3A_1682 = arith.constant 40 : i32
        %get3A_1683 = arith.index_cast %get3A_1682 : i32 to index
        %get3A_1684 = arith.index_cast %mul3A_1459 : i32 to index
        %get3A_1685 = tpu.vector_load %arg7[%get3A_1683, %get3A_1684] {strides = array<i32>} : memref<76x640xf32, #tpu.memory_space<vmem>>, vector<16xf32>,
        %gt3A_1686 = arith.cmpf ogt, %get3A_1681, %select_n3A_1673 : vector<16xf32>
        %select_n3A_1687 = arith.select %gt3A_1686, %get3A_1681, %select_n3A_1673 : vector<16xi1>, vector<16xf32>
        %select_n3A_1688 = arith.select %gt3A_1686, %get3A_1685, %select_n3A_1674 : vector<16xi1>, vector<16xf32>
        %jit3A_1689 = arith.constant 4 : i32
        %broadcast_in_dim3A_1690 = vector.broadcast %jit3A_1689 : i32 to vector<16xi32>
        %select_n3A_1691 = arith.select %gt3A_1686, %broadcast_in_dim3A_1690, %select_n3A_1677 : vector<16xi1>, vector<16xi32>
        %get3A_1692 = arith.constant 17 : i32
        %get3A_1693 = arith.index_cast %get3A_1692 : i32 to index
        %get3A_1694 = arith.index_cast %mul3A_1459 : i32 to index
        %get3A_1695 = tpu.vector_load %arg7[%get3A_1693, %get3A_1694] {strides = array<i32>} : memref<76x640xf32, #tpu.memory_space<vmem>>, vector<16xf32>,
        %get3A_1696 = arith.constant 41 : i32
        %get3A_1697 = arith.index_cast %get3A_1696 : i32 to index
        %get3A_1698 = arith.index_cast %mul3A_1459 : i32 to index
        %get3A_1699 = tpu.vector_load %arg7[%get3A_1697, %get3A_1698] {strides = array<i32>} : memref<76x640xf32, #tpu.memory_space<vmem>>, vector<16xf32>,
        %gt3A_1700 = arith.cmpf ogt, %get3A_1695, %select_n3A_1687 : vector<16xf32>
        %select_n3A_1701 = arith.select %gt3A_1700, %get3A_1695, %select_n3A_1687 : vector<16xi1>, vector<16xf32>
        %select_n3A_1702 = arith.select %gt3A_1700, %get3A_1699, %select_n3A_1688 : vector<16xi1>, vector<16xf32>
        %jit3A_1703 = arith.constant 5 : i32
        %broadcast_in_dim3A_1704 = vector.broadcast %jit3A_1703 : i32 to vector<16xi32>
        %select_n3A_1705 = arith.select %gt3A_1700, %broadcast_in_dim3A_1704, %select_n3A_1691 : vector<16xi1>, vector<16xi32>
        %get3A_1706 = arith.constant 18 : i32
        %get3A_1707 = arith.index_cast %get3A_1706 : i32 to index
        %get3A_1708 = arith.index_cast %mul3A_1459 : i32 to index
        %get3A_1709 = tpu.vector_load %arg7[%get3A_1707, %get3A_1708] {strides = array<i32>} : memref<76x640xf32, #tpu.memory_space<vmem>>, vector<16xf32>,
        %get3A_1710 = arith.constant 42 : i32
        %get3A_1711 = arith.index_cast %get3A_1710 : i32 to index
        %get3A_1712 = arith.index_cast %mul3A_1459 : i32 to index
        %get3A_1713 = tpu.vector_load %arg7[%get3A_1711, %get3A_1712] {strides = array<i32>} : memref<76x640xf32, #tpu.memory_space<vmem>>, vector<16xf32>,
        %gt3A_1714 = arith.cmpf ogt, %get3A_1709, %select_n3A_1701 : vector<16xf32>
        %select_n3A_1715 = arith.select %gt3A_1714, %get3A_1709, %select_n3A_1701 : vector<16xi1>, vector<16xf32>
        %select_n3A_1716 = arith.select %gt3A_1714, %get3A_1713, %select_n3A_1702 : vector<16xi1>, vector<16xf32>
        %jit3A_1717 = arith.constant 6 : i32
        %broadcast_in_dim3A_1718 = vector.broadcast %jit3A_1717 : i32 to vector<16xi32>
        %select_n3A_1719 = arith.select %gt3A_1714, %broadcast_in_dim3A_1718, %select_n3A_1705 : vector<16xi1>, vector<16xi32>
        %get3A_1720 = arith.constant 19 : i32
        %get3A_1721 = arith.index_cast %get3A_1720 : i32 to index
        %get3A_1722 = arith.index_cast %mul3A_1459 : i32 to index
        %get3A_1723 = tpu.vector_load %arg7[%get3A_1721, %get3A_1722] {strides = array<i32>} : memref<76x640xf32, #tpu.memory_space<vmem>>, vector<16xf32>,
        %get3A_1724 = arith.constant 43 : i32
        %get3A_1725 = arith.index_cast %get3A_1724 : i32 to index
        %get3A_1726 = arith.index_cast %mul3A_1459 : i32 to index
        %get3A_1727 = tpu.vector_load %arg7[%get3A_1725, %get3A_1726] {strides = array<i32>} : memref<76x640xf32, #tpu.memory_space<vmem>>, vector<16xf32>,
        %gt3A_1728 = arith.cmpf ogt, %get3A_1723, %select_n3A_1715 : vector<16xf32>
        %select_n3A_1729 = arith.select %gt3A_1728, %get3A_1723, %select_n3A_1715 : vector<16xi1>, vector<16xf32>
        %select_n3A_1730 = arith.select %gt3A_1728, %get3A_1727, %select_n3A_1716 : vector<16xi1>, vector<16xf32>
        %jit3A_1731 = arith.constant 7 : i32
        %broadcast_in_dim3A_1732 = vector.broadcast %jit3A_1731 : i32 to vector<16xi32>
        %select_n3A_1733 = arith.select %gt3A_1728, %broadcast_in_dim3A_1732, %select_n3A_1719 : vector<16xi1>, vector<16xi32>
        %get3A_1734 = arith.constant 20 : i32
        %get3A_1735 = arith.index_cast %get3A_1734 : i32 to index
        %get3A_1736 = arith.index_cast %mul3A_1459 : i32 to index
        %get3A_1737 = tpu.vector_load %arg7[%get3A_1735, %get3A_1736] {strides = array<i32>} : memref<76x640xf32, #tpu.memory_space<vmem>>, vector<16xf32>,
        %get3A_1738 = arith.constant 44 : i32
        %get3A_1739 = arith.index_cast %get3A_1738 : i32 to index
        %get3A_1740 = arith.index_cast %mul3A_1459 : i32 to index
        %get3A_1741 = tpu.vector_load %arg7[%get3A_1739, %get3A_1740] {strides = array<i32>} : memref<76x640xf32, #tpu.memory_space<vmem>>, vector<16xf32>,
        %gt3A_1742 = arith.cmpf ogt, %get3A_1737, %select_n3A_1729 : vector<16xf32>
        %select_n3A_1743 = arith.select %gt3A_1742, %get3A_1737, %select_n3A_1729 : vector<16xi1>, vector<16xf32>
        %select_n3A_1744 = arith.select %gt3A_1742, %get3A_1741, %select_n3A_1730 : vector<16xi1>, vector<16xf32>
        %jit3A_1745 = arith.constant 8 : i32
        %broadcast_in_dim3A_1746 = vector.broadcast %jit3A_1745 : i32 to vector<16xi32>
        %select_n3A_1747 = arith.select %gt3A_1742, %broadcast_in_dim3A_1746, %select_n3A_1733 : vector<16xi1>, vector<16xi32>
        %get3A_1748 = arith.constant 21 : i32
        %get3A_1749 = arith.index_cast %get3A_1748 : i32 to index
        %get3A_1750 = arith.index_cast %mul3A_1459 : i32 to index
        %get3A_1751 = tpu.vector_load %arg7[%get3A_1749, %get3A_1750] {strides = array<i32>} : memref<76x640xf32, #tpu.memory_space<vmem>>, vector<16xf32>,
        %get3A_1752 = arith.constant 45 : i32
        %get3A_1753 = arith.index_cast %get3A_1752 : i32 to index
        %get3A_1754 = arith.index_cast %mul3A_1459 : i32 to index
        %get3A_1755 = tpu.vector_load %arg7[%get3A_1753, %get3A_1754] {strides = array<i32>} : memref<76x640xf32, #tpu.memory_space<vmem>>, vector<16xf32>,
        %gt3A_1756 = arith.cmpf ogt, %get3A_1751, %select_n3A_1743 : vector<16xf32>
        %select_n3A_1757 = arith.select %gt3A_1756, %get3A_1751, %select_n3A_1743 : vector<16xi1>, vector<16xf32>
        %select_n3A_1758 = arith.select %gt3A_1756, %get3A_1755, %select_n3A_1744 : vector<16xi1>, vector<16xf32>
        %jit3A_1759 = arith.constant 9 : i32
        %broadcast_in_dim3A_1760 = vector.broadcast %jit3A_1759 : i32 to vector<16xi32>
        %select_n3A_1761 = arith.select %gt3A_1756, %broadcast_in_dim3A_1760, %select_n3A_1747 : vector<16xi1>, vector<16xi32>
        %get3A_1762 = arith.constant 22 : i32
        %get3A_1763 = arith.index_cast %get3A_1762 : i32 to index
        %get3A_1764 = arith.index_cast %mul3A_1459 : i32 to index
        %get3A_1765 = tpu.vector_load %arg7[%get3A_1763, %get3A_1764] {strides = array<i32>} : memref<76x640xf32, #tpu.memory_space<vmem>>, vector<16xf32>,
        %get3A_1766 = arith.constant 46 : i32
        %get3A_1767 = arith.index_cast %get3A_1766 : i32 to index
        %get3A_1768 = arith.index_cast %mul3A_1459 : i32 to index
        %get3A_1769 = tpu.vector_load %arg7[%get3A_1767, %get3A_1768] {strides = array<i32>} : memref<76x640xf32, #tpu.memory_space<vmem>>, vector<16xf32>,
        %gt3A_1770 = arith.cmpf ogt, %get3A_1765, %select_n3A_1757 : vector<16xf32>
        %select_n3A_1771 = arith.select %gt3A_1770, %get3A_1765, %select_n3A_1757 : vector<16xi1>, vector<16xf32>
        %select_n3A_1772 = arith.select %gt3A_1770, %get3A_1769, %select_n3A_1758 : vector<16xi1>, vector<16xf32>
        %jit3A_1773 = arith.constant 10 : i32
        %broadcast_in_dim3A_1774 = vector.broadcast %jit3A_1773 : i32 to vector<16xi32>
        %select_n3A_1775 = arith.select %gt3A_1770, %broadcast_in_dim3A_1774, %select_n3A_1761 : vector<16xi1>, vector<16xi32>
        %get3A_1776 = arith.constant 23 : i32
        %get3A_1777 = arith.index_cast %get3A_1776 : i32 to index
        %get3A_1778 = arith.index_cast %mul3A_1459 : i32 to index
        %get3A_1779 = tpu.vector_load %arg7[%get3A_1777, %get3A_1778] {strides = array<i32>} : memref<76x640xf32, #tpu.memory_space<vmem>>, vector<16xf32>,
        %get3A_1780 = arith.constant 47 : i32
        %get3A_1781 = arith.index_cast %get3A_1780 : i32 to index
        %get3A_1782 = arith.index_cast %mul3A_1459 : i32 to index
        %get3A_1783 = tpu.vector_load %arg7[%get3A_1781, %get3A_1782] {strides = array<i32>} : memref<76x640xf32, #tpu.memory_space<vmem>>, vector<16xf32>,
        %gt3A_1784 = arith.cmpf ogt, %get3A_1779, %select_n3A_1771 : vector<16xf32>
        %select_n3A_1785 = arith.select %gt3A_1784, %get3A_1779, %select_n3A_1771 : vector<16xi1>, vector<16xf32>
        %select_n3A_1786 = arith.select %gt3A_1784, %get3A_1783, %select_n3A_1772 : vector<16xi1>, vector<16xf32>
        %jit3A_1787 = arith.constant 11 : i32
        %broadcast_in_dim3A_1788 = vector.broadcast %jit3A_1787 : i32 to vector<16xi32>
        %select_n3A_1789 = arith.select %gt3A_1784, %broadcast_in_dim3A_1788, %select_n3A_1775 : vector<16xi1>, vector<16xi32>
        %get3A_1790 = arith.constant 49 : i32
        %get3A_1791 = arith.index_cast %get3A_1790 : i32 to index
        %get3A_1792 = arith.index_cast %mul3A_1459 : i32 to index
        %get3A_1793 = tpu.vector_load %arg7[%get3A_1791, %get3A_1792] {strides = array<i32>} : memref<76x640xf32, #tpu.memory_space<vmem>>, vector<16xf32>,
        %get3A_1794 = arith.constant 61 : i32
        %get3A_1795 = arith.index_cast %get3A_1794 : i32 to index
        %get3A_1796 = arith.index_cast %mul3A_1459 : i32 to index
        %get3A_1797 = tpu.vector_load %arg7[%get3A_1795, %get3A_1796] {strides = array<i32>} : memref<76x640xf32, #tpu.memory_space<vmem>>, vector<16xf32>,
        %broadcast_in_dim3A_1798 = arith.constant 0 : i32
        %broadcast_in_dim3A_1799 = vector.broadcast %broadcast_in_dim3A_1798 : i32 to vector<16xi32>
        %get3A_1800 = arith.constant 50 : i32
        %get3A_1801 = arith.index_cast %get3A_1800 : i32 to index
        %get3A_1802 = arith.index_cast %mul3A_1459 : i32 to index
        %get3A_1803 = tpu.vector_load %arg7[%get3A_1801, %get3A_1802] {strides = array<i32>} : memref<76x640xf32, #tpu.memory_space<vmem>>, vector<16xf32>,
        %get3A_1804 = arith.constant 62 : i32
        %get3A_1805 = arith.index_cast %get3A_1804 : i32 to index
        %get3A_1806 = arith.index_cast %mul3A_1459 : i32 to index
        %get3A_1807 = tpu.vector_load %arg7[%get3A_1805, %get3A_1806] {strides = array<i32>} : memref<76x640xf32, #tpu.memory_space<vmem>>, vector<16xf32>,
        %gt3A_1808 = arith.cmpf ogt, %get3A_1803, %get3A_1793 : vector<16xf32>
        %select_n3A_1809 = arith.select %gt3A_1808, %get3A_1803, %get3A_1793 : vector<16xi1>, vector<16xf32>
        %select_n3A_1810 = arith.select %gt3A_1808, %get3A_1807, %get3A_1797 : vector<16xi1>, vector<16xf32>
        %jit3A_1811 = arith.constant 1 : i32
        %broadcast_in_dim3A_1812 = vector.broadcast %jit3A_1811 : i32 to vector<16xi32>
        %select_n3A_1813 = arith.select %gt3A_1808, %broadcast_in_dim3A_1812, %broadcast_in_dim3A_1799 : vector<16xi1>, vector<16xi32>
        %get3A_1814 = arith.constant 51 : i32
        %get3A_1815 = arith.index_cast %get3A_1814 : i32 to index
        %get3A_1816 = arith.index_cast %mul3A_1459 : i32 to index
        %get3A_1817 = tpu.vector_load %arg7[%get3A_1815, %get3A_1816] {strides = array<i32>} : memref<76x640xf32, #tpu.memory_space<vmem>>, vector<16xf32>,
        %get3A_1818 = arith.constant 63 : i32
        %get3A_1819 = arith.index_cast %get3A_1818 : i32 to index
        %get3A_1820 = arith.index_cast %mul3A_1459 : i32 to index
        %get3A_1821 = tpu.vector_load %arg7[%get3A_1819, %get3A_1820] {strides = array<i32>} : memref<76x640xf32, #tpu.memory_space<vmem>>, vector<16xf32>,
        %gt3A_1822 = arith.cmpf ogt, %get3A_1817, %select_n3A_1809 : vector<16xf32>
        %select_n3A_1823 = arith.select %gt3A_1822, %get3A_1817, %select_n3A_1809 : vector<16xi1>, vector<16xf32>
        %select_n3A_1824 = arith.select %gt3A_1822, %get3A_1821, %select_n3A_1810 : vector<16xi1>, vector<16xf32>
        %jit3A_1825 = arith.constant 2 : i32
        %broadcast_in_dim3A_1826 = vector.broadcast %jit3A_1825 : i32 to vector<16xi32>
        %select_n3A_1827 = arith.select %gt3A_1822, %broadcast_in_dim3A_1826, %select_n3A_1813 : vector<16xi1>, vector<16xi32>
        %get3A_1828 = arith.constant 52 : i32
        %get3A_1829 = arith.index_cast %get3A_1828 : i32 to index
        %get3A_1830 = arith.index_cast %mul3A_1459 : i32 to index
        %get3A_1831 = tpu.vector_load %arg7[%get3A_1829, %get3A_1830] {strides = array<i32>} : memref<76x640xf32, #tpu.memory_space<vmem>>, vector<16xf32>,
        %get3A_1832 = arith.constant 64 : i32
        %get3A_1833 = arith.index_cast %get3A_1832 : i32 to index
        %get3A_1834 = arith.index_cast %mul3A_1459 : i32 to index
        %get3A_1835 = tpu.vector_load %arg7[%get3A_1833, %get3A_1834] {strides = array<i32>} : memref<76x640xf32, #tpu.memory_space<vmem>>, vector<16xf32>,
        %gt3A_1836 = arith.cmpf ogt, %get3A_1831, %select_n3A_1823 : vector<16xf32>
        %select_n3A_1837 = arith.select %gt3A_1836, %get3A_1831, %select_n3A_1823 : vector<16xi1>, vector<16xf32>
        %select_n3A_1838 = arith.select %gt3A_1836, %get3A_1835, %select_n3A_1824 : vector<16xi1>, vector<16xf32>
        %jit3A_1839 = arith.constant 3 : i32
        %broadcast_in_dim3A_1840 = vector.broadcast %jit3A_1839 : i32 to vector<16xi32>
        %select_n3A_1841 = arith.select %gt3A_1836, %broadcast_in_dim3A_1840, %select_n3A_1827 : vector<16xi1>, vector<16xi32>
        %get3A_1842 = arith.constant 53 : i32
        %get3A_1843 = arith.index_cast %get3A_1842 : i32 to index
        %get3A_1844 = arith.index_cast %mul3A_1459 : i32 to index
        %get3A_1845 = tpu.vector_load %arg7[%get3A_1843, %get3A_1844] {strides = array<i32>} : memref<76x640xf32, #tpu.memory_space<vmem>>, vector<16xf32>,
        %get3A_1846 = arith.constant 65 : i32
        %get3A_1847 = arith.index_cast %get3A_1846 : i32 to index
        %get3A_1848 = arith.index_cast %mul3A_1459 : i32 to index
        %get3A_1849 = tpu.vector_load %arg7[%get3A_1847, %get3A_1848] {strides = array<i32>} : memref<76x640xf32, #tpu.memory_space<vmem>>, vector<16xf32>,
        %gt3A_1850 = arith.cmpf ogt, %get3A_1845, %select_n3A_1837 : vector<16xf32>
        %select_n3A_1851 = arith.select %gt3A_1850, %get3A_1845, %select_n3A_1837 : vector<16xi1>, vector<16xf32>
        %select_n3A_1852 = arith.select %gt3A_1850, %get3A_1849, %select_n3A_1838 : vector<16xi1>, vector<16xf32>
        %jit3A_1853 = arith.constant 4 : i32
        %broadcast_in_dim3A_1854 = vector.broadcast %jit3A_1853 : i32 to vector<16xi32>
        %select_n3A_1855 = arith.select %gt3A_1850, %broadcast_in_dim3A_1854, %select_n3A_1841 : vector<16xi1>, vector<16xi32>
        %get3A_1856 = arith.constant 54 : i32
        %get3A_1857 = arith.index_cast %get3A_1856 : i32 to index
        %get3A_1858 = arith.index_cast %mul3A_1459 : i32 to index
        %get3A_1859 = tpu.vector_load %arg7[%get3A_1857, %get3A_1858] {strides = array<i32>} : memref<76x640xf32, #tpu.memory_space<vmem>>, vector<16xf32>,
        %get3A_1860 = arith.constant 66 : i32
        %get3A_1861 = arith.index_cast %get3A_1860 : i32 to index
        %get3A_1862 = arith.index_cast %mul3A_1459 : i32 to index
        %get3A_1863 = tpu.vector_load %arg7[%get3A_1861, %get3A_1862] {strides = array<i32>} : memref<76x640xf32, #tpu.memory_space<vmem>>, vector<16xf32>,
        %gt3A_1864 = arith.cmpf ogt, %get3A_1859, %select_n3A_1851 : vector<16xf32>
        %select_n3A_1865 = arith.select %gt3A_1864, %get3A_1859, %select_n3A_1851 : vector<16xi1>, vector<16xf32>
        %select_n3A_1866 = arith.select %gt3A_1864, %get3A_1863, %select_n3A_1852 : vector<16xi1>, vector<16xf32>
        %jit3A_1867 = arith.constant 5 : i32
        %broadcast_in_dim3A_1868 = vector.broadcast %jit3A_1867 : i32 to vector<16xi32>
        %select_n3A_1869 = arith.select %gt3A_1864, %broadcast_in_dim3A_1868, %select_n3A_1855 : vector<16xi1>, vector<16xi32>
        %get3A_1870 = arith.constant 55 : i32
        %get3A_1871 = arith.index_cast %get3A_1870 : i32 to index
        %get3A_1872 = arith.index_cast %mul3A_1459 : i32 to index
        %get3A_1873 = tpu.vector_load %arg7[%get3A_1871, %get3A_1872] {strides = array<i32>} : memref<76x640xf32, #tpu.memory_space<vmem>>, vector<16xf32>,
        %get3A_1874 = arith.constant 67 : i32
        %get3A_1875 = arith.index_cast %get3A_1874 : i32 to index
        %get3A_1876 = arith.index_cast %mul3A_1459 : i32 to index
        %get3A_1877 = tpu.vector_load %arg7[%get3A_1875, %get3A_1876] {strides = array<i32>} : memref<76x640xf32, #tpu.memory_space<vmem>>, vector<16xf32>,
        %gt3A_1878 = arith.cmpf ogt, %get3A_1873, %select_n3A_1865 : vector<16xf32>
        %select_n3A_1879 = arith.select %gt3A_1878, %get3A_1873, %select_n3A_1865 : vector<16xi1>, vector<16xf32>
        %select_n3A_1880 = arith.select %gt3A_1878, %get3A_1877, %select_n3A_1866 : vector<16xi1>, vector<16xf32>
        %jit3A_1881 = arith.constant 6 : i32
        %broadcast_in_dim3A_1882 = vector.broadcast %jit3A_1881 : i32 to vector<16xi32>
        %select_n3A_1883 = arith.select %gt3A_1878, %broadcast_in_dim3A_1882, %select_n3A_1869 : vector<16xi1>, vector<16xi32>
        %get3A_1884 = arith.constant 56 : i32
        %get3A_1885 = arith.index_cast %get3A_1884 : i32 to index
        %get3A_1886 = arith.index_cast %mul3A_1459 : i32 to index
        %get3A_1887 = tpu.vector_load %arg7[%get3A_1885, %get3A_1886] {strides = array<i32>} : memref<76x640xf32, #tpu.memory_space<vmem>>, vector<16xf32>,
        %get3A_1888 = arith.constant 68 : i32
        %get3A_1889 = arith.index_cast %get3A_1888 : i32 to index
        %get3A_1890 = arith.index_cast %mul3A_1459 : i32 to index
        %get3A_1891 = tpu.vector_load %arg7[%get3A_1889, %get3A_1890] {strides = array<i32>} : memref<76x640xf32, #tpu.memory_space<vmem>>, vector<16xf32>,
        %gt3A_1892 = arith.cmpf ogt, %get3A_1887, %select_n3A_1879 : vector<16xf32>
        %select_n3A_1893 = arith.select %gt3A_1892, %get3A_1887, %select_n3A_1879 : vector<16xi1>, vector<16xf32>
        %select_n3A_1894 = arith.select %gt3A_1892, %get3A_1891, %select_n3A_1880 : vector<16xi1>, vector<16xf32>
        %jit3A_1895 = arith.constant 7 : i32
        %broadcast_in_dim3A_1896 = vector.broadcast %jit3A_1895 : i32 to vector<16xi32>
        %select_n3A_1897 = arith.select %gt3A_1892, %broadcast_in_dim3A_1896, %select_n3A_1883 : vector<16xi1>, vector<16xi32>
        %get3A_1898 = arith.constant 57 : i32
        %get3A_1899 = arith.index_cast %get3A_1898 : i32 to index
        %get3A_1900 = arith.index_cast %mul3A_1459 : i32 to index
        %get3A_1901 = tpu.vector_load %arg7[%get3A_1899, %get3A_1900] {strides = array<i32>} : memref<76x640xf32, #tpu.memory_space<vmem>>, vector<16xf32>,
        %get3A_1902 = arith.constant 69 : i32
        %get3A_1903 = arith.index_cast %get3A_1902 : i32 to index
        %get3A_1904 = arith.index_cast %mul3A_1459 : i32 to index
        %get3A_1905 = tpu.vector_load %arg7[%get3A_1903, %get3A_1904] {strides = array<i32>} : memref<76x640xf32, #tpu.memory_space<vmem>>, vector<16xf32>,
        %gt3A_1906 = arith.cmpf ogt, %get3A_1901, %select_n3A_1893 : vector<16xf32>
        %select_n3A_1907 = arith.select %gt3A_1906, %get3A_1901, %select_n3A_1893 : vector<16xi1>, vector<16xf32>
        %select_n3A_1908 = arith.select %gt3A_1906, %get3A_1905, %select_n3A_1894 : vector<16xi1>, vector<16xf32>
        %jit3A_1909 = arith.constant 8 : i32
        %broadcast_in_dim3A_1910 = vector.broadcast %jit3A_1909 : i32 to vector<16xi32>
        %select_n3A_1911 = arith.select %gt3A_1906, %broadcast_in_dim3A_1910, %select_n3A_1897 : vector<16xi1>, vector<16xi32>
        %get3A_1912 = arith.constant 58 : i32
        %get3A_1913 = arith.index_cast %get3A_1912 : i32 to index
        %get3A_1914 = arith.index_cast %mul3A_1459 : i32 to index
        %get3A_1915 = tpu.vector_load %arg7[%get3A_1913, %get3A_1914] {strides = array<i32>} : memref<76x640xf32, #tpu.memory_space<vmem>>, vector<16xf32>,
        %get3A_1916 = arith.constant 70 : i32
        %get3A_1917 = arith.index_cast %get3A_1916 : i32 to index
        %get3A_1918 = arith.index_cast %mul3A_1459 : i32 to index
        %get3A_1919 = tpu.vector_load %arg7[%get3A_1917, %get3A_1918] {strides = array<i32>} : memref<76x640xf32, #tpu.memory_space<vmem>>, vector<16xf32>,
        %gt3A_1920 = arith.cmpf ogt, %get3A_1915, %select_n3A_1907 : vector<16xf32>
        %select_n3A_1921 = arith.select %gt3A_1920, %get3A_1915, %select_n3A_1907 : vector<16xi1>, vector<16xf32>
        %select_n3A_1922 = arith.select %gt3A_1920, %get3A_1919, %select_n3A_1908 : vector<16xi1>, vector<16xf32>
        %jit3A_1923 = arith.constant 9 : i32
        %broadcast_in_dim3A_1924 = vector.broadcast %jit3A_1923 : i32 to vector<16xi32>
        %select_n3A_1925 = arith.select %gt3A_1920, %broadcast_in_dim3A_1924, %select_n3A_1911 : vector<16xi1>, vector<16xi32>
        %get3A_1926 = arith.constant 59 : i32
        %get3A_1927 = arith.index_cast %get3A_1926 : i32 to index
        %get3A_1928 = arith.index_cast %mul3A_1459 : i32 to index
        %get3A_1929 = tpu.vector_load %arg7[%get3A_1927, %get3A_1928] {strides = array<i32>} : memref<76x640xf32, #tpu.memory_space<vmem>>, vector<16xf32>,
        %get3A_1930 = arith.constant 71 : i32
        %get3A_1931 = arith.index_cast %get3A_1930 : i32 to index
        %get3A_1932 = arith.index_cast %mul3A_1459 : i32 to index
        %get3A_1933 = tpu.vector_load %arg7[%get3A_1931, %get3A_1932] {strides = array<i32>} : memref<76x640xf32, #tpu.memory_space<vmem>>, vector<16xf32>,
        %gt3A_1934 = arith.cmpf ogt, %get3A_1929, %select_n3A_1921 : vector<16xf32>
        %select_n3A_1935 = arith.select %gt3A_1934, %get3A_1929, %select_n3A_1921 : vector<16xi1>, vector<16xf32>
        %select_n3A_1936 = arith.select %gt3A_1934, %get3A_1933, %select_n3A_1922 : vector<16xi1>, vector<16xf32>
        %jit3A_1937 = arith.constant 10 : i32
        %broadcast_in_dim3A_1938 = vector.broadcast %jit3A_1937 : i32 to vector<16xi32>
        %select_n3A_1939 = arith.select %gt3A_1934, %broadcast_in_dim3A_1938, %select_n3A_1925 : vector<16xi1>, vector<16xi32>
        %get3A_1940 = arith.constant 60 : i32
        %get3A_1941 = arith.index_cast %get3A_1940 : i32 to index
        %get3A_1942 = arith.index_cast %mul3A_1459 : i32 to index
        %get3A_1943 = tpu.vector_load %arg7[%get3A_1941, %get3A_1942] {strides = array<i32>} : memref<76x640xf32, #tpu.memory_space<vmem>>, vector<16xf32>,
        %get3A_1944 = arith.constant 72 : i32
        %get3A_1945 = arith.index_cast %get3A_1944 : i32 to index
        %get3A_1946 = arith.index_cast %mul3A_1459 : i32 to index
        %get3A_1947 = tpu.vector_load %arg7[%get3A_1945, %get3A_1946] {strides = array<i32>} : memref<76x640xf32, #tpu.memory_space<vmem>>, vector<16xf32>,
        %gt3A_1948 = arith.cmpf ogt, %get3A_1943, %select_n3A_1935 : vector<16xf32>
        %select_n3A_1949 = arith.select %gt3A_1948, %get3A_1943, %select_n3A_1935 : vector<16xi1>, vector<16xf32>
        %select_n3A_1950 = arith.select %gt3A_1948, %get3A_1947, %select_n3A_1936 : vector<16xi1>, vector<16xf32>
        %jit3A_1951 = arith.constant 11 : i32
        %broadcast_in_dim3A_1952 = vector.broadcast %jit3A_1951 : i32 to vector<16xi32>
        %select_n3A_1953 = arith.select %gt3A_1948, %broadcast_in_dim3A_1952, %select_n3A_1939 : vector<16xi1>, vector<16xi32>
        %get3A_1954 = arith.constant 48 : i32
        %get3A_1955 = arith.index_cast %get3A_1954 : i32 to index
        %get3A_1956 = arith.index_cast %mul3A_1459 : i32 to index
        %get3A_1957 = tpu.vector_load %arg7[%get3A_1955, %get3A_1956] {strides = array<i32>} : memref<76x640xf32, #tpu.memory_space<vmem>>, vector<16xf32>,
        %get3A_1958 = arith.constant 73 : i32
        %get3A_1959 = arith.index_cast %get3A_1958 : i32 to index
        %get3A_1960 = arith.index_cast %mul3A_1459 : i32 to index
        %get3A_1961 = tpu.vector_load %arg7[%get3A_1959, %get3A_1960] {strides = array<i32>} : memref<76x640xf32, #tpu.memory_space<vmem>>, vector<16xf32>,
        %get3A_1962 = arith.constant 74 : i32
        %get3A_1963 = arith.index_cast %get3A_1962 : i32 to index
        %get3A_1964 = arith.index_cast %mul3A_1459 : i32 to index
        %get3A_1965 = tpu.vector_load %arg7[%get3A_1963, %get3A_1964] {strides = array<i32>} : memref<76x640xf32, #tpu.memory_space<vmem>>, vector<16xf32>,
        %get3A_1966 = arith.constant 75 : i32
        %get3A_1967 = arith.index_cast %get3A_1966 : i32 to index
        %get3A_1968 = arith.index_cast %mul3A_1459 : i32 to index
        %get3A_1969 = tpu.vector_load %arg7[%get3A_1967, %get3A_1968] {strides = array<i32>} : memref<76x640xf32, #tpu.memory_space<vmem>>, vector<16xf32>,
        %get3A_1970 = arith.constant 0 : i32
        %get3A_1971 = arith.index_cast %get3A_1970 : i32 to index
        %get3A_1972 = arith.index_cast %mul3A_1459 : i32 to index
        %get3A_1973 = tpu.vector_load %arg8[%get3A_1971, %get3A_1972] {strides = array<i32>} : memref<7x640xf32, #tpu.memory_space<vmem>>, vector<16xf32>,
        %get3A_1974 = arith.constant 1 : i32
        %get3A_1975 = arith.index_cast %get3A_1974 : i32 to index
        %get3A_1976 = arith.index_cast %mul3A_1459 : i32 to index
        %get3A_1977 = tpu.vector_load %arg8[%get3A_1975, %get3A_1976] {strides = array<i32>} : memref<7x640xf32, #tpu.memory_space<vmem>>, vector<16xf32>,
        %get3A_1978 = arith.constant 2 : i32
        %get3A_1979 = arith.index_cast %get3A_1978 : i32 to index
        %get3A_1980 = arith.index_cast %mul3A_1459 : i32 to index
        %get3A_1981 = tpu.vector_load %arg8[%get3A_1979, %get3A_1980] {strides = array<i32>} : memref<7x640xf32, #tpu.memory_space<vmem>>, vector<16xf32>,
        %get3A_1982 = arith.constant 6 : i32
        %get3A_1983 = arith.index_cast %get3A_1982 : i32 to index
        %get3A_1984 = arith.index_cast %mul3A_1459 : i32 to index
        %get3A_1985 = tpu.vector_load %arg8[%get3A_1983, %get3A_1984] {strides = array<i32>} : memref<7x640xf32, #tpu.memory_space<vmem>>, vector<16xf32>,
        %convert_element_type3A_1986 = arith.sitofp %select_n3A_1625 : vector<16xi32> to vector<16xf32>
        %mul3A_1987 = arith.constant 5.000000e-01 : f32
        %mul3A_1988 = vector.broadcast %mul3A_1987 : f32 to vector<16xf32>
        %mul3A_1989 = arith.mulf %convert_element_type3A_1986, %mul3A_1988 : vector<16xf32>
        %add3A_1990 = arith.constant -2.750000e+00 : f32
        %add3A_1991 = vector.broadcast %add3A_1990 : f32 to vector<16xf32>
        %add3A_1992 = arith.addf %mul3A_1989, %add3A_1991 : vector<16xf32>
        %mul3A_1993 = arith.constant 5.000000e-01 : f32
        %mul3A_1994 = vector.broadcast %mul3A_1993 : f32 to vector<16xf32>
        %mul3A_1995 = arith.mulf %select_n3A_1622, %mul3A_1994 : vector<16xf32>
        %add3A_1996 = arith.addf %add3A_1992, %mul3A_1995 : vector<16xf32>
        %convert_element_type3A_1997 = arith.sitofp %select_n3A_1789 : vector<16xi32> to vector<16xf32>
        %mul3A_1998 = arith.constant 5.000000e-01 : f32
        %mul3A_1999 = vector.broadcast %mul3A_1998 : f32 to vector<16xf32>
        %mul3A_2000 = arith.mulf %convert_element_type3A_1997, %mul3A_1999 : vector<16xf32>
        %add3A_2001 = arith.constant -2.750000e+00 : f32
        %add3A_2002 = vector.broadcast %add3A_2001 : f32 to vector<16xf32>
        %add3A_2003 = arith.addf %mul3A_2000, %add3A_2002 : vector<16xf32>
        %mul3A_2004 = arith.constant 5.000000e-01 : f32
        %mul3A_2005 = vector.broadcast %mul3A_2004 : f32 to vector<16xf32>
        %mul3A_2006 = arith.mulf %select_n3A_1786, %mul3A_2005 : vector<16xf32>
        %add3A_2007 = arith.addf %add3A_2003, %mul3A_2006 : vector<16xf32>
        %add3A_2008 = arith.addf %get3A_1977, %get3A_1957 : vector<16xf32>
        %convert_element_type3A_2009 = arith.sitofp %select_n3A_1953 : vector<16xi32> to vector<16xf32>
        %mul3A_2010 = arith.constant 0.52359879 : f32
        %mul3A_2011 = vector.broadcast %mul3A_2010 : f32 to vector<16xf32>
        %mul3A_2012 = arith.mulf %convert_element_type3A_2009, %mul3A_2011 : vector<16xf32>
        %mul3A_2013 = arith.constant 0.261799395 : f32
        %mul3A_2014 = vector.broadcast %mul3A_2013 : f32 to vector<16xf32>
        %mul3A_2015 = arith.mulf %select_n3A_1950, %mul3A_2014 : vector<16xf32>
        %add3A_2016 = arith.addf %mul3A_2012, %mul3A_2015 : vector<16xf32>
        %mul3A_2017 = arith.constant 0.159154937 : f32
        %mul3A_2018 = vector.broadcast %mul3A_2017 : f32 to vector<16xf32>
        %mul3A_2019 = arith.mulf %add3A_2016, %mul3A_2018 : vector<16xf32>
        %convert_element_type3A_2020 = arith.fptosi %mul3A_2019 : vector<16xf32> to vector<16xi32>
        %convert_element_type3A_2021 = arith.sitofp %convert_element_type3A_2020 : vector<16xi32> to vector<16xf32>
        %gt3A_2022 = arith.cmpf ogt, %convert_element_type3A_2021, %mul3A_2019 : vector<16xf32>
        %sub3A_2023 = arith.constant 1.000000e+00 : f32
        %sub3A_2024 = vector.broadcast %sub3A_2023 : f32 to vector<16xf32>
        %sub3A_2025 = arith.subf %convert_element_type3A_2021, %sub3A_2024 : vector<16xf32>
        %select_n3A_2026 = arith.select %gt3A_2022, %sub3A_2025, %convert_element_type3A_2021 : vector<16xi1>, vector<16xf32>
        %mul3A_2027 = arith.constant 6.28318548 : f32
        %mul3A_2028 = vector.broadcast %mul3A_2027 : f32 to vector<16xf32>
        %mul3A_2029 = arith.mulf %select_n3A_2026, %mul3A_2028 : vector<16xf32>
        %sub3A_2030 = arith.subf %add3A_2016, %mul3A_2029 : vector<16xf32>
        %gt3A_2031 = arith.constant 3.14159274 : f32
        %gt3A_2032 = vector.broadcast %gt3A_2031 : f32 to vector<16xf32>
        %gt3A_2033 = arith.cmpf ogt, %sub3A_2030, %gt3A_2032 : vector<16xf32>
        %sub3A_2034 = arith.constant 6.28318548 : f32
        %sub3A_2035 = vector.broadcast %sub3A_2034 : f32 to vector<16xf32>
        %sub3A_2036 = arith.subf %sub3A_2030, %sub3A_2035 : vector<16xf32>
        %select_n3A_2037 = arith.select %gt3A_2033, %sub3A_2036, %sub3A_2030 : vector<16xi1>, vector<16xf32>
        %mul3A_2038 = arith.mulf %get3A_1961, %get3A_5 : vector<16xf32>
        %add3A_2039 = arith.addf %mul3A_2038, %get3A_5 : vector<16xf32>
        %mul3A_2040 = arith.mulf %get3A_1965, %get3A_9 : vector<16xf32>
        %add3A_2041 = arith.addf %mul3A_2040, %get3A_9 : vector<16xf32>
        %mul3A_2042 = arith.mulf %get3A_1969, %get3A_13 : vector<16xf32>
        %add3A_2043 = arith.addf %mul3A_2042, %get3A_13 : vector<16xf32>
        %ge3A_2044 = arith.constant 0.000000e+00 : f32
        %ge3A_2045 = vector.broadcast %ge3A_2044 : f32 to vector<16xf32>
        %ge3A_2046 = arith.cmpf oge, %get3A_1985, %ge3A_2045 : vector<16xf32>
        %jit3A_2047 = arith.constant 5.000000e-01 : f32
        %jit3A_2048 = arith.constant -5.000000e-01 : f32
        %broadcast_in_dim3A_2049 = vector.broadcast %jit3A_2047 : f32 to vector<16xf32>
        %broadcast_in_dim3A_2050 = vector.broadcast %jit3A_2048 : f32 to vector<16xf32>
        %select_n3A_2051 = arith.select %ge3A_2046, %broadcast_in_dim3A_2049, %broadcast_in_dim3A_2050 : vector<16xi1>, vector<16xf32>
        %mul3A_2052 = arith.constant 0.636619746 : f32
        %mul3A_2053 = vector.broadcast %mul3A_2052 : f32 to vector<16xf32>
        %mul3A_2054 = arith.mulf %get3A_1985, %mul3A_2053 : vector<16xf32>
        %add3A_2055 = arith.addf %mul3A_2054, %select_n3A_2051 : vector<16xf32>
        %convert_element_type3A_2056 = arith.fptosi %add3A_2055 : vector<16xf32> to vector<16xi32>
        %convert_element_type3A_2057 = arith.sitofp %convert_element_type3A_2056 : vector<16xi32> to vector<16xf32>
        %convert_element_type3A_2058 = arith.fptosi %convert_element_type3A_2057 : vector<16xf32> to vector<16xi32>
        %mul3A_2059 = arith.constant 1.5703125 : f32
        %mul3A_2060 = vector.broadcast %mul3A_2059 : f32 to vector<16xf32>
        %mul3A_2061 = arith.mulf %convert_element_type3A_2057, %mul3A_2060 : vector<16xf32>
        %sub3A_2062 = arith.subf %get3A_1985, %mul3A_2061 : vector<16xf32>
        %mul3A_2063 = arith.constant 4.83751297E-4 : f32
        %mul3A_2064 = vector.broadcast %mul3A_2063 : f32 to vector<16xf32>
        %mul3A_2065 = arith.mulf %convert_element_type3A_2057, %mul3A_2064 : vector<16xf32>
        %sub3A_2066 = arith.subf %sub3A_2062, %mul3A_2065 : vector<16xf32>
        %mul3A_2067 = arith.constant 7.549790e-08 : f32
        %mul3A_2068 = vector.broadcast %mul3A_2067 : f32 to vector<16xf32>
        %mul3A_2069 = arith.mulf %convert_element_type3A_2057, %mul3A_2068 : vector<16xf32>
        %sub3A_2070 = arith.subf %sub3A_2066, %mul3A_2069 : vector<16xf32>
        %mul3A_2071 = arith.mulf %sub3A_2070, %sub3A_2070 : vector<16xf32>
        %mul3A_2072 = arith.mulf %sub3A_2070, %mul3A_2071 : vector<16xf32>
        %mul3A_2073 = arith.constant -1.95152956E-4 : f32
        %mul3A_2074 = vector.broadcast %mul3A_2073 : f32 to vector<16xf32>
        %mul3A_2075 = arith.mulf %mul3A_2071, %mul3A_2074 : vector<16xf32>
        %add3A_2076 = arith.constant 0.00833216123 : f32
        %add3A_2077 = vector.broadcast %add3A_2076 : f32 to vector<16xf32>
        %add3A_2078 = arith.addf %add3A_2077, %mul3A_2075 : vector<16xf32>
        %mul3A_2079 = arith.mulf %mul3A_2071, %add3A_2078 : vector<16xf32>
        %add3A_2080 = arith.constant -0.166666552 : f32
        %add3A_2081 = vector.broadcast %add3A_2080 : f32 to vector<16xf32>
        %add3A_2082 = arith.addf %add3A_2081, %mul3A_2079 : vector<16xf32>
        %mul3A_2083 = arith.mulf %mul3A_2072, %add3A_2082 : vector<16xf32>
        %add3A_2084 = arith.addf %sub3A_2070, %mul3A_2083 : vector<16xf32>
        %mul3A_2085 = arith.constant 2.44331568E-5 : f32
        %mul3A_2086 = vector.broadcast %mul3A_2085 : f32 to vector<16xf32>
        %mul3A_2087 = arith.mulf %mul3A_2071, %mul3A_2086 : vector<16xf32>
        %add3A_2088 = arith.constant -0.00138873165 : f32
        %add3A_2089 = vector.broadcast %add3A_2088 : f32 to vector<16xf32>
        %add3A_2090 = arith.addf %add3A_2089, %mul3A_2087 : vector<16xf32>
        %mul3A_2091 = arith.mulf %mul3A_2071, %add3A_2090 : vector<16xf32>
        %add3A_2092 = arith.constant 0.0416666456 : f32
        %add3A_2093 = vector.broadcast %add3A_2092 : f32 to vector<16xf32>
        %add3A_2094 = arith.addf %add3A_2093, %mul3A_2091 : vector<16xf32>
        %mul3A_2095 = arith.mulf %mul3A_2071, %add3A_2094 : vector<16xf32>
        %add3A_2096 = arith.constant -5.000000e-01 : f32
        %add3A_2097 = vector.broadcast %add3A_2096 : f32 to vector<16xf32>
        %add3A_2098 = arith.addf %add3A_2097, %mul3A_2095 : vector<16xf32>
        %mul3A_2099 = arith.mulf %mul3A_2071, %add3A_2098 : vector<16xf32>
        %add3A_2100 = arith.constant 1.000000e+00 : f32
        %add3A_2101 = vector.broadcast %add3A_2100 : f32 to vector<16xf32>
        %add3A_2102 = arith.addf %add3A_2101, %mul3A_2099 : vector<16xf32>
        %and3A_2103 = arith.constant 3 : i32
        %and3A_2104 = vector.broadcast %and3A_2103 : i32 to vector<16xi32>
        %and3A_2105 = arith.andi %convert_element_type3A_2058, %and3A_2104 : vector<16xi32>
        %and3A_2106 = arith.constant 1 : i32
        %and3A_2107 = vector.broadcast %and3A_2106 : i32 to vector<16xi32>
        %and3A_2108 = arith.andi %and3A_2105, %and3A_2107 : vector<16xi32>
        %eq3A_2109 = arith.constant 1 : i32
        %eq3A_2110 = vector.broadcast %eq3A_2109 : i32 to vector<16xi32>
        %eq3A_2111 = arith.cmpi eq, %and3A_2108, %eq3A_2110 : vector<16xi32>
        %select_n3A_2112 = arith.select %eq3A_2111, %add3A_2102, %add3A_2084 : vector<16xi1>, vector<16xf32>
        %select_n3A_2113 = arith.select %eq3A_2111, %add3A_2084, %add3A_2102 : vector<16xi1>, vector<16xf32>
        %ge3A_2114 = arith.constant 2 : i32
        %ge3A_2115 = vector.broadcast %ge3A_2114 : i32 to vector<16xi32>
        %ge3A_2116 = arith.cmpi sge, %and3A_2105, %ge3A_2115 : vector<16xi32>
        %neg3A_2117 = arith.constant 0.000000e+00 : f32
        %neg3A_2118 = vector.broadcast %neg3A_2117 : f32 to vector<16xf32>
        %neg3A_2119 = arith.subf %neg3A_2118, %select_n3A_2112 : vector<16xf32>
        %select_n3A_2120 = arith.select %ge3A_2116, %neg3A_2119, %select_n3A_2112 : vector<16xi1>, vector<16xf32>
        %eq3A_2121 = arith.constant 1 : i32
        %eq3A_2122 = vector.broadcast %eq3A_2121 : i32 to vector<16xi32>
        %eq3A_2123 = arith.cmpi eq, %and3A_2105, %eq3A_2122 : vector<16xi32>
        %eq3A_2124 = arith.constant 2 : i32
        %eq3A_2125 = vector.broadcast %eq3A_2124 : i32 to vector<16xi32>
        %eq3A_2126 = arith.cmpi eq, %and3A_2105, %eq3A_2125 : vector<16xi32>
        %or3A_2127 = arith.ori %eq3A_2123, %eq3A_2126 : vector<16xi1>
        %neg3A_2128 = arith.constant 0.000000e+00 : f32
        %neg3A_2129 = vector.broadcast %neg3A_2128 : f32 to vector<16xf32>
        %neg3A_2130 = arith.subf %neg3A_2129, %select_n3A_2113 : vector<16xf32>
        %select_n3A_2131 = arith.select %or3A_2127, %neg3A_2130, %select_n3A_2113 : vector<16xi1>, vector<16xf32>
        %mul3A_2132 = arith.mulf %add3A_1996, %select_n3A_2131 : vector<16xf32>
        %mul3A_2133 = arith.mulf %add3A_2007, %select_n3A_2120 : vector<16xf32>
        %add3A_2134 = arith.addf %mul3A_2132, %mul3A_2133 : vector<16xf32>
        %add3A_2135 = arith.addf %add3A_2134, %get3A_1973 : vector<16xf32>
        %neg3A_2136 = arith.constant 0.000000e+00 : f32
        %neg3A_2137 = vector.broadcast %neg3A_2136 : f32 to vector<16xf32>
        %neg3A_2138 = arith.subf %neg3A_2137, %add3A_1996 : vector<16xf32>
        %mul3A_2139 = arith.mulf %neg3A_2138, %select_n3A_2120 : vector<16xf32>
        %mul3A_2140 = arith.mulf %add3A_2007, %select_n3A_2131 : vector<16xf32>
        %add3A_2141 = arith.addf %mul3A_2139, %mul3A_2140 : vector<16xf32>
        %add3A_2142 = arith.addf %add3A_2141, %get3A_1981 : vector<16xf32>
        %add3A_2143 = arith.addf %select_n3A_2037, %get3A_1985 : vector<16xf32>
        %swap3A_2144 = arith.constant 0 : i32
        %swap3A_2145 = arith.index_cast %swap3A_2144 : i32 to index
        %swap3A_2146 = arith.index_cast %mul3A_1461 : i32 to index
        %swap3A_2147 = tpu.vector_load %arg9[%swap3A_2145, %swap3A_2146] {strides = array<i32>} : memref<7x640xf32, #tpu.memory_space<vmem>>, vector<16xf32>,
        tpu.vector_store %arg9[%swap3A_2145, %swap3A_2146], %add3A_2135 {strides = array<i32>} : memref<7x640xf32, #tpu.memory_space<vmem>>, vector<16xf32>,
        %swap3A_2148 = arith.constant 1 : i32
        %swap3A_2149 = arith.index_cast %swap3A_2148 : i32 to index
        %swap3A_2150 = arith.index_cast %mul3A_1461 : i32 to index
        %swap3A_2151 = tpu.vector_load %arg9[%swap3A_2149, %swap3A_2150] {strides = array<i32>} : memref<7x640xf32, #tpu.memory_space<vmem>>, vector<16xf32>,
        tpu.vector_store %arg9[%swap3A_2149, %swap3A_2150], %add3A_2008 {strides = array<i32>} : memref<7x640xf32, #tpu.memory_space<vmem>>, vector<16xf32>,
        %swap3A_2152 = arith.constant 2 : i32
        %swap3A_2153 = arith.index_cast %swap3A_2152 : i32 to index
        %swap3A_2154 = arith.index_cast %mul3A_1461 : i32 to index
        %swap3A_2155 = tpu.vector_load %arg9[%swap3A_2153, %swap3A_2154] {strides = array<i32>} : memref<7x640xf32, #tpu.memory_space<vmem>>, vector<16xf32>,
        tpu.vector_store %arg9[%swap3A_2153, %swap3A_2154], %add3A_2142 {strides = array<i32>} : memref<7x640xf32, #tpu.memory_space<vmem>>, vector<16xf32>,
        %swap3A_2156 = arith.constant 3 : i32
        %swap3A_2157 = arith.index_cast %swap3A_2156 : i32 to index
        %swap3A_2158 = arith.index_cast %mul3A_1461 : i32 to index
        %swap3A_2159 = tpu.vector_load %arg9[%swap3A_2157, %swap3A_2158] {strides = array<i32>} : memref<7x640xf32, #tpu.memory_space<vmem>>, vector<16xf32>,
        tpu.vector_store %arg9[%swap3A_2157, %swap3A_2158], %add3A_2039 {strides = array<i32>} : memref<7x640xf32, #tpu.memory_space<vmem>>, vector<16xf32>,
        %swap3A_2160 = arith.constant 4 : i32
        %swap3A_2161 = arith.index_cast %swap3A_2160 : i32 to index
        %swap3A_2162 = arith.index_cast %mul3A_1461 : i32 to index
        %swap3A_2163 = tpu.vector_load %arg9[%swap3A_2161, %swap3A_2162] {strides = array<i32>} : memref<7x640xf32, #tpu.memory_space<vmem>>, vector<16xf32>,
        tpu.vector_store %arg9[%swap3A_2161, %swap3A_2162], %add3A_2041 {strides = array<i32>} : memref<7x640xf32, #tpu.memory_space<vmem>>, vector<16xf32>,
        %swap3A_2164 = arith.constant 5 : i32
        %swap3A_2165 = arith.index_cast %swap3A_2164 : i32 to index
        %swap3A_2166 = arith.index_cast %mul3A_1461 : i32 to index
        %swap3A_2167 = tpu.vector_load %arg9[%swap3A_2165, %swap3A_2166] {strides = array<i32>} : memref<7x640xf32, #tpu.memory_space<vmem>>, vector<16xf32>,
        tpu.vector_store %arg9[%swap3A_2165, %swap3A_2166], %add3A_2043 {strides = array<i32>} : memref<7x640xf32, #tpu.memory_space<vmem>>, vector<16xf32>,
        %swap3A_2168 = arith.constant 6 : i32
        %swap3A_2169 = arith.index_cast %swap3A_2168 : i32 to index
        %swap3A_2170 = arith.index_cast %mul3A_1461 : i32 to index
        %swap3A_2171 = tpu.vector_load %arg9[%swap3A_2169, %swap3A_2170] {strides = array<i32>} : memref<7x640xf32, #tpu.memory_space<vmem>>, vector<16xf32>,
        tpu.vector_store %arg9[%swap3A_2169, %swap3A_2170], %add3A_2143 {strides = array<i32>} : memref<7x640xf32, #tpu.memory_space<vmem>>, vector<16xf32>,
      }
      %scan3A_46 = arith.constant 8 : i32
      %get3A_47 = arith.constant 0 : i32
      %get3A_48 = arith.index_cast %get3A_47 : i32 to index
      %get3A_49 = arith.constant 0 : index
      %get3A_50 = tpu.vector_load %arg11[%get3A_48, %get3A_49] {strides = array<i32>} : memref<80x128xf32, #tpu.memory_space<vmem>>, vector<16xf32>,
      %get3A_51 = arith.constant 24 : i32
      %get3A_52 = arith.index_cast %get3A_51 : i32 to index
      %get3A_53 = arith.constant 0 : index
      %get3A_54 = tpu.vector_load %arg11[%get3A_52, %get3A_53] {strides = array<i32>} : memref<80x128xf32, #tpu.memory_space<vmem>>, vector<16xf32>,
      %broadcast_in_dim3A = arith.constant 0 : i32
      %broadcast_in_dim3A_55 = vector.broadcast %broadcast_in_dim3A : i32 to vector<16xi32>
      %get3A_56 = arith.constant 1 : i32
      %get3A_57 = arith.index_cast %get3A_56 : i32 to index
      %get3A_58 = arith.constant 0 : index
      %get3A_59 = tpu.vector_load %arg11[%get3A_57, %get3A_58] {strides = array<i32>} : memref<80x128xf32, #tpu.memory_space<vmem>>, vector<16xf32>,
      %get3A_60 = arith.constant 25 : i32
      %get3A_61 = arith.index_cast %get3A_60 : i32 to index
      %get3A_62 = arith.constant 0 : index
      %get3A_63 = tpu.vector_load %arg11[%get3A_61, %get3A_62] {strides = array<i32>} : memref<80x128xf32, #tpu.memory_space<vmem>>, vector<16xf32>,
      %gt3A = arith.cmpf ogt, %get3A_59, %get3A_50 : vector<16xf32>
      %select_n3A = arith.select %gt3A, %get3A_59, %get3A_50 : vector<16xi1>, vector<16xf32>
      %select_n3A_64 = arith.select %gt3A, %get3A_63, %get3A_54 : vector<16xi1>, vector<16xf32>
      %jit3A = arith.constant 1 : i32
      %broadcast_in_dim3A_65 = vector.broadcast %jit3A : i32 to vector<16xi32>
      %select_n3A_66 = arith.select %gt3A, %broadcast_in_dim3A_65, %broadcast_in_dim3A_55 : vector<16xi1>, vector<16xi32>
      %get3A_67 = arith.constant 2 : i32
      %get3A_68 = arith.index_cast %get3A_67 : i32 to index
      %get3A_69 = arith.constant 0 : index
      %get3A_70 = tpu.vector_load %arg11[%get3A_68, %get3A_69] {strides = array<i32>} : memref<80x128xf32, #tpu.memory_space<vmem>>, vector<16xf32>,
      %get3A_71 = arith.constant 26 : i32
      %get3A_72 = arith.index_cast %get3A_71 : i32 to index
      %get3A_73 = arith.constant 0 : index
      %get3A_74 = tpu.vector_load %arg11[%get3A_72, %get3A_73] {strides = array<i32>} : memref<80x128xf32, #tpu.memory_space<vmem>>, vector<16xf32>,
      %gt3A_75 = arith.cmpf ogt, %get3A_70, %select_n3A : vector<16xf32>
      %select_n3A_76 = arith.select %gt3A_75, %get3A_70, %select_n3A : vector<16xi1>, vector<16xf32>
      %select_n3A_77 = arith.select %gt3A_75, %get3A_74, %select_n3A_64 : vector<16xi1>, vector<16xf32>
      %jit3A_78 = arith.constant 2 : i32
      %broadcast_in_dim3A_79 = vector.broadcast %jit3A_78 : i32 to vector<16xi32>
      %select_n3A_80 = arith.select %gt3A_75, %broadcast_in_dim3A_79, %select_n3A_66 : vector<16xi1>, vector<16xi32>
      %get3A_81 = arith.constant 3 : i32
      %get3A_82 = arith.index_cast %get3A_81 : i32 to index
      %get3A_83 = arith.constant 0 : index
      %get3A_84 = tpu.vector_load %arg11[%get3A_82, %get3A_83] {strides = array<i32>} : memref<80x128xf32, #tpu.memory_space<vmem>>, vector<16xf32>,
      %get3A_85 = arith.constant 27 : i32
      %get3A_86 = arith.index_cast %get3A_85 : i32 to index
      %get3A_87 = arith.constant 0 : index
      %get3A_88 = tpu.vector_load %arg11[%get3A_86, %get3A_87] {strides = array<i32>} : memref<80x128xf32, #tpu.memory_space<vmem>>, vector<16xf32>,
      %gt3A_89 = arith.cmpf ogt, %get3A_84, %select_n3A_76 : vector<16xf32>
      %select_n3A_90 = arith.select %gt3A_89, %get3A_84, %select_n3A_76 : vector<16xi1>, vector<16xf32>
      %select_n3A_91 = arith.select %gt3A_89, %get3A_88, %select_n3A_77 : vector<16xi1>, vector<16xf32>
      %jit3A_92 = arith.constant 3 : i32
      %broadcast_in_dim3A_93 = vector.broadcast %jit3A_92 : i32 to vector<16xi32>
      %select_n3A_94 = arith.select %gt3A_89, %broadcast_in_dim3A_93, %select_n3A_80 : vector<16xi1>, vector<16xi32>
      %get3A_95 = arith.constant 4 : i32
      %get3A_96 = arith.index_cast %get3A_95 : i32 to index
      %get3A_97 = arith.constant 0 : index
      %get3A_98 = tpu.vector_load %arg11[%get3A_96, %get3A_97] {strides = array<i32>} : memref<80x128xf32, #tpu.memory_space<vmem>>, vector<16xf32>,
      %get3A_99 = arith.constant 28 : i32
      %get3A_100 = arith.index_cast %get3A_99 : i32 to index
      %get3A_101 = arith.constant 0 : index
      %get3A_102 = tpu.vector_load %arg11[%get3A_100, %get3A_101] {strides = array<i32>} : memref<80x128xf32, #tpu.memory_space<vmem>>, vector<16xf32>,
      %gt3A_103 = arith.cmpf ogt, %get3A_98, %select_n3A_90 : vector<16xf32>
      %select_n3A_104 = arith.select %gt3A_103, %get3A_98, %select_n3A_90 : vector<16xi1>, vector<16xf32>
      %select_n3A_105 = arith.select %gt3A_103, %get3A_102, %select_n3A_91 : vector<16xi1>, vector<16xf32>
      %jit3A_106 = arith.constant 4 : i32
      %broadcast_in_dim3A_107 = vector.broadcast %jit3A_106 : i32 to vector<16xi32>
      %select_n3A_108 = arith.select %gt3A_103, %broadcast_in_dim3A_107, %select_n3A_94 : vector<16xi1>, vector<16xi32>
      %get3A_109 = arith.constant 5 : i32
      %get3A_110 = arith.index_cast %get3A_109 : i32 to index
      %get3A_111 = arith.constant 0 : index
      %get3A_112 = tpu.vector_load %arg11[%get3A_110, %get3A_111] {strides = array<i32>} : memref<80x128xf32, #tpu.memory_space<vmem>>, vector<16xf32>,
      %get3A_113 = arith.constant 29 : i32
      %get3A_114 = arith.index_cast %get3A_113 : i32 to index
      %get3A_115 = arith.constant 0 : index
      %get3A_116 = tpu.vector_load %arg11[%get3A_114, %get3A_115] {strides = array<i32>} : memref<80x128xf32, #tpu.memory_space<vmem>>, vector<16xf32>,
      %gt3A_117 = arith.cmpf ogt, %get3A_112, %select_n3A_104 : vector<16xf32>
      %select_n3A_118 = arith.select %gt3A_117, %get3A_112, %select_n3A_104 : vector<16xi1>, vector<16xf32>
      %select_n3A_119 = arith.select %gt3A_117, %get3A_116, %select_n3A_105 : vector<16xi1>, vector<16xf32>
      %jit3A_120 = arith.constant 5 : i32
      %broadcast_in_dim3A_121 = vector.broadcast %jit3A_120 : i32 to vector<16xi32>
      %select_n3A_122 = arith.select %gt3A_117, %broadcast_in_dim3A_121, %select_n3A_108 : vector<16xi1>, vector<16xi32>
      %get3A_123 = arith.constant 6 : i32
      %get3A_124 = arith.index_cast %get3A_123 : i32 to index
      %get3A_125 = arith.constant 0 : index
      %get3A_126 = tpu.vector_load %arg11[%get3A_124, %get3A_125] {strides = array<i32>} : memref<80x128xf32, #tpu.memory_space<vmem>>, vector<16xf32>,
      %get3A_127 = arith.constant 30 : i32
      %get3A_128 = arith.index_cast %get3A_127 : i32 to index
      %get3A_129 = arith.constant 0 : index
      %get3A_130 = tpu.vector_load %arg11[%get3A_128, %get3A_129] {strides = array<i32>} : memref<80x128xf32, #tpu.memory_space<vmem>>, vector<16xf32>,
      %gt3A_131 = arith.cmpf ogt, %get3A_126, %select_n3A_118 : vector<16xf32>
      %select_n3A_132 = arith.select %gt3A_131, %get3A_126, %select_n3A_118 : vector<16xi1>, vector<16xf32>
      %select_n3A_133 = arith.select %gt3A_131, %get3A_130, %select_n3A_119 : vector<16xi1>, vector<16xf32>
      %jit3A_134 = arith.constant 6 : i32
      %broadcast_in_dim3A_135 = vector.broadcast %jit3A_134 : i32 to vector<16xi32>
      %select_n3A_136 = arith.select %gt3A_131, %broadcast_in_dim3A_135, %select_n3A_122 : vector<16xi1>, vector<16xi32>
      %get3A_137 = arith.constant 7 : i32
      %get3A_138 = arith.index_cast %get3A_137 : i32 to index
      %get3A_139 = arith.constant 0 : index
      %get3A_140 = tpu.vector_load %arg11[%get3A_138, %get3A_139] {strides = array<i32>} : memref<80x128xf32, #tpu.memory_space<vmem>>, vector<16xf32>,
      %get3A_141 = arith.constant 31 : i32
      %get3A_142 = arith.index_cast %get3A_141 : i32 to index
      %get3A_143 = arith.constant 0 : index
      %get3A_144 = tpu.vector_load %arg11[%get3A_142, %get3A_143] {strides = array<i32>} : memref<80x128xf32, #tpu.memory_space<vmem>>, vector<16xf32>,
      %gt3A_145 = arith.cmpf ogt, %get3A_140, %select_n3A_132 : vector<16xf32>
      %select_n3A_146 = arith.select %gt3A_145, %get3A_140, %select_n3A_132 : vector<16xi1>, vector<16xf32>
      %select_n3A_147 = arith.select %gt3A_145, %get3A_144, %select_n3A_133 : vector<16xi1>, vector<16xf32>
      %jit3A_148 = arith.constant 7 : i32
      %broadcast_in_dim3A_149 = vector.broadcast %jit3A_148 : i32 to vector<16xi32>
      %select_n3A_150 = arith.select %gt3A_145, %broadcast_in_dim3A_149, %select_n3A_136 : vector<16xi1>, vector<16xi32>
      %get3A_151 = arith.constant 8 : i32
      %get3A_152 = arith.index_cast %get3A_151 : i32 to index
      %get3A_153 = arith.constant 0 : index
      %get3A_154 = tpu.vector_load %arg11[%get3A_152, %get3A_153] {strides = array<i32>} : memref<80x128xf32, #tpu.memory_space<vmem>>, vector<16xf32>,
      %get3A_155 = arith.constant 32 : i32
      %get3A_156 = arith.index_cast %get3A_155 : i32 to index
      %get3A_157 = arith.constant 0 : index
      %get3A_158 = tpu.vector_load %arg11[%get3A_156, %get3A_157] {strides = array<i32>} : memref<80x128xf32, #tpu.memory_space<vmem>>, vector<16xf32>,
      %gt3A_159 = arith.cmpf ogt, %get3A_154, %select_n3A_146 : vector<16xf32>
      %select_n3A_160 = arith.select %gt3A_159, %get3A_154, %select_n3A_146 : vector<16xi1>, vector<16xf32>
      %select_n3A_161 = arith.select %gt3A_159, %get3A_158, %select_n3A_147 : vector<16xi1>, vector<16xf32>
      %jit3A_162 = arith.constant 8 : i32
      %broadcast_in_dim3A_163 = vector.broadcast %jit3A_162 : i32 to vector<16xi32>
      %select_n3A_164 = arith.select %gt3A_159, %broadcast_in_dim3A_163, %select_n3A_150 : vector<16xi1>, vector<16xi32>
      %get3A_165 = arith.constant 9 : i32
      %get3A_166 = arith.index_cast %get3A_165 : i32 to index
      %get3A_167 = arith.constant 0 : index
      %get3A_168 = tpu.vector_load %arg11[%get3A_166, %get3A_167] {strides = array<i32>} : memref<80x128xf32, #tpu.memory_space<vmem>>, vector<16xf32>,
      %get3A_169 = arith.constant 33 : i32
      %get3A_170 = arith.index_cast %get3A_169 : i32 to index
      %get3A_171 = arith.constant 0 : index
      %get3A_172 = tpu.vector_load %arg11[%get3A_170, %get3A_171] {strides = array<i32>} : memref<80x128xf32, #tpu.memory_space<vmem>>, vector<16xf32>,
      %gt3A_173 = arith.cmpf ogt, %get3A_168, %select_n3A_160 : vector<16xf32>
      %select_n3A_174 = arith.select %gt3A_173, %get3A_168, %select_n3A_160 : vector<16xi1>, vector<16xf32>
      %select_n3A_175 = arith.select %gt3A_173, %get3A_172, %select_n3A_161 : vector<16xi1>, vector<16xf32>
      %jit3A_176 = arith.constant 9 : i32
      %broadcast_in_dim3A_177 = vector.broadcast %jit3A_176 : i32 to vector<16xi32>
      %select_n3A_178 = arith.select %gt3A_173, %broadcast_in_dim3A_177, %select_n3A_164 : vector<16xi1>, vector<16xi32>
      %get3A_179 = arith.constant 10 : i32
      %get3A_180 = arith.index_cast %get3A_179 : i32 to index
      %get3A_181 = arith.constant 0 : index
      %get3A_182 = tpu.vector_load %arg11[%get3A_180, %get3A_181] {strides = array<i32>} : memref<80x128xf32, #tpu.memory_space<vmem>>, vector<16xf32>,
      %get3A_183 = arith.constant 34 : i32
      %get3A_184 = arith.index_cast %get3A_183 : i32 to index
      %get3A_185 = arith.constant 0 : index
      %get3A_186 = tpu.vector_load %arg11[%get3A_184, %get3A_185] {strides = array<i32>} : memref<80x128xf32, #tpu.memory_space<vmem>>, vector<16xf32>,
      %gt3A_187 = arith.cmpf ogt, %get3A_182, %select_n3A_174 : vector<16xf32>
      %select_n3A_188 = arith.select %gt3A_187, %get3A_182, %select_n3A_174 : vector<16xi1>, vector<16xf32>
      %select_n3A_189 = arith.select %gt3A_187, %get3A_186, %select_n3A_175 : vector<16xi1>, vector<16xf32>
      %jit3A_190 = arith.constant 10 : i32
      %broadcast_in_dim3A_191 = vector.broadcast %jit3A_190 : i32 to vector<16xi32>
      %select_n3A_192 = arith.select %gt3A_187, %broadcast_in_dim3A_191, %select_n3A_178 : vector<16xi1>, vector<16xi32>
      %get3A_193 = arith.constant 11 : i32
      %get3A_194 = arith.index_cast %get3A_193 : i32 to index
      %get3A_195 = arith.constant 0 : index
      %get3A_196 = tpu.vector_load %arg11[%get3A_194, %get3A_195] {strides = array<i32>} : memref<80x128xf32, #tpu.memory_space<vmem>>, vector<16xf32>,
      %get3A_197 = arith.constant 35 : i32
      %get3A_198 = arith.index_cast %get3A_197 : i32 to index
      %get3A_199 = arith.constant 0 : index
      %get3A_200 = tpu.vector_load %arg11[%get3A_198, %get3A_199] {strides = array<i32>} : memref<80x128xf32, #tpu.memory_space<vmem>>, vector<16xf32>,
      %gt3A_201 = arith.cmpf ogt, %get3A_196, %select_n3A_188 : vector<16xf32>
      %select_n3A_202 = arith.select %gt3A_201, %get3A_196, %select_n3A_188 : vector<16xi1>, vector<16xf32>
      %select_n3A_203 = arith.select %gt3A_201, %get3A_200, %select_n3A_189 : vector<16xi1>, vector<16xf32>
      %jit3A_204 = arith.constant 11 : i32
      %broadcast_in_dim3A_205 = vector.broadcast %jit3A_204 : i32 to vector<16xi32>
      %select_n3A_206 = arith.select %gt3A_201, %broadcast_in_dim3A_205, %select_n3A_192 : vector<16xi1>, vector<16xi32>
      %get3A_207 = arith.constant 12 : i32
      %get3A_208 = arith.index_cast %get3A_207 : i32 to index
      %get3A_209 = arith.constant 0 : index
      %get3A_210 = tpu.vector_load %arg11[%get3A_208, %get3A_209] {strides = array<i32>} : memref<80x128xf32, #tpu.memory_space<vmem>>, vector<16xf32>,
      %get3A_211 = arith.constant 36 : i32
      %get3A_212 = arith.index_cast %get3A_211 : i32 to index
      %get3A_213 = arith.constant 0 : index
      %get3A_214 = tpu.vector_load %arg11[%get3A_212, %get3A_213] {strides = array<i32>} : memref<80x128xf32, #tpu.memory_space<vmem>>, vector<16xf32>,
      %broadcast_in_dim3A_215 = arith.constant 0 : i32
      %broadcast_in_dim3A_216 = vector.broadcast %broadcast_in_dim3A_215 : i32 to vector<16xi32>
      %get3A_217 = arith.constant 13 : i32
      %get3A_218 = arith.index_cast %get3A_217 : i32 to index
      %get3A_219 = arith.constant 0 : index
      %get3A_220 = tpu.vector_load %arg11[%get3A_218, %get3A_219] {strides = array<i32>} : memref<80x128xf32, #tpu.memory_space<vmem>>, vector<16xf32>,
      %get3A_221 = arith.constant 37 : i32
      %get3A_222 = arith.index_cast %get3A_221 : i32 to index
      %get3A_223 = arith.constant 0 : index
      %get3A_224 = tpu.vector_load %arg11[%get3A_222, %get3A_223] {strides = array<i32>} : memref<80x128xf32, #tpu.memory_space<vmem>>, vector<16xf32>,
      %gt3A_225 = arith.cmpf ogt, %get3A_220, %get3A_210 : vector<16xf32>
      %select_n3A_226 = arith.select %gt3A_225, %get3A_220, %get3A_210 : vector<16xi1>, vector<16xf32>
      %select_n3A_227 = arith.select %gt3A_225, %get3A_224, %get3A_214 : vector<16xi1>, vector<16xf32>
      %jit3A_228 = arith.constant 1 : i32
      %broadcast_in_dim3A_229 = vector.broadcast %jit3A_228 : i32 to vector<16xi32>
      %select_n3A_230 = arith.select %gt3A_225, %broadcast_in_dim3A_229, %broadcast_in_dim3A_216 : vector<16xi1>, vector<16xi32>
      %get3A_231 = arith.constant 14 : i32
      %get3A_232 = arith.index_cast %get3A_231 : i32 to index
      %get3A_233 = arith.constant 0 : index
      %get3A_234 = tpu.vector_load %arg11[%get3A_232, %get3A_233] {strides = array<i32>} : memref<80x128xf32, #tpu.memory_space<vmem>>, vector<16xf32>,
      %get3A_235 = arith.constant 38 : i32
      %get3A_236 = arith.index_cast %get3A_235 : i32 to index
      %get3A_237 = arith.constant 0 : index
      %get3A_238 = tpu.vector_load %arg11[%get3A_236, %get3A_237] {strides = array<i32>} : memref<80x128xf32, #tpu.memory_space<vmem>>, vector<16xf32>,
      %gt3A_239 = arith.cmpf ogt, %get3A_234, %select_n3A_226 : vector<16xf32>
      %select_n3A_240 = arith.select %gt3A_239, %get3A_234, %select_n3A_226 : vector<16xi1>, vector<16xf32>
      %select_n3A_241 = arith.select %gt3A_239, %get3A_238, %select_n3A_227 : vector<16xi1>, vector<16xf32>
      %jit3A_242 = arith.constant 2 : i32
      %broadcast_in_dim3A_243 = vector.broadcast %jit3A_242 : i32 to vector<16xi32>
      %select_n3A_244 = arith.select %gt3A_239, %broadcast_in_dim3A_243, %select_n3A_230 : vector<16xi1>, vector<16xi32>
      %get3A_245 = arith.constant 15 : i32
      %get3A_246 = arith.index_cast %get3A_245 : i32 to index
      %get3A_247 = arith.constant 0 : index
      %get3A_248 = tpu.vector_load %arg11[%get3A_246, %get3A_247] {strides = array<i32>} : memref<80x128xf32, #tpu.memory_space<vmem>>, vector<16xf32>,
      %get3A_249 = arith.constant 39 : i32
      %get3A_250 = arith.index_cast %get3A_249 : i32 to index
      %get3A_251 = arith.constant 0 : index
      %get3A_252 = tpu.vector_load %arg11[%get3A_250, %get3A_251] {strides = array<i32>} : memref<80x128xf32, #tpu.memory_space<vmem>>, vector<16xf32>,
      %gt3A_253 = arith.cmpf ogt, %get3A_248, %select_n3A_240 : vector<16xf32>
      %select_n3A_254 = arith.select %gt3A_253, %get3A_248, %select_n3A_240 : vector<16xi1>, vector<16xf32>
      %select_n3A_255 = arith.select %gt3A_253, %get3A_252, %select_n3A_241 : vector<16xi1>, vector<16xf32>
      %jit3A_256 = arith.constant 3 : i32
      %broadcast_in_dim3A_257 = vector.broadcast %jit3A_256 : i32 to vector<16xi32>
      %select_n3A_258 = arith.select %gt3A_253, %broadcast_in_dim3A_257, %select_n3A_244 : vector<16xi1>, vector<16xi32>
      %get3A_259 = arith.constant 16 : i32
      %get3A_260 = arith.index_cast %get3A_259 : i32 to index
      %get3A_261 = arith.constant 0 : index
      %get3A_262 = tpu.vector_load %arg11[%get3A_260, %get3A_261] {strides = array<i32>} : memref<80x128xf32, #tpu.memory_space<vmem>>, vector<16xf32>,
      %get3A_263 = arith.constant 40 : i32
      %get3A_264 = arith.index_cast %get3A_263 : i32 to index
      %get3A_265 = arith.constant 0 : index
      %get3A_266 = tpu.vector_load %arg11[%get3A_264, %get3A_265] {strides = array<i32>} : memref<80x128xf32, #tpu.memory_space<vmem>>, vector<16xf32>,
      %gt3A_267 = arith.cmpf ogt, %get3A_262, %select_n3A_254 : vector<16xf32>
      %select_n3A_268 = arith.select %gt3A_267, %get3A_262, %select_n3A_254 : vector<16xi1>, vector<16xf32>
      %select_n3A_269 = arith.select %gt3A_267, %get3A_266, %select_n3A_255 : vector<16xi1>, vector<16xf32>
      %jit3A_270 = arith.constant 4 : i32
      %broadcast_in_dim3A_271 = vector.broadcast %jit3A_270 : i32 to vector<16xi32>
      %select_n3A_272 = arith.select %gt3A_267, %broadcast_in_dim3A_271, %select_n3A_258 : vector<16xi1>, vector<16xi32>
      %get3A_273 = arith.constant 17 : i32
      %get3A_274 = arith.index_cast %get3A_273 : i32 to index
      %get3A_275 = arith.constant 0 : index
      %get3A_276 = tpu.vector_load %arg11[%get3A_274, %get3A_275] {strides = array<i32>} : memref<80x128xf32, #tpu.memory_space<vmem>>, vector<16xf32>,
      %get3A_277 = arith.constant 41 : i32
      %get3A_278 = arith.index_cast %get3A_277 : i32 to index
      %get3A_279 = arith.constant 0 : index
      %get3A_280 = tpu.vector_load %arg11[%get3A_278, %get3A_279] {strides = array<i32>} : memref<80x128xf32, #tpu.memory_space<vmem>>, vector<16xf32>,
      %gt3A_281 = arith.cmpf ogt, %get3A_276, %select_n3A_268 : vector<16xf32>
      %select_n3A_282 = arith.select %gt3A_281, %get3A_276, %select_n3A_268 : vector<16xi1>, vector<16xf32>
      %select_n3A_283 = arith.select %gt3A_281, %get3A_280, %select_n3A_269 : vector<16xi1>, vector<16xf32>
      %jit3A_284 = arith.constant 5 : i32
      %broadcast_in_dim3A_285 = vector.broadcast %jit3A_284 : i32 to vector<16xi32>
      %select_n3A_286 = arith.select %gt3A_281, %broadcast_in_dim3A_285, %select_n3A_272 : vector<16xi1>, vector<16xi32>
      %get3A_287 = arith.constant 18 : i32
      %get3A_288 = arith.index_cast %get3A_287 : i32 to index
      %get3A_289 = arith.constant 0 : index
      %get3A_290 = tpu.vector_load %arg11[%get3A_288, %get3A_289] {strides = array<i32>} : memref<80x128xf32, #tpu.memory_space<vmem>>, vector<16xf32>,
      %get3A_291 = arith.constant 42 : i32
      %get3A_292 = arith.index_cast %get3A_291 : i32 to index
      %get3A_293 = arith.constant 0 : index
      %get3A_294 = tpu.vector_load %arg11[%get3A_292, %get3A_293] {strides = array<i32>} : memref<80x128xf32, #tpu.memory_space<vmem>>, vector<16xf32>,
      %gt3A_295 = arith.cmpf ogt, %get3A_290, %select_n3A_282 : vector<16xf32>
      %select_n3A_296 = arith.select %gt3A_295, %get3A_290, %select_n3A_282 : vector<16xi1>, vector<16xf32>
      %select_n3A_297 = arith.select %gt3A_295, %get3A_294, %select_n3A_283 : vector<16xi1>, vector<16xf32>
      %jit3A_298 = arith.constant 6 : i32
      %broadcast_in_dim3A_299 = vector.broadcast %jit3A_298 : i32 to vector<16xi32>
      %select_n3A_300 = arith.select %gt3A_295, %broadcast_in_dim3A_299, %select_n3A_286 : vector<16xi1>, vector<16xi32>
      %get3A_301 = arith.constant 19 : i32
      %get3A_302 = arith.index_cast %get3A_301 : i32 to index
      %get3A_303 = arith.constant 0 : index
      %get3A_304 = tpu.vector_load %arg11[%get3A_302, %get3A_303] {strides = array<i32>} : memref<80x128xf32, #tpu.memory_space<vmem>>, vector<16xf32>,
      %get3A_305 = arith.constant 43 : i32
      %get3A_306 = arith.index_cast %get3A_305 : i32 to index
      %get3A_307 = arith.constant 0 : index
      %get3A_308 = tpu.vector_load %arg11[%get3A_306, %get3A_307] {strides = array<i32>} : memref<80x128xf32, #tpu.memory_space<vmem>>, vector<16xf32>,
      %gt3A_309 = arith.cmpf ogt, %get3A_304, %select_n3A_296 : vector<16xf32>
      %select_n3A_310 = arith.select %gt3A_309, %get3A_304, %select_n3A_296 : vector<16xi1>, vector<16xf32>
      %select_n3A_311 = arith.select %gt3A_309, %get3A_308, %select_n3A_297 : vector<16xi1>, vector<16xf32>
      %jit3A_312 = arith.constant 7 : i32
      %broadcast_in_dim3A_313 = vector.broadcast %jit3A_312 : i32 to vector<16xi32>
      %select_n3A_314 = arith.select %gt3A_309, %broadcast_in_dim3A_313, %select_n3A_300 : vector<16xi1>, vector<16xi32>
      %get3A_315 = arith.constant 20 : i32
      %get3A_316 = arith.index_cast %get3A_315 : i32 to index
      %get3A_317 = arith.constant 0 : index
      %get3A_318 = tpu.vector_load %arg11[%get3A_316, %get3A_317] {strides = array<i32>} : memref<80x128xf32, #tpu.memory_space<vmem>>, vector<16xf32>,
      %get3A_319 = arith.constant 44 : i32
      %get3A_320 = arith.index_cast %get3A_319 : i32 to index
      %get3A_321 = arith.constant 0 : index
      %get3A_322 = tpu.vector_load %arg11[%get3A_320, %get3A_321] {strides = array<i32>} : memref<80x128xf32, #tpu.memory_space<vmem>>, vector<16xf32>,
      %gt3A_323 = arith.cmpf ogt, %get3A_318, %select_n3A_310 : vector<16xf32>
      %select_n3A_324 = arith.select %gt3A_323, %get3A_318, %select_n3A_310 : vector<16xi1>, vector<16xf32>
      %select_n3A_325 = arith.select %gt3A_323, %get3A_322, %select_n3A_311 : vector<16xi1>, vector<16xf32>
      %jit3A_326 = arith.constant 8 : i32
      %broadcast_in_dim3A_327 = vector.broadcast %jit3A_326 : i32 to vector<16xi32>
      %select_n3A_328 = arith.select %gt3A_323, %broadcast_in_dim3A_327, %select_n3A_314 : vector<16xi1>, vector<16xi32>
      %get3A_329 = arith.constant 21 : i32
      %get3A_330 = arith.index_cast %get3A_329 : i32 to index
      %get3A_331 = arith.constant 0 : index
      %get3A_332 = tpu.vector_load %arg11[%get3A_330, %get3A_331] {strides = array<i32>} : memref<80x128xf32, #tpu.memory_space<vmem>>, vector<16xf32>,
      %get3A_333 = arith.constant 45 : i32
      %get3A_334 = arith.index_cast %get3A_333 : i32 to index
      %get3A_335 = arith.constant 0 : index
      %get3A_336 = tpu.vector_load %arg11[%get3A_334, %get3A_335] {strides = array<i32>} : memref<80x128xf32, #tpu.memory_space<vmem>>, vector<16xf32>,
      %gt3A_337 = arith.cmpf ogt, %get3A_332, %select_n3A_324 : vector<16xf32>
      %select_n3A_338 = arith.select %gt3A_337, %get3A_332, %select_n3A_324 : vector<16xi1>, vector<16xf32>
      %select_n3A_339 = arith.select %gt3A_337, %get3A_336, %select_n3A_325 : vector<16xi1>, vector<16xf32>
      %jit3A_340 = arith.constant 9 : i32
      %broadcast_in_dim3A_341 = vector.broadcast %jit3A_340 : i32 to vector<16xi32>
      %select_n3A_342 = arith.select %gt3A_337, %broadcast_in_dim3A_341, %select_n3A_328 : vector<16xi1>, vector<16xi32>
      %get3A_343 = arith.constant 22 : i32
      %get3A_344 = arith.index_cast %get3A_343 : i32 to index
      %get3A_345 = arith.constant 0 : index
      %get3A_346 = tpu.vector_load %arg11[%get3A_344, %get3A_345] {strides = array<i32>} : memref<80x128xf32, #tpu.memory_space<vmem>>, vector<16xf32>,
      %get3A_347 = arith.constant 46 : i32
      %get3A_348 = arith.index_cast %get3A_347 : i32 to index
      %get3A_349 = arith.constant 0 : index
      %get3A_350 = tpu.vector_load %arg11[%get3A_348, %get3A_349] {strides = array<i32>} : memref<80x128xf32, #tpu.memory_space<vmem>>, vector<16xf32>,
      %gt3A_351 = arith.cmpf ogt, %get3A_346, %select_n3A_338 : vector<16xf32>
      %select_n3A_352 = arith.select %gt3A_351, %get3A_346, %select_n3A_338 : vector<16xi1>, vector<16xf32>
      %select_n3A_353 = arith.select %gt3A_351, %get3A_350, %select_n3A_339 : vector<16xi1>, vector<16xf32>
      %jit3A_354 = arith.constant 10 : i32
      %broadcast_in_dim3A_355 = vector.broadcast %jit3A_354 : i32 to vector<16xi32>
      %select_n3A_356 = arith.select %gt3A_351, %broadcast_in_dim3A_355, %select_n3A_342 : vector<16xi1>, vector<16xi32>
      %get3A_357 = arith.constant 23 : i32
      %get3A_358 = arith.index_cast %get3A_357 : i32 to index
      %get3A_359 = arith.constant 0 : index
      %get3A_360 = tpu.vector_load %arg11[%get3A_358, %get3A_359] {strides = array<i32>} : memref<80x128xf32, #tpu.memory_space<vmem>>, vector<16xf32>,
      %get3A_361 = arith.constant 47 : i32
      %get3A_362 = arith.index_cast %get3A_361 : i32 to index
      %get3A_363 = arith.constant 0 : index
      %get3A_364 = tpu.vector_load %arg11[%get3A_362, %get3A_363] {strides = array<i32>} : memref<80x128xf32, #tpu.memory_space<vmem>>, vector<16xf32>,
      %gt3A_365 = arith.cmpf ogt, %get3A_360, %select_n3A_352 : vector<16xf32>
      %select_n3A_366 = arith.select %gt3A_365, %get3A_360, %select_n3A_352 : vector<16xi1>, vector<16xf32>
      %select_n3A_367 = arith.select %gt3A_365, %get3A_364, %select_n3A_353 : vector<16xi1>, vector<16xf32>
      %jit3A_368 = arith.constant 11 : i32
      %broadcast_in_dim3A_369 = vector.broadcast %jit3A_368 : i32 to vector<16xi32>
      %select_n3A_370 = arith.select %gt3A_365, %broadcast_in_dim3A_369, %select_n3A_356 : vector<16xi1>, vector<16xi32>
      %get3A_371 = arith.constant 49 : i32
      %get3A_372 = arith.index_cast %get3A_371 : i32 to index
      %get3A_373 = arith.constant 0 : index
      %get3A_374 = tpu.vector_load %arg11[%get3A_372, %get3A_373] {strides = array<i32>} : memref<80x128xf32, #tpu.memory_space<vmem>>, vector<16xf32>,
      %get3A_375 = arith.constant 61 : i32
      %get3A_376 = arith.index_cast %get3A_375 : i32 to index
      %get3A_377 = arith.constant 0 : index
      %get3A_378 = tpu.vector_load %arg11[%get3A_376, %get3A_377] {strides = array<i32>} : memref<80x128xf32, #tpu.memory_space<vmem>>, vector<16xf32>,
      %broadcast_in_dim3A_379 = arith.constant 0 : i32
      %broadcast_in_dim3A_380 = vector.broadcast %broadcast_in_dim3A_379 : i32 to vector<16xi32>
      %get3A_381 = arith.constant 50 : i32
      %get3A_382 = arith.index_cast %get3A_381 : i32 to index
      %get3A_383 = arith.constant 0 : index
      %get3A_384 = tpu.vector_load %arg11[%get3A_382, %get3A_383] {strides = array<i32>} : memref<80x128xf32, #tpu.memory_space<vmem>>, vector<16xf32>,
      %get3A_385 = arith.constant 62 : i32
      %get3A_386 = arith.index_cast %get3A_385 : i32 to index
      %get3A_387 = arith.constant 0 : index
      %get3A_388 = tpu.vector_load %arg11[%get3A_386, %get3A_387] {strides = array<i32>} : memref<80x128xf32, #tpu.memory_space<vmem>>, vector<16xf32>,
      %gt3A_389 = arith.cmpf ogt, %get3A_384, %get3A_374 : vector<16xf32>
      %select_n3A_390 = arith.select %gt3A_389, %get3A_384, %get3A_374 : vector<16xi1>, vector<16xf32>
      %select_n3A_391 = arith.select %gt3A_389, %get3A_388, %get3A_378 : vector<16xi1>, vector<16xf32>
      %jit3A_392 = arith.constant 1 : i32
      %broadcast_in_dim3A_393 = vector.broadcast %jit3A_392 : i32 to vector<16xi32>
      %select_n3A_394 = arith.select %gt3A_389, %broadcast_in_dim3A_393, %broadcast_in_dim3A_380 : vector<16xi1>, vector<16xi32>
      %get3A_395 = arith.constant 51 : i32
      %get3A_396 = arith.index_cast %get3A_395 : i32 to index
      %get3A_397 = arith.constant 0 : index
      %get3A_398 = tpu.vector_load %arg11[%get3A_396, %get3A_397] {strides = array<i32>} : memref<80x128xf32, #tpu.memory_space<vmem>>, vector<16xf32>,
      %get3A_399 = arith.constant 63 : i32
      %get3A_400 = arith.index_cast %get3A_399 : i32 to index
      %get3A_401 = arith.constant 0 : index
      %get3A_402 = tpu.vector_load %arg11[%get3A_400, %get3A_401] {strides = array<i32>} : memref<80x128xf32, #tpu.memory_space<vmem>>, vector<16xf32>,
      %gt3A_403 = arith.cmpf ogt, %get3A_398, %select_n3A_390 : vector<16xf32>
      %select_n3A_404 = arith.select %gt3A_403, %get3A_398, %select_n3A_390 : vector<16xi1>, vector<16xf32>
      %select_n3A_405 = arith.select %gt3A_403, %get3A_402, %select_n3A_391 : vector<16xi1>, vector<16xf32>
      %jit3A_406 = arith.constant 2 : i32
      %broadcast_in_dim3A_407 = vector.broadcast %jit3A_406 : i32 to vector<16xi32>
      %select_n3A_408 = arith.select %gt3A_403, %broadcast_in_dim3A_407, %select_n3A_394 : vector<16xi1>, vector<16xi32>
      %get3A_409 = arith.constant 52 : i32
      %get3A_410 = arith.index_cast %get3A_409 : i32 to index
      %get3A_411 = arith.constant 0 : index
      %get3A_412 = tpu.vector_load %arg11[%get3A_410, %get3A_411] {strides = array<i32>} : memref<80x128xf32, #tpu.memory_space<vmem>>, vector<16xf32>,
      %get3A_413 = arith.constant 64 : i32
      %get3A_414 = arith.index_cast %get3A_413 : i32 to index
      %get3A_415 = arith.constant 0 : index
      %get3A_416 = tpu.vector_load %arg11[%get3A_414, %get3A_415] {strides = array<i32>} : memref<80x128xf32, #tpu.memory_space<vmem>>, vector<16xf32>,
      %gt3A_417 = arith.cmpf ogt, %get3A_412, %select_n3A_404 : vector<16xf32>
      %select_n3A_418 = arith.select %gt3A_417, %get3A_412, %select_n3A_404 : vector<16xi1>, vector<16xf32>
      %select_n3A_419 = arith.select %gt3A_417, %get3A_416, %select_n3A_405 : vector<16xi1>, vector<16xf32>
      %jit3A_420 = arith.constant 3 : i32
      %broadcast_in_dim3A_421 = vector.broadcast %jit3A_420 : i32 to vector<16xi32>
      %select_n3A_422 = arith.select %gt3A_417, %broadcast_in_dim3A_421, %select_n3A_408 : vector<16xi1>, vector<16xi32>
      %get3A_423 = arith.constant 53 : i32
      %get3A_424 = arith.index_cast %get3A_423 : i32 to index
      %get3A_425 = arith.constant 0 : index
      %get3A_426 = tpu.vector_load %arg11[%get3A_424, %get3A_425] {strides = array<i32>} : memref<80x128xf32, #tpu.memory_space<vmem>>, vector<16xf32>,
      %get3A_427 = arith.constant 65 : i32
      %get3A_428 = arith.index_cast %get3A_427 : i32 to index
      %get3A_429 = arith.constant 0 : index
      %get3A_430 = tpu.vector_load %arg11[%get3A_428, %get3A_429] {strides = array<i32>} : memref<80x128xf32, #tpu.memory_space<vmem>>, vector<16xf32>,
      %gt3A_431 = arith.cmpf ogt, %get3A_426, %select_n3A_418 : vector<16xf32>
      %select_n3A_432 = arith.select %gt3A_431, %get3A_426, %select_n3A_418 : vector<16xi1>, vector<16xf32>
      %select_n3A_433 = arith.select %gt3A_431, %get3A_430, %select_n3A_419 : vector<16xi1>, vector<16xf32>
      %jit3A_434 = arith.constant 4 : i32
      %broadcast_in_dim3A_435 = vector.broadcast %jit3A_434 : i32 to vector<16xi32>
      %select_n3A_436 = arith.select %gt3A_431, %broadcast_in_dim3A_435, %select_n3A_422 : vector<16xi1>, vector<16xi32>
      %get3A_437 = arith.constant 54 : i32
      %get3A_438 = arith.index_cast %get3A_437 : i32 to index
      %get3A_439 = arith.constant 0 : index
      %get3A_440 = tpu.vector_load %arg11[%get3A_438, %get3A_439] {strides = array<i32>} : memref<80x128xf32, #tpu.memory_space<vmem>>, vector<16xf32>,
      %get3A_441 = arith.constant 66 : i32
      %get3A_442 = arith.index_cast %get3A_441 : i32 to index
      %get3A_443 = arith.constant 0 : index
      %get3A_444 = tpu.vector_load %arg11[%get3A_442, %get3A_443] {strides = array<i32>} : memref<80x128xf32, #tpu.memory_space<vmem>>, vector<16xf32>,
      %gt3A_445 = arith.cmpf ogt, %get3A_440, %select_n3A_432 : vector<16xf32>
      %select_n3A_446 = arith.select %gt3A_445, %get3A_440, %select_n3A_432 : vector<16xi1>, vector<16xf32>
      %select_n3A_447 = arith.select %gt3A_445, %get3A_444, %select_n3A_433 : vector<16xi1>, vector<16xf32>
      %jit3A_448 = arith.constant 5 : i32
      %broadcast_in_dim3A_449 = vector.broadcast %jit3A_448 : i32 to vector<16xi32>
      %select_n3A_450 = arith.select %gt3A_445, %broadcast_in_dim3A_449, %select_n3A_436 : vector<16xi1>, vector<16xi32>
      %get3A_451 = arith.constant 55 : i32
      %get3A_452 = arith.index_cast %get3A_451 : i32 to index
      %get3A_453 = arith.constant 0 : index
      %get3A_454 = tpu.vector_load %arg11[%get3A_452, %get3A_453] {strides = array<i32>} : memref<80x128xf32, #tpu.memory_space<vmem>>, vector<16xf32>,
      %get3A_455 = arith.constant 67 : i32
      %get3A_456 = arith.index_cast %get3A_455 : i32 to index
      %get3A_457 = arith.constant 0 : index
      %get3A_458 = tpu.vector_load %arg11[%get3A_456, %get3A_457] {strides = array<i32>} : memref<80x128xf32, #tpu.memory_space<vmem>>, vector<16xf32>,
      %gt3A_459 = arith.cmpf ogt, %get3A_454, %select_n3A_446 : vector<16xf32>
      %select_n3A_460 = arith.select %gt3A_459, %get3A_454, %select_n3A_446 : vector<16xi1>, vector<16xf32>
      %select_n3A_461 = arith.select %gt3A_459, %get3A_458, %select_n3A_447 : vector<16xi1>, vector<16xf32>
      %jit3A_462 = arith.constant 6 : i32
      %broadcast_in_dim3A_463 = vector.broadcast %jit3A_462 : i32 to vector<16xi32>
      %select_n3A_464 = arith.select %gt3A_459, %broadcast_in_dim3A_463, %select_n3A_450 : vector<16xi1>, vector<16xi32>
      %get3A_465 = arith.constant 56 : i32
      %get3A_466 = arith.index_cast %get3A_465 : i32 to index
      %get3A_467 = arith.constant 0 : index
      %get3A_468 = tpu.vector_load %arg11[%get3A_466, %get3A_467] {strides = array<i32>} : memref<80x128xf32, #tpu.memory_space<vmem>>, vector<16xf32>,
      %get3A_469 = arith.constant 68 : i32
      %get3A_470 = arith.index_cast %get3A_469 : i32 to index
      %get3A_471 = arith.constant 0 : index
      %get3A_472 = tpu.vector_load %arg11[%get3A_470, %get3A_471] {strides = array<i32>} : memref<80x128xf32, #tpu.memory_space<vmem>>, vector<16xf32>,
      %gt3A_473 = arith.cmpf ogt, %get3A_468, %select_n3A_460 : vector<16xf32>
      %select_n3A_474 = arith.select %gt3A_473, %get3A_468, %select_n3A_460 : vector<16xi1>, vector<16xf32>
      %select_n3A_475 = arith.select %gt3A_473, %get3A_472, %select_n3A_461 : vector<16xi1>, vector<16xf32>
      %jit3A_476 = arith.constant 7 : i32
      %broadcast_in_dim3A_477 = vector.broadcast %jit3A_476 : i32 to vector<16xi32>
      %select_n3A_478 = arith.select %gt3A_473, %broadcast_in_dim3A_477, %select_n3A_464 : vector<16xi1>, vector<16xi32>
      %get3A_479 = arith.constant 57 : i32
      %get3A_480 = arith.index_cast %get3A_479 : i32 to index
      %get3A_481 = arith.constant 0 : index
      %get3A_482 = tpu.vector_load %arg11[%get3A_480, %get3A_481] {strides = array<i32>} : memref<80x128xf32, #tpu.memory_space<vmem>>, vector<16xf32>,
      %get3A_483 = arith.constant 69 : i32
      %get3A_484 = arith.index_cast %get3A_483 : i32 to index
      %get3A_485 = arith.constant 0 : index
      %get3A_486 = tpu.vector_load %arg11[%get3A_484, %get3A_485] {strides = array<i32>} : memref<80x128xf32, #tpu.memory_space<vmem>>, vector<16xf32>,
      %gt3A_487 = arith.cmpf ogt, %get3A_482, %select_n3A_474 : vector<16xf32>
      %select_n3A_488 = arith.select %gt3A_487, %get3A_482, %select_n3A_474 : vector<16xi1>, vector<16xf32>
      %select_n3A_489 = arith.select %gt3A_487, %get3A_486, %select_n3A_475 : vector<16xi1>, vector<16xf32>
      %jit3A_490 = arith.constant 8 : i32
      %broadcast_in_dim3A_491 = vector.broadcast %jit3A_490 : i32 to vector<16xi32>
      %select_n3A_492 = arith.select %gt3A_487, %broadcast_in_dim3A_491, %select_n3A_478 : vector<16xi1>, vector<16xi32>
      %get3A_493 = arith.constant 58 : i32
      %get3A_494 = arith.index_cast %get3A_493 : i32 to index
      %get3A_495 = arith.constant 0 : index
      %get3A_496 = tpu.vector_load %arg11[%get3A_494, %get3A_495] {strides = array<i32>} : memref<80x128xf32, #tpu.memory_space<vmem>>, vector<16xf32>,
      %get3A_497 = arith.constant 70 : i32
      %get3A_498 = arith.index_cast %get3A_497 : i32 to index
      %get3A_499 = arith.constant 0 : index
      %get3A_500 = tpu.vector_load %arg11[%get3A_498, %get3A_499] {strides = array<i32>} : memref<80x128xf32, #tpu.memory_space<vmem>>, vector<16xf32>,
      %gt3A_501 = arith.cmpf ogt, %get3A_496, %select_n3A_488 : vector<16xf32>
      %select_n3A_502 = arith.select %gt3A_501, %get3A_496, %select_n3A_488 : vector<16xi1>, vector<16xf32>
      %select_n3A_503 = arith.select %gt3A_501, %get3A_500, %select_n3A_489 : vector<16xi1>, vector<16xf32>
      %jit3A_504 = arith.constant 9 : i32
      %broadcast_in_dim3A_505 = vector.broadcast %jit3A_504 : i32 to vector<16xi32>
      %select_n3A_506 = arith.select %gt3A_501, %broadcast_in_dim3A_505, %select_n3A_492 : vector<16xi1>, vector<16xi32>
      %get3A_507 = arith.constant 59 : i32
      %get3A_508 = arith.index_cast %get3A_507 : i32 to index
      %get3A_509 = arith.constant 0 : index
      %get3A_510 = tpu.vector_load %arg11[%get3A_508, %get3A_509] {strides = array<i32>} : memref<80x128xf32, #tpu.memory_space<vmem>>, vector<16xf32>,
      %get3A_511 = arith.constant 71 : i32
      %get3A_512 = arith.index_cast %get3A_511 : i32 to index
      %get3A_513 = arith.constant 0 : index
      %get3A_514 = tpu.vector_load %arg11[%get3A_512, %get3A_513] {strides = array<i32>} : memref<80x128xf32, #tpu.memory_space<vmem>>, vector<16xf32>,
      %gt3A_515 = arith.cmpf ogt, %get3A_510, %select_n3A_502 : vector<16xf32>
      %select_n3A_516 = arith.select %gt3A_515, %get3A_510, %select_n3A_502 : vector<16xi1>, vector<16xf32>
      %select_n3A_517 = arith.select %gt3A_515, %get3A_514, %select_n3A_503 : vector<16xi1>, vector<16xf32>
      %jit3A_518 = arith.constant 10 : i32
      %broadcast_in_dim3A_519 = vector.broadcast %jit3A_518 : i32 to vector<16xi32>
      %select_n3A_520 = arith.select %gt3A_515, %broadcast_in_dim3A_519, %select_n3A_506 : vector<16xi1>, vector<16xi32>
      %get3A_521 = arith.constant 60 : i32
      %get3A_522 = arith.index_cast %get3A_521 : i32 to index
      %get3A_523 = arith.constant 0 : index
      %get3A_524 = tpu.vector_load %arg11[%get3A_522, %get3A_523] {strides = array<i32>} : memref<80x128xf32, #tpu.memory_space<vmem>>, vector<16xf32>,
      %get3A_525 = arith.constant 72 : i32
      %get3A_526 = arith.index_cast %get3A_525 : i32 to index
      %get3A_527 = arith.constant 0 : index
      %get3A_528 = tpu.vector_load %arg11[%get3A_526, %get3A_527] {strides = array<i32>} : memref<80x128xf32, #tpu.memory_space<vmem>>, vector<16xf32>,
      %gt3A_529 = arith.cmpf ogt, %get3A_524, %select_n3A_516 : vector<16xf32>
      %select_n3A_530 = arith.select %gt3A_529, %get3A_524, %select_n3A_516 : vector<16xi1>, vector<16xf32>
      %select_n3A_531 = arith.select %gt3A_529, %get3A_528, %select_n3A_517 : vector<16xi1>, vector<16xf32>
      %jit3A_532 = arith.constant 11 : i32
      %broadcast_in_dim3A_533 = vector.broadcast %jit3A_532 : i32 to vector<16xi32>
      %select_n3A_534 = arith.select %gt3A_529, %broadcast_in_dim3A_533, %select_n3A_520 : vector<16xi1>, vector<16xi32>
      %get3A_535 = arith.constant 48 : i32
      %get3A_536 = arith.index_cast %get3A_535 : i32 to index
      %get3A_537 = arith.constant 0 : index
      %get3A_538 = tpu.vector_load %arg11[%get3A_536, %get3A_537] {strides = array<i32>} : memref<80x128xf32, #tpu.memory_space<vmem>>, vector<16xf32>,
      %get3A_539 = arith.constant 73 : i32
      %get3A_540 = arith.index_cast %get3A_539 : i32 to index
      %get3A_541 = arith.constant 0 : index
      %get3A_542 = tpu.vector_load %arg11[%get3A_540, %get3A_541] {strides = array<i32>} : memref<80x128xf32, #tpu.memory_space<vmem>>, vector<16xf32>,
      %get3A_543 = arith.constant 74 : i32
      %get3A_544 = arith.index_cast %get3A_543 : i32 to index
      %get3A_545 = arith.constant 0 : index
      %get3A_546 = tpu.vector_load %arg11[%get3A_544, %get3A_545] {strides = array<i32>} : memref<80x128xf32, #tpu.memory_space<vmem>>, vector<16xf32>,
      %get3A_547 = arith.constant 75 : i32
      %get3A_548 = arith.index_cast %get3A_547 : i32 to index
      %get3A_549 = arith.constant 0 : index
      %get3A_550 = tpu.vector_load %arg11[%get3A_548, %get3A_549] {strides = array<i32>} : memref<80x128xf32, #tpu.memory_space<vmem>>, vector<16xf32>,
      %get3A_551 = arith.constant 0 : i32
      %get3A_552 = arith.index_cast %get3A_551 : i32 to index
      %get3A_553 = arith.constant 0 : index
      %get3A_554 = tpu.vector_load %arg12[%get3A_552, %get3A_553] {strides = array<i32>} : memref<8x128xf32, #tpu.memory_space<vmem>>, vector<16xf32>,
      %get3A_555 = arith.constant 1 : i32
      %get3A_556 = arith.index_cast %get3A_555 : i32 to index
      %get3A_557 = arith.constant 0 : index
      %get3A_558 = tpu.vector_load %arg12[%get3A_556, %get3A_557] {strides = array<i32>} : memref<8x128xf32, #tpu.memory_space<vmem>>, vector<16xf32>,
      %get3A_559 = arith.constant 2 : i32
      %get3A_560 = arith.index_cast %get3A_559 : i32 to index
      %get3A_561 = arith.constant 0 : index
      %get3A_562 = tpu.vector_load %arg12[%get3A_560, %get3A_561] {strides = array<i32>} : memref<8x128xf32, #tpu.memory_space<vmem>>, vector<16xf32>,
      %get3A_563 = arith.constant 6 : i32
      %get3A_564 = arith.index_cast %get3A_563 : i32 to index
      %get3A_565 = arith.constant 0 : index
      %get3A_566 = tpu.vector_load %arg12[%get3A_564, %get3A_565] {strides = array<i32>} : memref<8x128xf32, #tpu.memory_space<vmem>>, vector<16xf32>,
      %convert_element_type3A_567 = arith.sitofp %select_n3A_206 : vector<16xi32> to vector<16xf32>
      %mul3A_568 = arith.constant 5.000000e-01 : f32
      %mul3A_569 = vector.broadcast %mul3A_568 : f32 to vector<16xf32>
      %mul3A_570 = arith.mulf %convert_element_type3A_567, %mul3A_569 : vector<16xf32>
      %add3A_571 = arith.constant -2.750000e+00 : f32
      %add3A_572 = vector.broadcast %add3A_571 : f32 to vector<16xf32>
      %add3A_573 = arith.addf %mul3A_570, %add3A_572 : vector<16xf32>
      %mul3A_574 = arith.constant 5.000000e-01 : f32
      %mul3A_575 = vector.broadcast %mul3A_574 : f32 to vector<16xf32>
      %mul3A_576 = arith.mulf %select_n3A_203, %mul3A_575 : vector<16xf32>
      %add3A_577 = arith.addf %add3A_573, %mul3A_576 : vector<16xf32>
      %convert_element_type3A_578 = arith.sitofp %select_n3A_370 : vector<16xi32> to vector<16xf32>
      %mul3A_579 = arith.constant 5.000000e-01 : f32
      %mul3A_580 = vector.broadcast %mul3A_579 : f32 to vector<16xf32>
      %mul3A_581 = arith.mulf %convert_element_type3A_578, %mul3A_580 : vector<16xf32>
      %add3A_582 = arith.constant -2.750000e+00 : f32
      %add3A_583 = vector.broadcast %add3A_582 : f32 to vector<16xf32>
      %add3A_584 = arith.addf %mul3A_581, %add3A_583 : vector<16xf32>
      %mul3A_585 = arith.constant 5.000000e-01 : f32
      %mul3A_586 = vector.broadcast %mul3A_585 : f32 to vector<16xf32>
      %mul3A_587 = arith.mulf %select_n3A_367, %mul3A_586 : vector<16xf32>
      %add3A_588 = arith.addf %add3A_584, %mul3A_587 : vector<16xf32>
      %add3A_589 = arith.addf %get3A_558, %get3A_538 : vector<16xf32>
      %convert_element_type3A_590 = arith.sitofp %select_n3A_534 : vector<16xi32> to vector<16xf32>
      %mul3A_591 = arith.constant 0.52359879 : f32
      %mul3A_592 = vector.broadcast %mul3A_591 : f32 to vector<16xf32>
      %mul3A_593 = arith.mulf %convert_element_type3A_590, %mul3A_592 : vector<16xf32>
      %mul3A_594 = arith.constant 0.261799395 : f32
      %mul3A_595 = vector.broadcast %mul3A_594 : f32 to vector<16xf32>
      %mul3A_596 = arith.mulf %select_n3A_531, %mul3A_595 : vector<16xf32>
      %add3A_597 = arith.addf %mul3A_593, %mul3A_596 : vector<16xf32>
      %mul3A_598 = arith.constant 0.159154937 : f32
      %mul3A_599 = vector.broadcast %mul3A_598 : f32 to vector<16xf32>
      %mul3A_600 = arith.mulf %add3A_597, %mul3A_599 : vector<16xf32>
      %convert_element_type3A_601 = arith.fptosi %mul3A_600 : vector<16xf32> to vector<16xi32>
      %convert_element_type3A_602 = arith.sitofp %convert_element_type3A_601 : vector<16xi32> to vector<16xf32>
      %gt3A_603 = arith.cmpf ogt, %convert_element_type3A_602, %mul3A_600 : vector<16xf32>
      %sub3A = arith.constant 1.000000e+00 : f32
      %sub3A_604 = vector.broadcast %sub3A : f32 to vector<16xf32>
      %sub3A_605 = arith.subf %convert_element_type3A_602, %sub3A_604 : vector<16xf32>
      %select_n3A_606 = arith.select %gt3A_603, %sub3A_605, %convert_element_type3A_602 : vector<16xi1>, vector<16xf32>
      %mul3A_607 = arith.constant 6.28318548 : f32
      %mul3A_608 = vector.broadcast %mul3A_607 : f32 to vector<16xf32>
      %mul3A_609 = arith.mulf %select_n3A_606, %mul3A_608 : vector<16xf32>
      %sub3A_610 = arith.subf %add3A_597, %mul3A_609 : vector<16xf32>
      %gt3A_611 = arith.constant 3.14159274 : f32
      %gt3A_612 = vector.broadcast %gt3A_611 : f32 to vector<16xf32>
      %gt3A_613 = arith.cmpf ogt, %sub3A_610, %gt3A_612 : vector<16xf32>
      %sub3A_614 = arith.constant 6.28318548 : f32
      %sub3A_615 = vector.broadcast %sub3A_614 : f32 to vector<16xf32>
      %sub3A_616 = arith.subf %sub3A_610, %sub3A_615 : vector<16xf32>
      %select_n3A_617 = arith.select %gt3A_613, %sub3A_616, %sub3A_610 : vector<16xi1>, vector<16xf32>
      %mul3A_618 = arith.mulf %get3A_542, %get3A_5 : vector<16xf32>
      %add3A_619 = arith.addf %mul3A_618, %get3A_5 : vector<16xf32>
      %mul3A_620 = arith.mulf %get3A_546, %get3A_9 : vector<16xf32>
      %add3A_621 = arith.addf %mul3A_620, %get3A_9 : vector<16xf32>
      %mul3A_622 = arith.mulf %get3A_550, %get3A_13 : vector<16xf32>
      %add3A_623 = arith.addf %mul3A_622, %get3A_13 : vector<16xf32>
      %ge3A = arith.constant 0.000000e+00 : f32
      %ge3A_624 = vector.broadcast %ge3A : f32 to vector<16xf32>
      %ge3A_625 = arith.cmpf oge, %get3A_566, %ge3A_624 : vector<16xf32>
      %jit3A_626 = arith.constant 5.000000e-01 : f32
      %jit3A_627 = arith.constant -5.000000e-01 : f32
      %broadcast_in_dim3A_628 = vector.broadcast %jit3A_626 : f32 to vector<16xf32>
      %broadcast_in_dim3A_629 = vector.broadcast %jit3A_627 : f32 to vector<16xf32>
      %select_n3A_630 = arith.select %ge3A_625, %broadcast_in_dim3A_628, %broadcast_in_dim3A_629 : vector<16xi1>, vector<16xf32>
      %mul3A_631 = arith.constant 0.636619746 : f32
      %mul3A_632 = vector.broadcast %mul3A_631 : f32 to vector<16xf32>
      %mul3A_633 = arith.mulf %get3A_566, %mul3A_632 : vector<16xf32>
      %add3A_634 = arith.addf %mul3A_633, %select_n3A_630 : vector<16xf32>
      %convert_element_type3A_635 = arith.fptosi %add3A_634 : vector<16xf32> to vector<16xi32>
      %convert_element_type3A_636 = arith.sitofp %convert_element_type3A_635 : vector<16xi32> to vector<16xf32>
      %convert_element_type3A_637 = arith.fptosi %convert_element_type3A_636 : vector<16xf32> to vector<16xi32>
      %mul3A_638 = arith.constant 1.5703125 : f32
      %mul3A_639 = vector.broadcast %mul3A_638 : f32 to vector<16xf32>
      %mul3A_640 = arith.mulf %convert_element_type3A_636, %mul3A_639 : vector<16xf32>
      %sub3A_641 = arith.subf %get3A_566, %mul3A_640 : vector<16xf32>
      %mul3A_642 = arith.constant 4.83751297E-4 : f32
      %mul3A_643 = vector.broadcast %mul3A_642 : f32 to vector<16xf32>
      %mul3A_644 = arith.mulf %convert_element_type3A_636, %mul3A_643 : vector<16xf32>
      %sub3A_645 = arith.subf %sub3A_641, %mul3A_644 : vector<16xf32>
      %mul3A_646 = arith.constant 7.549790e-08 : f32
      %mul3A_647 = vector.broadcast %mul3A_646 : f32 to vector<16xf32>
      %mul3A_648 = arith.mulf %convert_element_type3A_636, %mul3A_647 : vector<16xf32>
      %sub3A_649 = arith.subf %sub3A_645, %mul3A_648 : vector<16xf32>
      %mul3A_650 = arith.mulf %sub3A_649, %sub3A_649 : vector<16xf32>
      %mul3A_651 = arith.mulf %sub3A_649, %mul3A_650 : vector<16xf32>
      %mul3A_652 = arith.constant -1.95152956E-4 : f32
      %mul3A_653 = vector.broadcast %mul3A_652 : f32 to vector<16xf32>
      %mul3A_654 = arith.mulf %mul3A_650, %mul3A_653 : vector<16xf32>
      %add3A_655 = arith.constant 0.00833216123 : f32
      %add3A_656 = vector.broadcast %add3A_655 : f32 to vector<16xf32>
      %add3A_657 = arith.addf %add3A_656, %mul3A_654 : vector<16xf32>
      %mul3A_658 = arith.mulf %mul3A_650, %add3A_657 : vector<16xf32>
      %add3A_659 = arith.constant -0.166666552 : f32
      %add3A_660 = vector.broadcast %add3A_659 : f32 to vector<16xf32>
      %add3A_661 = arith.addf %add3A_660, %mul3A_658 : vector<16xf32>
      %mul3A_662 = arith.mulf %mul3A_651, %add3A_661 : vector<16xf32>
      %add3A_663 = arith.addf %sub3A_649, %mul3A_662 : vector<16xf32>
      %mul3A_664 = arith.constant 2.44331568E-5 : f32
      %mul3A_665 = vector.broadcast %mul3A_664 : f32 to vector<16xf32>
      %mul3A_666 = arith.mulf %mul3A_650, %mul3A_665 : vector<16xf32>
      %add3A_667 = arith.constant -0.00138873165 : f32
      %add3A_668 = vector.broadcast %add3A_667 : f32 to vector<16xf32>
      %add3A_669 = arith.addf %add3A_668, %mul3A_666 : vector<16xf32>
      %mul3A_670 = arith.mulf %mul3A_650, %add3A_669 : vector<16xf32>
      %add3A_671 = arith.constant 0.0416666456 : f32
      %add3A_672 = vector.broadcast %add3A_671 : f32 to vector<16xf32>
      %add3A_673 = arith.addf %add3A_672, %mul3A_670 : vector<16xf32>
      %mul3A_674 = arith.mulf %mul3A_650, %add3A_673 : vector<16xf32>
      %add3A_675 = arith.constant -5.000000e-01 : f32
      %add3A_676 = vector.broadcast %add3A_675 : f32 to vector<16xf32>
      %add3A_677 = arith.addf %add3A_676, %mul3A_674 : vector<16xf32>
      %mul3A_678 = arith.mulf %mul3A_650, %add3A_677 : vector<16xf32>
      %add3A_679 = arith.constant 1.000000e+00 : f32
      %add3A_680 = vector.broadcast %add3A_679 : f32 to vector<16xf32>
      %add3A_681 = arith.addf %add3A_680, %mul3A_678 : vector<16xf32>
      %and3A = arith.constant 3 : i32
      %and3A_682 = vector.broadcast %and3A : i32 to vector<16xi32>
      %and3A_683 = arith.andi %convert_element_type3A_637, %and3A_682 : vector<16xi32>
      %and3A_684 = arith.constant 1 : i32
      %and3A_685 = vector.broadcast %and3A_684 : i32 to vector<16xi32>
      %and3A_686 = arith.andi %and3A_683, %and3A_685 : vector<16xi32>
      %eq3A_687 = arith.constant 1 : i32
      %eq3A_688 = vector.broadcast %eq3A_687 : i32 to vector<16xi32>
      %eq3A_689 = arith.cmpi eq, %and3A_686, %eq3A_688 : vector<16xi32>
      %select_n3A_690 = arith.select %eq3A_689, %add3A_681, %add3A_663 : vector<16xi1>, vector<16xf32>
      %select_n3A_691 = arith.select %eq3A_689, %add3A_663, %add3A_681 : vector<16xi1>, vector<16xf32>
      %ge3A_692 = arith.constant 2 : i32
      %ge3A_693 = vector.broadcast %ge3A_692 : i32 to vector<16xi32>
      %ge3A_694 = arith.cmpi sge, %and3A_683, %ge3A_693 : vector<16xi32>
      %neg3A = arith.constant 0.000000e+00 : f32
      %neg3A_695 = vector.broadcast %neg3A : f32 to vector<16xf32>
      %neg3A_696 = arith.subf %neg3A_695, %select_n3A_690 : vector<16xf32>
      %select_n3A_697 = arith.select %ge3A_694, %neg3A_696, %select_n3A_690 : vector<16xi1>, vector<16xf32>
      %eq3A_698 = arith.constant 1 : i32
      %eq3A_699 = vector.broadcast %eq3A_698 : i32 to vector<16xi32>
      %eq3A_700 = arith.cmpi eq, %and3A_683, %eq3A_699 : vector<16xi32>
      %eq3A_701 = arith.constant 2 : i32
      %eq3A_702 = vector.broadcast %eq3A_701 : i32 to vector<16xi32>
      %eq3A_703 = arith.cmpi eq, %and3A_683, %eq3A_702 : vector<16xi32>
      %or3A = arith.ori %eq3A_700, %eq3A_703 : vector<16xi1>
      %neg3A_704 = arith.constant 0.000000e+00 : f32
      %neg3A_705 = vector.broadcast %neg3A_704 : f32 to vector<16xf32>
      %neg3A_706 = arith.subf %neg3A_705, %select_n3A_691 : vector<16xf32>
      %select_n3A_707 = arith.select %or3A, %neg3A_706, %select_n3A_691 : vector<16xi1>, vector<16xf32>
      %mul3A_708 = arith.mulf %add3A_577, %select_n3A_707 : vector<16xf32>
      %mul3A_709 = arith.mulf %add3A_588, %select_n3A_697 : vector<16xf32>
      %add3A_710 = arith.addf %mul3A_708, %mul3A_709 : vector<16xf32>
      %add3A_711 = arith.addf %add3A_710, %get3A_554 : vector<16xf32>
      %neg3A_712 = arith.constant 0.000000e+00 : f32
      %neg3A_713 = vector.broadcast %neg3A_712 : f32 to vector<16xf32>
      %neg3A_714 = arith.subf %neg3A_713, %add3A_577 : vector<16xf32>
      %mul3A_715 = arith.mulf %neg3A_714, %select_n3A_697 : vector<16xf32>
      %mul3A_716 = arith.mulf %add3A_588, %select_n3A_707 : vector<16xf32>
      %add3A_717 = arith.addf %mul3A_715, %mul3A_716 : vector<16xf32>
      %add3A_718 = arith.addf %add3A_717, %get3A_562 : vector<16xf32>
      %add3A_719 = arith.addf %select_n3A_617, %get3A_566 : vector<16xf32>
      %swap3A = arith.constant 0 : i32
      %swap3A_720 = arith.index_cast %swap3A : i32 to index
      %swap3A_721 = arith.constant 128 : index
      %swap3A_722 = tpu.vector_load %arg9[%swap3A_720, %swap3A_721] {strides = array<i32>} : memref<7x640xf32, #tpu.memory_space<vmem>>, vector<16xf32>,
      tpu.vector_store %arg9[%swap3A_720, %swap3A_721], %add3A_711 {strides = array<i32>} : memref<7x640xf32, #tpu.memory_space<vmem>>, vector<16xf32>,
      %swap3A_723 = arith.constant 1 : i32
      %swap3A_724 = arith.index_cast %swap3A_723 : i32 to index
      %swap3A_725 = arith.constant 128 : index
      %swap3A_726 = tpu.vector_load %arg9[%swap3A_724, %swap3A_725] {strides = array<i32>} : memref<7x640xf32, #tpu.memory_space<vmem>>, vector<16xf32>,
      tpu.vector_store %arg9[%swap3A_724, %swap3A_725], %add3A_589 {strides = array<i32>} : memref<7x640xf32, #tpu.memory_space<vmem>>, vector<16xf32>,
      %swap3A_727 = arith.constant 2 : i32
      %swap3A_728 = arith.index_cast %swap3A_727 : i32 to index
      %swap3A_729 = arith.constant 128 : index
      %swap3A_730 = tpu.vector_load %arg9[%swap3A_728, %swap3A_729] {strides = array<i32>} : memref<7x640xf32, #tpu.memory_space<vmem>>, vector<16xf32>,
      tpu.vector_store %arg9[%swap3A_728, %swap3A_729], %add3A_718 {strides = array<i32>} : memref<7x640xf32, #tpu.memory_space<vmem>>, vector<16xf32>,
      %swap3A_731 = arith.constant 3 : i32
      %swap3A_732 = arith.index_cast %swap3A_731 : i32 to index
      %swap3A_733 = arith.constant 128 : index
      %swap3A_734 = tpu.vector_load %arg9[%swap3A_732, %swap3A_733] {strides = array<i32>} : memref<7x640xf32, #tpu.memory_space<vmem>>, vector<16xf32>,
      tpu.vector_store %arg9[%swap3A_732, %swap3A_733], %add3A_619 {strides = array<i32>} : memref<7x640xf32, #tpu.memory_space<vmem>>, vector<16xf32>,
      %swap3A_735 = arith.constant 4 : i32
      %swap3A_736 = arith.index_cast %swap3A_735 : i32 to index
      %swap3A_737 = arith.constant 128 : index
      %swap3A_738 = tpu.vector_load %arg9[%swap3A_736, %swap3A_737] {strides = array<i32>} : memref<7x640xf32, #tpu.memory_space<vmem>>, vector<16xf32>,
      tpu.vector_store %arg9[%swap3A_736, %swap3A_737], %add3A_621 {strides = array<i32>} : memref<7x640xf32, #tpu.memory_space<vmem>>, vector<16xf32>,
      %swap3A_739 = arith.constant 5 : i32
      %swap3A_740 = arith.index_cast %swap3A_739 : i32 to index
      %swap3A_741 = arith.constant 128 : index
      %swap3A_742 = tpu.vector_load %arg9[%swap3A_740, %swap3A_741] {strides = array<i32>} : memref<7x640xf32, #tpu.memory_space<vmem>>, vector<16xf32>,
      tpu.vector_store %arg9[%swap3A_740, %swap3A_741], %add3A_623 {strides = array<i32>} : memref<7x640xf32, #tpu.memory_space<vmem>>, vector<16xf32>,
      %swap3A_743 = arith.constant 6 : i32
      %swap3A_744 = arith.index_cast %swap3A_743 : i32 to index
      %swap3A_745 = arith.constant 128 : index
      %swap3A_746 = tpu.vector_load %arg9[%swap3A_744, %swap3A_745] {strides = array<i32>} : memref<7x640xf32, #tpu.memory_space<vmem>>, vector<16xf32>,
      tpu.vector_store %arg9[%swap3A_744, %swap3A_745], %add3A_719 {strides = array<i32>} : memref<7x640xf32, #tpu.memory_space<vmem>>, vector<16xf32>,
      %get3A_747 = arith.constant 0 : i32
      %get3A_748 = arith.index_cast %get3A_747 : i32 to index
      %get3A_749 = arith.constant 16 : index
      %get3A_750 = tpu.vector_load %arg11[%get3A_748, %get3A_749] {strides = array<i32>} : memref<80x128xf32, #tpu.memory_space<vmem>>, vector<16xf32>,
      %get3A_751 = arith.constant 24 : i32
      %get3A_752 = arith.index_cast %get3A_751 : i32 to index
      %get3A_753 = arith.constant 16 : index
      %get3A_754 = tpu.vector_load %arg11[%get3A_752, %get3A_753] {strides = array<i32>} : memref<80x128xf32, #tpu.memory_space<vmem>>, vector<16xf32>,
      %broadcast_in_dim3A_755 = arith.constant 0 : i32
      %broadcast_in_dim3A_756 = vector.broadcast %broadcast_in_dim3A_755 : i32 to vector<16xi32>
      %get3A_757 = arith.constant 1 : i32
      %get3A_758 = arith.index_cast %get3A_757 : i32 to index
      %get3A_759 = arith.constant 16 : index
      %get3A_760 = tpu.vector_load %arg11[%get3A_758, %get3A_759] {strides = array<i32>} : memref<80x128xf32, #tpu.memory_space<vmem>>, vector<16xf32>,
      %get3A_761 = arith.constant 25 : i32
      %get3A_762 = arith.index_cast %get3A_761 : i32 to index
      %get3A_763 = arith.constant 16 : index
      %get3A_764 = tpu.vector_load %arg11[%get3A_762, %get3A_763] {strides = array<i32>} : memref<80x128xf32, #tpu.memory_space<vmem>>, vector<16xf32>,
      %gt3A_765 = arith.cmpf ogt, %get3A_760, %get3A_750 : vector<16xf32>
      %select_n3A_766 = arith.select %gt3A_765, %get3A_760, %get3A_750 : vector<16xi1>, vector<16xf32>
      %select_n3A_767 = arith.select %gt3A_765, %get3A_764, %get3A_754 : vector<16xi1>, vector<16xf32>
      %jit3A_768 = arith.constant 1 : i32
      %broadcast_in_dim3A_769 = vector.broadcast %jit3A_768 : i32 to vector<16xi32>
      %select_n3A_770 = arith.select %gt3A_765, %broadcast_in_dim3A_769, %broadcast_in_dim3A_756 : vector<16xi1>, vector<16xi32>
      %get3A_771 = arith.constant 2 : i32
      %get3A_772 = arith.index_cast %get3A_771 : i32 to index
      %get3A_773 = arith.constant 16 : index
      %get3A_774 = tpu.vector_load %arg11[%get3A_772, %get3A_773] {strides = array<i32>} : memref<80x128xf32, #tpu.memory_space<vmem>>, vector<16xf32>,
      %get3A_775 = arith.constant 26 : i32
      %get3A_776 = arith.index_cast %get3A_775 : i32 to index
      %get3A_777 = arith.constant 16 : index
      %get3A_778 = tpu.vector_load %arg11[%get3A_776, %get3A_777] {strides = array<i32>} : memref<80x128xf32, #tpu.memory_space<vmem>>, vector<16xf32>,
      %gt3A_779 = arith.cmpf ogt, %get3A_774, %select_n3A_766 : vector<16xf32>
      %select_n3A_780 = arith.select %gt3A_779, %get3A_774, %select_n3A_766 : vector<16xi1>, vector<16xf32>
      %select_n3A_781 = arith.select %gt3A_779, %get3A_778, %select_n3A_767 : vector<16xi1>, vector<16xf32>
      %jit3A_782 = arith.constant 2 : i32
      %broadcast_in_dim3A_783 = vector.broadcast %jit3A_782 : i32 to vector<16xi32>
      %select_n3A_784 = arith.select %gt3A_779, %broadcast_in_dim3A_783, %select_n3A_770 : vector<16xi1>, vector<16xi32>
      %get3A_785 = arith.constant 3 : i32
      %get3A_786 = arith.index_cast %get3A_785 : i32 to index
      %get3A_787 = arith.constant 16 : index
      %get3A_788 = tpu.vector_load %arg11[%get3A_786, %get3A_787] {strides = array<i32>} : memref<80x128xf32, #tpu.memory_space<vmem>>, vector<16xf32>,
      %get3A_789 = arith.constant 27 : i32
      %get3A_790 = arith.index_cast %get3A_789 : i32 to index
      %get3A_791 = arith.constant 16 : index
      %get3A_792 = tpu.vector_load %arg11[%get3A_790, %get3A_791] {strides = array<i32>} : memref<80x128xf32, #tpu.memory_space<vmem>>, vector<16xf32>,
      %gt3A_793 = arith.cmpf ogt, %get3A_788, %select_n3A_780 : vector<16xf32>
      %select_n3A_794 = arith.select %gt3A_793, %get3A_788, %select_n3A_780 : vector<16xi1>, vector<16xf32>
      %select_n3A_795 = arith.select %gt3A_793, %get3A_792, %select_n3A_781 : vector<16xi1>, vector<16xf32>
      %jit3A_796 = arith.constant 3 : i32
      %broadcast_in_dim3A_797 = vector.broadcast %jit3A_796 : i32 to vector<16xi32>
      %select_n3A_798 = arith.select %gt3A_793, %broadcast_in_dim3A_797, %select_n3A_784 : vector<16xi1>, vector<16xi32>
      %get3A_799 = arith.constant 4 : i32
      %get3A_800 = arith.index_cast %get3A_799 : i32 to index
      %get3A_801 = arith.constant 16 : index
      %get3A_802 = tpu.vector_load %arg11[%get3A_800, %get3A_801] {strides = array<i32>} : memref<80x128xf32, #tpu.memory_space<vmem>>, vector<16xf32>,
      %get3A_803 = arith.constant 28 : i32
      %get3A_804 = arith.index_cast %get3A_803 : i32 to index
      %get3A_805 = arith.constant 16 : index
      %get3A_806 = tpu.vector_load %arg11[%get3A_804, %get3A_805] {strides = array<i32>} : memref<80x128xf32, #tpu.memory_space<vmem>>, vector<16xf32>,
      %gt3A_807 = arith.cmpf ogt, %get3A_802, %select_n3A_794 : vector<16xf32>
      %select_n3A_808 = arith.select %gt3A_807, %get3A_802, %select_n3A_794 : vector<16xi1>, vector<16xf32>
      %select_n3A_809 = arith.select %gt3A_807, %get3A_806, %select_n3A_795 : vector<16xi1>, vector<16xf32>
      %jit3A_810 = arith.constant 4 : i32
      %broadcast_in_dim3A_811 = vector.broadcast %jit3A_810 : i32 to vector<16xi32>
      %select_n3A_812 = arith.select %gt3A_807, %broadcast_in_dim3A_811, %select_n3A_798 : vector<16xi1>, vector<16xi32>
      %get3A_813 = arith.constant 5 : i32
      %get3A_814 = arith.index_cast %get3A_813 : i32 to index
      %get3A_815 = arith.constant 16 : index
      %get3A_816 = tpu.vector_load %arg11[%get3A_814, %get3A_815] {strides = array<i32>} : memref<80x128xf32, #tpu.memory_space<vmem>>, vector<16xf32>,
      %get3A_817 = arith.constant 29 : i32
      %get3A_818 = arith.index_cast %get3A_817 : i32 to index
      %get3A_819 = arith.constant 16 : index
      %get3A_820 = tpu.vector_load %arg11[%get3A_818, %get3A_819] {strides = array<i32>} : memref<80x128xf32, #tpu.memory_space<vmem>>, vector<16xf32>,
      %gt3A_821 = arith.cmpf ogt, %get3A_816, %select_n3A_808 : vector<16xf32>
      %select_n3A_822 = arith.select %gt3A_821, %get3A_816, %select_n3A_808 : vector<16xi1>, vector<16xf32>
      %select_n3A_823 = arith.select %gt3A_821, %get3A_820, %select_n3A_809 : vector<16xi1>, vector<16xf32>
      %jit3A_824 = arith.constant 5 : i32
      %broadcast_in_dim3A_825 = vector.broadcast %jit3A_824 : i32 to vector<16xi32>
      %select_n3A_826 = arith.select %gt3A_821, %broadcast_in_dim3A_825, %select_n3A_812 : vector<16xi1>, vector<16xi32>
      %get3A_827 = arith.constant 6 : i32
      %get3A_828 = arith.index_cast %get3A_827 : i32 to index
      %get3A_829 = arith.constant 16 : index
      %get3A_830 = tpu.vector_load %arg11[%get3A_828, %get3A_829] {strides = array<i32>} : memref<80x128xf32, #tpu.memory_space<vmem>>, vector<16xf32>,
      %get3A_831 = arith.constant 30 : i32
      %get3A_832 = arith.index_cast %get3A_831 : i32 to index
      %get3A_833 = arith.constant 16 : index
      %get3A_834 = tpu.vector_load %arg11[%get3A_832, %get3A_833] {strides = array<i32>} : memref<80x128xf32, #tpu.memory_space<vmem>>, vector<16xf32>,
      %gt3A_835 = arith.cmpf ogt, %get3A_830, %select_n3A_822 : vector<16xf32>
      %select_n3A_836 = arith.select %gt3A_835, %get3A_830, %select_n3A_822 : vector<16xi1>, vector<16xf32>
      %select_n3A_837 = arith.select %gt3A_835, %get3A_834, %select_n3A_823 : vector<16xi1>, vector<16xf32>
      %jit3A_838 = arith.constant 6 : i32
      %broadcast_in_dim3A_839 = vector.broadcast %jit3A_838 : i32 to vector<16xi32>
      %select_n3A_840 = arith.select %gt3A_835, %broadcast_in_dim3A_839, %select_n3A_826 : vector<16xi1>, vector<16xi32>
      %get3A_841 = arith.constant 7 : i32
      %get3A_842 = arith.index_cast %get3A_841 : i32 to index
      %get3A_843 = arith.constant 16 : index
      %get3A_844 = tpu.vector_load %arg11[%get3A_842, %get3A_843] {strides = array<i32>} : memref<80x128xf32, #tpu.memory_space<vmem>>, vector<16xf32>,
      %get3A_845 = arith.constant 31 : i32
      %get3A_846 = arith.index_cast %get3A_845 : i32 to index
      %get3A_847 = arith.constant 16 : index
      %get3A_848 = tpu.vector_load %arg11[%get3A_846, %get3A_847] {strides = array<i32>} : memref<80x128xf32, #tpu.memory_space<vmem>>, vector<16xf32>,
      %gt3A_849 = arith.cmpf ogt, %get3A_844, %select_n3A_836 : vector<16xf32>
      %select_n3A_850 = arith.select %gt3A_849, %get3A_844, %select_n3A_836 : vector<16xi1>, vector<16xf32>
      %select_n3A_851 = arith.select %gt3A_849, %get3A_848, %select_n3A_837 : vector<16xi1>, vector<16xf32>
      %jit3A_852 = arith.constant 7 : i32
      %broadcast_in_dim3A_853 = vector.broadcast %jit3A_852 : i32 to vector<16xi32>
      %select_n3A_854 = arith.select %gt3A_849, %broadcast_in_dim3A_853, %select_n3A_840 : vector<16xi1>, vector<16xi32>
      %get3A_855 = arith.constant 8 : i32
      %get3A_856 = arith.index_cast %get3A_855 : i32 to index
      %get3A_857 = arith.constant 16 : index
      %get3A_858 = tpu.vector_load %arg11[%get3A_856, %get3A_857] {strides = array<i32>} : memref<80x128xf32, #tpu.memory_space<vmem>>, vector<16xf32>,
      %get3A_859 = arith.constant 32 : i32
      %get3A_860 = arith.index_cast %get3A_859 : i32 to index
      %get3A_861 = arith.constant 16 : index
      %get3A_862 = tpu.vector_load %arg11[%get3A_860, %get3A_861] {strides = array<i32>} : memref<80x128xf32, #tpu.memory_space<vmem>>, vector<16xf32>,
      %gt3A_863 = arith.cmpf ogt, %get3A_858, %select_n3A_850 : vector<16xf32>
      %select_n3A_864 = arith.select %gt3A_863, %get3A_858, %select_n3A_850 : vector<16xi1>, vector<16xf32>
      %select_n3A_865 = arith.select %gt3A_863, %get3A_862, %select_n3A_851 : vector<16xi1>, vector<16xf32>
      %jit3A_866 = arith.constant 8 : i32
      %broadcast_in_dim3A_867 = vector.broadcast %jit3A_866 : i32 to vector<16xi32>
      %select_n3A_868 = arith.select %gt3A_863, %broadcast_in_dim3A_867, %select_n3A_854 : vector<16xi1>, vector<16xi32>
      %get3A_869 = arith.constant 9 : i32
      %get3A_870 = arith.index_cast %get3A_869 : i32 to index
      %get3A_871 = arith.constant 16 : index
      %get3A_872 = tpu.vector_load %arg11[%get3A_870, %get3A_871] {strides = array<i32>} : memref<80x128xf32, #tpu.memory_space<vmem>>, vector<16xf32>,
      %get3A_873 = arith.constant 33 : i32
      %get3A_874 = arith.index_cast %get3A_873 : i32 to index
      %get3A_875 = arith.constant 16 : index
      %get3A_876 = tpu.vector_load %arg11[%get3A_874, %get3A_875] {strides = array<i32>} : memref<80x128xf32, #tpu.memory_space<vmem>>, vector<16xf32>,
      %gt3A_877 = arith.cmpf ogt, %get3A_872, %select_n3A_864 : vector<16xf32>
      %select_n3A_878 = arith.select %gt3A_877, %get3A_872, %select_n3A_864 : vector<16xi1>, vector<16xf32>
      %select_n3A_879 = arith.select %gt3A_877, %get3A_876, %select_n3A_865 : vector<16xi1>, vector<16xf32>
      %jit3A_880 = arith.constant 9 : i32
      %broadcast_in_dim3A_881 = vector.broadcast %jit3A_880 : i32 to vector<16xi32>
      %select_n3A_882 = arith.select %gt3A_877, %broadcast_in_dim3A_881, %select_n3A_868 : vector<16xi1>, vector<16xi32>
      %get3A_883 = arith.constant 10 : i32
      %get3A_884 = arith.index_cast %get3A_883 : i32 to index
      %get3A_885 = arith.constant 16 : index
      %get3A_886 = tpu.vector_load %arg11[%get3A_884, %get3A_885] {strides = array<i32>} : memref<80x128xf32, #tpu.memory_space<vmem>>, vector<16xf32>,
      %get3A_887 = arith.constant 34 : i32
      %get3A_888 = arith.index_cast %get3A_887 : i32 to index
      %get3A_889 = arith.constant 16 : index
      %get3A_890 = tpu.vector_load %arg11[%get3A_888, %get3A_889] {strides = array<i32>} : memref<80x128xf32, #tpu.memory_space<vmem>>, vector<16xf32>,
      %gt3A_891 = arith.cmpf ogt, %get3A_886, %select_n3A_878 : vector<16xf32>
      %select_n3A_892 = arith.select %gt3A_891, %get3A_886, %select_n3A_878 : vector<16xi1>, vector<16xf32>
      %select_n3A_893 = arith.select %gt3A_891, %get3A_890, %select_n3A_879 : vector<16xi1>, vector<16xf32>
      %jit3A_894 = arith.constant 10 : i32
      %broadcast_in_dim3A_895 = vector.broadcast %jit3A_894 : i32 to vector<16xi32>
      %select_n3A_896 = arith.select %gt3A_891, %broadcast_in_dim3A_895, %select_n3A_882 : vector<16xi1>, vector<16xi32>
      %get3A_897 = arith.constant 11 : i32
      %get3A_898 = arith.index_cast %get3A_897 : i32 to index
      %get3A_899 = arith.constant 16 : index
      %get3A_900 = tpu.vector_load %arg11[%get3A_898, %get3A_899] {strides = array<i32>} : memref<80x128xf32, #tpu.memory_space<vmem>>, vector<16xf32>,
      %get3A_901 = arith.constant 35 : i32
      %get3A_902 = arith.index_cast %get3A_901 : i32 to index
      %get3A_903 = arith.constant 16 : index
      %get3A_904 = tpu.vector_load %arg11[%get3A_902, %get3A_903] {strides = array<i32>} : memref<80x128xf32, #tpu.memory_space<vmem>>, vector<16xf32>,
      %gt3A_905 = arith.cmpf ogt, %get3A_900, %select_n3A_892 : vector<16xf32>
      %select_n3A_906 = arith.select %gt3A_905, %get3A_900, %select_n3A_892 : vector<16xi1>, vector<16xf32>
      %select_n3A_907 = arith.select %gt3A_905, %get3A_904, %select_n3A_893 : vector<16xi1>, vector<16xf32>
      %jit3A_908 = arith.constant 11 : i32
      %broadcast_in_dim3A_909 = vector.broadcast %jit3A_908 : i32 to vector<16xi32>
      %select_n3A_910 = arith.select %gt3A_905, %broadcast_in_dim3A_909, %select_n3A_896 : vector<16xi1>, vector<16xi32>
      %get3A_911 = arith.constant 12 : i32
      %get3A_912 = arith.index_cast %get3A_911 : i32 to index
      %get3A_913 = arith.constant 16 : index
      %get3A_914 = tpu.vector_load %arg11[%get3A_912, %get3A_913] {strides = array<i32>} : memref<80x128xf32, #tpu.memory_space<vmem>>, vector<16xf32>,
      %get3A_915 = arith.constant 36 : i32
      %get3A_916 = arith.index_cast %get3A_915 : i32 to index
      %get3A_917 = arith.constant 16 : index
      %get3A_918 = tpu.vector_load %arg11[%get3A_916, %get3A_917] {strides = array<i32>} : memref<80x128xf32, #tpu.memory_space<vmem>>, vector<16xf32>,
      %broadcast_in_dim3A_919 = arith.constant 0 : i32
      %broadcast_in_dim3A_920 = vector.broadcast %broadcast_in_dim3A_919 : i32 to vector<16xi32>
      %get3A_921 = arith.constant 13 : i32
      %get3A_922 = arith.index_cast %get3A_921 : i32 to index
      %get3A_923 = arith.constant 16 : index
      %get3A_924 = tpu.vector_load %arg11[%get3A_922, %get3A_923] {strides = array<i32>} : memref<80x128xf32, #tpu.memory_space<vmem>>, vector<16xf32>,
      %get3A_925 = arith.constant 37 : i32
      %get3A_926 = arith.index_cast %get3A_925 : i32 to index
      %get3A_927 = arith.constant 16 : index
      %get3A_928 = tpu.vector_load %arg11[%get3A_926, %get3A_927] {strides = array<i32>} : memref<80x128xf32, #tpu.memory_space<vmem>>, vector<16xf32>,
      %gt3A_929 = arith.cmpf ogt, %get3A_924, %get3A_914 : vector<16xf32>
      %select_n3A_930 = arith.select %gt3A_929, %get3A_924, %get3A_914 : vector<16xi1>, vector<16xf32>
      %select_n3A_931 = arith.select %gt3A_929, %get3A_928, %get3A_918 : vector<16xi1>, vector<16xf32>
      %jit3A_932 = arith.constant 1 : i32
      %broadcast_in_dim3A_933 = vector.broadcast %jit3A_932 : i32 to vector<16xi32>
      %select_n3A_934 = arith.select %gt3A_929, %broadcast_in_dim3A_933, %broadcast_in_dim3A_920 : vector<16xi1>, vector<16xi32>
      %get3A_935 = arith.constant 14 : i32
      %get3A_936 = arith.index_cast %get3A_935 : i32 to index
      %get3A_937 = arith.constant 16 : index
      %get3A_938 = tpu.vector_load %arg11[%get3A_936, %get3A_937] {strides = array<i32>} : memref<80x128xf32, #tpu.memory_space<vmem>>, vector<16xf32>,
      %get3A_939 = arith.constant 38 : i32
      %get3A_940 = arith.index_cast %get3A_939 : i32 to index
      %get3A_941 = arith.constant 16 : index
      %get3A_942 = tpu.vector_load %arg11[%get3A_940, %get3A_941] {strides = array<i32>} : memref<80x128xf32, #tpu.memory_space<vmem>>, vector<16xf32>,
      %gt3A_943 = arith.cmpf ogt, %get3A_938, %select_n3A_930 : vector<16xf32>
      %select_n3A_944 = arith.select %gt3A_943, %get3A_938, %select_n3A_930 : vector<16xi1>, vector<16xf32>
      %select_n3A_945 = arith.select %gt3A_943, %get3A_942, %select_n3A_931 : vector<16xi1>, vector<16xf32>
      %jit3A_946 = arith.constant 2 : i32
      %broadcast_in_dim3A_947 = vector.broadcast %jit3A_946 : i32 to vector<16xi32>
      %select_n3A_948 = arith.select %gt3A_943, %broadcast_in_dim3A_947, %select_n3A_934 : vector<16xi1>, vector<16xi32>
      %get3A_949 = arith.constant 15 : i32
      %get3A_950 = arith.index_cast %get3A_949 : i32 to index
      %get3A_951 = arith.constant 16 : index
      %get3A_952 = tpu.vector_load %arg11[%get3A_950, %get3A_951] {strides = array<i32>} : memref<80x128xf32, #tpu.memory_space<vmem>>, vector<16xf32>,
      %get3A_953 = arith.constant 39 : i32
      %get3A_954 = arith.index_cast %get3A_953 : i32 to index
      %get3A_955 = arith.constant 16 : index
      %get3A_956 = tpu.vector_load %arg11[%get3A_954, %get3A_955] {strides = array<i32>} : memref<80x128xf32, #tpu.memory_space<vmem>>, vector<16xf32>,
      %gt3A_957 = arith.cmpf ogt, %get3A_952, %select_n3A_944 : vector<16xf32>
      %select_n3A_958 = arith.select %gt3A_957, %get3A_952, %select_n3A_944 : vector<16xi1>, vector<16xf32>
      %select_n3A_959 = arith.select %gt3A_957, %get3A_956, %select_n3A_945 : vector<16xi1>, vector<16xf32>
      %jit3A_960 = arith.constant 3 : i32
      %broadcast_in_dim3A_961 = vector.broadcast %jit3A_960 : i32 to vector<16xi32>
      %select_n3A_962 = arith.select %gt3A_957, %broadcast_in_dim3A_961, %select_n3A_948 : vector<16xi1>, vector<16xi32>
      %get3A_963 = arith.constant 16 : i32
      %get3A_964 = arith.index_cast %get3A_963 : i32 to index
      %get3A_965 = arith.constant 16 : index
      %get3A_966 = tpu.vector_load %arg11[%get3A_964, %get3A_965] {strides = array<i32>} : memref<80x128xf32, #tpu.memory_space<vmem>>, vector<16xf32>,
      %get3A_967 = arith.constant 40 : i32
      %get3A_968 = arith.index_cast %get3A_967 : i32 to index
      %get3A_969 = arith.constant 16 : index
      %get3A_970 = tpu.vector_load %arg11[%get3A_968, %get3A_969] {strides = array<i32>} : memref<80x128xf32, #tpu.memory_space<vmem>>, vector<16xf32>,
      %gt3A_971 = arith.cmpf ogt, %get3A_966, %select_n3A_958 : vector<16xf32>
      %select_n3A_972 = arith.select %gt3A_971, %get3A_966, %select_n3A_958 : vector<16xi1>, vector<16xf32>
      %select_n3A_973 = arith.select %gt3A_971, %get3A_970, %select_n3A_959 : vector<16xi1>, vector<16xf32>
      %jit3A_974 = arith.constant 4 : i32
      %broadcast_in_dim3A_975 = vector.broadcast %jit3A_974 : i32 to vector<16xi32>
      %select_n3A_976 = arith.select %gt3A_971, %broadcast_in_dim3A_975, %select_n3A_962 : vector<16xi1>, vector<16xi32>
      %get3A_977 = arith.constant 17 : i32
      %get3A_978 = arith.index_cast %get3A_977 : i32 to index
      %get3A_979 = arith.constant 16 : index
      %get3A_980 = tpu.vector_load %arg11[%get3A_978, %get3A_979] {strides = array<i32>} : memref<80x128xf32, #tpu.memory_space<vmem>>, vector<16xf32>,
      %get3A_981 = arith.constant 41 : i32
      %get3A_982 = arith.index_cast %get3A_981 : i32 to index
      %get3A_983 = arith.constant 16 : index
      %get3A_984 = tpu.vector_load %arg11[%get3A_982, %get3A_983] {strides = array<i32>} : memref<80x128xf32, #tpu.memory_space<vmem>>, vector<16xf32>,
      %gt3A_985 = arith.cmpf ogt, %get3A_980, %select_n3A_972 : vector<16xf32>
      %select_n3A_986 = arith.select %gt3A_985, %get3A_980, %select_n3A_972 : vector<16xi1>, vector<16xf32>
      %select_n3A_987 = arith.select %gt3A_985, %get3A_984, %select_n3A_973 : vector<16xi1>, vector<16xf32>
      %jit3A_988 = arith.constant 5 : i32
      %broadcast_in_dim3A_989 = vector.broadcast %jit3A_988 : i32 to vector<16xi32>
      %select_n3A_990 = arith.select %gt3A_985, %broadcast_in_dim3A_989, %select_n3A_976 : vector<16xi1>, vector<16xi32>
      %get3A_991 = arith.constant 18 : i32
      %get3A_992 = arith.index_cast %get3A_991 : i32 to index
      %get3A_993 = arith.constant 16 : index
      %get3A_994 = tpu.vector_load %arg11[%get3A_992, %get3A_993] {strides = array<i32>} : memref<80x128xf32, #tpu.memory_space<vmem>>, vector<16xf32>,
      %get3A_995 = arith.constant 42 : i32
      %get3A_996 = arith.index_cast %get3A_995 : i32 to index
      %get3A_997 = arith.constant 16 : index
      %get3A_998 = tpu.vector_load %arg11[%get3A_996, %get3A_997] {strides = array<i32>} : memref<80x128xf32, #tpu.memory_space<vmem>>, vector<16xf32>,
      %gt3A_999 = arith.cmpf ogt, %get3A_994, %select_n3A_986 : vector<16xf32>
      %select_n3A_1000 = arith.select %gt3A_999, %get3A_994, %select_n3A_986 : vector<16xi1>, vector<16xf32>
      %select_n3A_1001 = arith.select %gt3A_999, %get3A_998, %select_n3A_987 : vector<16xi1>, vector<16xf32>
      %jit3A_1002 = arith.constant 6 : i32
      %broadcast_in_dim3A_1003 = vector.broadcast %jit3A_1002 : i32 to vector<16xi32>
      %select_n3A_1004 = arith.select %gt3A_999, %broadcast_in_dim3A_1003, %select_n3A_990 : vector<16xi1>, vector<16xi32>
      %get3A_1005 = arith.constant 19 : i32
      %get3A_1006 = arith.index_cast %get3A_1005 : i32 to index
      %get3A_1007 = arith.constant 16 : index
      %get3A_1008 = tpu.vector_load %arg11[%get3A_1006, %get3A_1007] {strides = array<i32>} : memref<80x128xf32, #tpu.memory_space<vmem>>, vector<16xf32>,
      %get3A_1009 = arith.constant 43 : i32
      %get3A_1010 = arith.index_cast %get3A_1009 : i32 to index
      %get3A_1011 = arith.constant 16 : index
      %get3A_1012 = tpu.vector_load %arg11[%get3A_1010, %get3A_1011] {strides = array<i32>} : memref<80x128xf32, #tpu.memory_space<vmem>>, vector<16xf32>,
      %gt3A_1013 = arith.cmpf ogt, %get3A_1008, %select_n3A_1000 : vector<16xf32>
      %select_n3A_1014 = arith.select %gt3A_1013, %get3A_1008, %select_n3A_1000 : vector<16xi1>, vector<16xf32>
      %select_n3A_1015 = arith.select %gt3A_1013, %get3A_1012, %select_n3A_1001 : vector<16xi1>, vector<16xf32>
      %jit3A_1016 = arith.constant 7 : i32
      %broadcast_in_dim3A_1017 = vector.broadcast %jit3A_1016 : i32 to vector<16xi32>
      %select_n3A_1018 = arith.select %gt3A_1013, %broadcast_in_dim3A_1017, %select_n3A_1004 : vector<16xi1>, vector<16xi32>
      %get3A_1019 = arith.constant 20 : i32
      %get3A_1020 = arith.index_cast %get3A_1019 : i32 to index
      %get3A_1021 = arith.constant 16 : index
      %get3A_1022 = tpu.vector_load %arg11[%get3A_1020, %get3A_1021] {strides = array<i32>} : memref<80x128xf32, #tpu.memory_space<vmem>>, vector<16xf32>,
      %get3A_1023 = arith.constant 44 : i32
      %get3A_1024 = arith.index_cast %get3A_1023 : i32 to index
      %get3A_1025 = arith.constant 16 : index
      %get3A_1026 = tpu.vector_load %arg11[%get3A_1024, %get3A_1025] {strides = array<i32>} : memref<80x128xf32, #tpu.memory_space<vmem>>, vector<16xf32>,
      %gt3A_1027 = arith.cmpf ogt, %get3A_1022, %select_n3A_1014 : vector<16xf32>
      %select_n3A_1028 = arith.select %gt3A_1027, %get3A_1022, %select_n3A_1014 : vector<16xi1>, vector<16xf32>
      %select_n3A_1029 = arith.select %gt3A_1027, %get3A_1026, %select_n3A_1015 : vector<16xi1>, vector<16xf32>
      %jit3A_1030 = arith.constant 8 : i32
      %broadcast_in_dim3A_1031 = vector.broadcast %jit3A_1030 : i32 to vector<16xi32>
      %select_n3A_1032 = arith.select %gt3A_1027, %broadcast_in_dim3A_1031, %select_n3A_1018 : vector<16xi1>, vector<16xi32>
      %get3A_1033 = arith.constant 21 : i32
      %get3A_1034 = arith.index_cast %get3A_1033 : i32 to index
      %get3A_1035 = arith.constant 16 : index
      %get3A_1036 = tpu.vector_load %arg11[%get3A_1034, %get3A_1035] {strides = array<i32>} : memref<80x128xf32, #tpu.memory_space<vmem>>, vector<16xf32>,
      %get3A_1037 = arith.constant 45 : i32
      %get3A_1038 = arith.index_cast %get3A_1037 : i32 to index
      %get3A_1039 = arith.constant 16 : index
      %get3A_1040 = tpu.vector_load %arg11[%get3A_1038, %get3A_1039] {strides = array<i32>} : memref<80x128xf32, #tpu.memory_space<vmem>>, vector<16xf32>,
      %gt3A_1041 = arith.cmpf ogt, %get3A_1036, %select_n3A_1028 : vector<16xf32>
      %select_n3A_1042 = arith.select %gt3A_1041, %get3A_1036, %select_n3A_1028 : vector<16xi1>, vector<16xf32>
      %select_n3A_1043 = arith.select %gt3A_1041, %get3A_1040, %select_n3A_1029 : vector<16xi1>, vector<16xf32>
      %jit3A_1044 = arith.constant 9 : i32
      %broadcast_in_dim3A_1045 = vector.broadcast %jit3A_1044 : i32 to vector<16xi32>
      %select_n3A_1046 = arith.select %gt3A_1041, %broadcast_in_dim3A_1045, %select_n3A_1032 : vector<16xi1>, vector<16xi32>
      %get3A_1047 = arith.constant 22 : i32
      %get3A_1048 = arith.index_cast %get3A_1047 : i32 to index
      %get3A_1049 = arith.constant 16 : index
      %get3A_1050 = tpu.vector_load %arg11[%get3A_1048, %get3A_1049] {strides = array<i32>} : memref<80x128xf32, #tpu.memory_space<vmem>>, vector<16xf32>,
      %get3A_1051 = arith.constant 46 : i32
      %get3A_1052 = arith.index_cast %get3A_1051 : i32 to index
      %get3A_1053 = arith.constant 16 : index
      %get3A_1054 = tpu.vector_load %arg11[%get3A_1052, %get3A_1053] {strides = array<i32>} : memref<80x128xf32, #tpu.memory_space<vmem>>, vector<16xf32>,
      %gt3A_1055 = arith.cmpf ogt, %get3A_1050, %select_n3A_1042 : vector<16xf32>
      %select_n3A_1056 = arith.select %gt3A_1055, %get3A_1050, %select_n3A_1042 : vector<16xi1>, vector<16xf32>
      %select_n3A_1057 = arith.select %gt3A_1055, %get3A_1054, %select_n3A_1043 : vector<16xi1>, vector<16xf32>
      %jit3A_1058 = arith.constant 10 : i32
      %broadcast_in_dim3A_1059 = vector.broadcast %jit3A_1058 : i32 to vector<16xi32>
      %select_n3A_1060 = arith.select %gt3A_1055, %broadcast_in_dim3A_1059, %select_n3A_1046 : vector<16xi1>, vector<16xi32>
      %get3A_1061 = arith.constant 23 : i32
      %get3A_1062 = arith.index_cast %get3A_1061 : i32 to index
      %get3A_1063 = arith.constant 16 : index
      %get3A_1064 = tpu.vector_load %arg11[%get3A_1062, %get3A_1063] {strides = array<i32>} : memref<80x128xf32, #tpu.memory_space<vmem>>, vector<16xf32>,
      %get3A_1065 = arith.constant 47 : i32
      %get3A_1066 = arith.index_cast %get3A_1065 : i32 to index
      %get3A_1067 = arith.constant 16 : index
      %get3A_1068 = tpu.vector_load %arg11[%get3A_1066, %get3A_1067] {strides = array<i32>} : memref<80x128xf32, #tpu.memory_space<vmem>>, vector<16xf32>,
      %gt3A_1069 = arith.cmpf ogt, %get3A_1064, %select_n3A_1056 : vector<16xf32>
      %select_n3A_1070 = arith.select %gt3A_1069, %get3A_1064, %select_n3A_1056 : vector<16xi1>, vector<16xf32>
      %select_n3A_1071 = arith.select %gt3A_1069, %get3A_1068, %select_n3A_1057 : vector<16xi1>, vector<16xf32>
      %jit3A_1072 = arith.constant 11 : i32
      %broadcast_in_dim3A_1073 = vector.broadcast %jit3A_1072 : i32 to vector<16xi32>
      %select_n3A_1074 = arith.select %gt3A_1069, %broadcast_in_dim3A_1073, %select_n3A_1060 : vector<16xi1>, vector<16xi32>
      %get3A_1075 = arith.constant 49 : i32
      %get3A_1076 = arith.index_cast %get3A_1075 : i32 to index
      %get3A_1077 = arith.constant 16 : index
      %get3A_1078 = tpu.vector_load %arg11[%get3A_1076, %get3A_1077] {strides = array<i32>} : memref<80x128xf32, #tpu.memory_space<vmem>>, vector<16xf32>,
      %get3A_1079 = arith.constant 61 : i32
      %get3A_1080 = arith.index_cast %get3A_1079 : i32 to index
      %get3A_1081 = arith.constant 16 : index
      %get3A_1082 = tpu.vector_load %arg11[%get3A_1080, %get3A_1081] {strides = array<i32>} : memref<80x128xf32, #tpu.memory_space<vmem>>, vector<16xf32>,
      %broadcast_in_dim3A_1083 = arith.constant 0 : i32
      %broadcast_in_dim3A_1084 = vector.broadcast %broadcast_in_dim3A_1083 : i32 to vector<16xi32>
      %get3A_1085 = arith.constant 50 : i32
      %get3A_1086 = arith.index_cast %get3A_1085 : i32 to index
      %get3A_1087 = arith.constant 16 : index
      %get3A_1088 = tpu.vector_load %arg11[%get3A_1086, %get3A_1087] {strides = array<i32>} : memref<80x128xf32, #tpu.memory_space<vmem>>, vector<16xf32>,
      %get3A_1089 = arith.constant 62 : i32
      %get3A_1090 = arith.index_cast %get3A_1089 : i32 to index
      %get3A_1091 = arith.constant 16 : index
      %get3A_1092 = tpu.vector_load %arg11[%get3A_1090, %get3A_1091] {strides = array<i32>} : memref<80x128xf32, #tpu.memory_space<vmem>>, vector<16xf32>,
      %gt3A_1093 = arith.cmpf ogt, %get3A_1088, %get3A_1078 : vector<16xf32>
      %select_n3A_1094 = arith.select %gt3A_1093, %get3A_1088, %get3A_1078 : vector<16xi1>, vector<16xf32>
      %select_n3A_1095 = arith.select %gt3A_1093, %get3A_1092, %get3A_1082 : vector<16xi1>, vector<16xf32>
      %jit3A_1096 = arith.constant 1 : i32
      %broadcast_in_dim3A_1097 = vector.broadcast %jit3A_1096 : i32 to vector<16xi32>
      %select_n3A_1098 = arith.select %gt3A_1093, %broadcast_in_dim3A_1097, %broadcast_in_dim3A_1084 : vector<16xi1>, vector<16xi32>
      %get3A_1099 = arith.constant 51 : i32
      %get3A_1100 = arith.index_cast %get3A_1099 : i32 to index
      %get3A_1101 = arith.constant 16 : index
      %get3A_1102 = tpu.vector_load %arg11[%get3A_1100, %get3A_1101] {strides = array<i32>} : memref<80x128xf32, #tpu.memory_space<vmem>>, vector<16xf32>,
      %get3A_1103 = arith.constant 63 : i32
      %get3A_1104 = arith.index_cast %get3A_1103 : i32 to index
      %get3A_1105 = arith.constant 16 : index
      %get3A_1106 = tpu.vector_load %arg11[%get3A_1104, %get3A_1105] {strides = array<i32>} : memref<80x128xf32, #tpu.memory_space<vmem>>, vector<16xf32>,
      %gt3A_1107 = arith.cmpf ogt, %get3A_1102, %select_n3A_1094 : vector<16xf32>
      %select_n3A_1108 = arith.select %gt3A_1107, %get3A_1102, %select_n3A_1094 : vector<16xi1>, vector<16xf32>
      %select_n3A_1109 = arith.select %gt3A_1107, %get3A_1106, %select_n3A_1095 : vector<16xi1>, vector<16xf32>
      %jit3A_1110 = arith.constant 2 : i32
      %broadcast_in_dim3A_1111 = vector.broadcast %jit3A_1110 : i32 to vector<16xi32>
      %select_n3A_1112 = arith.select %gt3A_1107, %broadcast_in_dim3A_1111, %select_n3A_1098 : vector<16xi1>, vector<16xi32>
      %get3A_1113 = arith.constant 52 : i32
      %get3A_1114 = arith.index_cast %get3A_1113 : i32 to index
      %get3A_1115 = arith.constant 16 : index
      %get3A_1116 = tpu.vector_load %arg11[%get3A_1114, %get3A_1115] {strides = array<i32>} : memref<80x128xf32, #tpu.memory_space<vmem>>, vector<16xf32>,
      %get3A_1117 = arith.constant 64 : i32
      %get3A_1118 = arith.index_cast %get3A_1117 : i32 to index
      %get3A_1119 = arith.constant 16 : index
      %get3A_1120 = tpu.vector_load %arg11[%get3A_1118, %get3A_1119] {strides = array<i32>} : memref<80x128xf32, #tpu.memory_space<vmem>>, vector<16xf32>,
      %gt3A_1121 = arith.cmpf ogt, %get3A_1116, %select_n3A_1108 : vector<16xf32>
      %select_n3A_1122 = arith.select %gt3A_1121, %get3A_1116, %select_n3A_1108 : vector<16xi1>, vector<16xf32>
      %select_n3A_1123 = arith.select %gt3A_1121, %get3A_1120, %select_n3A_1109 : vector<16xi1>, vector<16xf32>
      %jit3A_1124 = arith.constant 3 : i32
      %broadcast_in_dim3A_1125 = vector.broadcast %jit3A_1124 : i32 to vector<16xi32>
      %select_n3A_1126 = arith.select %gt3A_1121, %broadcast_in_dim3A_1125, %select_n3A_1112 : vector<16xi1>, vector<16xi32>
      %get3A_1127 = arith.constant 53 : i32
      %get3A_1128 = arith.index_cast %get3A_1127 : i32 to index
      %get3A_1129 = arith.constant 16 : index
      %get3A_1130 = tpu.vector_load %arg11[%get3A_1128, %get3A_1129] {strides = array<i32>} : memref<80x128xf32, #tpu.memory_space<vmem>>, vector<16xf32>,
      %get3A_1131 = arith.constant 65 : i32
      %get3A_1132 = arith.index_cast %get3A_1131 : i32 to index
      %get3A_1133 = arith.constant 16 : index
      %get3A_1134 = tpu.vector_load %arg11[%get3A_1132, %get3A_1133] {strides = array<i32>} : memref<80x128xf32, #tpu.memory_space<vmem>>, vector<16xf32>,
      %gt3A_1135 = arith.cmpf ogt, %get3A_1130, %select_n3A_1122 : vector<16xf32>
      %select_n3A_1136 = arith.select %gt3A_1135, %get3A_1130, %select_n3A_1122 : vector<16xi1>, vector<16xf32>
      %select_n3A_1137 = arith.select %gt3A_1135, %get3A_1134, %select_n3A_1123 : vector<16xi1>, vector<16xf32>
      %jit3A_1138 = arith.constant 4 : i32
      %broadcast_in_dim3A_1139 = vector.broadcast %jit3A_1138 : i32 to vector<16xi32>
      %select_n3A_1140 = arith.select %gt3A_1135, %broadcast_in_dim3A_1139, %select_n3A_1126 : vector<16xi1>, vector<16xi32>
      %get3A_1141 = arith.constant 54 : i32
      %get3A_1142 = arith.index_cast %get3A_1141 : i32 to index
      %get3A_1143 = arith.constant 16 : index
      %get3A_1144 = tpu.vector_load %arg11[%get3A_1142, %get3A_1143] {strides = array<i32>} : memref<80x128xf32, #tpu.memory_space<vmem>>, vector<16xf32>,
      %get3A_1145 = arith.constant 66 : i32
      %get3A_1146 = arith.index_cast %get3A_1145 : i32 to index
      %get3A_1147 = arith.constant 16 : index
      %get3A_1148 = tpu.vector_load %arg11[%get3A_1146, %get3A_1147] {strides = array<i32>} : memref<80x128xf32, #tpu.memory_space<vmem>>, vector<16xf32>,
      %gt3A_1149 = arith.cmpf ogt, %get3A_1144, %select_n3A_1136 : vector<16xf32>
      %select_n3A_1150 = arith.select %gt3A_1149, %get3A_1144, %select_n3A_1136 : vector<16xi1>, vector<16xf32>
      %select_n3A_1151 = arith.select %gt3A_1149, %get3A_1148, %select_n3A_1137 : vector<16xi1>, vector<16xf32>
      %jit3A_1152 = arith.constant 5 : i32
      %broadcast_in_dim3A_1153 = vector.broadcast %jit3A_1152 : i32 to vector<16xi32>
      %select_n3A_1154 = arith.select %gt3A_1149, %broadcast_in_dim3A_1153, %select_n3A_1140 : vector<16xi1>, vector<16xi32>
      %get3A_1155 = arith.constant 55 : i32
      %get3A_1156 = arith.index_cast %get3A_1155 : i32 to index
      %get3A_1157 = arith.constant 16 : index
      %get3A_1158 = tpu.vector_load %arg11[%get3A_1156, %get3A_1157] {strides = array<i32>} : memref<80x128xf32, #tpu.memory_space<vmem>>, vector<16xf32>,
      %get3A_1159 = arith.constant 67 : i32
      %get3A_1160 = arith.index_cast %get3A_1159 : i32 to index
      %get3A_1161 = arith.constant 16 : index
      %get3A_1162 = tpu.vector_load %arg11[%get3A_1160, %get3A_1161] {strides = array<i32>} : memref<80x128xf32, #tpu.memory_space<vmem>>, vector<16xf32>,
      %gt3A_1163 = arith.cmpf ogt, %get3A_1158, %select_n3A_1150 : vector<16xf32>
      %select_n3A_1164 = arith.select %gt3A_1163, %get3A_1158, %select_n3A_1150 : vector<16xi1>, vector<16xf32>
      %select_n3A_1165 = arith.select %gt3A_1163, %get3A_1162, %select_n3A_1151 : vector<16xi1>, vector<16xf32>
      %jit3A_1166 = arith.constant 6 : i32
      %broadcast_in_dim3A_1167 = vector.broadcast %jit3A_1166 : i32 to vector<16xi32>
      %select_n3A_1168 = arith.select %gt3A_1163, %broadcast_in_dim3A_1167, %select_n3A_1154 : vector<16xi1>, vector<16xi32>
      %get3A_1169 = arith.constant 56 : i32
      %get3A_1170 = arith.index_cast %get3A_1169 : i32 to index
      %get3A_1171 = arith.constant 16 : index
      %get3A_1172 = tpu.vector_load %arg11[%get3A_1170, %get3A_1171] {strides = array<i32>} : memref<80x128xf32, #tpu.memory_space<vmem>>, vector<16xf32>,
      %get3A_1173 = arith.constant 68 : i32
      %get3A_1174 = arith.index_cast %get3A_1173 : i32 to index
      %get3A_1175 = arith.constant 16 : index
      %get3A_1176 = tpu.vector_load %arg11[%get3A_1174, %get3A_1175] {strides = array<i32>} : memref<80x128xf32, #tpu.memory_space<vmem>>, vector<16xf32>,
      %gt3A_1177 = arith.cmpf ogt, %get3A_1172, %select_n3A_1164 : vector<16xf32>
      %select_n3A_1178 = arith.select %gt3A_1177, %get3A_1172, %select_n3A_1164 : vector<16xi1>, vector<16xf32>
      %select_n3A_1179 = arith.select %gt3A_1177, %get3A_1176, %select_n3A_1165 : vector<16xi1>, vector<16xf32>
      %jit3A_1180 = arith.constant 7 : i32
      %broadcast_in_dim3A_1181 = vector.broadcast %jit3A_1180 : i32 to vector<16xi32>
      %select_n3A_1182 = arith.select %gt3A_1177, %broadcast_in_dim3A_1181, %select_n3A_1168 : vector<16xi1>, vector<16xi32>
      %get3A_1183 = arith.constant 57 : i32
      %get3A_1184 = arith.index_cast %get3A_1183 : i32 to index
      %get3A_1185 = arith.constant 16 : index
      %get3A_1186 = tpu.vector_load %arg11[%get3A_1184, %get3A_1185] {strides = array<i32>} : memref<80x128xf32, #tpu.memory_space<vmem>>, vector<16xf32>,
      %get3A_1187 = arith.constant 69 : i32
      %get3A_1188 = arith.index_cast %get3A_1187 : i32 to index
      %get3A_1189 = arith.constant 16 : index
      %get3A_1190 = tpu.vector_load %arg11[%get3A_1188, %get3A_1189] {strides = array<i32>} : memref<80x128xf32, #tpu.memory_space<vmem>>, vector<16xf32>,
      %gt3A_1191 = arith.cmpf ogt, %get3A_1186, %select_n3A_1178 : vector<16xf32>
      %select_n3A_1192 = arith.select %gt3A_1191, %get3A_1186, %select_n3A_1178 : vector<16xi1>, vector<16xf32>
      %select_n3A_1193 = arith.select %gt3A_1191, %get3A_1190, %select_n3A_1179 : vector<16xi1>, vector<16xf32>
      %jit3A_1194 = arith.constant 8 : i32
      %broadcast_in_dim3A_1195 = vector.broadcast %jit3A_1194 : i32 to vector<16xi32>
      %select_n3A_1196 = arith.select %gt3A_1191, %broadcast_in_dim3A_1195, %select_n3A_1182 : vector<16xi1>, vector<16xi32>
      %get3A_1197 = arith.constant 58 : i32
      %get3A_1198 = arith.index_cast %get3A_1197 : i32 to index
      %get3A_1199 = arith.constant 16 : index
      %get3A_1200 = tpu.vector_load %arg11[%get3A_1198, %get3A_1199] {strides = array<i32>} : memref<80x128xf32, #tpu.memory_space<vmem>>, vector<16xf32>,
      %get3A_1201 = arith.constant 70 : i32
      %get3A_1202 = arith.index_cast %get3A_1201 : i32 to index
      %get3A_1203 = arith.constant 16 : index
      %get3A_1204 = tpu.vector_load %arg11[%get3A_1202, %get3A_1203] {strides = array<i32>} : memref<80x128xf32, #tpu.memory_space<vmem>>, vector<16xf32>,
      %gt3A_1205 = arith.cmpf ogt, %get3A_1200, %select_n3A_1192 : vector<16xf32>
      %select_n3A_1206 = arith.select %gt3A_1205, %get3A_1200, %select_n3A_1192 : vector<16xi1>, vector<16xf32>
      %select_n3A_1207 = arith.select %gt3A_1205, %get3A_1204, %select_n3A_1193 : vector<16xi1>, vector<16xf32>
      %jit3A_1208 = arith.constant 9 : i32
      %broadcast_in_dim3A_1209 = vector.broadcast %jit3A_1208 : i32 to vector<16xi32>
      %select_n3A_1210 = arith.select %gt3A_1205, %broadcast_in_dim3A_1209, %select_n3A_1196 : vector<16xi1>, vector<16xi32>
      %get3A_1211 = arith.constant 59 : i32
      %get3A_1212 = arith.index_cast %get3A_1211 : i32 to index
      %get3A_1213 = arith.constant 16 : index
      %get3A_1214 = tpu.vector_load %arg11[%get3A_1212, %get3A_1213] {strides = array<i32>} : memref<80x128xf32, #tpu.memory_space<vmem>>, vector<16xf32>,
      %get3A_1215 = arith.constant 71 : i32
      %get3A_1216 = arith.index_cast %get3A_1215 : i32 to index
      %get3A_1217 = arith.constant 16 : index
      %get3A_1218 = tpu.vector_load %arg11[%get3A_1216, %get3A_1217] {strides = array<i32>} : memref<80x128xf32, #tpu.memory_space<vmem>>, vector<16xf32>,
      %gt3A_1219 = arith.cmpf ogt, %get3A_1214, %select_n3A_1206 : vector<16xf32>
      %select_n3A_1220 = arith.select %gt3A_1219, %get3A_1214, %select_n3A_1206 : vector<16xi1>, vector<16xf32>
      %select_n3A_1221 = arith.select %gt3A_1219, %get3A_1218, %select_n3A_1207 : vector<16xi1>, vector<16xf32>
      %jit3A_1222 = arith.constant 10 : i32
      %broadcast_in_dim3A_1223 = vector.broadcast %jit3A_1222 : i32 to vector<16xi32>
      %select_n3A_1224 = arith.select %gt3A_1219, %broadcast_in_dim3A_1223, %select_n3A_1210 : vector<16xi1>, vector<16xi32>
      %get3A_1225 = arith.constant 60 : i32
      %get3A_1226 = arith.index_cast %get3A_1225 : i32 to index
      %get3A_1227 = arith.constant 16 : index
      %get3A_1228 = tpu.vector_load %arg11[%get3A_1226, %get3A_1227] {strides = array<i32>} : memref<80x128xf32, #tpu.memory_space<vmem>>, vector<16xf32>,
      %get3A_1229 = arith.constant 72 : i32
      %get3A_1230 = arith.index_cast %get3A_1229 : i32 to index
      %get3A_1231 = arith.constant 16 : index
      %get3A_1232 = tpu.vector_load %arg11[%get3A_1230, %get3A_1231] {strides = array<i32>} : memref<80x128xf32, #tpu.memory_space<vmem>>, vector<16xf32>,
      %gt3A_1233 = arith.cmpf ogt, %get3A_1228, %select_n3A_1220 : vector<16xf32>
      %select_n3A_1234 = arith.select %gt3A_1233, %get3A_1228, %select_n3A_1220 : vector<16xi1>, vector<16xf32>
      %select_n3A_1235 = arith.select %gt3A_1233, %get3A_1232, %select_n3A_1221 : vector<16xi1>, vector<16xf32>
      %jit3A_1236 = arith.constant 11 : i32
      %broadcast_in_dim3A_1237 = vector.broadcast %jit3A_1236 : i32 to vector<16xi32>
      %select_n3A_1238 = arith.select %gt3A_1233, %broadcast_in_dim3A_1237, %select_n3A_1224 : vector<16xi1>, vector<16xi32>
      %get3A_1239 = arith.constant 48 : i32
      %get3A_1240 = arith.index_cast %get3A_1239 : i32 to index
      %get3A_1241 = arith.constant 16 : index
      %get3A_1242 = tpu.vector_load %arg11[%get3A_1240, %get3A_1241] {strides = array<i32>} : memref<80x128xf32, #tpu.memory_space<vmem>>, vector<16xf32>,
      %get3A_1243 = arith.constant 73 : i32
      %get3A_1244 = arith.index_cast %get3A_1243 : i32 to index
      %get3A_1245 = arith.constant 16 : index
      %get3A_1246 = tpu.vector_load %arg11[%get3A_1244, %get3A_1245] {strides = array<i32>} : memref<80x128xf32, #tpu.memory_space<vmem>>, vector<16xf32>,
      %get3A_1247 = arith.constant 74 : i32
      %get3A_1248 = arith.index_cast %get3A_1247 : i32 to index
      %get3A_1249 = arith.constant 16 : index
      %get3A_1250 = tpu.vector_load %arg11[%get3A_1248, %get3A_1249] {strides = array<i32>} : memref<80x128xf32, #tpu.memory_space<vmem>>, vector<16xf32>,
      %get3A_1251 = arith.constant 75 : i32
      %get3A_1252 = arith.index_cast %get3A_1251 : i32 to index
      %get3A_1253 = arith.constant 16 : index
      %get3A_1254 = tpu.vector_load %arg11[%get3A_1252, %get3A_1253] {strides = array<i32>} : memref<80x128xf32, #tpu.memory_space<vmem>>, vector<16xf32>,
      %get3A_1255 = arith.constant 0 : i32
      %get3A_1256 = arith.index_cast %get3A_1255 : i32 to index
      %get3A_1257 = arith.constant 16 : index
      %get3A_1258 = tpu.vector_load %arg12[%get3A_1256, %get3A_1257] {strides = array<i32>} : memref<8x128xf32, #tpu.memory_space<vmem>>, vector<16xf32>,
      %get3A_1259 = arith.constant 1 : i32
      %get3A_1260 = arith.index_cast %get3A_1259 : i32 to index
      %get3A_1261 = arith.constant 16 : index
      %get3A_1262 = tpu.vector_load %arg12[%get3A_1260, %get3A_1261] {strides = array<i32>} : memref<8x128xf32, #tpu.memory_space<vmem>>, vector<16xf32>,
      %get3A_1263 = arith.constant 2 : i32
      %get3A_1264 = arith.index_cast %get3A_1263 : i32 to index
      %get3A_1265 = arith.constant 16 : index
      %get3A_1266 = tpu.vector_load %arg12[%get3A_1264, %get3A_1265] {strides = array<i32>} : memref<8x128xf32, #tpu.memory_space<vmem>>, vector<16xf32>,
      %get3A_1267 = arith.constant 6 : i32
      %get3A_1268 = arith.index_cast %get3A_1267 : i32 to index
      %get3A_1269 = arith.constant 16 : index
      %get3A_1270 = tpu.vector_load %arg12[%get3A_1268, %get3A_1269] {strides = array<i32>} : memref<8x128xf32, #tpu.memory_space<vmem>>, vector<16xf32>,
      %convert_element_type3A_1271 = arith.sitofp %select_n3A_910 : vector<16xi32> to vector<16xf32>
      %mul3A_1272 = arith.constant 5.000000e-01 : f32
      %mul3A_1273 = vector.broadcast %mul3A_1272 : f32 to vector<16xf32>
      %mul3A_1274 = arith.mulf %convert_element_type3A_1271, %mul3A_1273 : vector<16xf32>
      %add3A_1275 = arith.constant -2.750000e+00 : f32
      %add3A_1276 = vector.broadcast %add3A_1275 : f32 to vector<16xf32>
      %add3A_1277 = arith.addf %mul3A_1274, %add3A_1276 : vector<16xf32>
      %mul3A_1278 = arith.constant 5.000000e-01 : f32
      %mul3A_1279 = vector.broadcast %mul3A_1278 : f32 to vector<16xf32>
      %mul3A_1280 = arith.mulf %select_n3A_907, %mul3A_1279 : vector<16xf32>
      %add3A_1281 = arith.addf %add3A_1277, %mul3A_1280 : vector<16xf32>
      %convert_element_type3A_1282 = arith.sitofp %select_n3A_1074 : vector<16xi32> to vector<16xf32>
      %mul3A_1283 = arith.constant 5.000000e-01 : f32
      %mul3A_1284 = vector.broadcast %mul3A_1283 : f32 to vector<16xf32>
      %mul3A_1285 = arith.mulf %convert_element_type3A_1282, %mul3A_1284 : vector<16xf32>
      %add3A_1286 = arith.constant -2.750000e+00 : f32
      %add3A_1287 = vector.broadcast %add3A_1286 : f32 to vector<16xf32>
      %add3A_1288 = arith.addf %mul3A_1285, %add3A_1287 : vector<16xf32>
      %mul3A_1289 = arith.constant 5.000000e-01 : f32
      %mul3A_1290 = vector.broadcast %mul3A_1289 : f32 to vector<16xf32>
      %mul3A_1291 = arith.mulf %select_n3A_1071, %mul3A_1290 : vector<16xf32>
      %add3A_1292 = arith.addf %add3A_1288, %mul3A_1291 : vector<16xf32>
      %add3A_1293 = arith.addf %get3A_1262, %get3A_1242 : vector<16xf32>
      %convert_element_type3A_1294 = arith.sitofp %select_n3A_1238 : vector<16xi32> to vector<16xf32>
      %mul3A_1295 = arith.constant 0.52359879 : f32
      %mul3A_1296 = vector.broadcast %mul3A_1295 : f32 to vector<16xf32>
      %mul3A_1297 = arith.mulf %convert_element_type3A_1294, %mul3A_1296 : vector<16xf32>
      %mul3A_1298 = arith.constant 0.261799395 : f32
      %mul3A_1299 = vector.broadcast %mul3A_1298 : f32 to vector<16xf32>
      %mul3A_1300 = arith.mulf %select_n3A_1235, %mul3A_1299 : vector<16xf32>
      %add3A_1301 = arith.addf %mul3A_1297, %mul3A_1300 : vector<16xf32>
      %mul3A_1302 = arith.constant 0.159154937 : f32
      %mul3A_1303 = vector.broadcast %mul3A_1302 : f32 to vector<16xf32>
      %mul3A_1304 = arith.mulf %add3A_1301, %mul3A_1303 : vector<16xf32>
      %convert_element_type3A_1305 = arith.fptosi %mul3A_1304 : vector<16xf32> to vector<16xi32>
      %convert_element_type3A_1306 = arith.sitofp %convert_element_type3A_1305 : vector<16xi32> to vector<16xf32>
      %gt3A_1307 = arith.cmpf ogt, %convert_element_type3A_1306, %mul3A_1304 : vector<16xf32>
      %sub3A_1308 = arith.constant 1.000000e+00 : f32
      %sub3A_1309 = vector.broadcast %sub3A_1308 : f32 to vector<16xf32>
      %sub3A_1310 = arith.subf %convert_element_type3A_1306, %sub3A_1309 : vector<16xf32>
      %select_n3A_1311 = arith.select %gt3A_1307, %sub3A_1310, %convert_element_type3A_1306 : vector<16xi1>, vector<16xf32>
      %mul3A_1312 = arith.constant 6.28318548 : f32
      %mul3A_1313 = vector.broadcast %mul3A_1312 : f32 to vector<16xf32>
      %mul3A_1314 = arith.mulf %select_n3A_1311, %mul3A_1313 : vector<16xf32>
      %sub3A_1315 = arith.subf %add3A_1301, %mul3A_1314 : vector<16xf32>
      %gt3A_1316 = arith.constant 3.14159274 : f32
      %gt3A_1317 = vector.broadcast %gt3A_1316 : f32 to vector<16xf32>
      %gt3A_1318 = arith.cmpf ogt, %sub3A_1315, %gt3A_1317 : vector<16xf32>
      %sub3A_1319 = arith.constant 6.28318548 : f32
      %sub3A_1320 = vector.broadcast %sub3A_1319 : f32 to vector<16xf32>
      %sub3A_1321 = arith.subf %sub3A_1315, %sub3A_1320 : vector<16xf32>
      %select_n3A_1322 = arith.select %gt3A_1318, %sub3A_1321, %sub3A_1315 : vector<16xi1>, vector<16xf32>
      %mul3A_1323 = arith.mulf %get3A_1246, %get3A_5 : vector<16xf32>
      %add3A_1324 = arith.addf %mul3A_1323, %get3A_5 : vector<16xf32>
      %mul3A_1325 = arith.mulf %get3A_1250, %get3A_9 : vector<16xf32>
      %add3A_1326 = arith.addf %mul3A_1325, %get3A_9 : vector<16xf32>
      %mul3A_1327 = arith.mulf %get3A_1254, %get3A_13 : vector<16xf32>
      %add3A_1328 = arith.addf %mul3A_1327, %get3A_13 : vector<16xf32>
      %ge3A_1329 = arith.constant 0.000000e+00 : f32
      %ge3A_1330 = vector.broadcast %ge3A_1329 : f32 to vector<16xf32>
      %ge3A_1331 = arith.cmpf oge, %get3A_1270, %ge3A_1330 : vector<16xf32>
      %jit3A_1332 = arith.constant 5.000000e-01 : f32
      %jit3A_1333 = arith.constant -5.000000e-01 : f32
      %broadcast_in_dim3A_1334 = vector.broadcast %jit3A_1332 : f32 to vector<16xf32>
      %broadcast_in_dim3A_1335 = vector.broadcast %jit3A_1333 : f32 to vector<16xf32>
      %select_n3A_1336 = arith.select %ge3A_1331, %broadcast_in_dim3A_1334, %broadcast_in_dim3A_1335 : vector<16xi1>, vector<16xf32>
      %mul3A_1337 = arith.constant 0.636619746 : f32
      %mul3A_1338 = vector.broadcast %mul3A_1337 : f32 to vector<16xf32>
      %mul3A_1339 = arith.mulf %get3A_1270, %mul3A_1338 : vector<16xf32>
      %add3A_1340 = arith.addf %mul3A_1339, %select_n3A_1336 : vector<16xf32>
      %convert_element_type3A_1341 = arith.fptosi %add3A_1340 : vector<16xf32> to vector<16xi32>
      %convert_element_type3A_1342 = arith.sitofp %convert_element_type3A_1341 : vector<16xi32> to vector<16xf32>
      %convert_element_type3A_1343 = arith.fptosi %convert_element_type3A_1342 : vector<16xf32> to vector<16xi32>
      %mul3A_1344 = arith.constant 1.5703125 : f32
      %mul3A_1345 = vector.broadcast %mul3A_1344 : f32 to vector<16xf32>
      %mul3A_1346 = arith.mulf %convert_element_type3A_1342, %mul3A_1345 : vector<16xf32>
      %sub3A_1347 = arith.subf %get3A_1270, %mul3A_1346 : vector<16xf32>
      %mul3A_1348 = arith.constant 4.83751297E-4 : f32
      %mul3A_1349 = vector.broadcast %mul3A_1348 : f32 to vector<16xf32>
      %mul3A_1350 = arith.mulf %convert_element_type3A_1342, %mul3A_1349 : vector<16xf32>
      %sub3A_1351 = arith.subf %sub3A_1347, %mul3A_1350 : vector<16xf32>
      %mul3A_1352 = arith.constant 7.549790e-08 : f32
      %mul3A_1353 = vector.broadcast %mul3A_1352 : f32 to vector<16xf32>
      %mul3A_1354 = arith.mulf %convert_element_type3A_1342, %mul3A_1353 : vector<16xf32>
      %sub3A_1355 = arith.subf %sub3A_1351, %mul3A_1354 : vector<16xf32>
      %mul3A_1356 = arith.mulf %sub3A_1355, %sub3A_1355 : vector<16xf32>
      %mul3A_1357 = arith.mulf %sub3A_1355, %mul3A_1356 : vector<16xf32>
      %mul3A_1358 = arith.constant -1.95152956E-4 : f32
      %mul3A_1359 = vector.broadcast %mul3A_1358 : f32 to vector<16xf32>
      %mul3A_1360 = arith.mulf %mul3A_1356, %mul3A_1359 : vector<16xf32>
      %add3A_1361 = arith.constant 0.00833216123 : f32
      %add3A_1362 = vector.broadcast %add3A_1361 : f32 to vector<16xf32>
      %add3A_1363 = arith.addf %add3A_1362, %mul3A_1360 : vector<16xf32>
      %mul3A_1364 = arith.mulf %mul3A_1356, %add3A_1363 : vector<16xf32>
      %add3A_1365 = arith.constant -0.166666552 : f32
      %add3A_1366 = vector.broadcast %add3A_1365 : f32 to vector<16xf32>
      %add3A_1367 = arith.addf %add3A_1366, %mul3A_1364 : vector<16xf32>
      %mul3A_1368 = arith.mulf %mul3A_1357, %add3A_1367 : vector<16xf32>
      %add3A_1369 = arith.addf %sub3A_1355, %mul3A_1368 : vector<16xf32>
      %mul3A_1370 = arith.constant 2.44331568E-5 : f32
      %mul3A_1371 = vector.broadcast %mul3A_1370 : f32 to vector<16xf32>
      %mul3A_1372 = arith.mulf %mul3A_1356, %mul3A_1371 : vector<16xf32>
      %add3A_1373 = arith.constant -0.00138873165 : f32
      %add3A_1374 = vector.broadcast %add3A_1373 : f32 to vector<16xf32>
      %add3A_1375 = arith.addf %add3A_1374, %mul3A_1372 : vector<16xf32>
      %mul3A_1376 = arith.mulf %mul3A_1356, %add3A_1375 : vector<16xf32>
      %add3A_1377 = arith.constant 0.0416666456 : f32
      %add3A_1378 = vector.broadcast %add3A_1377 : f32 to vector<16xf32>
      %add3A_1379 = arith.addf %add3A_1378, %mul3A_1376 : vector<16xf32>
      %mul3A_1380 = arith.mulf %mul3A_1356, %add3A_1379 : vector<16xf32>
      %add3A_1381 = arith.constant -5.000000e-01 : f32
      %add3A_1382 = vector.broadcast %add3A_1381 : f32 to vector<16xf32>
      %add3A_1383 = arith.addf %add3A_1382, %mul3A_1380 : vector<16xf32>
      %mul3A_1384 = arith.mulf %mul3A_1356, %add3A_1383 : vector<16xf32>
      %add3A_1385 = arith.constant 1.000000e+00 : f32
      %add3A_1386 = vector.broadcast %add3A_1385 : f32 to vector<16xf32>
      %add3A_1387 = arith.addf %add3A_1386, %mul3A_1384 : vector<16xf32>
      %and3A_1388 = arith.constant 3 : i32
      %and3A_1389 = vector.broadcast %and3A_1388 : i32 to vector<16xi32>
      %and3A_1390 = arith.andi %convert_element_type3A_1343, %and3A_1389 : vector<16xi32>
      %and3A_1391 = arith.constant 1 : i32
      %and3A_1392 = vector.broadcast %and3A_1391 : i32 to vector<16xi32>
      %and3A_1393 = arith.andi %and3A_1390, %and3A_1392 : vector<16xi32>
      %eq3A_1394 = arith.constant 1 : i32
      %eq3A_1395 = vector.broadcast %eq3A_1394 : i32 to vector<16xi32>
      %eq3A_1396 = arith.cmpi eq, %and3A_1393, %eq3A_1395 : vector<16xi32>
      %select_n3A_1397 = arith.select %eq3A_1396, %add3A_1387, %add3A_1369 : vector<16xi1>, vector<16xf32>
      %select_n3A_1398 = arith.select %eq3A_1396, %add3A_1369, %add3A_1387 : vector<16xi1>, vector<16xf32>
      %ge3A_1399 = arith.constant 2 : i32
      %ge3A_1400 = vector.broadcast %ge3A_1399 : i32 to vector<16xi32>
      %ge3A_1401 = arith.cmpi sge, %and3A_1390, %ge3A_1400 : vector<16xi32>
      %neg3A_1402 = arith.constant 0.000000e+00 : f32
      %neg3A_1403 = vector.broadcast %neg3A_1402 : f32 to vector<16xf32>
      %neg3A_1404 = arith.subf %neg3A_1403, %select_n3A_1397 : vector<16xf32>
      %select_n3A_1405 = arith.select %ge3A_1401, %neg3A_1404, %select_n3A_1397 : vector<16xi1>, vector<16xf32>
      %eq3A_1406 = arith.constant 1 : i32
      %eq3A_1407 = vector.broadcast %eq3A_1406 : i32 to vector<16xi32>
      %eq3A_1408 = arith.cmpi eq, %and3A_1390, %eq3A_1407 : vector<16xi32>
      %eq3A_1409 = arith.constant 2 : i32
      %eq3A_1410 = vector.broadcast %eq3A_1409 : i32 to vector<16xi32>
      %eq3A_1411 = arith.cmpi eq, %and3A_1390, %eq3A_1410 : vector<16xi32>
      %or3A_1412 = arith.ori %eq3A_1408, %eq3A_1411 : vector<16xi1>
      %neg3A_1413 = arith.constant 0.000000e+00 : f32
      %neg3A_1414 = vector.broadcast %neg3A_1413 : f32 to vector<16xf32>
      %neg3A_1415 = arith.subf %neg3A_1414, %select_n3A_1398 : vector<16xf32>
      %select_n3A_1416 = arith.select %or3A_1412, %neg3A_1415, %select_n3A_1398 : vector<16xi1>, vector<16xf32>
      %mul3A_1417 = arith.mulf %add3A_1281, %select_n3A_1416 : vector<16xf32>
      %mul3A_1418 = arith.mulf %add3A_1292, %select_n3A_1405 : vector<16xf32>
      %add3A_1419 = arith.addf %mul3A_1417, %mul3A_1418 : vector<16xf32>
      %add3A_1420 = arith.addf %add3A_1419, %get3A_1258 : vector<16xf32>
      %neg3A_1421 = arith.constant 0.000000e+00 : f32
      %neg3A_1422 = vector.broadcast %neg3A_1421 : f32 to vector<16xf32>
      %neg3A_1423 = arith.subf %neg3A_1422, %add3A_1281 : vector<16xf32>
      %mul3A_1424 = arith.mulf %neg3A_1423, %select_n3A_1405 : vector<16xf32>
      %mul3A_1425 = arith.mulf %add3A_1292, %select_n3A_1416 : vector<16xf32>
      %add3A_1426 = arith.addf %mul3A_1424, %mul3A_1425 : vector<16xf32>
      %add3A_1427 = arith.addf %add3A_1426, %get3A_1266 : vector<16xf32>
      %add3A_1428 = arith.addf %select_n3A_1322, %get3A_1270 : vector<16xf32>
      %swap3A_1429 = arith.constant 0 : i32
      %swap3A_1430 = arith.index_cast %swap3A_1429 : i32 to index
      %swap3A_1431 = arith.constant 144 : index
      %swap3A_1432 = tpu.vector_load %arg9[%swap3A_1430, %swap3A_1431] {strides = array<i32>} : memref<7x640xf32, #tpu.memory_space<vmem>>, vector<16xf32>,
      tpu.vector_store %arg9[%swap3A_1430, %swap3A_1431], %add3A_1420 {strides = array<i32>} : memref<7x640xf32, #tpu.memory_space<vmem>>, vector<16xf32>,
      %swap3A_1433 = arith.constant 1 : i32
      %swap3A_1434 = arith.index_cast %swap3A_1433 : i32 to index
      %swap3A_1435 = arith.constant 144 : index
      %swap3A_1436 = tpu.vector_load %arg9[%swap3A_1434, %swap3A_1435] {strides = array<i32>} : memref<7x640xf32, #tpu.memory_space<vmem>>, vector<16xf32>,
      tpu.vector_store %arg9[%swap3A_1434, %swap3A_1435], %add3A_1293 {strides = array<i32>} : memref<7x640xf32, #tpu.memory_space<vmem>>, vector<16xf32>,
      %swap3A_1437 = arith.constant 2 : i32
      %swap3A_1438 = arith.index_cast %swap3A_1437 : i32 to index
      %swap3A_1439 = arith.constant 144 : index
      %swap3A_1440 = tpu.vector_load %arg9[%swap3A_1438, %swap3A_1439] {strides = array<i32>} : memref<7x640xf32, #tpu.memory_space<vmem>>, vector<16xf32>,
      tpu.vector_store %arg9[%swap3A_1438, %swap3A_1439], %add3A_1427 {strides = array<i32>} : memref<7x640xf32, #tpu.memory_space<vmem>>, vector<16xf32>,
      %swap3A_1441 = arith.constant 3 : i32
      %swap3A_1442 = arith.index_cast %swap3A_1441 : i32 to index
      %swap3A_1443 = arith.constant 144 : index
      %swap3A_1444 = tpu.vector_load %arg9[%swap3A_1442, %swap3A_1443] {strides = array<i32>} : memref<7x640xf32, #tpu.memory_space<vmem>>, vector<16xf32>,
      tpu.vector_store %arg9[%swap3A_1442, %swap3A_1443], %add3A_1324 {strides = array<i32>} : memref<7x640xf32, #tpu.memory_space<vmem>>, vector<16xf32>,
      %swap3A_1445 = arith.constant 4 : i32
      %swap3A_1446 = arith.index_cast %swap3A_1445 : i32 to index
      %swap3A_1447 = arith.constant 144 : index
      %swap3A_1448 = tpu.vector_load %arg9[%swap3A_1446, %swap3A_1447] {strides = array<i32>} : memref<7x640xf32, #tpu.memory_space<vmem>>, vector<16xf32>,
      tpu.vector_store %arg9[%swap3A_1446, %swap3A_1447], %add3A_1326 {strides = array<i32>} : memref<7x640xf32, #tpu.memory_space<vmem>>, vector<16xf32>,
      %swap3A_1449 = arith.constant 5 : i32
      %swap3A_1450 = arith.index_cast %swap3A_1449 : i32 to index
      %swap3A_1451 = arith.constant 144 : index
      %swap3A_1452 = tpu.vector_load %arg9[%swap3A_1450, %swap3A_1451] {strides = array<i32>} : memref<7x640xf32, #tpu.memory_space<vmem>>, vector<16xf32>,
      tpu.vector_store %arg9[%swap3A_1450, %swap3A_1451], %add3A_1328 {strides = array<i32>} : memref<7x640xf32, #tpu.memory_space<vmem>>, vector<16xf32>,
      %swap3A_1453 = arith.constant 6 : i32
      %swap3A_1454 = arith.index_cast %swap3A_1453 : i32 to index
      %swap3A_1455 = arith.constant 144 : index
      %swap3A_1456 = tpu.vector_load %arg9[%swap3A_1454, %swap3A_1455] {strides = array<i32>} : memref<7x640xf32, #tpu.memory_space<vmem>>, vector<16xf32>,
      tpu.vector_store %arg9[%swap3A_1454, %swap3A_1455], %add3A_1428 {strides = array<i32>} : memref<7x640xf32, #tpu.memory_space<vmem>>, vector<16xf32>,
      "tpu.region"() ({
        %run_scoped3A = tpu.sem_alloc : memref<!tpu.dma_semaphore, #tpu.memory_space<semaphore_mem>>
        %dma_start3A_1457 = arith.constant 0 : i32
        %dma_start3A_1458 = arith.constant 0 : i32
        %dma_start3A_1459 = tpu.memref_slice %arg9[%dma_start3A_1457, %dma_start3A_1458] : memref<7x640xf32, #tpu.memory_space<vmem>> -> memref<7x128xf32, #tpu.memory_space<vmem>>
        %dma_start3A_1460 = arith.constant 0 : i32
        %dma_start3A_1461 = arith.constant 19840 : i32
        %dma_start3A_1462 = tpu.memref_slice %arg5[%dma_start3A_1460, %dma_start3A_1461] : memref<7x20000xf32, #tpu.memory_space<hbm>> -> memref<7x128xf32, #tpu.memory_space<hbm>>
        %dma_start3A_1463 = arith.constant 0 : i32
        %dma_start3A_1464 = arith.constant 19840 : i32
        %dma_start3A_1465 = tpu.memref_slice %arg5[%dma_start3A_1463, %dma_start3A_1464] : memref<7x20000xf32, #tpu.memory_space<hbm>> -> memref<7x128xf32, #tpu.memory_space<hbm>>
        %dma_start3A_1466 = arith.constant 0 : i32
        %dma_start3A_1467 = arith.constant 0 : i32
        %dma_start3A_1468 = tpu.memref_slice %arg9[%dma_start3A_1466, %dma_start3A_1467] : memref<7x640xf32, #tpu.memory_space<vmem>> -> memref<7x128xf32, #tpu.memory_space<vmem>>
        tpu.enqueue_dma source(%dma_start3A_1468 : memref<7x128xf32, #tpu.memory_space<vmem>>) target(%dma_start3A_1465 : memref<7x128xf32, #tpu.memory_space<hbm>>) target_semaphore(%run_scoped3A : memref<!tpu.dma_semaphore, #tpu.memory_space<semaphore_mem>>)
        %dma_wait3A_1469 = arith.constant 0 : i32
        %dma_wait3A_1470 = arith.constant 0 : i32
        %dma_wait3A_1471 = tpu.memref_slice %arg9[%dma_wait3A_1469, %dma_wait3A_1470] : memref<7x640xf32, #tpu.memory_space<vmem>> -> memref<7x128xf32, #tpu.memory_space<vmem>>
        %dma_wait3A_1472 = arith.constant 0 : i32
        %dma_wait3A_1473 = arith.constant 19840 : i32
        %dma_wait3A_1474 = tpu.memref_slice %arg5[%dma_wait3A_1472, %dma_wait3A_1473] : memref<7x20000xf32, #tpu.memory_space<hbm>> -> memref<7x128xf32, #tpu.memory_space<hbm>>
        %dma_wait3A_1475 = arith.constant 0 : i32
        %dma_wait3A_1476 = arith.constant 19840 : i32
        %dma_wait3A_1477 = tpu.memref_slice %arg5[%dma_wait3A_1475, %dma_wait3A_1476] : memref<7x20000xf32, #tpu.memory_space<hbm>> -> memref<7x128xf32, #tpu.memory_space<hbm>>
        %dma_wait3A_1478 = arith.constant 0 : i32
        %dma_wait3A_1479 = arith.constant 0 : i32
        %dma_wait3A_1480 = tpu.memref_slice %arg9[%dma_wait3A_1478, %dma_wait3A_1479] : memref<7x640xf32, #tpu.memory_space<vmem>> -> memref<7x128xf32, #tpu.memory_space<vmem>>
        tpu.wait_dma2 semaphore(%run_scoped3A : memref<!tpu.dma_semaphore, #tpu.memory_space<semaphore_mem>>) src(%dma_wait3A_1480 : memref<7x128xf32, #tpu.memory_space<vmem>>) dst(%dma_wait3A_1477 : memref<7x128xf32, #tpu.memory_space<hbm>>)
        tpu.yield
      }) : () -> ()
      "tpu.region"() ({
        %run_scoped3A = tpu.sem_alloc : memref<!tpu.dma_semaphore, #tpu.memory_space<semaphore_mem>>
        %dma_start3A_1457 = arith.constant 0 : i32
        %dma_start3A_1458 = arith.constant 128 : i32
        %dma_start3A_1459 = tpu.memref_slice %arg9[%dma_start3A_1457, %dma_start3A_1458] : memref<7x640xf32, #tpu.memory_space<vmem>> -> memref<7x128xf32, #tpu.memory_space<vmem>>
        %dma_start3A_1460 = arith.constant 0 : i32
        %dma_start3A_1461 = arith.constant 128 : i32
        %dma_start3A_1462 = tpu.memref_slice %arg9[%dma_start3A_1460, %dma_start3A_1461] : memref<7x640xf32, #tpu.memory_space<vmem>> -> memref<7x128xf32, #tpu.memory_space<vmem>>
        tpu.enqueue_dma source(%dma_start3A_1462 : memref<7x128xf32, #tpu.memory_space<vmem>>) target(%arg6 : memref<7x128xf32, #tpu.memory_space<hbm>>) target_semaphore(%run_scoped3A : memref<!tpu.dma_semaphore, #tpu.memory_space<semaphore_mem>>)
        %dma_wait3A_1463 = arith.constant 0 : i32
        %dma_wait3A_1464 = arith.constant 128 : i32
        %dma_wait3A_1465 = tpu.memref_slice %arg9[%dma_wait3A_1463, %dma_wait3A_1464] : memref<7x640xf32, #tpu.memory_space<vmem>> -> memref<7x128xf32, #tpu.memory_space<vmem>>
        %dma_wait3A_1466 = arith.constant 0 : i32
        %dma_wait3A_1467 = arith.constant 128 : i32
        %dma_wait3A_1468 = tpu.memref_slice %arg9[%dma_wait3A_1466, %dma_wait3A_1467] : memref<7x640xf32, #tpu.memory_space<vmem>> -> memref<7x128xf32, #tpu.memory_space<vmem>>
        tpu.wait_dma2 semaphore(%run_scoped3A : memref<!tpu.dma_semaphore, #tpu.memory_space<semaphore_mem>>) src(%dma_wait3A_1468 : memref<7x128xf32, #tpu.memory_space<vmem>>) dst(%arg6 : memref<7x128xf32, #tpu.memory_space<hbm>>)
        tpu.yield
      }) : () -> ()
    } else {
    }
    return
  }
}

</mosaic_0001>

<sc_bundles>
// kernel: _decode.3.cloned.1.call-start
scs
__scs_entry_jumppad:
0x0: {  	(pc) =	sbr.rel $0x88, $3  }
0x1: {  	(tag) =	ssettag $0x0;
	lr =	simm.s32 $0x1  }
0x2: {  	[smem:$0x3F9E] =	sst lr;
	_ =	strace $0xD0000000  }
0x3: {  	_ = 	snop  }
0x4: {  	_ = 	snop  }
0x5: {  	_ = 	snop  }
0x6: {  	_ = 	snop  }
0x7: {  	_ = 	snop  }
__scs_overlays_trampoline_lowered:
0x8: {  	[smem:$0x3FAD] =	sst s0  }
0x9: {  	[smem:$0x3FAE] =	sst s1  }
0xa: {  	[smem:$0x3FAF] =	sst s2  }
0xb: {  	[smem:$0x3FB0] =	sst s3  }
0xc: {  	[smem:$0x3FB1] =	sst s4  }
0xd: {  	[smem:$0x3FB2] =	sst s5  }
0xe: {  	[smem:$0x3FB3] =	sst s6  }
0xf: {  	[smem:$0x3FB4] =	sst s7  }
0x10: {  	[smem:$0x3FB5] =	sst s8  }
0x11: {  	[smem:$0x3FB6] =	sst s9;
	s0 =	simm.s32 @!p0 $0x0  }
0x12: {  	s1 =	sld [smem:$0x3F9C];
	s0 =	simm.s32 @p0 $0x1  }
0x13: {  	[smem:$0x3FB7] =	sst s0;
	s0 =	simm.s32 @!p1 $0x0  }
0x14: {  	s2 =	sld [smem:$0x3F9B];
	s0 =	simm.s32 @p1 $0x1  }
0x15: {  	[smem:$0x3FB8] =	sst s0;
	s0 =	simm.s32 @!p2 $0x0  }
0x16: {  	s3 =	sld [smem:$0x3FDB];
	s0 =	simm.s32 @p2 $0x1  }
0x17: {  	s4 =	simm.s32 $0x1BF5;
	[smem:$0x3FBA] =	sst s0  }
0x18: {  	s0 =	sld [smem:$0x3F9D];
	_ =	swait.ge [sflag:s4], $0x0  }
0x19: {  	s7 =	sld [smem:$0x3F9E]  }
0x1a: {  	s8 =	sadd.s32 $0xFFFFE003, lr  }
0x1b: {  	s9 =	sadd.s32 $0xFFFFFEF7, lr;
	s5 =	simm.s32 $0xFFFFFFFF;
	p2 =	slt.u32 s8, $0xFFFFF086  }
0x1c: {  	p1 =	slt.u32 s9, $0xF7A;
	s5 =	simm.s32 @!p2 $0x0  }
0x1d: {  	s5 =	simm.s32 @p1 $0x1;
	p0 =	seq.s32 s7, s2  }
0x1e: {  	s7 =	smul.u32 @!p0 $0xF7A, s2;
	p2 =	seq.s32 @!p0 s5, $0x0  }
0x1f: {  	s9 =	smul.u32 $0xF7A, s1;
	s8 =	simm.s32 @!p0 $0x1BF5;
	p2 =	por !p2, p0  }
0x20: {  	[sflag:s8] =	ssyncset.s32 @!p0 $0xFFFFF086;
	s6 =	sadd.s32 @!p0 s3, s7;
	s7 =	simm.s32 @!p0 $0x108  }
0x21: {  	s3 =	sadd.s32 s3, s9;
	s6 =	sadd.s32 @!p0 $0x88, s6;
	s7 =	simm.s32 @p2 $0x1082  }
0x22: {  	[simem:s7], [sflag:s8] =	dma.local @!p0 [hbm:s6], $0xF7A  }
0x23: {  	s9 =	sor.u32 $0xD0000000, s2;
	s6 =	simm.s32 $0x108;
	_ =	swait.ge @!p0 [sflag:s8], $0x0  }
0x24: {  	s3 =	sadd.s32 $0x88, s3;
	s6 =	simm.s32 @!p1 $0x1082;
	[sflag:s4] =	ssyncset.s32 $0xFFFFF086  }
0x25: {  	[simem:s6], [sflag:s4] =	dma.local [hbm:s3], $0xF7A  }
0x26: {  	[smem:$0x3F9E] =	sst s1;
	(tag) =	ssettag s2;
	_ =	strace s9  }
0x27: {  	s1 =	sld [smem:$0x3FAE]  }
0x28: {  	s2 =	sld [smem:$0x3FAF]  }
0x29: {  	s4 =	sld [smem:$0x3FB1]  }
0x2a: {  	p0 =	seq.s32 s5, $0x0;
	s5 =	sld [smem:$0x3FB2]  }
0x2b: {  	s6 =	sld [smem:$0x3FB3]  }
0x2c: {  	s7 =	sld [smem:$0x3FB4]  }
0x2d: {  	s3 =	simm.s32 $0x108;
	s8 =	sld [smem:$0x3FB5]  }
0x2e: {  	s3 =	simm.s32 @!p0 $0x1082;
	s9 =	sld [smem:$0x3FB6]  }
0x2f: {  	lr =	sadd.s32 s0, s3;
	s0 =	sld [smem:$0x3FAD]  }
0x30: {  	s3 =	sld [smem:$0x3FB0]  }
0x31: {  	[smem:$0x3FB9] =	sst s10  }
0x32: {  	s10 =	sld [smem:$0x3FB7];
	_ =	sdelay $0x3  }
0x33: {  	p0 =	seq.s32 s10, $0x1;
	s10 =	sld [smem:$0x3FB9];
	_ =	sdelay $0x3  }
0x34: {  	[smem:$0x3FB9] =	sst s10  }
0x35: {  	s10 =	sld [smem:$0x3FB8];
	_ =	sdelay $0x3  }
0x36: {  	p1 =	seq.s32 s10, $0x1;
	s10 =	sld [smem:$0x3FB9];
	_ =	sdelay $0x3  }
0x37: {  	[smem:$0x3FB9] =	sst s10  }
0x38: {  	s10 =	sld [smem:$0x3FBA]  }
0x39: {  	_ = 	snop;
	(pc) =	sbr.ind lr, $3  }
0x3a: {  	_ = 	snop  }
0x3b: {  	_ = 	snop  }
0x3c: {  	p2 =	seq.s32 s10, $0x1;
	s10 =	sld [smem:$0x3FB9]  }
0x3d: {  	_ =	shalt  }
0x3e: {  	_ =	shalt  }
0x3f: {  	_ =	shalt  }
0x40: {  	_ =	shalt  }
0x41: {  	_ =	shalt  }
0x42: {  	_ =	shalt  }
0x43: {  	_ =	shalt  }
0x44: {  	_ =	shalt  }
0x45: {  	_ =	shalt  }
0x46: {  	_ =	shalt  }
0x47: {  	_ =	shalt  }
0x48: {  	_ =	shalt  }
0x49: {  	_ =	shalt  }
0x4a: {  	_ =	shalt  }
0x4b: {  	_ =	shalt  }
0x4c: {  	_ =	shalt  }
0x4d: {  	_ =	shalt  }
0x4e: {  	_ =	shalt  }
0x4f: {  	_ =	shalt  }
0x50: {  	_ =	shalt  }
0x51: {  	_ =	shalt  }
0x52: {  	_ =	shalt  }
0x53: {  	_ =	shalt  }
0x54: {  	_ =	shalt  }
0x55: {  	_ =	shalt  }
0x56: {  	_ =	shalt  }
0x57: {  	_ =	shalt  }
0x58: {  	_ =	shalt  }
0x59: {  	_ =	shalt  }
0x5a: {  	_ =	shalt  }
0x5b: {  	_ =	shalt  }
0x5c: {  	_ =	shalt  }
0x5d: {  	_ =	shalt  }
0x5e: {  	_ =	shalt  }
0x5f: {  	_ =	shalt  }
0x60: {  	_ =	shalt  }
0x61: {  	_ =	shalt  }
0x62: {  	_ =	shalt  }
0x63: {  	_ =	shalt  }
0x64: {  	_ =	shalt  }
0x65: {  	_ =	shalt  }
0x66: {  	_ =	shalt  }
0x67: {  	_ =	shalt  }
0x68: {  	_ =	shalt  }
0x69: {  	_ =	shalt  }
0x6a: {  	_ =	shalt  }
0x6b: {  	_ =	shalt  }
0x6c: {  	_ =	shalt  }
0x6d: {  	_ =	shalt  }
0x6e: {  	_ =	shalt  }
0x6f: {  	_ =	shalt  }
0x70: {  	_ =	shalt  }
0x71: {  	_ =	shalt  }
0x72: {  	_ =	shalt  }
0x73: {  	_ =	shalt  }
0x74: {  	_ =	shalt  }
0x75: {  	_ =	shalt  }
0x76: {  	_ =	shalt  }
0x77: {  	_ =	shalt  }
0x78: {  	_ =	shalt  }
0x79: {  	_ =	shalt  }
0x7a: {  	_ =	shalt  }
0x7b: {  	_ =	shalt  }
0x7c: {  	_ =	shalt  }
0x7d: {  	_ =	shalt  }
0x7e: {  	_ =	shalt  }
0x7f: {  	_ =	shalt  }
0x80: {  	_ =	shalt  }
0x81: {  	_ =	shalt  }
0x82: {  	_ =	shalt  }
0x83: {  	_ =	shalt  }
0x84: {  	_ =	shalt  }
0x85: {  	_ =	shalt  }
0x86: {  	_ =	shalt  }
0x87: {  	_ =	shalt  }
.Lfunc_end0:
.L_simem_size_0:
called_computation_lowered:
.L_overlay_start_0:
0x88: {  	s2 =	sld [smem:$0x3FD9]  }
0x89: {  	s3 =	sld [smem:$0x3FFE];
	_ =	sdelay $0x1  }
0x8a: {  	s1 =	srdreg.scid  }
0x8b: {  	s0 =	sand.u32 $0x1, s1  }
0x8c: {  	s15 =	sshll.u32 s0, $0xA;
	s2 =	sadd.s32 s3, s2  }
0x8d: {  	s2 =	sadd.s32 s2, s15  }
0x8e: {  	[smem:$0x3FC5] =	sst s2  }
0x8f: {  	_ = 	snop  }
0x90: {  	s2 =	sld [smem:$0x3FD0]  }
0x91: {  	s16 =	sld [smem:$0x3FC9]  }
0x92: {  	s4 =	sld [smem:$0x3FC8]  }
0x93: {  	s6 =	simm.s32 $0xA;
	s7 =	simm.s32 $0x10;
	s5 =	sld [smem:$0x3FC7]  }
0x94: {  	[smem:s7], [sflag:s6] =	dma.local [hbm:s2], $0x1  }
0x95: {  	_ =	swait.eq [sflag:s6], $0x1  }
0x96: {  	[sflag:s6] =	ssyncset.done $0x0  }
0x97: {  	s17 =	sld [smem:$0x10];
	[sflag:s6] =	ssyncadd.s32 $0xFFFFFFFF  }
0x98: {  	s18 =	sld [smem:$0x11];
	(tm) =	ssettm $0x1  }
0x99: {  	s19 =	sld [smem:$0x3FFB];
	_ =	sdelay $0x3  }
0x9a: {  	_ =	strace s19  }
0x9b: {  	s7 =	sld [smem:$0x3FFC];
	_ =	sdelay $0x3  }
0x9c: {  	_ =	strace s7  }
0x9d: {  	s7 =	sld [smem:$0x3FFD];
	_ =	sdelay $0x3  }
0x9e: {  	_ =	strace s7  }
0x9f: {  	_ =	strace $0x8FFFFFFF  }
0xa0: {  	s20 =	sld [smem:$0x3FDB];
	_ =	sdelay $0x1  }
0xa1: {  	s8 =	simm.s32 $_scs_section_size  }
0xa2: {  	s9 =	simm.s32 $_size__tile_overlayer_lowered;
	s10 =	simm.s32 $_tile_overlayer_lowered  }
0xa3: {  	s23 =	simm.s32 $0x1BFF;
	s22 =	sshll.u32 s10, $0x1;
	s7 =	sadd.s32 s8, s20  }
0xa4: {  	s11 =	simm.s32 $0x0;
	s21 =	sshll.u32 s9, $0x1;
	s9 =	sadd.s32 s22, s7  }
0xa5: {  	[timem:s11], [sflag:s23] =	dma.local [hbm:s9], s21  }
0xa6: {  	_ =	swait.ge [sflag:s23], s21  }
0xa7: {  	s8 =	ssub.s32 $0x0, s21;
	[sflag:s23] =	ssyncset.done $0x0  }
0xa8: {  	[sflag:s23] =	ssyncadd.s32 s8;
	_ =	sdelay $0x1  }
0xa9: {  	s24 =	simm.s32 $0x1B8B  }
0xaa: {  	_ =	swait.ge [sflag:s24], $0x1  }
0xab: {  	[sflag:s24] =	ssyncset.done $0x0  }
0xac: {  	s25 =	simm.s32 $0x1B8E;
	[sflag:s24] =	ssyncadd.s32 $0xFFFFFFFF  }
0xad: {  	s26 =	simm.s32 $execute0_lowered;
	[smem:$0x3FD2] =	sst s25  }
0xae: {  	s8 =	sshll.u32 s26, $0x1;
	_ =	strace $0x80000046;
	[dreg:$0x1] =	wrdreg $0xFFFFFFFF  }
0xaf: {  	s28 =	simm.s32 $_size_execute0_lowered;
	s7 =	sadd.s32 s7, s8;
	[dreg:$0x0] =	wrdreg $0x0  }
0xb0: {  	s8 =	sshll.u32 s28, $0x1;
	[dreg:$0x2] =	wrdreg s7  }
0xb1: {  	[dreg:$0x3] =	wrdreg s8  }
0xb2: {  	[dreg:$0x4] =	wrdreg $0xC0  }
0xb3: {  	_ =	task [dreg:s11], $0x5FFFF  }
0xb4: {  	[dreg:$0x1] =	wrdreg $0xFFFFFFFF  }
0xb5: {  	[dreg:$0x0] =	wrdreg $0x60  }
0xb6: {  	[dreg:$0x2] =	wrdreg s16  }
0xb7: {  	[dreg:$0x3] =	wrdreg s4  }
0xb8: {  	[dreg:$0x4] =	wrdreg s5  }
0xb9: {  	[dreg:$0x5] =	wrdreg s17  }
0xba: {  	[dreg:$0x6] =	wrdreg s18  }
0xbb: {  	[dreg:$0x7] =	wrdreg $0x9  }
0xbc: {  	_ =	task.clear_ibuf [dreg:s11], $0x8FFFF;
	_ =	strace $0x90000046  }
0xbd: {  	s29 =	simm.s32 $0x9;
	_ =	strace $0x80000048  }
0xbe: {  	_ =	swait.ge [sflag:s29], $0x1  }
0xbf: {  	[sflag:s29] =	ssyncadd.s32 $0xFFFFFFFF  }
0xc0: {  	_ =	strace $0x90000048  }
0xc1: {  	_ =	sfence  }
0xc2: {  	s30 =	sld [smem:$0x0];
	_ =	sdelay $0x2  }
0xc3: {  	s31 =	sshll.u32 s1, $0xD;
	s1 =	sshrl.u32 s1, $0x2  }
0xc4: {  	s3 =	sand.u32 $0x4000, s31;
	s1 =	sadd.s32 s1, s30  }
0xc5: {  	s0 =	sor.u32 s3, s0;
	s1 =	sshll.u32 s1, $0x11  }
0xc6: {  	s0 =	sor.u32 s1, s0  }
0xc7: {  	s0 =	sadd.s32 $0x8F2B, s0  }
0xc8: {  	[sflag:s0] =	ssyncadd.remote.s32 $0x1  }
0xc9: {  	_ =	sfence.sel $0xFFFF  }
0xca: {  	[dreg:$0x0] =	wrdreg $0xFFFFFFFF;
	(pc) =	sbr.abs _section_cstart, $3  }
0xcb: {  	[dreg:$0x1] =	wrdreg $0xFFFFFFFF  }
0xcc: {  	_ =	task.clear_ibuf [dreg:s11], $0x2FFFF;
	_ =	strace $0x9FFFFFFF  }
0xcd: {  	(tm) =	ssettm $0x7FFFFFFF  }
tec
execute0_lowered:
.L_overlay_start_1:
0x0: {  	(tag) =	ssettag $0x1  }
0x1: {  	s0 =	rddreg [dreg:$0x0]  }
0x2: {  	s2 =	rddreg [dreg:$0x1]  }
0x3: {  	s1 =	rddreg [dreg:$0x2]  }
0x4: {  	s3 =	srdreg.scid;
	s4 =	stileid.u32  }
0x5: {  	s13 =	rddreg [dreg:$0x3];
	s24 =	simm.s32 $0xF000;
	s16 =	simm.s32 $0x3  }
0x6: {  	s25 =	simm.s32 $0x1400;
	s26 =	simm.s32 $0x2800;
	s28 =	simm.s32 $0x3C00  }
0x7: {  	s29 =	simm.s32 $0xA000;
	s30 =	simm.s32 $0xB400;
	s31 =	simm.s32 $0xC800  }
0x8: {  	s3 =	sand.u32 $0x1, s3;
	s4 =	sshll.u32 s4, $0x1;
	s9 =	sadd.s32 $0x4D80, s2  }
0x9: {  	s10 =	sadd.s32 $0x4D80, s0;
	s11 =	sadd.s32 $0x80, s1;
	s12 =	sadd.s32 $0x580, s1  }
0xa: {  	s15 =	sor.u32 s3, s4;
	s4 =	simm.s32 $0x0;
	s3 =	ssub.s32 $0x2, s3  }
0xb: {  	s17 =	sadd.s32 $0x4E80, s9;
	s19 =	sadd.s32 $0x9D00, s9;
	s21 =	sadd.s32 $0xEB80, s9  }
0xc: {  	s23 =	sadd.s32 $0x13A00, s9;
	s5 =	smul.u32 $0x1400, s15;
	[smem:$0x7FF] =	sst s4  }
0xd: {  	s8 =	smul.u32 $0x280, s15;
	s6 =	sshrl.u32 s3, $0x1;
	p0 =	seq.s32 s15, $0x1F  }
.Ltmp0:
0xe: {  	s15 =	simm.s32 $0x0;
	s3 =	ssub.s32 s3, s6;
	(pc) =	sbr.rel .LBB2_1-.Ltmp0, $4  }
0xf: {  	_ =	strace $0x80000047;
	s5 =	sshrl.u32 s5, $0x3;
	s14 =	smax.u32 s3, $0x1  }
0x10: {  	s3 =	simm.s32 $0x1;
	s7 =	sadd.s32 s2, s5;
	s5 =	sadd.s32 s2, s8  }
0x11: {  	s2 =	simm.s32 $0xDC00;
	s6 =	sadd.s32 $0x100, s7;
	s7 =	sadd.s32 s0, s8  }
0x12: {  	v0 =	vimm.s32 $0x0;
	v1 =	vimm.f32 $-5.000000000e-01;
	s8 =	sadd.s32 s13, s8;
	s13 =	sadd.s32 $0x4D80, s13;
	s0 =	simm.s32 $0x2  }
.LBB2_9:
0x13: {  	v19 =	vld [tilespmem:s20+$0x7900];
	v17 =	vadd.f32 v17, v3  }
0x14: {  	v20 =	vld [tilespmem:s20+$0xA280];
	[tilespmem:s18+$0xDD80] =	vst v18;
	v15 =	vadd.f32 v15, v2;
	v62 =	vadd.f32 $1.000000000e+00, v16  }
0x15: {  	v11 =	vadd.f32 v13, v11;
	v18 =	vld [tilespmem:s20+$0x7980];
	[tilespmem:s18+$0xDE00] =	vst v17  }
0x16: {  	v16 =	vsel vm1, v14, v62;
	v13 =	vsel vm1, v62, v14;
	v17 =	vld [tilespmem:s20+$0xA180];
	[tilespmem:s18+$0xDE80] =	vst v15  }
0x17: {  	v63 =	vsub.f32 $0.0e+00, v16;
	v14 =	vsub.f32 $0.0e+00, v13;
	v15 =	vld [tilespmem:s20+$0x7A00];
	[tilespmem:s18+$0xDC80] =	vst v11  }
0x18: {  	v21 =	vld [tilespmem:s20+$0xA080]  }
0x19: {  	v22 =	vld [tilespmem:s20+$0x7A80];
	v11 =	vsel vm0, v63, v16;
	v13 =	vsel vm2, v14, v13  }
0x1a: {  	v24 =	vld [tilespmem:s20+$0x8F80];
	v8 =	vmul.f32 v13, v8;
	v16 =	vmul.f32 v11, v10  }
0x1b: {  	v25 =	vld [tilespmem:s20+$0x7B00];
	v9 =	vmul.f32 v11, v9;
	v27 =	vmul.f32 v13, v10  }
0x1c: {  	v26 =	vld [tilespmem:s20+$0x8E80];
	v8 =	vadd.f32 v16, v8  }
0x1d: {  	v28 =	vld [tilespmem:s20+$0x7B80];
	v9 =	vadd.f32 v27, v9  }
0x1e: {  	v29 =	vld [tilespmem:s20+$0x8F00];
	v6 =	vadd.f32 v8, v6  }
0x1f: {  	vm12 =	vgt.f32 v19, v12;
	v30 =	vld [tilespmem:s20+$0x8C00];
	v7 =	vadd.f32 v9, v7  }
0x20: {  	v31 =	vld [tilespmem:s20+$0xA000];
	v12 =	vsel vm12, v19, v12;
	[tilespmem:s18+$0xDC00] =	vst v6  }
0x21: {  	vm13 =	vgt.f32 v18, v12;
	v6 =	vld [tilespmem:s20+$0x8C80];
	[tilespmem:s18+$0xDD00] =	vst v7  }
0x22: {  	v12 =	vsel vm13, v18, v12;
	v7 =	vld [tilespmem:s20+$0xA100]  }
0x23: {  	vm14 =	vgt.f32 v15, v12;
	v34 =	vld [tilespmem:s20+$0x8D00]  }
0x24: {  	v12 =	vsel vm14, v15, v12;
	v36 =	vld [tilespmem:s20+$0xA200]  }
0x25: {  	vm3 =	vgt.f32 v22, v12;
	v37 =	vld [tilespmem:s20+$0x8D80]  }
0x26: {  	v12 =	vsel vm3, v22, v12;
	v38 =	vld [tilespmem:s20+$0xA300]  }
0x27: {  	vm4 =	vgt.f32 v25, v12;
	v39 =	vld [tilespmem:s20+$0x8E00]  }
0x28: {  	v32 =	vsel vm4, v25, v12;
	v42 =	vld [tilespmem:s20+$0x0]  }
0x29: {  	v35 =	vsel vm12, $0x3F800000, v0;
	v33 =	vsel vm12, v29, v26;
	v43 =	vld [tilespmem:s20+$0x80];
	vm5 =	vgt.f32 v28, v32  }
0x2a: {  	v13 =	vmul.f32 $5.235987900e-01, v35;
	v12 =	vsel vm13, v24, v33;
	v59 =	vld [tilespmem:s20+$0x3C00];
	v9 =	vsel vm5, v28, v32  }
0x2b: {  	v60 =	vld [tilespmem:s20+$0x3C80];
	v10 =	vsel vm14, v31, v12;
	vm15 =	vgt.f32 v30, v9  }
0x2c: {  	v13 =	vsel vm13, $0x3F860A92, v13;
	v45 =	vld [tilespmem:s20+$0x100];
	v10 =	vsel vm3, v21, v10;
	v8 =	vsel vm15, v30, v9  }
0x2d: {  	v40 =	vsel vm14, $0x3FC90FDB, v13;
	v47 =	vld [tilespmem:s20+$0x1600];
	vm6 =	vgt.f32 v6, v8;
	v7 =	vsel vm4, v7, v10  }
0x2e: {  	v48 =	vld [tilespmem:s20+$0x1680];
	v10 =	vsel vm3, $0x40060A92, v40;
	vm10 =	vgt.f32 v43, v42;
	v6 =	vsel vm6, v6, v8  }
0x2f: {  	v49 =	vld [tilespmem:s20+$0x180];
	v7 =	vsel vm5, v17, v7;
	v10 =	vsel vm4, $0x40278D36, v10;
	v11 =	vsel vm10, v43, v42  }
0x30: {  	v63 =	vld [tilespmem:s20+$0x3D00];
	v57 =	vsel vm10, $0x3F800000, v0;
	v30 =	vsel vm10, v60, v59;
	vm7 =	vgt.f32 v34, v6  }
0x31: {  	v25 =	vld [tilespmem:s20+$0xCB00];
	v7 =	vsel vm15, v36, v7;
	v10 =	vsel vm5, $0x40490FDB, v10;
	vm11 =	vgt.f32 v45, v11  }
0x32: {  	v51 =	vld [tilespmem:s20+$0x200];
	v18 =	vmul.f32 $5.000000000e-01, v57;
	v6 =	vsel vm7, v34, v6;
	v7 =	vsel vm6, v20, v7  }
0x33: {  	v31 =	vld [tilespmem:s20+$0x3D80];
	v44 =	vsel vm15, $0x406A9280, v10;
	v10 =	vsel vm11, v45, v11;
	vm8 =	vgt.f32 v37, v6  }
0x34: {  	v41 =	vld [tilespmem:s20+$0xB400];
	v7 =	vsel vm7, v38, v7;
	v46 =	vsel vm6, $0x40860A92, v44;
	vm12 =	vgt.f32 v49, v10  }
0x35: {  	v50 =	vld [tilespmem:s20+$0x1700];
	v18 =	vadd.f32 $-2.750000000e+00, v18;
	v6 =	vsel vm8, v37, v6;
	v5 =	vsel vm8, v5, v7  }
0x36: {  	v33 =	vld [tilespmem:s20+$0x5200];
	v61 =	vsel vm12, v49, v10;
	v10 =	vsel vm11, v63, v30;
	v37 =	vmul.f32 $6.366197460e-01, v25  }
0x37: {  	v34 =	vld [tilespmem:s20+$0x5280];
	vm9 =	vgt.f32 v39, v6;
	v6 =	vsel vm7, $0x4096CBE4, v46;
	vm7 =	vgt.f32 v48, v47  }
0x38: {  	vm13 =	vgt.f32 v51, v61;
	v32 =	vsel vm11, $0xBFE00000, v18;
	v10 =	vsel vm12, v31, v10  }
0x39: {  	v52 =	vld [tilespmem:s20+$0x1780];
	v5 =	vsel vm9, v41, v5;
	v6 =	vsel vm8, $0x40A78D36, v6;
	v7 =	vsel vm7, v48, v47  }
0x3a: {  	v54 =	vld [tilespmem:s20+$0x280];
	v24 =	vsel vm7, $0x3F800000, v0;
	v15 =	vsel vm12, $0xBFA00000, v32;
	v5 =	vmul.f32 $2.617993950e-01, v5  }
0x3b: {  	v55 =	vld [tilespmem:s20+$0x2800];
	v6 =	vsel vm9, $0x40B84E89, v6;
	vm5 =	vgt.f32 v50, v7;
	vm9 =	vge.f32 v25, $0.0e+00  }
0x3c: {  	v41 =	vld [tilespmem:s20+$0x5300];
	v11 =	vmul.f32 $5.000000000e-01, v24;
	v13 =	vsel vm7, v34, v33;
	v15 =	vsel vm13, $0xBF400000, v15  }
0x3d: {  	v26 =	vld [tilespmem:s20+$0x300];
	v7 =	vsel vm5, v50, v7;
	v35 =	vsel vm9, $0x3F000000, v1;
	v5 =	vadd.f32 v5, v6  }
0x3e: {  	v29 =	vld [tilespmem:s20+$0x380];
	v6 =	vsel vm13, v51, v61;
	vm1 =	vgt.f32 v52, v7;
	v18 =	vadd.f32 v35, v37  }
0x3f: {  	v28 =	vld [tilespmem:s20+$0x2880];
	v11 =	vadd.f32 $-2.750000000e+00, v11;
	vm15 =	vgt.f32 v54, v6;
	v7 =	vsel vm1, v52, v7  }
0x40: {  	v42 =	vld [tilespmem:s20+$0x2980];
	v53 =	vmul.f32 $1.591549370e-01, v5;
	v6 =	vsel vm15, v54, v6;
	vm0 =	vgt.f32 v55, v7  }
0x41: {  	v43 =	vld [tilespmem:s20+$0x3E80];
	v18 =	vtrunc.f32 v18;
	v11 =	vsel vm5, $0xBFE00000, v11;
	v13 =	vsel vm5, v41, v13  }
0x42: {  	v60 =	vld [tilespmem:s20+$0x6500];
	v47 =	vsel vm15, $0xBE800000, v15;
	v18 =	vcvt.f32.s32 v18;
	v56 =	vtrunc.f32 v53  }
0x43: {  	v36 =	vld [tilespmem:s20+$0x2900];
	vm10 =	vgt.f32 v26, v6;
	v7 =	vsel vm0, v55, v7;
	v58 =	vcvt.f32.s32 v56  }
0x44: {  	v57 =	vld [tilespmem:s20+$0x5000];
	v48 =	vsel vm1, $0xBFA00000, v11;
	v6 =	vsel vm10, v26, v6;
	v46 =	vcvt.s32.f32 v18  }
0x45: {  	v39 =	vld [tilespmem:s20+$0x1400];
	vm2 =	vgt.f32 v28, v7;
	v9 =	vsel vm0, $0xBF400000, v48;
	v62 =	vcvt.s32.f32 v58  }
0x46: {  	v38 =	vld [tilespmem:s20+$0x3E00];
	v7 =	vsel vm2, v28, v7;
	vm12 =	vgt.f32 v29, v6;
	v50 =	vmul.f32 $-1.570312500e+00, v46  }
0x47: {  	v49 =	vld [tilespmem:s20+$0x1480];
	v9 =	vsel vm2, $0xBE800000, v9;
	v59 =	vand.u32 $0x3, v18;
	v27 =	vadd.f32 $-1.000000000e+00, v62  }
0x48: {  	v44 =	vld [tilespmem:s20+$0x5380];
	vm14 =	vlt.f32 v53, v62;
	v53 =	vmul.f32 $-4.837512970e-04, v46;
	v15 =	vadd.f32 v50, v25  }
0x49: {  	v45 =	vld [tilespmem:s20+$0x3F00];
	v6 =	vsel vm12, v29, v6;
	v56 =	vmul.f32 $-7.549790120e-08, v46;
	v8 =	vsel vm14, v27, v62  }
0x4a: {  	v51 =	vld [tilespmem:s20+$0x6400];
	vm14 =	vgt.f32 v39, v6;
	v15 =	vadd.f32 v53, v15;
	v8 =	vmul.f32 $-6.283185480e+00, v8  }
0x4b: {  	v41 =	vld [tilespmem:s20+$0xB500];
	v18 =	vand.u32 $0x1, v18;
	v28 =	vadd.s32 $0xFFFFFFFF, v59;
	v6 =	vsel vm14, v39, v6  }
0x4c: {  	v55 =	vld [tilespmem:s20+$0x6480];
	v15 =	vadd.f32 v56, v15;
	vm8 =	vgt.f32 v49, v6;
	v5 =	vadd.f32 v8, v5  }
0x4d: {  	v54 =	vld [tilespmem:s20+$0x3F80];
	v8 =	vsel vm13, v38, v10;
	vm13 =	vgt.f32 v36, v7;
	v10 =	vsel vm1, v44, v13  }
0x4e: {  	v63 =	vld [tilespmem:s20+$0x5080];
	v6 =	vsel vm8, v49, v6;
	v7 =	vsel vm13, v36, v7;
	v8 =	vsel vm15, v43, v8  }
0x4f: {  	v52 =	vld [tilespmem:s20+$0x2A00];
	v9 =	vsel vm13, $0x3E800000, v9;
	v10 =	vsel vm0, v51, v10;
	v62 =	vmul.f32 v15, v15  }
0x50: {  	v58 =	vld [tilespmem:s20+$0x1500];
	v51 =	vmul.f32 v41, v3;
	v40 =	vadd.f32 $-6.283185480e+00, v5;
	vm11 =	vgt.f32 v5, $3.141592740e+00  }
0x51: {  	v24 =	vld [tilespmem:s20+$0x6580];
	vm15 =	vgt.f32 v42, v7;
	v8 =	vsel vm10, v45, v8;
	v10 =	vsel vm2, v55, v10  }
0x52: {  	v61 =	vld [tilespmem:s20+$0x2A80];
	v7 =	vsel vm15, v42, v7;
	v9 =	vsel vm15, $0x3F400000, v9;
	v8 =	vsel vm12, v54, v8  }
0x53: {  	v29 =	vld [tilespmem:s20+$0x6600];
	v10 =	vsel vm13, v60, v10;
	v31 =	vmul.f32 $-1.951529560e-04, v62;
	v5 =	vsel vm11, v40, v5  }
0x54: {  	v26 =	vld [tilespmem:s20+$0x5100];
	v37 =	vmul.f32 v62, v15;
	v5 =	vadd.f32 v5, v25;
	v25 =	vmul.f32 $2.443315680e-05, v62  }
0x55: {  	vm9 =	vgt.f32 v52, v7;
	v8 =	vsel vm14, v57, v8;
	vm11 =	vgt.f32 v58, v6  }
0x56: {  	v10 =	vsel vm15, v24, v10;
	v7 =	vsel vm9, v52, v7;
	v13 =	vadd.f32 $-1.388731650e-03, v25  }
0x57: {  	v33 =	vld [tilespmem:s20+$0x6680];
	v9 =	vsel vm9, $0x3FA00000, v9;
	v6 =	vsel vm11, v58, v6;
	v8 =	vsel vm8, v63, v8  }
0x58: {  	v30 =	vld [tilespmem:s20+$0x2B00];
	v21 =	vadd.f32 $8.332161230e-03, v31;
	v10 =	vsel vm9, v29, v10;
	v13 =	vmul.f32 v13, v62  }
0x59: {  	v27 =	vld [tilespmem:s20+$0x1580];
	vm9 =	vlt.u32 v28, $0x2;
	vm13 =	vgt.f32 v61, v7;
	v8 =	vsel vm11, v26, v8  }
0x5a: {  	v34 =	vld [tilespmem:s20+$0x6700];
	[tilespmem:s20+$0xDF00] =	vst v5;
	v5 =	vsel vm10, $0x3E800000, v47;
	vm10 =	veq.s32 v18, $0x0;
	v13 =	vadd.f32 $4.166664560e-02, v13  }
0x5b: {  	v32 =	vld [tilespmem:s20+$0x5180];
	v7 =	vsel vm13, v61, v7;
	v9 =	vsel vm13, $0x3FE00000, v9;
	v36 =	vmul.f32 v21, v62  }
0x5c: {  	v35 =	vld [tilespmem:s20+$0x2B80];
	v10 =	vsel vm13, v33, v10;
	v5 =	vsel vm12, $0x3F400000, v5;
	v13 =	vmul.f32 v13, v62  }
0x5d: {  	v38 =	vld [tilespmem:s20+$0x6780];
	vm12 =	vgt.u32 v59, $0x1;
	vm15 =	vgt.f32 v30, v7;
	v5 =	vsel vm14, $0x3FA00000, v5  }
0x5e: {  	vm14 =	vgt.f32 v27, v6;
	v39 =	vadd.f32 $-1.666665520e-01, v36;
	v13 =	vadd.f32 $-5.000000000e-01, v13  }
0x5f: {  	v7 =	vsel vm15, v30, v7;
	v10 =	vsel vm15, v34, v10;
	v5 =	vsel vm8, $0x3FE00000, v5  }
0x60: {  	v42 =	vld [tilespmem:s20+$0xB580];
	v8 =	vsel vm14, v32, v8;
	v11 =	vmul.f32 v39, v37;
	v13 =	vmul.f32 v13, v62  }
0x61: {  	v40 =	vld [tilespmem:s20+$0xB480];
	vm8 =	vgt.f32 v35, v7;
	v5 =	vsel vm11, $0x40100000, v5;
	v8 =	vmul.f32 $5.000000000e-01, v8  }
0x62: {  	v7 =	vsel vm8, v38, v10;
	v43 =	vadd.f32 v11, v15;
	v44 =	vadd.f32 $1.000000000e+00, v13  }
0x63: {  	v9 =	vsel vm15, $0x40100000, v9;
	v5 =	vsel vm14, $0x40300000, v5;
	v7 =	vmul.f32 $5.000000000e-01, v7  }
0x64: {  	v50 =	vld [tilespmem:s20+$0xC880];
	v5 =	vadd.f32 v8, v5;
	v46 =	vsel vm10, v43, v44;
	v8 =	vsel vm10, v44, v43  }
0x65: {  	v47 =	vld [tilespmem:s20+$0x7800];
	v9 =	vsel vm8, $0x40300000, v9;
	v48 =	vsub.f32 $0.0e+00, v46;
	v49 =	vsub.f32 $0.0e+00, v8  }
0x66: {  	v14 =	vmul.f32 v40, v4;
	v6 =	vmul.f32 v42, v2;
	v7 =	vadd.f32 v7, v9  }
0x67: {  	v52 =	vld [tilespmem:s20+$0xC800];
	v45 =	vsub.f32 $0.0e+00, v5;
	v12 =	vsel vm12, v48, v46;
	v8 =	vsel vm9, v49, v8  }
0x68: {  	v53 =	vld [tilespmem:s20+$0xC900];
	v14 =	vadd.f32 v14, v4;
	v5 =	vmul.f32 v8, v5;
	v54 =	vmul.f32 v12, v7  }
0x69: {  	v6 =	vadd.f32 v6, v2;
	v11 =	vmul.f32 v12, v45;
	v7 =	vmul.f32 v8, v7  }
0x6a: {  	v55 =	vadd.f32 v50, v47;
	[tilespmem:s20+$0xDD80] =	vst v14;
	v5 =	vadd.f32 v54, v5  }
0x6b: {  	[tilespmem:s20+$0xDE80] =	vst v6;
	v9 =	vadd.f32 v51, v3;
	v7 =	vadd.f32 v7, v11  }
0x6c: {  	[tilespmem:s20+$0xDC80] =	vst v55;
	v5 =	vadd.f32 v5, v52  }
0x6d: {  	[tilespmem:s20+$0xDE00] =	vst v9;
	v56 =	vadd.f32 v7, v53  }
0x6e: {  	[tilespmem:s20+$0xDC00] =	vst v5  }
0x6f: {  	[tilespmem:s20+$0xDD00] =	vst v56  }
0x70: {  	v5 =	vld [tilespmem:$0xF400]  }
0x71: {  	v6 =	vld [tilespmem:$0x10000]  }
0x72: {  	v57 =	vld [tilespmem:$0xF480]  }
0x73: {  	v58 =	vld [tilespmem:$0x10080]  }
0x74: {  	v8 =	vld [tilespmem:$0xF500]  }
0x75: {  	v59 =	vld [tilespmem:$0x10100]  }
0x76: {  	v9 =	vld [tilespmem:$0xF580]  }
0x77: {  	v60 =	vld [tilespmem:$0x10180]  }
0x78: {  	v61 =	vld [tilespmem:$0xF600]  }
0x79: {  	v62 =	vld [tilespmem:$0x10200]  }
0x7a: {  	v63 =	vld [tilespmem:$0xF680]  }
0x7b: {  	v42 =	vld [tilespmem:$0x10280]  }
0x7c: {  	v43 =	vld [tilespmem:$0xF700]  }
0x7d: {  	v44 =	vld [tilespmem:$0x10300]  }
0x7e: {  	v23 =	vld [tilespmem:$0xF780]  }
0x7f: {  	v24 =	vld [tilespmem:$0x10380]  }
0x80: {  	v25 =	vld [tilespmem:$0xF800]  }
0x81: {  	v26 =	vld [tilespmem:$0x10400]  }
0x82: {  	v27 =	vld [tilespmem:$0xF880]  }
0x83: {  	v28 =	vld [tilespmem:$0x10480]  }
0x84: {  	v29 =	vld [tilespmem:$0xF900]  }
0x85: {  	v30 =	vld [tilespmem:$0x10500]  }
0x86: {  	v31 =	vld [tilespmem:$0xF980]  }
0x87: {  	v32 =	vld [tilespmem:$0x10580]  }
0x88: {  	v33 =	vld [tilespmem:$0xFA00]  }
0x89: {  	v34 =	vld [tilespmem:$0x10600]  }
0x8a: {  	v35 =	vld [tilespmem:$0xFA80]  }
0x8b: {  	v36 =	vld [tilespmem:$0x10680]  }
0x8c: {  	v37 =	vld [tilespmem:$0xFB00]  }
0x8d: {  	v38 =	vld [tilespmem:$0x10700]  }
0x8e: {  	v39 =	vld [tilespmem:$0xFB80]  }
0x8f: {  	v16 =	vld [tilespmem:$0xFC00]  }
0x90: {  	v45 =	vld [tilespmem:$0x10800];
	vm10 =	vgt.f32 v57, v5  }
0x91: {  	v15 =	vld [tilespmem:$0xFC80];
	v5 =	vsel vm10, v57, v5  }
0x92: {  	v51 =	vld [tilespmem:$0x10C80];
	v49 =	vsel vm10, $0x3F800000, v0;
	vm11 =	vgt.f32 v8, v5  }
0x93: {  	v53 =	vld [tilespmem:$0x10D00];
	v50 =	vmul.f32 $5.000000000e-01, v49;
	v5 =	vsel vm11, v8, v5  }
0x94: {  	v52 =	vld [tilespmem:$0x11280];
	v6 =	vsel vm10, v58, v6;
	vm12 =	vgt.f32 v9, v5  }
0x95: {  	v54 =	vld [tilespmem:$0x11300];
	v6 =	vsel vm11, v59, v6;
	v17 =	vadd.f32 $-2.750000000e+00, v50;
	v5 =	vsel vm12, v9, v5  }
0x96: {  	v55 =	vld [tilespmem:$0x10D80];
	v6 =	vsel vm12, v60, v6;
	vm13 =	vgt.f32 v61, v5  }
0x97: {  	v14 =	vld [tilespmem:$0x10880];
	v17 =	vsel vm11, $0xBFE00000, v17;
	v5 =	vsel vm13, v61, v5;
	v6 =	vsel vm13, v62, v6  }
0x98: {  	v56 =	vld [tilespmem:$0x11380];
	v17 =	vsel vm12, $0xBFA00000, v17;
	vm12 =	vgt.f32 v53, v51;
	vm14 =	vgt.f32 v63, v5  }
0x99: {  	v13 =	vld [tilespmem:$0xFD00];
	v17 =	vsel vm13, $0xBF400000, v17;
	v18 =	vsel vm12, v53, v51;
	vm13 =	vgt.f32 v35, v33  }
0x9a: {  	v57 =	vld [tilespmem:$0x10E00];
	v19 =	vsel vm12, v54, v52;
	v5 =	vsel vm14, v63, v5;
	v6 =	vsel vm14, v42, v6  }
0x9b: {  	v10 =	vld [tilespmem:$0x10900];
	v17 =	vsel vm14, $0xBE800000, v17;
	vm14 =	vgt.f32 v55, v18;
	v62 =	vsel vm13, v35, v33  }
0x9c: {  	v59 =	vld [tilespmem:$0x11400];
	v63 =	vsel vm13, v36, v34;
	v34 =	vsel vm12, $0x3F800000, v0;
	vm15 =	vgt.f32 v43, v5  }
0x9d: {  	v11 =	vld [tilespmem:$0xFD80];
	v18 =	vsel vm14, v55, v18;
	v19 =	vsel vm14, v56, v19;
	v5 =	vsel vm15, v43, v5  }
0x9e: {  	v12 =	vld [tilespmem:$0x10980];
	vm2 =	vgt.f32 v37, v62;
	v6 =	vsel vm15, v44, v6;
	vm9 =	vgt.f32 v23, v5  }
0x9f: {  	v7 =	vld [tilespmem:$0xFE00];
	v58 =	vsel vm15, $0x3E800000, v17;
	vm15 =	vgt.f32 v57, v18;
	v5 =	vsel vm9, v23, v5  }
0xa0: {  	v8 =	vld [tilespmem:$0x10780];
	v6 =	vsel vm9, v24, v6;
	v24 =	vmul.f32 $5.235987900e-01, v34;
	vm10 =	vgt.f32 v25, v5  }
0xa1: {  	v46 =	vld [tilespmem:$0x11000];
	v18 =	vsel vm15, v57, v18;
	v17 =	vsel vm15, v59, v19;
	v5 =	vsel vm10, v25, v5  }
0xa2: {  	v60 =	vld [tilespmem:$0x10E80];
	v6 =	vsel vm10, v26, v6;
	v47 =	vsel vm14, $0x3F860A92, v24;
	vm11 =	vgt.f32 v27, v5  }
0xa3: {  	v9 =	vld [tilespmem:$0x11C80];
	v26 =	vsel vm2, v37, v62;
	v20 =	vsel vm15, $0x3FC90FDB, v47;
	v5 =	vsel vm11, v27, v5  }
0xa4: {  	v61 =	vld [tilespmem:$0x11480];
	vm15 =	vgt.f32 v39, v26;
	v27 =	vsel vm2, v38, v63;
	vm1 =	vgt.f32 v29, v5  }
0xa5: {  	v33 =	vld [tilespmem:$0x10F80];
	v6 =	vsel vm11, v28, v6;
	v27 =	vsel vm15, v8, v27;
	v5 =	vsel vm1, v29, v5  }
0xa6: {  	v8 =	vld [tilespmem:$0x10C00];
	v6 =	vsel vm1, v30, v6;
	vm0 =	vgt.f32 v31, v5;
	v5 =	vsel vm9, $0x3F400000, v58  }
0xa7: {  	v6 =	vsel vm0, v32, v6;
	v5 =	vsel vm10, $0x3FA00000, v5;
	v32 =	vld [tilespmem:$0x10F00]  }
0xa8: {  	v26 =	vsel vm15, v39, v26;
	v21 =	vsel vm11, $0x3FE00000, v5;
	v5 =	vld [tilespmem:$0x11F00]  }
0xa9: {  	v35 =	vld [tilespmem:$0x11500];
	v36 =	vsel vm13, $0x3F800000, v0;
	vm5 =	vgt.f32 v16, v26;
	vm9 =	vgt.f32 v60, v18  }
0xaa: {  	v48 =	vld [tilespmem:$0x11580];
	v16 =	vsel vm5, v16, v26;
	v45 =	vsel vm5, v45, v27;
	v18 =	vsel vm9, v60, v18  }
0xab: {  	v40 =	vld [tilespmem:$0xFF00];
	v17 =	vsel vm9, v61, v17;
	v20 =	vsel vm9, $0x40060A92, v20;
	v6 =	vmul.f32 $5.000000000e-01, v6  }
0xac: {  	v22 =	vld [tilespmem:$0x10310];
	v21 =	vsel vm1, $0x40100000, v21;
	v8 =	vadd.f32 v9, v8;
	vm10 =	vgt.f32 v32, v18  }
0xad: {  	v49 =	vld [tilespmem:$0x11600];
	v18 =	vsel vm10, v32, v18;
	vm11 =	vge.f32 v5, $0.0e+00;
	v52 =	vmul.f32 $6.366197460e-01, v5  }
0xae: {  	v51 =	vld [tilespmem:$0x11080];
	v17 =	vsel vm10, v35, v17;
	v50 =	vsel vm11, $0x3F000000, v1;
	vm12 =	vgt.f32 v33, v18  }
0xaf: {  	v53 =	vld [tilespmem:$0x11680];
	v20 =	vsel vm10, $0x40278D36, v20;
	v18 =	vsel vm12, v33, v18;
	v25 =	vadd.f32 v50, v52  }
0xb0: {  	v54 =	vld [tilespmem:$0x11100];
	v17 =	vsel vm12, v48, v17;
	v20 =	vsel vm12, $0x40490FDB, v20;
	vm12 =	vgt.f32 v15, v16  }
0xb1: {  	v55 =	vld [tilespmem:$0x11700];
	vm13 =	vgt.f32 v46, v18;
	v15 =	vsel vm12, v15, v16;
	v14 =	vsel vm12, v14, v45  }
0xb2: {  	v56 =	vld [tilespmem:$0x11180];
	v18 =	vsel vm13, v46, v18;
	v17 =	vsel vm13, v49, v17;
	v57 =	vtrunc.f32 v25  }
0xb3: {  	v43 =	vld [tilespmem:$0xFF80];
	v20 =	vsel vm13, $0x406A9280, v20;
	v46 =	vmul.f32 $5.000000000e-01, v36;
	vm13 =	vgt.f32 v13, v15  }
0xb4: {  	v59 =	vld [tilespmem:$0x11200];
	vm14 =	vgt.f32 v51, v18;
	v24 =	vcvt.f32.s32 v57;
	v13 =	vsel vm13, v13, v15  }
0xb5: {  	v62 =	vld [tilespmem:$0x10A00];
	v10 =	vsel vm13, v10, v14;
	v18 =	vsel vm14, v51, v18;
	v17 =	vsel vm14, v53, v17  }
0xb6: {  	v63 =	vld [tilespmem:$0xFE80];
	v20 =	vsel vm14, $0x40860A92, v20;
	v16 =	vadd.f32 $-2.750000000e+00, v46;
	vm14 =	vgt.f32 v11, v13  }
0xb7: {  	v58 =	vld [tilespmem:$0x11780];
	vm9 =	vgt.f32 v54, v18;
	v61 =	vcvt.s32.f32 v24;
	v11 =	vsel vm14, v11, v13  }
0xb8: {  	v27 =	vld [tilespmem:$0xF410];
	v10 =	vsel vm14, v12, v10;
	v18 =	vsel vm9, v54, v18;
	v17 =	vsel vm9, v55, v17  }
0xb9: {  	v60 =	vld [tilespmem:$0x11800];
	v20 =	vsel vm9, $0x4096CBE4, v20;
	v16 =	vsel vm2, $0xBFE00000, v16;
	v39 =	vmul.f32 $1.570312500e+00, v61  }
0xba: {  	v50 =	vld [tilespmem:$0xF490];
	vm10 =	vgt.f32 v56, v18;
	v42 =	vmul.f32 $4.837512970e-04, v61;
	v44 =	vmul.f32 $7.549790120e-08, v61  }
0xbb: {  	v34 =	vld [tilespmem:$0x10090];
	v53 =	vsel vm15, $0xBFA00000, v16;
	vm15 =	vgt.f32 v7, v11;
	v18 =	vsel vm10, v56, v18  }
0xbc: {  	v33 =	vld [tilespmem:$0x10A80];
	v17 =	vsel vm10, v58, v17;
	v20 =	vsel vm10, $0x40A78D36, v20;
	v7 =	vsel vm15, v7, v11  }
0xbd: {  	v37 =	vld [tilespmem:$0x11290];
	v56 =	vsel vm5, $0xBF400000, v53;
	v10 =	vsel vm15, v62, v10;
	vm11 =	vgt.f32 v59, v18  }
0xbe: {  	v52 =	vld [tilespmem:$0xF510];
	v41 =	vsub.f32 v5, v39;
	vm9 =	vgt.f32 v63, v7;
	v11 =	vsel vm12, $0xBE800000, v56  }
0xbf: {  	v38 =	vld [tilespmem:$0xFB90];
	vm12 =	vgt.f32 v50, v27;
	v17 =	vsel vm11, v60, v17;
	v20 =	vsel vm11, $0x40B84E89, v20  }
0xc0: {  	v25 =	vld [tilespmem:$0x10B00];
	v7 =	vsel vm9, v63, v7;
	v17 =	vmul.f32 $2.617993950e-01, v17;
	v18 =	vsub.f32 v41, v42  }
0xc1: {  	v26 =	vld [tilespmem:$0x10B80];
	v11 =	vsel vm13, $0x3E800000, v11;
	v27 =	vsel vm12, v50, v27;
	v33 =	vsel vm9, v33, v10  }
0xc2: {  	v29 =	vld [tilespmem:$0x10010];
	vm1 =	vgt.f32 v40, v7;
	v17 =	vadd.f32 v17, v20;
	v18 =	vsub.f32 v18, v44  }
0xc3: {  	v55 =	vld [tilespmem:$0xF590];
	v11 =	vsel vm14, $0x3F400000, v11;
	vm14 =	vgt.f32 v52, v27;
	v7 =	vsel vm1, v40, v7  }
0xc4: {  	v32 =	vld [tilespmem:$0x10290];
	v11 =	vsel vm15, $0x3FA00000, v11;
	v47 =	vmul.f32 $1.591549370e-01, v17;
	v23 =	vmul.f32 v18, v18  }
0xc5: {  	v35 =	vld [tilespmem:$0x10590];
	v52 =	vsel vm14, v52, v27;
	v25 =	vsel vm1, v25, v33;
	vm2 =	vgt.f32 v43, v7  }
0xc6: {  	v45 =	vld [tilespmem:$0xF810];
	v44 =	vand.u32 $0x1, v24;
	v48 =	vtrunc.f32 v47;
	v49 =	vmul.f32 $2.443315680e-05, v23  }
0xc7: {  	v36 =	vld [tilespmem:$0x10190];
	v24 =	vand.u32 $0x3, v24;
	v54 =	vmul.f32 $1.951529560e-04, v23;
	v15 =	vcvt.f32.s32 v48  }
0xc8: {  	v46 =	vld [tilespmem:$0x10410];
	vm15 =	vgt.f32 v55, v52;
	v11 =	vsel vm9, $0x3FE00000, v11;
	v51 =	vadd.f32 $-1.388731650e-03, v49  }
0xc9: {  	v16 =	vld [tilespmem:$0x10110];
	vm11 =	veq.s32 v44, $0x0;
	v58 =	vsub.f32 $8.332161230e-03, v54;
	v15 =	vcvt.s32.f32 v15  }
0xca: {  	v59 =	vld [tilespmem:$0xF610];
	vm13 =	vgt.u32 v24, $0x1;
	v24 =	vadd.s32 $0xFFFFFFFF, v24;
	v13 =	vmul.f32 v51, v23  }
0xcb: {  	v61 =	vld [tilespmem:$0xF690];
	v55 =	vsel vm15, v55, v52;
	v60 =	vmul.f32 v58, v23;
	v57 =	vadd.f32 $-1.000000000e+00, v15  }
0xcc: {  	v53 =	vld [tilespmem:$0x10510];
	v11 =	vsel vm1, $0x40100000, v11;
	vm5 =	vlt.f32 v47, v15;
	v13 =	vadd.f32 $4.166664560e-02, v13  }
0xcd: {  	v39 =	vld [tilespmem:$0xF990];
	v62 =	vmul.f32 v23, v18;
	v19 =	vadd.f32 $-1.666665520e-01, v60;
	v12 =	vsel vm5, v57, v15  }
0xce: {  	vm8 =	vlt.u32 v24, $0x2;
	v15 =	vld [tilespmem:$0x10210];
	v13 =	vmul.f32 v13, v23;
	v12 =	vmul.f32 $6.283185480e+00, v12  }
0xcf: {  	v56 =	vld [tilespmem:$0xFA10];
	vm9 =	vgt.f32 v59, v55;
	v57 =	vsel vm12, v34, v29;
	v40 =	vmul.f32 v19, v62  }
0xd0: {  	v63 =	vld [tilespmem:$0xF710];
	v16 =	vsel vm14, v16, v57;
	v13 =	vadd.f32 $-5.000000000e-01, v13;
	v12 =	vsub.f32 v17, v12  }
0xd1: {  	v50 =	vld [tilespmem:$0x10490];
	v24 =	vsel vm9, v59, v55;
	v59 =	vsel vm12, $0x3F800000, v0;
	v16 =	vsel vm15, v36, v16  }
0xd2: {  	v43 =	vld [tilespmem:$0x10390];
	v18 =	vadd.f32 v40, v18;
	v41 =	vmul.f32 v13, v23;
	v42 =	vadd.f32 $-6.283185480e+00, v12  }
0xd3: {  	v19 =	vld [tilespmem:$0xF790];
	v13 =	vsel vm0, $0x40300000, v21;
	vm10 =	vgt.f32 v12, $3.141592740e+00;
	v15 =	vsel vm9, v15, v16  }
0xd4: {  	v44 =	vld [tilespmem:$0x10810];
	v17 =	vadd.f32 $1.000000000e+00, v41;
	v7 =	vsel vm10, v42, v12;
	vm10 =	vgt.f32 v61, v24  }
0xd5: {  	v55 =	vld [tilespmem:$0xFE10];
	v16 =	vsel vm2, $0x40300000, v11;
	v6 =	vadd.f32 v6, v13;
	v20 =	vsel vm10, v61, v24  }
0xd6: {  	v48 =	vld [tilespmem:$0xF890];
	v47 =	vsel vm11, v18, v17;
	v17 =	vsel vm11, v17, v18;
	vm11 =	vgt.f32 v63, v20  }
0xd7: {  	v51 =	vld [tilespmem:$0xF910];
	v15 =	vsel vm10, v32, v15;
	v54 =	vsub.f32 $0.0e+00, v17;
	v20 =	vsel vm11, v63, v20  }
0xd8: {  	v60 =	vld [tilespmem:$0xFA90];
	v49 =	vsub.f32 $0.0e+00, v47;
	v36 =	vsel vm11, v22, v15;
	vm12 =	vgt.f32 v19, v20  }
0xd9: {  	v58 =	vld [tilespmem:$0x10610];
	v12 =	vsel vm8, v54, v17;
	v17 =	vsel vm2, v26, v25;
	v25 =	vmul.f32 $5.000000000e-01, v59  }
0xda: {  	v61 =	vld [tilespmem:$0x10690];
	v10 =	vsel vm13, v49, v47;
	v19 =	vsel vm12, v19, v20;
	v11 =	vsel vm12, v43, v36  }
0xdb: {  	v62 =	vld [tilespmem:$0xFB10];
	vm13 =	vgt.f32 v45, v19;
	v17 =	vmul.f32 $5.000000000e-01, v17;
	v25 =	vadd.f32 $-2.750000000e+00, v25  }
0xdc: {  	v34 =	vld [tilespmem:$0x10C90];
	v5 =	vadd.f32 v7, v5;
	v19 =	vsel vm13, v45, v19;
	v11 =	vsel vm13, v46, v11  }
0xdd: {  	v63 =	vld [tilespmem:$0x10710];
	v16 =	vadd.f32 v17, v16;
	v41 =	vsel vm14, $0xBFE00000, v25;
	vm14 =	vgt.f32 v60, v56  }
0xde: {  	v40 =	vld [tilespmem:$0x10790];
	v22 =	vsel vm15, $0xBFA00000, v41;
	v43 =	vsel vm14, v60, v56;
	vm15 =	vgt.f32 v48, v19  }
0xdf: {  	v42 =	vld [tilespmem:$0xFC10];
	v24 =	vsel vm14, v61, v58;
	v56 =	vsel vm14, $0x3F800000, v0;
	v22 =	vsel vm9, $0xBF400000, v22  }
0xe0: {  	v32 =	vld [tilespmem:$0x10B10];
	vm8 =	vgt.f32 v62, v43;
	v19 =	vsel vm15, v48, v19;
	v11 =	vsel vm15, v50, v11  }
0xe1: {  	v47 =	vld [tilespmem:$0x10890];
	v26 =	vmul.f32 $5.000000000e-01, v56;
	v22 =	vsel vm10, $0xBE800000, v22;
	v46 =	vsel vm8, v62, v43  }
0xe2: {  	v49 =	vld [tilespmem:$0x10910];
	vm10 =	vgt.f32 v51, v19;
	v61 =	vsel vm8, v63, v24;
	v22 =	vsel vm11, $0x3E800000, v22  }
0xe3: {  	v45 =	vld [tilespmem:$0xFC90];
	vm9 =	vgt.f32 v38, v46;
	v18 =	vsel vm10, v51, v19;
	v11 =	vsel vm10, v53, v11  }
0xe4: {  	v36 =	vld [tilespmem:$0x10D10];
	v26 =	vadd.f32 $-2.750000000e+00, v26;
	v22 =	vsel vm12, $0x3F400000, v22;
	v15 =	vsel vm9, v38, v46  }
0xe5: {  	v48 =	vld [tilespmem:$0xFD10];
	v20 =	vsel vm9, v40, v61;
	v50 =	vsel vm13, $0x3FA00000, v22;
	vm11 =	vgt.f32 v42, v15  }
0xe6: {  	v51 =	vld [tilespmem:$0xFD90];
	vm13 =	vgt.f32 v39, v18;
	v31 =	vsel vm8, $0xBFE00000, v26;
	v52 =	vsel vm11, v42, v15  }
0xe7: {  	v38 =	vld [tilespmem:$0x11310];
	v54 =	vsel vm15, $0x3FE00000, v50;
	v14 =	vsel vm13, v35, v11;
	v20 =	vsel vm11, v44, v20  }
0xe8: {  	v53 =	vld [tilespmem:$0x10990];
	v33 =	vsel vm9, $0xBFA00000, v31;
	vm12 =	vgt.f32 v45, v52;
	v59 =	vsel vm10, $0x40100000, v54  }
0xe9: {  	v39 =	vld [tilespmem:$0x10D90];
	v25 =	vsel vm11, $0xBF400000, v33;
	vm11 =	vgt.f32 v36, v34;
	v14 =	vmul.f32 $5.000000000e-01, v14  }
0xea: {  	v11 =	vld [tilespmem:$0x11F10];
	v57 =	vsel vm12, v45, v52;
	v15 =	vsel vm13, $0x40300000, v59;
	v20 =	vsel vm12, v47, v20  }
0xeb: {  	v42 =	vld [tilespmem:$0x11390];
	v35 =	vsel vm12, $0xBE800000, v25;
	v19 =	vsel vm11, v36, v34;
	v46 =	vsel vm11, $0x3F800000, v0  }
0xec: {  	v58 =	vld [tilespmem:$0x10A10];
	vm14 =	vgt.f32 v48, v57;
	v24 =	vsel vm11, v38, v37;
	v28 =	vmul.f32 $5.235987900e-01, v46  }
0xed: {  	v43 =	vld [tilespmem:$0x10E10];
	v14 =	vadd.f32 v14, v15;
	v18 =	vsel vm14, v48, v57;
	v20 =	vsel vm14, v49, v20  }
0xee: {  	v44 =	vld [tilespmem:$0x11410];
	v21 =	vsel vm14, $0x3E800000, v35;
	vm12 =	vgt.f32 v39, v19;
	vm15 =	vgt.f32 v51, v18  }
0xef: {  	v60 =	vld [tilespmem:$0xFE90];
	vm10 =	vge.f32 v11, $0.0e+00;
	v40 =	vmul.f32 $6.366197460e-01, v11;
	v48 =	vsel vm12, v39, v19  }
0xf0: {  	v62 =	vld [tilespmem:$0x10A90];
	v49 =	vsel vm12, v42, v24;
	v18 =	vsel vm15, v51, v18;
	v20 =	vsel vm15, v53, v20  }
0xf1: {  	v45 =	vld [tilespmem:$0x10E90];
	v21 =	vsel vm15, $0x3F400000, v21;
	v41 =	vsel vm10, $0x3F000000, v1;
	v51 =	vsel vm12, $0x3F860A92, v28  }
0xf2: {  	v47 =	vld [tilespmem:$0x11490];
	vm13 =	vgt.f32 v43, v48;
	vm7 =	vgt.f32 v55, v18;
	v27 =	vadd.f32 v41, v40  }
0xf3: {  	v63 =	vld [tilespmem:$0xFF10];
	v13 =	vsel vm13, v43, v48;
	v19 =	vsel vm13, v44, v49;
	v24 =	vsel vm13, $0x3FC90FDB, v51  }
0xf4: {  	v50 =	vld [tilespmem:$0x10F10];
	v44 =	vmul.f32 v12, v6;
	v49 =	vmul.f32 v10, v16;
	v6 =	vsub.f32 $0.0e+00, v6  }
0xf5: {  	v61 =	vld [tilespmem:$0x11690];
	v18 =	vsel vm7, v55, v18;
	v20 =	vsel vm7, v58, v20;
	v21 =	vsel vm7, $0x3FA00000, v21  }
0xf6: {  	v52 =	vld [tilespmem:$0x11510];
	vm14 =	vgt.f32 v45, v13;
	vm8 =	vgt.f32 v60, v18;
	v27 =	vtrunc.f32 v27  }
0xf7: {  	v54 =	vld [tilespmem:$0x10F90];
	v13 =	vsel vm14, v45, v13;
	v19 =	vsel vm14, v47, v19;
	v24 =	vsel vm14, $0x40060A92, v24  }
0xf8: {  	v57 =	vld [tilespmem:$0x11010];
	v6 =	vmul.f32 v10, v6;
	v18 =	vsel vm8, v60, v18;
	v27 =	vcvt.f32.s32 v27  }
0xf9: {  	v55 =	vld [tilespmem:$0x11590];
	v20 =	vsel vm8, v62, v20;
	v21 =	vsel vm8, $0x3FE00000, v21;
	vm15 =	vgt.f32 v50, v13  }
0xfa: {  	v43 =	vld [tilespmem:$0x11C00];
	vm9 =	vgt.f32 v63, v18;
	v13 =	vsel vm15, v50, v13;
	v53 =	vcvt.s32.f32 v27  }
0xfb: {  	v48 =	vld [tilespmem:$0x11880];
	v19 =	vsel vm15, v52, v19;
	v24 =	vsel vm15, $0x40278D36, v24;
	v18 =	vsel vm9, v63, v18  }
0xfc: {  	v60 =	vld [tilespmem:$0x11090];
	v20 =	vsel vm9, v32, v20;
	vm4 =	vgt.f32 v54, v13;
	v56 =	vmul.f32 $1.570312500e+00, v53  }
0xfd: {  	v58 =	vld [tilespmem:$0x11610];
	v21 =	vsel vm9, $0x40100000, v21;
	v33 =	vand.u32 $0x1, v27;
	v13 =	vsel vm4, v54, v13  }
0xfe: {  	v63 =	vld [tilespmem:$0x11110];
	v62 =	vsel vm4, v55, v19;
	v59 =	vmul.f32 $4.837512970e-04, v53;
	v31 =	vsub.f32 v11, v56  }
0xff: {  	v37 =	vld [tilespmem:$0x11710];
	v36 =	vsel vm4, $0x40490FDB, v24;
	v19 =	vadd.f32 v49, v44;
	vm5 =	vgt.f32 v57, v13  }
0x100: {  	v40 =	vld [tilespmem:$0x11190];
	v28 =	vmul.f32 $7.549790120e-08, v53;
	v38 =	vsel vm5, v57, v13;
	v31 =	vsub.f32 v31, v59  }
0x101: {  	v46 =	vld [tilespmem:$0x11210];
	v55 =	vmul.f32 v48, v4;
	vm11 =	veq.s32 v33, $0x0;
	vm6 =	vgt.f32 v60, v38  }
0x102: {  	v41 =	vld [tilespmem:$0x11790];
	v39 =	vsel vm5, v58, v62;
	v9 =	vsel vm6, v60, v38;
	v28 =	vsub.f32 v31, v28  }
0x103: {  	v50 =	vld [tilespmem:$0x11810];
	v23 =	vsel vm5, $0x406A9280, v36;
	v54 =	vadd.f32 v19, v43;
	vm7 =	vgt.f32 v63, v9  }
0x104: {  	v57 =	vmul.f32 v12, v16;
	v9 =	vsel vm7, v63, v9;
	v42 =	vmul.f32 v28, v28  }
0x105: {  	v13 =	vsel vm6, v61, v39;
	v45 =	vsel vm6, $0x40860A92, v23;
	vm8 =	vgt.f32 v40, v9  }
0x106: {  	v34 =	vld [tilespmem:$0x11D00];
	v13 =	vsel vm7, v37, v13;
	v9 =	vsel vm8, v40, v9;
	v47 =	vmul.f32 $2.443315680e-05, v42  }
0x107: {  	v32 =	vld [tilespmem:$0x11900];
	v60 =	vadd.f32 v55, v4;
	v13 =	vsel vm8, v41, v13;
	vm9 =	vgt.f32 v46, v9  }
0x108: {  	v56 =	vld [tilespmem:$0xFF90];
	v22 =	vsel vm7, $0x4096CBE4, v45;
	v58 =	vsel vm9, v50, v13;
	v26 =	vadd.f32 $-1.388731650e-03, v47  }
0x109: {  	v51 =	vsel vm8, $0x40A78D36, v22;
	v52 =	vmul.f32 $1.951529560e-04, v42;
	v12 =	vmul.f32 $2.617993950e-01, v58  }
0x10a: {  	v6 =	vadd.f32 v57, v6;
	v63 =	vsel vm9, $0x40B84E89, v51;
	v53 =	vmul.f32 v26, v42  }
0x10b: {  	v38 =	vld [tilespmem:$0x11980];
	v39 =	vand.u32 $0x3, v27;
	v22 =	vsub.f32 $8.332161230e-03, v52;
	v10 =	vadd.f32 v12, v63  }
0x10c: {  	v43 =	vld [tilespmem:$0x11890];
	vm12 =	vgt.u32 v39, $0x1;
	v23 =	vadd.s32 $0xFFFFFFFF, v39;
	v25 =	vadd.f32 $4.166664560e-02, v53  }
0x10d: {  	v6 =	vadd.f32 v6, v34;
	v61 =	vmul.f32 v22, v42;
	v31 =	vmul.f32 $1.591549370e-01, v10  }
0x10e: {  	v59 =	vld [tilespmem:$0x10B90];
	vm10 =	vgt.f32 v56, v18;
	v18 =	vmul.f32 v32, v3;
	v62 =	vmul.f32 v25, v42  }
0x10f: {  	v41 =	vld [tilespmem:$0x10C10];
	v24 =	vmul.f32 v42, v28;
	v19 =	vadd.f32 $-1.666665520e-01, v61;
	v35 =	vtrunc.f32 v31  }
0x110: {  	v49 =	vmul.f32 v38, v2;
	v50 =	vld [tilespmem:$0x11C90];
	v36 =	vcvt.f32.s32 v35;
	v22 =	vadd.f32 $-5.000000000e-01, v62  }
0x111: {  	v18 =	vadd.f32 v18, v3;
	v58 =	vmul.f32 v43, v4;
	v26 =	vmul.f32 v19, v24  }
0x112: {  	[tilespmem:$0xE080] =	vst v8;
	v44 =	vld [tilespmem:$0x11910];
	v8 =	vadd.f32 v49, v2;
	v19 =	vcvt.s32.f32 v36;
	v30 =	vmul.f32 v22, v42  }
0x113: {  	[tilespmem:$0xE000] =	vst v54;
	v54 =	vld [tilespmem:$0x11990];
	vm13 =	vlt.u32 v23, $0x2;
	v4 =	vadd.f32 v58, v4;
	v13 =	vadd.f32 v26, v28  }
0x114: {  	v21 =	vsel vm10, $0x40300000, v21;
	v46 =	vadd.f32 $-1.000000000e+00, v19;
	v17 =	vadd.f32 $1.000000000e+00, v30  }
0x115: {  	v57 =	vadd.f32 v50, v41;
	v25 =	vsel vm10, v59, v20;
	vm14 =	vlt.f32 v31, v19  }
0x116: {  	v51 =	vsel vm14, v46, v19;
	v37 =	vsel vm11, v13, v17;
	v13 =	vsel vm11, v17, v13  }
0x117: {  	[tilespmem:$0xE100] =	vst v6;
	v12 =	vmul.f32 $5.000000000e-01, v25;
	v6 =	vmul.f32 $6.283185480e+00, v51;
	v42 =	vsub.f32 $0.0e+00, v13  }
0x118: {  	[tilespmem:$0xE300] =	vst v5;
	v61 =	vmul.f32 v54, v2;
	v59 =	vmul.f32 v44, v3;
	v40 =	vsub.f32 $0.0e+00, v37  }
0x119: {  	[tilespmem:$0xE180] =	vst v60;
	v12 =	vadd.f32 v12, v21;
	v6 =	vsub.f32 v10, v6;
	v13 =	vsel vm13, v42, v13  }
0x11a: {  	v45 =	vld [tilespmem:$0x11C10];
	[tilespmem:$0xE200] =	vst v18;
	v17 =	vsel vm12, v40, v37;
	v47 =	vmul.f32 v13, v14;
	v14 =	vsub.f32 $0.0e+00, v14  }
0x11b: {  	[tilespmem:$0xE280] =	vst v8;
	v53 =	vld [tilespmem:$0x11D10];
	v2 =	vadd.f32 v61, v2;
	v60 =	vadd.f32 $-6.283185480e+00, v6;
	v48 =	vmul.f32 v17, v12  }
0x11c: {  	[tilespmem:$0xE190] =	vst v4;
	vm15 =	vgt.f32 v6, $3.141592740e+00;
	v12 =	vmul.f32 v13, v12;
	v14 =	vmul.f32 v17, v14  }
0x11d: {  	[tilespmem:$0xE090] =	vst v57;
	v3 =	vadd.f32 v59, v3;
	v62 =	vsel vm15, v60, v6;
	v52 =	vadd.f32 v48, v47  }
0x11e: {  	[tilespmem:$0xE290] =	vst v2;
	v63 =	vadd.f32 v62, v11;
	v56 =	vadd.f32 v12, v14  }
0x11f: {  	[tilespmem:$0xE210] =	vst v3;
	v55 =	vadd.f32 v52, v45  }
0x120: {  	[tilespmem:$0xE310] =	vst v63;
	v8 =	vadd.f32 v56, v53  }
0x121: {  	[tilespmem:$0xE010] =	vst v55  }
0x122: {  	[tilespmem:$0xE110] =	vst v8  }
0x123: {  	[hbm4b:s13+s4] =	stream.linear.scatter [tilespmem:s2], [sflag:$0x3], $0x400, $0x38;
	[tilespmem:$0x12000] =	vst v63  }
0x124: {  	_ =	swait.ge [sflag:s16], $0x400  }
0x125: {  	[sflag:s16] =	ssyncset.done $0x0  }
0x126: {  	[sflag:s16] =	ssyncadd.s32 $0xFFFFFC00  }
0x127: {  	s22 =	simm.s32 $0xE000;
	s20 =	rddreg [dreg:$0x4]  }
0x128: {  	[hbm4b:s20+s4] =	stream.linear.scatter [tilespmem:s22], [sflag:$0x3], $0x400, $0x38;
	[tilespmem:$0x12000] =	vst v63  }
0x129: {  	_ =	swait.ge [sflag:s16], $0x400  }
0x12a: {  	[sflag:s16] =	ssyncset.done $0x0  }
0x12b: {  	[sflag:s16] =	ssyncadd.s32 $0xFFFFFC00  }
.LBB2_10:
0x12c: {  	s15 =	sadd.s32 $0x1, s15  }
0x12d: {  	p1 =	sne.s32 s15, s14  }
.Ltmp1:
0x12e: {  	_ = 	snop;
	(pc) =	sbr.rel @!p1 .LBB2_11-.Ltmp1, $1  }
0x12f: {  	_ =	sdelay $0x3  }
.LBB2_1:
0x130: {  	[tilespmem:s24], [sflag:$0x3] =	stream.linear.gather [hbm4b:s1+s4], $0x400, $0x38;
	[tilespmem:$0x12000] =	vst v63  }
0x131: {  	_ =	swait.ge [sflag:s16], $0x400  }
0x132: {  	[sflag:s16] =	ssyncset.done $0x0  }
0x133: {  	[sflag:s16] =	ssyncadd.s32 $0xFFFFFC00  }
0x134: {  	v3 =	vld [tilespmem:$0xF080]  }
.Ltmp2:
0x135: {  	v2 =	vld [tilespmem:$0xF100];
	(pc) =	sbr.rel @!p0 .LBB2_2-.Ltmp2, $2  }
0x136: {  	_ =	sdelay $0x2  }
0x137: {  	s18 =	simm.s32 $0x0;
	v4 =	vld [tilespmem:$0xF000]  }
0x138: {  	[tilespmem:s18], [sflag:$0x1] =	stream.linear.gather [hbm4b:s9+s18], $0x400, $0x38;
	[tilespmem:$0x12000] =	vst v63  }
0x139: {  	_ = 	snop  }
0x13a: {  	[tilespmem:s25], [sflag:$0x1] =	stream.linear.gather [hbm4b:s17+s18], $0x400, $0x38;
	[tilespmem:$0x12000] =	vst v63  }
0x13b: {  	_ = 	snop  }
0x13c: {  	[tilespmem:s26], [sflag:$0x1] =	stream.linear.gather [hbm4b:s19+s18], $0x400, $0x38;
	[tilespmem:$0x12000] =	vst v63  }
0x13d: {  	_ = 	snop  }
0x13e: {  	[tilespmem:s28], [sflag:$0x1] =	stream.linear.gather [hbm4b:s21+s18], $0x400, $0x38;
	[tilespmem:$0x12000] =	vst v63  }
0x13f: {  	s20 =	simm.s32 $0x5000  }
0x140: {  	[tilespmem:s20], [sflag:$0x1] =	stream.linear.gather [hbm4b:s23+s18], $0x400, $0x38;
	[tilespmem:$0x12000] =	vst v63  }
0x141: {  	s22 =	simm.s32 $0x6400;
	s20 =	sadd.s32 $0x18880, s9  }
0x142: {  	[tilespmem:s22], [sflag:$0x1] =	stream.linear.gather [hbm4b:s20+s18], $0x400, $0x38;
	[tilespmem:$0x12000] =	vst v63  }
0x143: {  	s20 =	sadd.s32 $0x1D700, s9;
	s22 =	simm.s32 $0x7800  }
0x144: {  	[tilespmem:s22], [sflag:$0x1] =	stream.linear.gather [hbm4b:s20+s18], $0x400, $0x38;
	[tilespmem:$0x12000] =	vst v63  }
0x145: {  	s20 =	sadd.s32 $0x22580, s9;
	s22 =	simm.s32 $0x8C00  }
0x146: {  	[tilespmem:s22], [sflag:$0x1] =	stream.linear.gather [hbm4b:s20+s18], $0x400, $0x38;
	[tilespmem:$0x12000] =	vst v63  }
0x147: {  	s22 =	sadd.s32 $0x27400, s9  }
0x148: {  	[tilespmem:s29], [sflag:$0x1] =	stream.linear.gather [hbm4b:s22+s18], $0x400, $0x38;
	[tilespmem:$0x12000] =	vst v63  }
0x149: {  	s22 =	sadd.s32 $0x2C280, s9  }
0x14a: {  	[tilespmem:s30], [sflag:$0x1] =	stream.linear.gather [hbm4b:s22+s18], $0x400, $0x38;
	[tilespmem:$0x12000] =	vst v63  }
0x14b: {  	_ = 	snop  }
0x14c: {  	[tilespmem:s31], [sflag:$0x3] =	stream.linear.gather [hbm4b:s10+s18], $0x400, $0x38;
	[tilespmem:$0x12000] =	vst v63  }
0x14d: {  	_ =	swait.ge [sflag:s16], $0x400  }
0x14e: {  	[sflag:s16] =	ssyncset.done $0x0  }
0x14f: {  	s22 =	simm.s32 $0xF400;
	[sflag:s16] =	ssyncadd.s32 $0xFFFFFC00  }
0x150: {  	[tilespmem:s22], [sflag:$0x3] =	stream.linear.gather [hbm4b:s11+s18], $0x2800, $0x38;
	[tilespmem:$0x12000] =	vst v63  }
0x151: {  	_ =	swait.ge [sflag:s16], $0x2800  }
0x152: {  	[sflag:s16] =	ssyncset.done $0x0  }
0x153: {  	s22 =	simm.s32 $0x11C00;
	[sflag:s16] =	ssyncadd.s32 $0xFFFFD800  }
0x154: {  	[tilespmem:s22], [sflag:$0x3] =	stream.linear.gather [hbm4b:s12+s18], $0x400, $0x38;
	[tilespmem:$0x12000] =	vst v63  }
0x155: {  	_ =	swait.ge [sflag:s16], $0x400  }
0x156: {  	[sflag:s16] =	ssyncset.done $0x0  }
0x157: {  	[sflag:s16] =	ssyncadd.s32 $0xFFFFFC00  }
0x158: {  	_ =	swait.ge [sflag:s3], $0x2800  }
0x159: {  	[sflag:s3] =	ssyncset.done $0x0  }
0x15a: {  	s18 =	simm.s32 $0x0;
	[sflag:s3] =	ssyncadd.s32 $0xFFFFD800  }
0x15b: {  	v5 =	vld [tilespmem:s18+$0xA380]  }
0x15c: {  	v6 =	vld [tilespmem:s18+$0x7880]  }
0x15d: {  	v7 =	vld [tilespmem:s18+$0x7900]  }
0x15e: {  	v8 =	vld [tilespmem:s18+$0xA280]  }
0x15f: {  	v9 =	vld [tilespmem:s18+$0x7980]  }
0x160: {  	v10 =	vld [tilespmem:s18+$0xA180]  }
0x161: {  	v11 =	vld [tilespmem:s18+$0x7A00]  }
0x162: {  	v12 =	vld [tilespmem:s18+$0xA080]  }
0x163: {  	v13 =	vld [tilespmem:s18+$0x7A80];
	vm0 =	vgt.f32 v7, v6  }
0x164: {  	v14 =	vld [tilespmem:s18+$0x7B00];
	v6 =	vsel vm0, v7, v6  }
0x165: {  	v15 =	vld [tilespmem:s18+$0x7B80];
	vm1 =	vgt.f32 v9, v6  }
0x166: {  	v16 =	vld [tilespmem:s18+$0x8C00];
	v6 =	vsel vm1, v9, v6  }
0x167: {  	v17 =	vld [tilespmem:s18+$0x8C80];
	vm2 =	vgt.f32 v11, v6  }
0x168: {  	v9 =	vld [tilespmem:s18+$0x8E80];
	v6 =	vsel vm2, v11, v6  }
0x169: {  	v11 =	vld [tilespmem:s18+$0x8F00];
	vm3 =	vgt.f32 v13, v6  }
0x16a: {  	v7 =	vld [tilespmem:s18+$0x8F80];
	v6 =	vsel vm3, v13, v6  }
0x16b: {  	v13 =	vld [tilespmem:s18+$0xA000];
	vm4 =	vgt.f32 v14, v6  }
0x16c: {  	v18 =	vld [tilespmem:s18+$0x8D00];
	v6 =	vsel vm4, v14, v6  }
0x16d: {  	v14 =	vld [tilespmem:s18+$0xA100];
	vm5 =	vgt.f32 v15, v6  }
0x16e: {  	v9 =	vsel vm0, v11, v9;
	v11 =	vsel vm0, $0x3F800000, v0;
	v6 =	vsel vm5, v15, v6;
	v15 =	vld [tilespmem:s18+$0xA200]  }
0x16f: {  	v7 =	vsel vm1, v7, v9;
	v9 =	vmul.f32 $5.235987900e-01, v11;
	v11 =	vld [tilespmem:s18+$0x8D80]  }
0x170: {  	vm0 =	vgt.f32 v16, v6;
	v7 =	vsel vm2, v13, v7;
	v13 =	vld [tilespmem:s18+$0xA300]  }
0x171: {  	v6 =	vsel vm0, v16, v6;
	v7 =	vsel vm3, v12, v7;
	v12 =	vld [tilespmem:s18+$0x8E00]  }
0x172: {  	v9 =	vsel vm1, $0x3F860A92, v9;
	v16 =	vld [tilespmem:s18+$0x2800];
	vm6 =	vgt.f32 v17, v6  }
0x173: {  	v7 =	vsel vm4, v14, v7;
	v9 =	vsel vm2, $0x3FC90FDB, v9;
	v14 =	vld [tilespmem:s18+$0xB400];
	v6 =	vsel vm6, v17, v6  }
0x174: {  	v7 =	vsel vm5, v10, v7;
	v9 =	vsel vm3, $0x40060A92, v9;
	v10 =	vld [tilespmem:s18+$0x0];
	vm1 =	vgt.f32 v18, v6  }
0x175: {  	v7 =	vsel vm0, v15, v7;
	v9 =	vsel vm4, $0x40278D36, v9;
	v15 =	vld [tilespmem:s18+$0x80];
	v6 =	vsel vm1, v18, v6  }
0x176: {  	v7 =	vsel vm6, v8, v7;
	v8 =	vsel vm5, $0x40490FDB, v9;
	v9 =	vld [tilespmem:s18+$0x100];
	vm2 =	vgt.f32 v11, v6  }
0x177: {  	v7 =	vsel vm1, v13, v7;
	v6 =	vsel vm2, v11, v6;
	v11 =	vld [tilespmem:s18+$0x1600]  }
0x178: {  	v8 =	vsel vm0, $0x406A9280, v8;
	v5 =	vsel vm2, v5, v7;
	v7 =	vld [tilespmem:s18+$0x1680]  }
0x179: {  	vm0 =	vgt.f32 v12, v6;
	v6 =	vsel vm6, $0x40860A92, v8;
	v8 =	vld [tilespmem:s18+$0x180]  }
0x17a: {  	v18 =	vld [tilespmem:s18+$0x300];
	v5 =	vsel vm0, v14, v5;
	v6 =	vsel vm1, $0x4096CBE4, v6;
	vm3 =	vgt.f32 v15, v10  }
0x17b: {  	v12 =	vld [tilespmem:s18+$0x1700];
	v6 =	vsel vm2, $0x40A78D36, v6;
	v5 =	vmul.f32 $2.617993950e-01, v5;
	v10 =	vsel vm3, v15, v10  }
0x17c: {  	v13 =	vld [tilespmem:s18+$0x200];
	v6 =	vsel vm0, $0x40B84E89, v6;
	vm7 =	vgt.f32 v9, v10  }
0x17d: {  	v17 =	vsel vm3, $0x3F800000, v0;
	v5 =	vadd.f32 v5, v6;
	v6 =	vld [tilespmem:s18+$0x1780];
	v9 =	vsel vm7, v9, v10  }
0x17e: {  	v14 =	vld [tilespmem:s18+$0x280];
	v17 =	vmul.f32 $5.000000000e-01, v17;
	vm9 =	vgt.f32 v7, v11;
	vm10 =	vgt.f32 v8, v9  }
0x17f: {  	v7 =	vsel vm9, v7, v11;
	v11 =	vld [tilespmem:s18+$0x3C00];
	v20 =	vsel vm9, $0x3F800000, v0;
	v15 =	vmul.f32 $1.591549370e-01, v5  }
0x180: {  	v17 =	vadd.f32 $-2.750000000e+00, v17;
	v8 =	vsel vm10, v8, v9;
	vm4 =	vgt.f32 v12, v7;
	v9 =	vld [tilespmem:s18+$0x3C80]  }
0x181: {  	vm8 =	vgt.f32 v13, v8;
	v7 =	vsel vm4, v12, v7;
	v12 =	vld [tilespmem:s18+$0x3D00];
	v10 =	vtrunc.f32 v15  }
0x182: {  	v19 =	vld [tilespmem:s18+$0x2880];
	v8 =	vsel vm8, v13, v8;
	v10 =	vcvt.f32.s32 v10;
	vm2 =	vgt.f32 v6, v7  }
0x183: {  	v17 =	vsel vm7, $0xBFE00000, v17;
	v13 =	vld [tilespmem:s18+$0x380];
	vm5 =	vgt.f32 v14, v8;
	v6 =	vsel vm2, v6, v7  }
0x184: {  	v21 =	vld [tilespmem:s18+$0x2900];
	v8 =	vsel vm5, v14, v8;
	v10 =	vcvt.s32.f32 v10;
	vm1 =	vgt.f32 v16, v6  }
0x185: {  	v14 =	vld [tilespmem:s18+$0x5280];
	vm12 =	vgt.f32 v18, v8;
	v9 =	vsel vm3, v9, v11;
	v6 =	vsel vm1, v16, v6  }
0x186: {  	v8 =	vsel vm12, v18, v8;
	v16 =	vmul.f32 $5.000000000e-01, v20;
	v18 =	vld [tilespmem:s18+$0xCB00];
	v9 =	vsel vm7, v12, v9  }
0x187: {  	v12 =	vsel vm10, $0xBFA00000, v17;
	v7 =	vadd.f32 $-1.000000000e+00, v10;
	vm0 =	vlt.f32 v15, v10;
	v15 =	vld [tilespmem:s18+$0x3D80]  }
0x188: {  	vm7 =	vgt.f32 v13, v8;
	v12 =	vsel vm8, $0xBF400000, v12;
	v11 =	vadd.f32 $-2.750000000e+00, v16;
	v16 =	vld [tilespmem:s18+$0x1400]  }
0x189: {  	v8 =	vsel vm7, v13, v8;
	v7 =	vsel vm0, v7, v10;
	v10 =	vld [tilespmem:s18+$0x5200];
	vm0 =	vgt.f32 v19, v6  }
0x18a: {  	v13 =	vld [tilespmem:s18+$0x2980];
	v12 =	vsel vm5, $0xBE800000, v12;
	v7 =	vmul.f32 $-6.283185480e+00, v7;
	v6 =	vsel vm0, v19, v6  }
0x18b: {  	v19 =	vld [tilespmem:s18+$0x5300];
	v11 =	vsel vm4, $0xBFE00000, v11;
	vm3 =	vgt.f32 v21, v6;
	vm14 =	vge.f32 v18, $0.0e+00  }
0x18c: {  	v59 =	vld [tilespmem:s18+$0x3F00];
	v11 =	vsel vm2, $0xBFA00000, v11;
	v5 =	vadd.f32 v7, v5;
	v9 =	vsel vm10, v15, v9  }
0x18d: {  	v7 =	vld [tilespmem:s18+$0x3E00];
	v15 =	vmul.f32 $6.366197460e-01, v18;
	v6 =	vsel vm3, v21, v6;
	v20 =	vsel vm14, $0x3F000000, v1  }
0x18e: {  	vm15 =	vgt.f32 v16, v8;
	v17 =	vadd.f32 $-6.283185480e+00, v5;
	v10 =	vsel vm9, v14, v10;
	v14 =	vld [tilespmem:s18+$0x3E80]  }
0x18f: {  	vm13 =	vgt.f32 v5, $3.141592740e+00;
	v15 =	vadd.f32 v20, v15;
	v8 =	vsel vm15, v16, v8;
	v16 =	vld [tilespmem:s18+$0x2A00]  }
0x190: {  	vm10 =	vgt.f32 v13, v6;
	v10 =	vsel vm4, v19, v10;
	v19 =	vld [tilespmem:s18+$0x3F80];
	v5 =	vsel vm13, v17, v5  }
0x191: {  	v6 =	vsel vm10, v13, v6;
	v17 =	vld [tilespmem:s18+$0x5380];
	v15 =	vtrunc.f32 v15;
	v5 =	vadd.f32 v5, v18  }
0x192: {  	v7 =	vsel vm8, v7, v9;
	v9 =	vsel vm1, $0xBF400000, v11;
	v11 =	vld [tilespmem:s18+$0x1480];
	v15 =	vcvt.f32.s32 v15  }
0x193: {  	v61 =	vld [tilespmem:s18+$0x2A80];
	v9 =	vsel vm0, $0xBE800000, v9;
	[tilespmem:s18+$0xDF00] =	vst v5;
	v5 =	vsel vm12, $0x3E800000, v12;
	v7 =	vsel vm5, v14, v7  }
0x194: {  	v13 =	vld [tilespmem:s18+$0x6480];
	v14 =	vcvt.s32.f32 v15;
	v9 =	vsel vm3, $0x3E800000, v9;
	v22 =	vand.u32 $0x3, v15  }
0x195: {  	v12 =	vld [tilespmem:s18+$0x6400];
	v15 =	vand.u32 $0x1, v15;
	v5 =	vsel vm7, $0x3F400000, v5;
	v7 =	vsel vm12, v59, v7  }
0x196: {  	v20 =	vld [tilespmem:s18+$0x1500];
	v9 =	vsel vm10, $0x3F400000, v9;
	vm12 =	vgt.f32 v16, v6;
	v60 =	vmul.f32 $-1.570312500e+00, v14  }
0x197: {  	v10 =	vsel vm2, v17, v10;
	v17 =	vld [tilespmem:s18+$0x5000];
	v7 =	vsel vm7, v19, v7;
	vm11 =	vgt.f32 v11, v8  }
0x198: {  	v19 =	vld [tilespmem:s18+$0x5080];
	v8 =	vsel vm11, v11, v8;
	v11 =	vmul.f32 $-4.837512970e-04, v14;
	v18 =	vadd.f32 v60, v18  }
0x199: {  	v5 =	vsel vm15, $0x3FA00000, v5;
	v6 =	vsel vm12, v16, v6;
	v9 =	vsel vm12, $0x3FA00000, v9;
	v16 =	vld [tilespmem:s18+$0x5100]  }
0x19a: {  	v14 =	vmul.f32 $-7.549790120e-08, v14;
	v10 =	vsel vm1, v12, v10;
	v12 =	vld [tilespmem:s18+$0x6500];
	v11 =	vadd.f32 v11, v18  }
0x19b: {  	v5 =	vsel vm11, $0x3FE00000, v5;
	vm1 =	veq.s32 v15, $0x0;
	v10 =	vsel vm0, v13, v10;
	v13 =	vld [tilespmem:s18+$0x6580]  }
0x19c: {  	vm13 =	vgt.f32 v20, v8;
	v15 =	vld [tilespmem:s18+$0x1580];
	vm0 =	vgt.u32 v22, $0x1;
	v14 =	vadd.f32 v14, v11  }
0x19d: {  	v8 =	vsel vm13, v20, v8;
	v7 =	vsel vm15, v17, v7;
	v17 =	vld [tilespmem:s18+$0x6600];
	v11 =	vadd.s32 $0xFFFFFFFF, v22  }
0x19e: {  	v7 =	vsel vm11, v19, v7;
	vm2 =	vlt.u32 v11, $0x2;
	v11 =	vld [tilespmem:s18+$0x5180];
	v20 =	vmul.f32 v14, v14  }
0x19f: {  	v7 =	vsel vm13, v16, v7;
	v10 =	vsel vm3, v12, v10;
	vm3 =	vgt.f32 v61, v6;
	v12 =	vld [tilespmem:s18+$0x2B00]  }
0x1a0: {  	v10 =	vsel vm10, v13, v10;
	v13 =	vld [tilespmem:s18+$0x6680];
	v18 =	vmul.f32 $2.443315680e-05, v20;
	v16 =	vmul.f32 $-1.951529560e-04, v20  }
0x1a1: {  	v5 =	vsel vm13, $0x40100000, v5;
	v19 =	vld [tilespmem:s18+$0x6700];
	vm14 =	vgt.f32 v15, v8;
	v6 =	vsel vm3, v61, v6  }
0x1a2: {  	v8 =	vld [tilespmem:s18+$0x2B80];
	v9 =	vsel vm3, $0x3FE00000, v9;
	v18 =	vadd.f32 $-1.388731650e-03, v18;
	v16 =	vadd.f32 $8.332161230e-03, v16  }
0x1a3: {  	v5 =	vsel vm14, $0x40300000, v5;
	v15 =	vmul.f32 v20, v14;
	v10 =	vsel vm12, v17, v10;
	v17 =	vld [tilespmem:s18+$0x6780]  }
0x1a4: {  	v62 =	vld [tilespmem:s18+$0xB480];
	v7 =	vsel vm14, v11, v7;
	v11 =	vmul.f32 v18, v20;
	v16 =	vmul.f32 v16, v20  }
0x1a5: {  	vm15 =	vgt.f32 v12, v6;
	v7 =	vmul.f32 $5.000000000e-01, v7;
	v10 =	vsel vm3, v13, v10;
	v18 =	vld [tilespmem:s18+$0xB500]  }
0x1a6: {  	v6 =	vsel vm15, v12, v6;
	v12 =	vld [tilespmem:s18+$0xB580];
	v13 =	vadd.f32 $4.166664560e-02, v11;
	v16 =	vadd.f32 $-1.666665520e-01, v16  }
0x1a7: {  	v10 =	vsel vm15, v19, v10;
	vm3 =	vgt.f32 v8, v6;
	v8 =	vadd.f32 v7, v5;
	v6 =	vld [tilespmem:s18+$0xC800]  }
0x1a8: {  	v11 =	vld [tilespmem:s18+$0x7800];
	v7 =	vsel vm3, v17, v10;
	v10 =	vmul.f32 v13, v20;
	v15 =	vmul.f32 v16, v15  }
0x1a9: {  	v5 =	vsel vm15, $0x40100000, v9;
	v19 =	vmul.f32 v62, v4;
	v17 =	vmul.f32 $5.000000000e-01, v7;
	v13 =	vld [tilespmem:s18+$0xC880]  }
0x1aa: {  	s20 =	simm.s32 $0x10;
	v7 =	vld [tilespmem:s18+$0xC900];
	v16 =	vsel vm3, $0x40300000, v5;
	v63 =	vadd.f32 $-5.000000000e-01, v10;
	v14 =	vadd.f32 v15, v14  }
0x1ab: {  	v5 =	vld [tilespmem:s20+$0xA380];
	v10 =	vadd.f32 v17, v16;
	v17 =	vmul.f32 v18, v3;
	v15 =	vmul.f32 v12, v2  }
0x1ac: {  	s22 =	simm.s32 $0x80;
	v9 =	vsub.f32 $0.0e+00, v8;
	v12 =	vld [tilespmem:s20+$0x7880];
	v18 =	vadd.f32 v19, v4;
	v16 =	vmul.f32 v63, v20  }
.LBB2_8:
0x1ad: {  	p1 =	sne.s32 s22, $0x1C0;
	v19 =	vld [tilespmem:s20+$0x7900];
	v17 =	vadd.f32 v17, v3;
	v15 =	vadd.f32 v15, v2  }
0x1ae: {  	v11 =	vadd.f32 v13, v11;
	v13 =	vadd.f32 $1.000000000e+00, v16;
	v20 =	vld [tilespmem:s20+$0xA280];
	[tilespmem:s18+$0xDD80] =	vst v18  }
0x1af: {  	v16 =	vld [tilespmem:s20+$0x7980];
	[tilespmem:s18+$0xDE00] =	vst v17  }
0x1b0: {  	v18 =	vsel vm1, v14, v13;
	v13 =	vsel vm1, v13, v14;
	v17 =	vld [tilespmem:s20+$0xA180];
	[tilespmem:s18+$0xDE80] =	vst v15  }
0x1b1: {  	v15 =	vsub.f32 $0.0e+00, v18;
	v21 =	vsub.f32 $0.0e+00, v13;
	v14 =	vld [tilespmem:s20+$0x7A00];
	[tilespmem:s18+$0xDC80] =	vst v11  }
0x1b2: {  	vm1 =	vgt.f32 v19, v12;
	v11 =	vld [tilespmem:s20+$0xA080]  }
0x1b3: {  	v15 =	vsel vm0, v15, v18;
	v13 =	vsel vm2, v21, v13;
	v12 =	vsel vm1, v19, v12;
	v19 =	vld [tilespmem:s20+$0x7A80]  }
0x1b4: {  	v8 =	vmul.f32 v13, v8;
	v21 =	vmul.f32 v15, v10;
	v18 =	vld [tilespmem:s20+$0x8F80];
	vm0 =	vgt.f32 v16, v12  }
0x1b5: {  	v9 =	vmul.f32 v15, v9;
	v10 =	vmul.f32 v13, v10;
	v12 =	vsel vm0, v16, v12;
	v16 =	vld [tilespmem:s20+$0x7B00]  }
0x1b6: {  	v8 =	vadd.f32 v21, v8;
	v13 =	vld [tilespmem:s20+$0x8E80];
	vm2 =	vgt.f32 v14, v12  }
0x1b7: {  	v9 =	vadd.f32 v10, v9;
	v12 =	vsel vm2, v14, v12;
	v14 =	vld [tilespmem:s20+$0x7B80]  }
0x1b8: {  	v6 =	vadd.f32 v8, v6;
	v10 =	vld [tilespmem:s20+$0x8F00];
	vm3 =	vgt.f32 v19, v12  }
0x1b9: {  	v7 =	vadd.f32 v9, v7;
	v8 =	vsel vm3, v19, v12;
	v12 =	vld [tilespmem:s20+$0x8C00]  }
0x1ba: {  	v9 =	vld [tilespmem:s20+$0xA000];
	vm4 =	vgt.f32 v16, v8;
	[tilespmem:s18+$0xDC00] =	vst v6  }
0x1bb: {  	v6 =	vsel vm4, v16, v8;
	v8 =	vld [tilespmem:s20+$0x8C80];
	[tilespmem:s18+$0xDD00] =	vst v7;
	s18 =	smov.u32 s20  }
0x1bc: {  	v7 =	vld [tilespmem:s18+$0xA100];
	vm5 =	vgt.f32 v14, v6  }
0x1bd: {  	v10 =	vsel vm1, v10, v13;
	v6 =	vsel vm5, v14, v6;
	v13 =	vld [tilespmem:s18+$0x8D00];
	v14 =	vsel vm1, $0x3F800000, v0  }
0x1be: {  	v10 =	vsel vm0, v18, v10;
	v15 =	vld [tilespmem:s18+$0xA200];
	vm1 =	vgt.f32 v12, v6;
	v14 =	vmul.f32 $5.235987900e-01, v14  }
0x1bf: {  	v9 =	vsel vm2, v9, v10;
	v6 =	vsel vm1, v12, v6;
	v10 =	vld [tilespmem:s18+$0x8D80]  }
0x1c0: {  	v9 =	vsel vm3, v11, v9;
	vm6 =	vgt.f32 v8, v6;
	v11 =	vld [tilespmem:s18+$0xA300];
	v12 =	vsel vm0, $0x3F860A92, v14  }
0x1c1: {  	v7 =	vsel vm4, v7, v9;
	v6 =	vsel vm6, v8, v6;
	v8 =	vld [tilespmem:s18+$0x8E00];
	v9 =	vsel vm2, $0x3FC90FDB, v12  }
0x1c2: {  	v7 =	vsel vm5, v17, v7;
	vm0 =	vgt.f32 v13, v6;
	v12 =	vld [tilespmem:s18+$0xB400];
	v9 =	vsel vm3, $0x40060A92, v9  }
0x1c3: {  	v14 =	vld [tilespmem:s18+$0x0];
	v7 =	vsel vm1, v15, v7;
	v6 =	vsel vm0, v13, v6;
	v9 =	vsel vm4, $0x40278D36, v9  }
0x1c4: {  	v13 =	vld [tilespmem:s18+$0x80];
	v7 =	vsel vm6, v20, v7;
	vm2 =	vgt.f32 v10, v6;
	v9 =	vsel vm5, $0x40490FDB, v9  }
0x1c5: {  	v15 =	vld [tilespmem:s18+$0x100];
	v7 =	vsel vm0, v11, v7;
	v6 =	vsel vm2, v10, v6;
	v9 =	vsel vm1, $0x406A9280, v9  }
0x1c6: {  	v10 =	vld [tilespmem:s18+$0x1600];
	v5 =	vsel vm2, v5, v7;
	vm1 =	vgt.f32 v8, v6;
	v6 =	vsel vm6, $0x40860A92, v9  }
0x1c7: {  	v7 =	vld [tilespmem:s18+$0x1680];
	v5 =	vsel vm1, v12, v5;
	v6 =	vsel vm0, $0x4096CBE4, v6  }
0x1c8: {  	v8 =	vld [tilespmem:s18+$0x180];
	v6 =	vsel vm2, $0x40A78D36, v6;
	v5 =	vmul.f32 $2.617993950e-01, v5  }
0x1c9: {  	vm2 =	vgt.f32 v13, v14;
	v9 =	vld [tilespmem:s18+$0x1700];
	v6 =	vsel vm1, $0x40B84E89, v6  }
0x1ca: {  	v11 =	vsel vm2, v13, v14;
	v12 =	vld [tilespmem:s18+$0x200];
	v13 =	vsel vm2, $0x3F800000, v0;
	v5 =	vadd.f32 v5, v6  }
0x1cb: {  	vm7 =	vgt.f32 v15, v11;
	v6 =	vld [tilespmem:s18+$0x1780];
	v13 =	vmul.f32 $5.000000000e-01, v13  }
0x1cc: {  	v11 =	vsel vm7, v15, v11;
	v14 =	vld [tilespmem:s18+$0x280];
	vm8 =	vgt.f32 v7, v10;
	v15 =	vmul.f32 $1.591549370e-01, v5  }
0x1cd: {  	vm10 =	vgt.f32 v8, v11;
	v7 =	vsel vm8, v7, v10;
	v10 =	vld [tilespmem:s18+$0x2800];
	v16 =	vsel vm8, $0x3F800000, v0  }
0x1ce: {  	v8 =	vsel vm10, v8, v11;
	v11 =	vld [tilespmem:s18+$0x300];
	vm4 =	vgt.f32 v9, v7;
	v17 =	vtrunc.f32 v15  }
0x1cf: {  	vm9 =	vgt.f32 v12, v8;
	v7 =	vsel vm4, v9, v7;
	v9 =	vld [tilespmem:s18+$0x2880];
	v17 =	vcvt.f32.s32 v17  }
0x1d0: {  	v18 =	vld [tilespmem:s18+$0x3C00];
	v8 =	vsel vm9, v12, v8;
	vm3 =	vgt.f32 v6, v7;
	v12 =	vadd.f32 $-2.750000000e+00, v13  }
0x1d1: {  	v13 =	vld [tilespmem:s18+$0x3C80];
	vm5 =	vgt.f32 v14, v8;
	v6 =	vsel vm3, v6, v7;
	v7 =	vcvt.s32.f32 v17  }
0x1d2: {  	v17 =	vld [tilespmem:s18+$0x3D00];
	v8 =	vsel vm5, v14, v8;
	vm1 =	vgt.f32 v10, v6;
	v14 =	vmul.f32 $5.000000000e-01, v16  }
0x1d3: {  	vm6 =	vgt.f32 v11, v8;
	v16 =	vld [tilespmem:s18+$0x380];
	v6 =	vsel vm1, v10, v6;
	v10 =	vadd.f32 $-1.000000000e+00, v7  }
0x1d4: {  	vm11 =	vlt.f32 v15, v7;
	v8 =	vsel vm6, v11, v8;
	vm0 =	vgt.f32 v9, v6;
	v11 =	vld [tilespmem:s18+$0x2900]  }
0x1d5: {  	v15 =	vld [tilespmem:s18+$0x3D80];
	v6 =	vsel vm0, v9, v6;
	v9 =	vsel vm7, $0xBFE00000, v12;
	v7 =	vsel vm11, v10, v7  }
0x1d6: {  	v10 =	vsel vm2, v13, v18;
	v12 =	vld [tilespmem:s18+$0x5200];
	v13 =	vadd.f32 $-2.750000000e+00, v14;
	v7 =	vmul.f32 $-6.283185480e+00, v7  }
0x1d7: {  	v9 =	vsel vm10, $0xBFA00000, v9;
	v10 =	vsel vm7, v17, v10;
	v14 =	vld [tilespmem:s18+$0x5280]  }
0x1d8: {  	v9 =	vsel vm9, $0xBF400000, v9;
	vm7 =	vgt.f32 v16, v8;
	v17 =	vld [tilespmem:s18+$0xCB00];
	v5 =	vadd.f32 v7, v5  }
0x1d9: {  	v13 =	vsel vm4, $0xBFE00000, v13;
	v7 =	vld [tilespmem:s18+$0x3E00];
	v8 =	vsel vm7, v16, v8;
	vm2 =	vgt.f32 v11, v6  }
0x1da: {  	v10 =	vsel vm10, v15, v10;
	v15 =	vld [tilespmem:s18+$0x1400];
	v6 =	vsel vm2, v11, v6;
	v11 =	vadd.f32 $-6.283185480e+00, v5  }
0x1db: {  	v9 =	vsel vm5, $0xBE800000, v9;
	v13 =	vsel vm3, $0xBFA00000, v13;
	vm10 =	vgt.f32 v5, $3.141592740e+00;
	v16 =	vld [tilespmem:s18+$0x5300]  }
0x1dc: {  	v9 =	vsel vm6, $0x3E800000, v9;
	v12 =	vsel vm8, v14, v12;
	v14 =	vld [tilespmem:s18+$0x2980];
	v5 =	vsel vm10, v11, v5  }
0x1dd: {  	v11 =	vld [tilespmem:s18+$0x3E80];
	vm8 =	vge.f32 v17, $0.0e+00;
	v18 =	vmul.f32 $6.366197460e-01, v17;
	v5 =	vadd.f32 v5, v17  }
0x1de: {  	v13 =	vsel vm1, $0xBF400000, v13;
	v7 =	vsel vm9, v7, v10;
	v10 =	vld [tilespmem:s18+$0x5380];
	v19 =	vsel vm8, $0x3F000000, v1  }
0x1df: {  	v9 =	vsel vm7, $0x3F400000, v9;
	v20 =	vld [tilespmem:s18+$0x3F00];
	vm8 =	vgt.f32 v15, v8;
	v18 =	vadd.f32 v19, v18;
	[tilespmem:s18+$0xDF00] =	vst v5  }
0x1e0: {  	v13 =	vsel vm0, $0xBE800000, v13;
	v5 =	vsel vm8, v15, v8;
	v8 =	vld [tilespmem:s18+$0x1480];
	v12 =	vsel vm4, v16, v12  }
0x1e1: {  	v9 =	vsel vm8, $0x3FA00000, v9;
	v15 =	vld [tilespmem:s18+$0x6400];
	vm4 =	vgt.f32 v14, v6;
	v16 =	vtrunc.f32 v18  }
0x1e2: {  	v7 =	vsel vm5, v11, v7;
	v6 =	vsel vm4, v14, v6;
	v11 =	vld [tilespmem:s18+$0x2A00];
	v14 =	vcvt.f32.s32 v16  }
0x1e3: {  	v16 =	vld [tilespmem:s18+$0x3F80];
	v10 =	vsel vm3, v10, v12;
	v12 =	vsel vm2, $0x3E800000, v13  }
0x1e4: {  	v7 =	vsel vm6, v20, v7;
	v13 =	vld [tilespmem:s18+$0x6480];
	v12 =	vsel vm4, $0x3F400000, v12;
	v18 =	vcvt.s32.f32 v14  }
0x1e5: {  	v20 =	vand.u32 $0x3, v14;
	v14 =	vand.u32 $0x1, v14;
	v19 =	vld [tilespmem:s18+$0x5000];
	vm5 =	vgt.f32 v8, v5  }
0x1e6: {  	v21 =	vld [tilespmem:s18+$0x1500];
	v10 =	vsel vm1, v15, v10;
	v15 =	vmul.f32 $-1.570312500e+00, v18;
	v22 =	vmul.f32 $-4.837512970e-04, v18  }
0x1e7: {  	v5 =	vsel vm5, v8, v5;
	v18 =	vmul.f32 $-7.549790120e-08, v18;
	v8 =	vld [tilespmem:s18+$0x6500];
	vm3 =	vgt.f32 v11, v6  }
0x1e8: {  	v7 =	vsel vm7, v16, v7;
	v6 =	vsel vm3, v11, v6;
	v11 =	vld [tilespmem:s18+$0x2A80];
	v15 =	vadd.f32 v15, v17  }
0x1e9: {  	v9 =	vsel vm5, $0x3FE00000, v9;
	v12 =	vsel vm3, $0x3FA00000, v12;
	v16 =	vld [tilespmem:s18+$0x5080];
	v10 =	vsel vm0, v13, v10  }
0x1ea: {  	vm1 =	veq.s32 v14, $0x0;
	v7 =	vsel vm8, v19, v7;
	v13 =	vld [tilespmem:s18+$0x6580];
	v15 =	vadd.f32 v22, v15  }
0x1eb: {  	v17 =	vadd.s32 $0xFFFFFFFF, v20;
	vm0 =	vgt.u32 v20, $0x1;
	v14 =	vld [tilespmem:s18+$0x5100];
	vm7 =	vgt.f32 v21, v5  }
0x1ec: {  	v5 =	vsel vm7, v21, v5;
	v19 =	vld [tilespmem:s18+$0x1580];
	v8 =	vsel vm2, v8, v10;
	v10 =	vadd.f32 v18, v15  }
0x1ed: {  	v9 =	vsel vm7, $0x40100000, v9;
	vm2 =	vlt.u32 v17, $0x2;
	v15 =	vld [tilespmem:s18+$0x6600];
	vm6 =	vgt.f32 v11, v6  }
0x1ee: {  	v7 =	vsel vm5, v16, v7;
	v6 =	vsel vm6, v11, v6;
	v11 =	vld [tilespmem:s18+$0x2B00];
	v16 =	vmul.f32 v10, v10  }
0x1ef: {  	v12 =	vsel vm6, $0x3FE00000, v12;
	v17 =	vld [tilespmem:s18+$0x5180];
	v8 =	vsel vm4, v13, v8  }
0x1f0: {  	v7 =	vsel vm7, v14, v7;
	v13 =	vld [tilespmem:s18+$0x6680];
	v14 =	vmul.f32 $-1.951529560e-04, v16;
	v18 =	vmul.f32 $2.443315680e-05, v16  }
0x1f1: {  	vm4 =	vgt.f32 v19, v5;
	v5 =	vld [tilespmem:s18+$0x6700];
	v19 =	vmul.f32 v16, v10  }
0x1f2: {  	v8 =	vsel vm3, v15, v8;
	v15 =	vld [tilespmem:s18+$0x2B80];
	v14 =	vadd.f32 $8.332161230e-03, v14;
	v18 =	vadd.f32 $-1.388731650e-03, v18  }
0x1f3: {  	v9 =	vsel vm4, $0x40300000, v9;
	vm3 =	vgt.f32 v11, v6;
	v20 =	vld [tilespmem:s18+$0x6780]  }
0x1f4: {  	v7 =	vsel vm4, v17, v7;
	v17 =	vld [tilespmem:s18+$0xB480];
	v14 =	vmul.f32 v14, v16;
	v18 =	vmul.f32 v18, v16  }
0x1f5: {  	v6 =	vsel vm3, v11, v6;
	v8 =	vsel vm6, v13, v8;
	v21 =	vld [tilespmem:s18+$0xB500];
	v7 =	vmul.f32 $5.000000000e-01, v7  }
0x1f6: {  	v5 =	vsel vm3, v5, v8;
	v22 =	vld [tilespmem:s18+$0xB580];
	v13 =	vadd.f32 $-1.666665520e-01, v14;
	v14 =	vadd.f32 $4.166664560e-02, v18  }
0x1f7: {  	vm4 =	vgt.f32 v15, v6;
	v11 =	vld [tilespmem:s18+$0x7800];
	v8 =	vadd.f32 v7, v9;
	v7 =	vsel vm3, $0x40100000, v12  }
.Ltmp3:
0x1f8: {  	v5 =	vsel vm4, v20, v5;
	v6 =	vld [tilespmem:s18+$0xC800];
	v12 =	vmul.f32 v13, v19;
	v15 =	vmul.f32 v14, v16;
	(pc) =	sbr.rel @p1 .LBB2_8-.Ltmp3, $4  }
0x1f9: {  	v18 =	vsel vm4, $0x40300000, v7;
	v13 =	vld [tilespmem:s18+$0xC880];
	v19 =	vmul.f32 $5.000000000e-01, v5;
	v9 =	vsub.f32 $0.0e+00, v8  }
0x1fa: {  	s20 =	sshra.s32 s22, $0x2;
	v20 =	vmul.f32 v17, v4;
	v7 =	vld [tilespmem:s18+$0xC900];
	v14 =	vadd.f32 v12, v10;
	v23 =	vadd.f32 $-5.000000000e-01, v15  }
0x1fb: {  	v17 =	vmul.f32 v21, v3;
	v5 =	vld [tilespmem:s20+$0xA380];
	v10 =	vadd.f32 v19, v18;
	v15 =	vmul.f32 v22, v2  }
0x1fc: {  	s22 =	sadd.s32 $0x40, s22;
	v18 =	vadd.f32 v20, v4;
	v12 =	vld [tilespmem:s20+$0x7880];
	v16 =	vmul.f32 v23, v16  }
.Ltmp4:
0x1fd: {  	_ = 	snop;
	(pc) =	sbr.rel .LBB2_9-.Ltmp4, $1  }
0x1fe: {  	_ =	sdelay $0x3  }
.LBB2_2:
0x1ff: {  	[tilespmem:s18], [sflag:$0x1] =	stream.linear.gather [hbm4b:s5+s18], $0x800, $0x38;
	[tilespmem:$0x12000] =	vst v63  }
0x200: {  	s20 =	sadd.s32 $0x4E80, s5  }
0x201: {  	[tilespmem:s25], [sflag:$0x1] =	stream.linear.gather [hbm4b:s20+s18], $0x800, $0x38;
	[tilespmem:$0x12000] =	vst v63  }
0x202: {  	s22 =	sadd.s32 $0x9D00, s5  }
0x203: {  	[tilespmem:s26], [sflag:$0x1] =	stream.linear.gather [hbm4b:s22+s18], $0x800, $0x38;
	[tilespmem:$0x12000] =	vst v63  }
0x204: {  	s24 =	sadd.s32 $0xEB80, s5  }
0x205: {  	[tilespmem:s28], [sflag:$0x1] =	stream.linear.gather [hbm4b:s24+s18], $0x800, $0x38;
	[tilespmem:$0x12000] =	vst v63  }
0x206: {  	s25 =	sadd.s32 $0x13A00, s5;
	s22 =	simm.s32 $0x5000  }
0x207: {  	[tilespmem:s22], [sflag:$0x1] =	stream.linear.gather [hbm4b:s25+s18], $0x800, $0x38;
	[tilespmem:$0x12000] =	vst v63  }
0x208: {  	s26 =	sadd.s32 $0x18880, s5;
	s28 =	simm.s32 $0x6400  }
0x209: {  	[tilespmem:s28], [sflag:$0x1] =	stream.linear.gather [hbm4b:s26+s18], $0x800, $0x38;
	[tilespmem:$0x12000] =	vst v63  }
0x20a: {  	s24 =	sadd.s32 $0x1D700, s5;
	s25 =	simm.s32 $0x7800  }
0x20b: {  	[tilespmem:s25], [sflag:$0x1] =	stream.linear.gather [hbm4b:s24+s18], $0x800, $0x38;
	[tilespmem:$0x12000] =	vst v63  }
0x20c: {  	s26 =	sadd.s32 $0x22580, s5;
	s28 =	simm.s32 $0x8C00  }
0x20d: {  	[tilespmem:s28], [sflag:$0x1] =	stream.linear.gather [hbm4b:s26+s18], $0x800, $0x38;
	[tilespmem:$0x12000] =	vst v63  }
0x20e: {  	s22 =	sadd.s32 $0x27400, s5  }
0x20f: {  	[tilespmem:s29], [sflag:$0x1] =	stream.linear.gather [hbm4b:s22+s18], $0x800, $0x38;
	[tilespmem:$0x12000] =	vst v63  }
0x210: {  	s24 =	sadd.s32 $0x2C280, s5  }
0x211: {  	[tilespmem:s30], [sflag:$0x1] =	stream.linear.gather [hbm4b:s24+s18], $0x800, $0x38;
	[tilespmem:$0x12000] =	vst v63  }
0x212: {  	s25 =	simm.s32 $0x800  }
0x213: {  	[tilespmem:s25], [sflag:$0x2] =	stream.linear.gather [hbm4b:s6+s18], $0xC00, $0x38;
	[tilespmem:$0x12000] =	vst v63  }
0x214: {  	s26 =	sadd.s32 $0x4E80, s6;
	s28 =	simm.s32 $0x1C00  }
0x215: {  	[tilespmem:s28], [sflag:$0x2] =	stream.linear.gather [hbm4b:s26+s18], $0xC00, $0x38;
	[tilespmem:$0x12000] =	vst v63  }
0x216: {  	s24 =	sadd.s32 $0x9D00, s6;
	s25 =	simm.s32 $0x3000  }
0x217: {  	[tilespmem:s25], [sflag:$0x2] =	stream.linear.gather [hbm4b:s24+s18], $0xC00, $0x38;
	[tilespmem:$0x12000] =	vst v63  }
0x218: {  	s26 =	sadd.s32 $0xEB80, s6;
	s28 =	simm.s32 $0x4400  }
0x219: {  	[tilespmem:s28], [sflag:$0x2] =	stream.linear.gather [hbm4b:s26+s18], $0xC00, $0x38;
	[tilespmem:$0x12000] =	vst v63  }
0x21a: {  	s24 =	sadd.s32 $0x13A00, s6;
	s25 =	simm.s32 $0x5800  }
0x21b: {  	[tilespmem:s25], [sflag:$0x2] =	stream.linear.gather [hbm4b:s24+s18], $0xC00, $0x38;
	[tilespmem:$0x12000] =	vst v63  }
0x21c: {  	s26 =	sadd.s32 $0x18880, s6;
	s28 =	simm.s32 $0x6C00  }
0x21d: {  	[tilespmem:s28], [sflag:$0x2] =	stream.linear.gather [hbm4b:s26+s18], $0xC00, $0x38;
	[tilespmem:$0x12000] =	vst v63  }
0x21e: {  	s24 =	sadd.s32 $0x1D700, s6;
	s25 =	simm.s32 $0x8000  }
0x21f: {  	[tilespmem:s25], [sflag:$0x2] =	stream.linear.gather [hbm4b:s24+s18], $0xC00, $0x38;
	[tilespmem:$0x12000] =	vst v63  }
0x220: {  	s26 =	sadd.s32 $0x22580, s6;
	s28 =	simm.s32 $0x9400  }
0x221: {  	[tilespmem:s28], [sflag:$0x2] =	stream.linear.gather [hbm4b:s26+s18], $0xC00, $0x38;
	[tilespmem:$0x12000] =	vst v63  }
0x222: {  	s24 =	sadd.s32 $0x27400, s6;
	s25 =	simm.s32 $0xA800  }
0x223: {  	[tilespmem:s25], [sflag:$0x2] =	stream.linear.gather [hbm4b:s24+s18], $0xC00, $0x38;
	[tilespmem:$0x12000] =	vst v63  }
0x224: {  	s26 =	sadd.s32 $0x2C280, s6;
	s28 =	simm.s32 $0xBC00  }
0x225: {  	[tilespmem:s28], [sflag:$0x2] =	stream.linear.gather [hbm4b:s26+s18], $0xC00, $0x38;
	[tilespmem:$0x12000] =	vst v63  }
0x226: {  	_ = 	snop  }
0x227: {  	[tilespmem:s31], [sflag:$0x3] =	stream.linear.gather [hbm4b:s7+s18], $0x1400, $0x38;
	[tilespmem:$0x12000] =	vst v63  }
0x228: {  	_ =	swait.ge [sflag:s16], $0x1400  }
0x229: {  	[sflag:s16] =	ssyncset.done $0x0  }
0x22a: {  	[sflag:s16] =	ssyncadd.s32 $0xFFFFEC00  }
0x22b: {  	_ =	swait.ge [sflag:s3], $0x5000  }
0x22c: {  	[sflag:s3] =	ssyncset.done $0x0  }
0x22d: {  	s20 =	simm.s32 $0x0;
	[sflag:s3] =	ssyncadd.s32 $0xFFFFB000  }
.LBB2_3:
0x22e: {  	s22 =	sand.u32 $0x70, s20;
	s24 =	sand.u32 $0x400, s18  }
0x22f: {  	s22 =	sor.u32 s22, s24  }
0x230: {  	v5 =	vld [tilespmem:s22+$0x0]  }
0x231: {  	v6 =	vld [tilespmem:s22+$0x3C00]  }
0x232: {  	v8 =	vld [tilespmem:s22+$0x3C80]  }
0x233: {  	v9 =	vld [tilespmem:s22+$0x100]  }
0x234: {  	v10 =	vld [tilespmem:s22+$0x3D00]  }
0x235: {  	v12 =	vld [tilespmem:s22+$0x3D80]  }
0x236: {  	v13 =	vld [tilespmem:s22+$0x200]  }
0x237: {  	v14 =	vld [tilespmem:s22+$0x3E00]  }
0x238: {  	v16 =	vld [tilespmem:s22+$0x3E80]  }
0x239: {  	s28 =	sor.u32 s18, s20;
	v17 =	vld [tilespmem:s22+$0x300]  }
0x23a: {  	s28 =	sor.u32 $0x380, s28;
	v18 =	vld [tilespmem:s22+$0x3F00]  }
0x23b: {  	v19 =	vld [tilespmem:s28+$0x0]  }
0x23c: {  	s25 =	sand.u32 $0xFFFFFC00, s18;
	v20 =	vld [tilespmem:s22+$0x3F80]  }
0x23d: {  	s26 =	sadd.s32 s25, s20;
	v21 =	vld [tilespmem:s22+$0x1400]  }
0x23e: {  	s25 =	sor.u32 $0x80, s26;
	v22 =	vld [tilespmem:s22+$0x5000]  }
0x23f: {  	v7 =	vld [tilespmem:s25+$0x0]  }
0x240: {  	v46 =	vld [tilespmem:s22+$0x1600]  }
0x241: {  	v27 =	vld [tilespmem:s22+$0x5200]  }
0x242: {  	s24 =	sor.u32 $0x180, s26;
	v47 =	vld [tilespmem:s22+$0x1680]  }
0x243: {  	v11 =	vld [tilespmem:s24+$0x0]  }
0x244: {  	v28 =	vld [tilespmem:s22+$0x5280];
	vm3 =	vgt.f32 v7, v5  }
0x245: {  	v63 =	vld [tilespmem:s22+$0x7880];
	v5 =	vsel vm3, v7, v5  }
0x246: {  	s26 =	sor.u32 $0x280, s26;
	v30 =	vld [tilespmem:s22+$0x7900];
	vm1 =	vgt.f32 v9, v5  }
0x247: {  	v15 =	vld [tilespmem:s26+$0x0];
	v5 =	vsel vm1, v9, v5  }
0x248: {  	v23 =	vld [tilespmem:s22+$0x1480];
	vm4 =	vgt.f32 v11, v5  }
0x249: {  	v24 =	vld [tilespmem:s22+$0x5080];
	v5 =	vsel vm4, v11, v5  }
0x24a: {  	v25 =	vld [tilespmem:s22+$0x5100];
	vm2 =	vgt.f32 v13, v5  }
0x24b: {  	v45 =	vld [tilespmem:s22+$0x1580];
	vm11 =	vgt.f32 v47, v46;
	vm7 =	vgt.f32 v30, v63;
	v5 =	vsel vm2, v13, v5  }
0x24c: {  	v26 =	vld [tilespmem:s22+$0x5180];
	v60 =	vsel vm11, v28, v27;
	v62 =	vsel vm11, $0x3F800000, v0;
	vm0 =	vgt.f32 v15, v5  }
0x24d: {  	v48 =	vld [tilespmem:s22+$0x1700];
	v40 =	vsel vm7, $0x3F800000, v0;
	v6 =	vsel vm3, v8, v6;
	v5 =	vsel vm0, v15, v5  }
0x24e: {  	v50 =	vld [tilespmem:s22+$0x5300];
	v49 =	vsel vm3, $0x3F800000, v0;
	v6 =	vsel vm1, v10, v6;
	vm15 =	vgt.f32 v17, v5  }
0x24f: {  	v51 =	vld [tilespmem:s22+$0x1780];
	v6 =	vsel vm4, v12, v6;
	v15 =	vmul.f32 $5.000000000e-01, v49;
	v5 =	vsel vm15, v17, v5  }
0x250: {  	v52 =	vld [tilespmem:s22+$0x5380];
	v28 =	vmul.f32 $5.000000000e-01, v62;
	v6 =	vsel vm2, v14, v6;
	vm5 =	vgt.f32 v19, v5  }
0x251: {  	v7 =	vld [tilespmem:s22+$0x1500];
	v6 =	vsel vm0, v16, v6;
	v15 =	vadd.f32 $-2.750000000e+00, v15;
	v5 =	vsel vm5, v19, v5  }
0x252: {  	v53 =	vld [tilespmem:s22+$0x2800];
	v9 =	vsel vm7, v30, v63;
	v6 =	vsel vm15, v18, v6;
	vm8 =	vgt.f32 v21, v5  }
0x253: {  	v54 =	vld [tilespmem:s22+$0x6400];
	v15 =	vsel vm1, $0xBFE00000, v15;
	v6 =	vsel vm5, v20, v6;
	v5 =	vsel vm8, v21, v5  }
0x254: {  	v55 =	vld [tilespmem:s22+$0x2880];
	v20 =	vmul.f32 $5.235987900e-01, v40;
	v15 =	vsel vm4, $0xBFA00000, v15;
	vm9 =	vgt.f32 v23, v5  }
0x255: {  	v56 =	vld [tilespmem:s22+$0x6480];
	v6 =	vsel vm8, v22, v6;
	v15 =	vsel vm2, $0xBF400000, v15;
	v5 =	vsel vm9, v23, v5  }
0x256: {  	v33 =	vld [tilespmem:s22+$0x7980];
	v15 =	vsel vm0, $0xBE800000, v15;
	v6 =	vsel vm9, v24, v6;
	vm10 =	vgt.f32 v7, v5  }
0x257: {  	v29 =	vld [tilespmem:s22+$0x8E80];
	v15 =	vsel vm15, $0x3E800000, v15;
	v5 =	vsel vm10, v7, v5;
	v7 =	vsel vm11, v47, v46  }
0x258: {  	v32 =	vld [tilespmem:s22+$0x8F00];
	v15 =	vsel vm5, $0x3F400000, v15;
	v6 =	vsel vm10, v25, v6;
	vm12 =	vgt.f32 v48, v7  }
0x259: {  	v38 =	vld [tilespmem:s22+$0x7A00];
	vm13 =	vgt.f32 v45, v5;
	v5 =	vsel vm12, v48, v7;
	v7 =	vsel vm8, $0x3FA00000, v15  }
0x25a: {  	v35 =	vld [tilespmem:s22+$0x8F80];
	v6 =	vsel vm13, v26, v6;
	v15 =	vadd.f32 $-2.750000000e+00, v28;
	vm14 =	vgt.f32 v51, v5  }
0x25b: {  	v10 =	vsel vm12, v50, v60;
	vm8 =	vgt.f32 v33, v9;
	v12 =	vsel vm14, v51, v5;
	v5 =	vld [tilespmem:s22+$0xCB00]  }
0x25c: {  	v57 =	vld [tilespmem:s22+$0x2900];
	v7 =	vsel vm9, $0x3FE00000, v7;
	v9 =	vsel vm8, v33, v9;
	v44 =	vsel vm8, $0x3F860A92, v20  }
0x25d: {  	v39 =	vld [tilespmem:s22+$0xA000];
	v6 =	vmul.f32 $5.000000000e-01, v6;
	v7 =	vsel vm10, $0x40100000, v7;
	v10 =	vsel vm14, v52, v10  }
0x25e: {  	v41 =	vld [tilespmem:s22+$0x7A80];
	v31 =	vsel vm12, $0xBFE00000, v15;
	v15 =	vsel vm7, v32, v29;
	vm10 =	vgt.f32 v38, v9  }
0x25f: {  	v58 =	vld [tilespmem:s22+$0x6500];
	vm15 =	vgt.f32 v53, v12;
	v7 =	vsel vm13, $0x40300000, v7;
	v14 =	vsel vm14, $0xBFA00000, v31  }
0x260: {  	v42 =	vld [tilespmem:s22+$0xA080];
	v15 =	vsel vm8, v35, v15;
	vm6 =	vge.f32 v5, $0.0e+00;
	v36 =	vmul.f32 $6.366197460e-01, v5  }
0x261: {  	v59 =	vld [tilespmem:s22+$0x2980];
	v9 =	vsel vm10, v38, v9;
	v48 =	vsel vm10, $0x3FC90FDB, v44;
	v37 =	vsel vm6, $0x3F000000, v1  }
0x262: {  	v43 =	vld [tilespmem:s22+$0x7B00];
	v12 =	vsel vm15, v53, v12;
	v10 =	vsel vm15, v54, v10;
	v19 =	vadd.f32 v37, v36  }
0x263: {  	v45 =	vld [tilespmem:s22+$0xA100];
	v14 =	vsel vm15, $0xBF400000, v14;
	v13 =	vsel vm10, v39, v15;
	vm11 =	vgt.f32 v41, v9  }
0x264: {  	v61 =	vld [tilespmem:s22+$0x6580];
	v6 =	vadd.f32 v6, v7;
	vm4 =	vgt.f32 v55, v12;
	v19 =	vtrunc.f32 v19  }
0x265: {  	v46 =	vld [tilespmem:s22+$0x7B80];
	v9 =	vsel vm11, v41, v9;
	v13 =	vsel vm11, v42, v13;
	v19 =	vcvt.f32.s32 v19  }
0x266: {  	v34 =	vld [tilespmem:s22+$0x6600];
	v15 =	vsel vm11, $0x40060A92, v48;
	v12 =	vsel vm4, v55, v12;
	v10 =	vsel vm4, v56, v10  }
0x267: {  	v49 =	vld [tilespmem:s22+$0xA180];
	v14 =	vsel vm4, $0xBE800000, v14;
	vm12 =	vgt.f32 v43, v9;
	v47 =	vcvt.s32.f32 v19  }
0x268: {  	v8 =	vld [tilespmem:s22+$0x2A00];
	vm5 =	vgt.f32 v57, v12;
	v9 =	vsel vm12, v43, v9;
	v13 =	vsel vm12, v45, v13  }
0x269: {  	v50 =	vld [tilespmem:s22+$0x8C00];
	v15 =	vsel vm12, $0x40278D36, v15;
	v12 =	vsel vm5, v57, v12;
	v51 =	vmul.f32 $-1.570312500e+00, v47  }
0x26a: {  	v52 =	vld [tilespmem:s22+$0xA200];
	v10 =	vsel vm5, v58, v10;
	v14 =	vsel vm5, $0x3E800000, v14;
	vm13 =	vgt.f32 v46, v9  }
0x26b: {  	v53 =	vld [tilespmem:s22+$0x8C80];
	vm9 =	vgt.f32 v59, v12;
	v54 =	vmul.f32 $-4.837512970e-04, v47;
	v22 =	vadd.f32 v51, v5  }
0x26c: {  	v63 =	vld [tilespmem:s22+$0x2A80];
	v9 =	vsel vm13, v46, v9;
	v13 =	vsel vm13, v49, v13;
	v15 =	vsel vm13, $0x40490FDB, v15  }
0x26d: {  	v55 =	vld [tilespmem:s22+$0xA280];
	v11 =	vsel vm9, v59, v12;
	v24 =	vmul.f32 $-7.549790120e-08, v47;
	v56 =	vadd.f32 v54, v22  }
0x26e: {  	v26 =	vld [tilespmem:s22+$0x6680];
	v10 =	vsel vm9, v61, v10;
	vm14 =	vgt.f32 v50, v9;
	v14 =	vsel vm9, $0x3F400000, v14  }
0x26f: {  	v57 =	vld [tilespmem:s22+$0x8D00];
	v9 =	vsel vm14, v50, v9;
	v13 =	vsel vm14, v52, v13;
	v12 =	vadd.f32 v24, v56  }
0x270: {  	v58 =	vld [tilespmem:s22+$0xA300];
	v15 =	vsel vm14, $0x406A9280, v15;
	vm4 =	vgt.f32 v8, v11;
	vm15 =	vgt.f32 v53, v9  }
0x271: {  	v59 =	vld [tilespmem:s22+$0x8D80];
	v8 =	vsel vm4, v8, v11;
	v10 =	vsel vm4, v34, v10;
	v24 =	vmul.f32 v12, v12  }
0x272: {  	v60 =	vld [tilespmem:s22+$0xA380];
	v14 =	vsel vm4, $0x3FA00000, v14;
	v9 =	vsel vm15, v53, v9;
	v13 =	vsel vm15, v55, v13  }
0x273: {  	v61 =	vld [tilespmem:s22+$0x8E00];
	v15 =	vsel vm15, $0x40860A92, v15;
	vm8 =	vgt.f32 v63, v8;
	v25 =	vmul.f32 $2.443315680e-05, v24  }
0x274: {  	v62 =	vld [tilespmem:s22+$0xB400];
	vm5 =	vgt.f32 v57, v9;
	v8 =	vsel vm8, v63, v8;
	v10 =	vsel vm8, v26, v10  }
0x275: {  	v14 =	vsel vm8, $0x3FE00000, v14;
	v9 =	vsel vm5, v57, v9;
	v27 =	vadd.f32 $-1.388731650e-03, v25  }
0x276: {  	v40 =	vand.u32 $0x1, v19;
	v13 =	vsel vm5, v58, v13;
	vm6 =	vgt.f32 v59, v9  }
0x277: {  	v28 =	vld [tilespmem:s22+$0x2B00];
	v9 =	vsel vm6, v59, v9;
	v29 =	vmul.f32 $-1.951529560e-04, v24;
	v18 =	vmul.f32 v27, v24  }
0x278: {  	v15 =	vsel vm5, $0x4096CBE4, v15;
	v13 =	vsel vm6, v60, v13;
	vm7 =	vgt.f32 v61, v9  }
0x279: {  	v30 =	vld [tilespmem:s22+$0x6700];
	v13 =	vsel vm7, v62, v13;
	v16 =	vadd.f32 $8.332161230e-03, v29;
	v18 =	vadd.f32 $4.166664560e-02, v18  }
0x27a: {  	v31 =	vld [tilespmem:s22+$0x2B80];
	v44 =	vand.u32 $0x3, v19;
	v15 =	vsel vm6, $0x40A78D36, v15;
	v13 =	vmul.f32 $2.617993950e-01, v13  }
0x27b: {  	v32 =	vld [tilespmem:s22+$0x6780];
	v15 =	vsel vm7, $0x40B84E89, v15;
	v16 =	vmul.f32 v16, v24;
	v18 =	vmul.f32 v18, v24  }
0x27c: {  	vm9 =	vgt.f32 v28, v8;
	vm11 =	veq.s32 v40, $0x0;
	v13 =	vadd.f32 v13, v15  }
0x27d: {  	v34 =	vmul.f32 v24, v12;
	v16 =	vadd.f32 $-1.666665520e-01, v16;
	v18 =	vadd.f32 $-5.000000000e-01, v18  }
0x27e: {  	v8 =	vsel vm9, v28, v8;
	v10 =	vsel vm9, v30, v10;
	v33 =	vmul.f32 $1.591549370e-01, v13  }
0x27f: {  	vm10 =	vgt.f32 v31, v8;
	v37 =	vmul.f32 v16, v34;
	v38 =	vmul.f32 v18, v24  }
0x280: {  	v35 =	vsel vm9, $0x40100000, v14;
	v10 =	vsel vm10, v32, v10;
	v36 =	vtrunc.f32 v33  }
0x281: {  	v14 =	vcvt.f32.s32 v36;
	v8 =	vadd.f32 v37, v12;
	v39 =	vadd.f32 $1.000000000e+00, v38  }
0x282: {  	vm12 =	vgt.u32 v44, $0x1;
	v7 =	vsel vm10, $0x40300000, v35;
	v10 =	vmul.f32 $5.000000000e-01, v10  }
0x283: {  	v48 =	vld [tilespmem:s22+$0xB500];
	v41 =	vcvt.s32.f32 v14;
	v42 =	vsel vm11, v8, v39;
	v8 =	vsel vm11, v39, v8  }
0x284: {  	v43 =	vld [tilespmem:s22+$0x7800];
	v16 =	vadd.s32 $0xFFFFFFFF, v44;
	v45 =	vsub.f32 $0.0e+00, v42;
	v47 =	vsub.f32 $0.0e+00, v8  }
0x285: {  	v46 =	vld [tilespmem:s22+$0xB480];
	v7 =	vadd.f32 v10, v7;
	vm14 =	vlt.f32 v33, v41;
	vm13 =	vlt.u32 v16, $0x2  }
0x286: {  	v50 =	vld [tilespmem:s22+$0xC800];
	v51 =	vadd.f32 $-1.000000000e+00, v41;
	v49 =	vsel vm12, v45, v42;
	v8 =	vsel vm13, v47, v8  }
0x287: {  	v52 =	vld [tilespmem:s25+$0xC800];
	v53 =	vmul.f32 v8, v6;
	v54 =	vmul.f32 v49, v7;
	v6 =	vsub.f32 $0.0e+00, v6  }
0x288: {  	v55 =	vld [tilespmem:s22+$0xC900];
	v9 =	vsel vm14, v51, v41  }
0x289: {  	v56 =	vld [tilespmem:s22+$0xB580];
	v7 =	vmul.f32 v8, v7;
	v16 =	vadd.f32 v54, v53;
	v6 =	vmul.f32 v49, v6  }
0x28a: {  	v57 =	vmul.f32 $-6.283185480e+00, v9  }
0x28b: {  	v58 =	vadd.f32 v16, v50;
	v6 =	vadd.f32 v7, v6  }
0x28c: {  	v59 =	vmul.f32 v46, v4;
	v8 =	vadd.f32 v57, v13;
	v7 =	vadd.f32 v52, v43  }
0x28d: {  	v60 =	vmul.f32 v48, v3;
	v6 =	vadd.f32 v6, v55;
	[tilespmem:s22+$0xDC00] =	vst v58  }
0x28e: {  	p1 =	sne.s32 s20, $0xF0;
	v10 =	vadd.f32 v59, v4;
	v62 =	vmul.f32 v56, v2;
	v61 =	vadd.f32 $-6.283185480e+00, v8;
	[tilespmem:s25+$0xDC00] =	vst v7  }
.Ltmp5:
0x28f: {  	vm15 =	vgt.f32 v8, $3.141592740e+00;
	v7 =	vadd.f32 v60, v3;
	[tilespmem:s22+$0xDD00] =	vst v6;
	(pc) =	sbr.rel @p1 .LBB2_3-.Ltmp5, $4  }
0x290: {  	v63 =	vadd.f32 v62, v2;
	v6 =	vsel vm15, v61, v8;
	[tilespmem:s24+$0xDC00] =	vst v10  }
0x291: {  	v5 =	vadd.f32 v6, v5;
	[tilespmem:s22+$0xDE00] =	vst v7  }
0x292: {  	[tilespmem:s26+$0xDC00] =	vst v63  }
0x293: {  	s18 =	sadd.s32 $0x80, s18;
	s20 =	sadd.s32 $0x10, s20;
	[tilespmem:s22+$0xDF00] =	vst v5  }
0x294: {  	_ =	swait.ge [sflag:s0], $0x7800;
	s20 =	simm.s32 $0x100;
	s22 =	simm.s32 $0x800  }
0x295: {  	[sflag:s0] =	ssyncset.done $0x0;
	s18 =	sand.u32 $0x70, s20;
	s24 =	sand.u32 $0x1C00, s22  }
0x296: {  	[sflag:s0] =	ssyncadd.s32 $0xFFFF8800;
	s18 =	sor.u32 s18, s24  }
0x297: {  	v6 =	vld [tilespmem:s18+$0x7800]  }
0x298: {  	v7 =	vld [tilespmem:s18+$0xC880]  }
0x299: {  	v8 =	vld [tilespmem:s18+$0xB480]  }
0x29a: {  	v9 =	vld [tilespmem:s18+$0xB500]  }
0x29b: {  	v12 =	vld [tilespmem:s18+$0xB580]  }
0x29c: {  	v16 =	vld [tilespmem:s18+$0x6400]  }
0x29d: {  	v13 =	vld [tilespmem:s18+$0x5380]  }
0x29e: {  	v17 =	vld [tilespmem:s18+$0x5300]  }
0x29f: {  	v18 =	vld [tilespmem:s18+$0x3D80]  }
0x2a0: {  	v15 =	vld [tilespmem:s18+$0x5200]  }
0x2a1: {  	v19 =	vld [tilespmem:s18+$0x5280]  }
0x2a2: {  	v20 =	vld [tilespmem:s18+$0x3D00]  }
0x2a3: {  	v21 =	vld [tilespmem:s18+$0x3C00]  }
0x2a4: {  	v22 =	vld [tilespmem:s18+$0x3C80]  }
0x2a5: {  	v11 =	vld [tilespmem:s18+$0xA380]  }
0x2a6: {  	v10 =	vld [tilespmem:s18+$0x2800]  }
0x2a7: {  	v23 =	vld [tilespmem:s18+$0x1600]  }
0x2a8: {  	v24 =	vld [tilespmem:s18+$0x1680]  }
0x2a9: {  	v25 =	vld [tilespmem:s18+$0x0]  }
0x2aa: {  	v26 =	vld [tilespmem:s18+$0x80]  }
0x2ab: {  	v27 =	vld [tilespmem:s18+$0x7880]  }
0x2ac: {  	v28 =	vld [tilespmem:s18+$0x7900]  }
0x2ad: {  	v5 =	vld [tilespmem:s18+$0xCB00]  }
0x2ae: {  	v29 =	vld [tilespmem:s18+$0x8E80]  }
0x2af: {  	v30 =	vld [tilespmem:s18+$0x8F00];
	v8 =	vmul.f32 v8, v4  }
0x2b0: {  	v14 =	vld [tilespmem:s18+$0xA280];
	v6 =	vadd.f32 v7, v6;
	v7 =	vmul.f32 v9, v3;
	v12 =	vmul.f32 v12, v2  }
0x2b1: {  	v31 =	vld [tilespmem:s18+$0x1700];
	vm0 =	vgt.f32 v26, v25;
	vm1 =	vgt.f32 v24, v23;
	vm2 =	vgt.f32 v28, v27  }
0x2b2: {  	v32 =	vld [tilespmem:s18+$0x100];
	vm3 =	vge.f32 v5, $0.0e+00;
	v33 =	vmul.f32 $6.366197460e-01, v5;
	v19 =	vsel vm1, v19, v15  }
0x2b3: {  	v35 =	vld [tilespmem:s18+$0x180];
	v15 =	vsel vm0, v22, v21;
	v22 =	vsel vm0, $0x3F800000, v0;
	v34 =	vsel vm1, $0x3F800000, v0  }
0x2b4: {  	v21 =	vld [tilespmem:s18+$0x7980];
	v25 =	vsel vm0, v26, v25;
	v23 =	vsel vm1, v24, v23;
	v26 =	vsel vm2, v30, v29  }
0x2b5: {  	v36 =	vld [tilespmem:s18+$0x7A80];
	v27 =	vsel vm2, v28, v27;
	v29 =	vsel vm2, $0x3F800000, v0;
	v9 =	vadd.f32 v8, v4  }
0x2b6: {  	v30 =	vld [tilespmem:s18+$0x7A00];
	v8 =	vadd.f32 v7, v3;
	v7 =	vadd.f32 v12, v2;
	v12 =	vsel vm3, $0x3F000000, v1  }
0x2b7: {  	v61 =	vld [tilespmem:s18+$0x8C00];
	vm1 =	vgt.f32 v31, v23;
	v22 =	vmul.f32 $5.000000000e-01, v22;
	vm2 =	vgt.f32 v32, v25  }
0x2b8: {  	v24 =	vld [tilespmem:s18+$0x1780];
	v34 =	vmul.f32 $5.000000000e-01, v34;
	v29 =	vmul.f32 $5.235987900e-01, v29;
	v20 =	vsel vm2, v20, v15  }
0x2b9: {  	v28 =	vld [tilespmem:s18+$0x8F80];
	v17 =	vsel vm1, v17, v19;
	v12 =	vadd.f32 v12, v33;
	vm3 =	vgt.f32 v21, v27  }
0x2ba: {  	v19 =	vsel vm2, v32, v25;
	v23 =	vsel vm1, v31, v23;
	v25 =	vld [tilespmem:s18+$0x7B00];
	v21 =	vsel vm3, v21, v27  }
0x2bb: {  	v22 =	vadd.f32 $-2.750000000e+00, v22;
	vm0 =	vgt.f32 v35, v19;
	v27 =	vld [tilespmem:s18+$0xA000];
	vm4 =	vgt.f32 v30, v21  }
0x2bc: {  	v12 =	vtrunc.f32 v12;
	v18 =	vsel vm0, v18, v20;
	v21 =	vsel vm4, v30, v21;
	v30 =	vld [tilespmem:s18+$0x7B80]  }
0x2bd: {  	v62 =	vld [tilespmem:s18+$0x8C80];
	v19 =	vsel vm0, v35, v19;
	vm7 =	vgt.f32 v24, v23;
	vm8 =	vgt.f32 v36, v21  }
0x2be: {  	v15 =	vld [tilespmem:s18+$0x200];
	v22 =	vsel vm2, $0xBFE00000, v22;
	v60 =	vsel vm7, v13, v17;
	v13 =	vsel vm8, v36, v21  }
0x2bf: {  	v31 =	vld [tilespmem:s18+$0xA180];
	v26 =	vsel vm3, v28, v26;
	v29 =	vsel vm3, $0x3F860A92, v29;
	vm3 =	vgt.f32 v25, v13  }
0x2c0: {  	v20 =	vld [tilespmem:s18+$0xA080];
	v28 =	vadd.f32 $-2.750000000e+00, v34;
	v17 =	vsel vm7, v24, v23;
	v13 =	vsel vm3, v25, v13  }
0x2c1: {  	v63 =	vsel vm4, $0x3FC90FDB, v29;
	v26 =	vsel vm4, v27, v26;
	v27 =	vld [tilespmem:s18+$0xA100];
	vm4 =	vgt.f32 v30, v13  }
0x2c2: {  	vm2 =	vgt.f32 v10, v17;
	v21 =	vcvt.f32.s32 v12;
	v12 =	vld [tilespmem:s18+$0x8D00];
	v13 =	vsel vm4, v30, v13  }
0x2c3: {  	v28 =	vsel vm1, $0xBFE00000, v28;
	vm1 =	vgt.f32 v15, v19;
	v25 =	vld [tilespmem:s18+$0xA200];
	vm5 =	vgt.f32 v61, v13  }
0x2c4: {  	v24 =	vld [tilespmem:s18+$0x8D80];
	v16 =	vsel vm2, v16, v60;
	v23 =	vand.u32 $0x1, v21;
	v29 =	vsel vm5, v61, v13  }
0x2c5: {  	v30 =	vsel vm8, v20, v26;
	v26 =	vld [tilespmem:s18+$0xA300];
	v20 =	vsel vm7, $0xBFA00000, v28;
	vm6 =	vgt.f32 v62, v29  }
0x2c6: {  	v13 =	vand.u32 $0x3, v21;
	v28 =	vsel vm3, v27, v30;
	v27 =	vld [tilespmem:s18+$0x8E00];
	v29 =	vsel vm6, v62, v29  }
0x2c7: {  	s25 =	simm.s32 $0x110;
	s24 =	simm.s32 $0x880;
	v30 =	vsel vm4, v31, v28;
	v28 =	vld [tilespmem:s18+$0xB400];
	v31 =	vsel vm8, $0x40060A92, v63;
	vm7 =	vgt.f32 v12, v29  }
.LBB2_5:
0x2c8: {  	s26 =	sand.u32 $0x70, s25;
	s28 =	sand.u32 $0x1C00, s24;
	p1 =	sne.s32 s25, $0x270;
	v32 =	vld [tilespmem:s18+$0x3E00];
	v25 =	vsel vm5, v25, v30;
	v29 =	vsel vm7, v12, v29;
	v12 =	vsel vm3, $0x40278D36, v31  }
0x2c9: {  	s26 =	sor.u32 s26, s28;
	v14 =	vsel vm6, v14, v25;
	vm3 =	vgt.f32 v24, v29;
	v25 =	vsel vm4, $0x40490FDB, v12  }
0x2ca: {  	v12 =	vld [tilespmem:s26+$0x7800];
	v14 =	vsel vm7, v26, v14;
	v24 =	vsel vm3, v24, v29;
	v25 =	vsel vm5, $0x406A9280, v25  }
0x2cb: {  	v26 =	vld [tilespmem:s18+$0x6480];
	v11 =	vsel vm3, v11, v14;
	vm4 =	vgt.f32 v27, v24;
	v14 =	vsel vm6, $0x40860A92, v25  }
0x2cc: {  	v22 =	vsel vm0, $0xBFA00000, v22;
	v24 =	vld [tilespmem:s18+$0x2880];
	v11 =	vsel vm4, v28, v11;
	v14 =	vsel vm7, $0x4096CBE4, v14  }
0x2cd: {  	v18 =	vsel vm1, v32, v18;
	v25 =	vld [tilespmem:s18+$0x280];
	v27 =	vsel vm3, $0x40A78D36, v14;
	v11 =	vmul.f32 $2.617993950e-01, v11  }
0x2ce: {  	v19 =	vsel vm1, v15, v19;
	v17 =	vsel vm2, v10, v17;
	v14 =	vld [tilespmem:s18+$0xC800];
	v10 =	vsel vm4, $0x40B84E89, v27  }
0x2cf: {  	v21 =	vcvt.s32.f32 v21;
	vm0 =	vgt.u32 v13, $0x1;
	v27 =	vld [tilespmem:s18+$0x3E80];
	v11 =	vadd.f32 v11, v10  }
0x2d0: {  	v20 =	vsel vm2, $0xBF400000, v20;
	vm2 =	veq.s32 v23, $0x0;
	v10 =	vadd.s32 $0xFFFFFFFF, v13;
	v15 =	vld [tilespmem:s26+$0xC880]  }
0x2d1: {  	v13 =	vsel vm1, $0xBF400000, v22;
	vm3 =	vgt.f32 v24, v17;
	v23 =	vld [tilespmem:s18+$0x2900];
	v22 =	vmul.f32 $1.591549370e-01, v11  }
0x2d2: {  	vm1 =	vgt.f32 v25, v19;
	v28 =	vld [tilespmem:s18+$0x300];
	v16 =	vsel vm3, v26, v16;
	v20 =	vsel vm3, $0xBE800000, v20  }
0x2d3: {  	v30 =	vmul.f32 $-1.570312500e+00, v21;
	v26 =	vld [tilespmem:s18+$0x6500];
	v29 =	vsel vm1, $0xBE800000, v13;
	v13 =	vtrunc.f32 v22  }
0x2d4: {  	v17 =	vsel vm3, v24, v17;
	v18 =	vsel vm1, v27, v18;
	v27 =	vld [tilespmem:s18+$0x3F00];
	v24 =	vcvt.f32.s32 v13  }
0x2d5: {  	v19 =	vsel vm1, v25, v19;
	v25 =	vadd.f32 v30, v5;
	v30 =	vmul.f32 $-4.837512970e-04, v21;
	v13 =	vld [tilespmem:s18+$0xC900]  }
0x2d6: {  	v21 =	vmul.f32 $-7.549790120e-08, v21;
	vm1 =	vgt.f32 v23, v17;
	v31 =	vld [tilespmem:s18+$0x2980];
	v24 =	vcvt.s32.f32 v24  }
0x2d7: {  	v25 =	vadd.f32 v30, v25;
	vm3 =	vgt.f32 v28, v19;
	v32 =	vld [tilespmem:s18+$0x6580];
	v20 =	vsel vm1, $0x3E800000, v20  }
0x2d8: {  	v16 =	vsel vm1, v26, v16;
	v26 =	vld [tilespmem:s18+$0x2A00];
	v29 =	vsel vm3, $0x3E800000, v29;
	v30 =	vadd.f32 $-1.000000000e+00, v24  }
0x2d9: {  	v21 =	vadd.f32 v21, v25;
	vm4 =	vlt.f32 v22, v24;
	v18 =	vsel vm3, v27, v18;
	v27 =	vld [tilespmem:s18+$0x6600]  }
0x2da: {  	v17 =	vsel vm1, v23, v17;
	v19 =	vsel vm3, v28, v19;
	v22 =	vld [tilespmem:s18+$0x2A80];
	v23 =	vsel vm4, v30, v24  }
0x2db: {  	v25 =	vmul.f32 v21, v21;
	vm1 =	vgt.f32 v31, v17;
	v24 =	vld [tilespmem:s18+$0x6780];
	v23 =	vmul.f32 $-6.283185480e+00, v23  }
0x2dc: {  	v17 =	vsel vm1, v31, v17;
	v16 =	vsel vm1, v32, v16;
	v28 =	vld [tilespmem:s18+$0x6700];
	v20 =	vsel vm1, $0x3F400000, v20  }
0x2dd: {  	vm1 =	vgt.f32 v26, v17;
	v30 =	vld [tilespmem:s18+$0x2B00];
	v11 =	vadd.f32 v23, v11;
	v23 =	vmul.f32 $2.443315680e-05, v25  }
0x2de: {  	s28 =	sor.u32 s22, s20;
	s22 =	smov.u32 s24;
	s20 =	smov.u32 s25;
	v17 =	vsel vm1, v26, v17;
	v16 =	vsel vm1, v27, v16;
	v26 =	vld [tilespmem:s18+$0x6680];
	v20 =	vsel vm1, $0x3FA00000, v20  }
0x2df: {  	s28 =	sor.u32 $0x380, s28;
	vm1 =	vgt.f32 v22, v17;
	v27 =	vld [tilespmem:s18+$0x2B80];
	v31 =	vadd.f32 $-6.283185480e+00, v11;
	v23 =	vadd.f32 $-1.388731650e-03, v23  }
0x2e0: {  	v33 =	vmul.f32 $-1.951529560e-04, v25;
	vm3 =	vgt.f32 v11, $3.141592740e+00;
	v32 =	vld [tilespmem:s28+$0x0];
	v20 =	vsel vm1, $0x3FE00000, v20;
	[tilespmem:s18+$0xDC80] =	vst v6  }
0x2e1: {  	v17 =	vsel vm1, v22, v17;
	v6 =	vld [tilespmem:s18+$0x5100];
	v11 =	vsel vm3, v31, v11;
	v22 =	vmul.f32 v23, v25;
	[tilespmem:s18+$0xDD80] =	vst v9  }
0x2e2: {  	v23 =	vadd.f32 $8.332161230e-03, v33;
	v9 =	vld [tilespmem:s18+$0x1400];
	vm3 =	vgt.f32 v30, v17;
	v5 =	vadd.f32 v11, v5;
	[tilespmem:s18+$0xDE00] =	vst v8  }
0x2e3: {  	v8 =	vld [tilespmem:s18+$0x5000];
	v11 =	vsel vm1, v26, v16;
	v16 =	vsel vm3, $0x40100000, v20;
	v20 =	vadd.f32 $4.166664560e-02, v22;
	[tilespmem:s18+$0xDE80] =	vst v7  }
0x2e4: {  	v17 =	vsel vm3, v30, v17;
	v22 =	vmul.f32 v23, v25;
	v7 =	vld [tilespmem:s18+$0x1480];
	v11 =	vsel vm3, v28, v11;
	[tilespmem:s18+$0xDF00] =	vst v5  }
0x2e5: {  	v23 =	vmul.f32 v25, v21;
	v5 =	vld [tilespmem:s18+$0x3F80];
	vm1 =	vgt.f32 v32, v19;
	v20 =	vmul.f32 v20, v25  }
0x2e6: {  	vm4 =	vgt.f32 v27, v17;
	v17 =	vadd.f32 $-1.666665520e-01, v22;
	v19 =	vsel vm1, v32, v19;
	v26 =	vld [tilespmem:s18+$0x1500]  }
0x2e7: {  	v27 =	vsel vm4, $0x40300000, v16;
	vm3 =	vgt.f32 v9, v19;
	v22 =	vld [tilespmem:s18+$0x5080];
	v16 =	vadd.f32 $-5.000000000e-01, v20  }
0x2e8: {  	v11 =	vsel vm4, v24, v11;
	v17 =	vmul.f32 v17, v23;
	v9 =	vsel vm3, v9, v19;
	v19 =	vld [tilespmem:s18+$0x1580]  }
0x2e9: {  	v11 =	vmul.f32 $5.000000000e-01, v11;
	vm4 =	vgt.f32 v7, v9;
	v20 =	vld [tilespmem:s18+$0x5180];
	v16 =	vmul.f32 v16, v25  }
0x2ea: {  	v23 =	vld [tilespmem:s26+$0xB480];
	v5 =	vsel vm1, v5, v18;
	v7 =	vsel vm4, v7, v9;
	v9 =	vadd.f32 v17, v21  }
0x2eb: {  	v21 =	vld [tilespmem:s26+$0xB500];
	v5 =	vsel vm3, v8, v5;
	vm5 =	vgt.f32 v26, v7;
	v8 =	vadd.f32 $1.000000000e+00, v16  }
0x2ec: {  	v17 =	vsel vm1, $0x3F400000, v29;
	v24 =	vld [tilespmem:s26+$0xB580];
	v5 =	vsel vm4, v22, v5;
	v7 =	vsel vm5, v26, v7  }
0x2ed: {  	v16 =	vld [tilespmem:s26+$0x6400];
	v5 =	vsel vm5, v6, v5;
	vm1 =	vgt.f32 v19, v7;
	v6 =	vsel vm3, $0x3FA00000, v17  }
0x2ee: {  	v7 =	vsel vm2, v9, v8;
	v17 =	vld [tilespmem:s26+$0x5380];
	v5 =	vsel vm1, v20, v5;
	v6 =	vsel vm4, $0x3FE00000, v6  }
0x2ef: {  	v8 =	vsel vm2, v8, v9;
	v19 =	vld [tilespmem:s26+$0x5300];
	v6 =	vsel vm5, $0x40100000, v6;
	v5 =	vmul.f32 $5.000000000e-01, v5  }
0x2f0: {  	v9 =	vsub.f32 $0.0e+00, v7;
	v20 =	vsub.f32 $0.0e+00, v8;
	v18 =	vld [tilespmem:s26+$0x3D80];
	v6 =	vsel vm1, $0x40300000, v6  }
0x2f1: {  	vm1 =	vlt.u32 v10, $0x2;
	v22 =	vld [tilespmem:s26+$0x5200];
	v5 =	vadd.f32 v5, v6;
	v6 =	vadd.f32 v11, v27  }
0x2f2: {  	v7 =	vsel vm0, v9, v7;
	v8 =	vsel vm1, v20, v8;
	v25 =	vld [tilespmem:s26+$0x5280]  }
0x2f3: {  	v20 =	vld [tilespmem:s26+$0x3D00];
	v9 =	vmul.f32 v8, v5;
	v10 =	vmul.f32 v7, v6;
	v5 =	vsub.f32 $0.0e+00, v5  }
0x2f4: {  	v26 =	vld [tilespmem:s26+$0x3C00]  }
0x2f5: {  	v6 =	vmul.f32 v8, v6;
	v27 =	vld [tilespmem:s26+$0x3C80];
	v9 =	vadd.f32 v10, v9;
	v5 =	vmul.f32 v7, v5  }
0x2f6: {  	v11 =	vld [tilespmem:s26+$0xA380]  }
0x2f7: {  	v10 =	vld [tilespmem:s26+$0x2800];
	v7 =	vadd.f32 v9, v14;
	v5 =	vadd.f32 v6, v5  }
0x2f8: {  	v8 =	vld [tilespmem:s26+$0x1600]  }
0x2f9: {  	v9 =	vld [tilespmem:s26+$0x1680];
	v5 =	vadd.f32 v5, v13;
	[tilespmem:s18+$0xDC00] =	vst v7  }
0x2fa: {  	v7 =	vld [tilespmem:s26+$0x0]  }
0x2fb: {  	v13 =	vld [tilespmem:s26+$0x80];
	[tilespmem:s18+$0xDD00] =	vst v5;
	s18 =	smov.u32 s26  }
0x2fc: {  	v28 =	vld [tilespmem:s18+$0x7880]  }
0x2fd: {  	v29 =	vld [tilespmem:s18+$0x7900]  }
0x2fe: {  	v5 =	vld [tilespmem:s18+$0xCB00]  }
0x2ff: {  	v30 =	vld [tilespmem:s18+$0x8E80]  }
0x300: {  	v23 =	vmul.f32 v23, v4;
	v31 =	vld [tilespmem:s18+$0x8F00]  }
0x301: {  	v6 =	vadd.f32 v15, v12;
	v12 =	vmul.f32 v21, v3;
	v15 =	vmul.f32 v24, v2;
	v14 =	vld [tilespmem:s18+$0xA280]  }
0x302: {  	vm1 =	vgt.f32 v9, v8;
	vm0 =	vgt.f32 v13, v7;
	v21 =	vld [tilespmem:s18+$0x1700];
	vm2 =	vgt.f32 v29, v28  }
0x303: {  	v22 =	vsel vm1, v25, v22;
	v24 =	vld [tilespmem:s18+$0x100];
	vm3 =	vge.f32 v5, $0.0e+00;
	v25 =	vmul.f32 $6.366197460e-01, v5  }
0x304: {  	v33 =	vsel vm1, $0x3F800000, v0;
	v26 =	vsel vm0, v27, v26;
	v32 =	vsel vm0, $0x3F800000, v0;
	v27 =	vld [tilespmem:s18+$0x7980]  }
0x305: {  	v34 =	vsel vm1, v9, v8;
	v13 =	vsel vm0, v13, v7;
	v35 =	vld [tilespmem:s18+$0x1780];
	v30 =	vsel vm2, v31, v30  }
0x306: {  	v9 =	vadd.f32 v23, v4;
	v28 =	vsel vm2, v29, v28;
	v31 =	vsel vm2, $0x3F800000, v0;
	v29 =	vld [tilespmem:s18+$0x8F80]  }
0x307: {  	v8 =	vadd.f32 v12, v3;
	v7 =	vadd.f32 v15, v2;
	v12 =	vsel vm3, $0x3F000000, v1;
	v23 =	vld [tilespmem:s18+$0x7A00]  }
0x308: {  	v33 =	vmul.f32 $5.000000000e-01, v33;
	v32 =	vmul.f32 $5.000000000e-01, v32;
	vm1 =	vgt.f32 v21, v34;
	v36 =	vld [tilespmem:s18+$0x180]  }
0x309: {  	v31 =	vmul.f32 $5.235987900e-01, v31;
	vm2 =	vgt.f32 v24, v13;
	vm3 =	vgt.f32 v27, v28;
	v37 =	vld [tilespmem:s18+$0x7A80]  }
0x30a: {  	v12 =	vadd.f32 v12, v25;
	v19 =	vsel vm1, v19, v22;
	v20 =	vsel vm2, v20, v26;
	v15 =	vld [tilespmem:s18+$0x200]  }
0x30b: {  	v21 =	vsel vm1, v21, v34;
	v13 =	vsel vm2, v24, v13;
	v22 =	vsel vm3, v27, v28;
	v24 =	vld [tilespmem:s18+$0x7B00]  }
0x30c: {  	v27 =	vadd.f32 $-2.750000000e+00, v33;
	v25 =	vsel vm3, v29, v30;
	v26 =	vld [tilespmem:s18+$0xA000];
	vm4 =	vgt.f32 v23, v22  }
0x30d: {  	vm7 =	vgt.f32 v35, v21;
	v28 =	vadd.f32 $-2.750000000e+00, v32;
	v22 =	vsel vm4, v23, v22;
	v23 =	vld [tilespmem:s18+$0x7B80]  }
0x30e: {  	v29 =	vsel vm3, $0x3F860A92, v31;
	vm0 =	vgt.f32 v36, v13;
	vm8 =	vgt.f32 v37, v22;
	v30 =	vld [tilespmem:s18+$0xA180]  }
0x30f: {  	v12 =	vtrunc.f32 v12;
	v31 =	vsel vm7, v17, v19;
	v22 =	vsel vm8, v37, v22;
	v32 =	vld [tilespmem:s18+$0x8C00]  }
0x310: {  	v17 =	vsel vm7, v35, v21;
	v18 =	vsel vm0, v18, v20;
	v20 =	vld [tilespmem:s18+$0xA080];
	vm3 =	vgt.f32 v24, v22  }
0x311: {  	v34 =	vsel vm4, $0x3FC90FDB, v29;
	v19 =	vsel vm0, v36, v13;
	v13 =	vsel vm3, v24, v22;
	v33 =	vld [tilespmem:s18+$0x8C80]  }
0x312: {  	v21 =	vcvt.f32.s32 v12;
	v26 =	vsel vm4, v26, v25;
	v29 =	vld [tilespmem:s18+$0xA100];
	vm4 =	vgt.f32 v23, v13  }
0x313: {  	v27 =	vsel vm1, $0xBFE00000, v27;
	v22 =	vsel vm2, $0xBFE00000, v28;
	v13 =	vsel vm4, v23, v13;
	v12 =	vld [tilespmem:s18+$0x8D00]  }
.Ltmp6:
0x314: {  	vm1 =	vgt.f32 v15, v19;
	vm2 =	vgt.f32 v10, v17;
	v25 =	vld [tilespmem:s18+$0xA200];
	vm5 =	vgt.f32 v32, v13;
	(pc) =	sbr.rel @p1 .LBB2_5-.Ltmp6, $4  }
0x315: {  	v23 =	vand.u32 $0x1, v21;
	v28 =	vsel vm5, v32, v13;
	v24 =	vld [tilespmem:s18+$0x8D80];
	v13 =	vand.u32 $0x3, v21  }
0x316: {  	v32 =	vsel vm8, v20, v26;
	v20 =	vsel vm7, $0xBFA00000, v27;
	vm6 =	vgt.f32 v33, v28;
	v26 =	vld [tilespmem:s18+$0xA300]  }
0x317: {  	v16 =	vsel vm2, v16, v31;
	v31 =	vsel vm3, v29, v32;
	v29 =	vsel vm6, v33, v28;
	v27 =	vld [tilespmem:s18+$0x8E00]  }
0x318: {  	s24 =	sadd.s32 $0x80, s24;
	s25 =	sadd.s32 $0x10, s25;
	v30 =	vsel vm4, v30, v31;
	vm7 =	vgt.f32 v12, v29;
	v28 =	vld [tilespmem:s18+$0xB400];
	v31 =	vsel vm8, $0x40060A92, v34  }
0x319: {  	v2 =	vsel vm5, v25, v30;
	v4 =	vsel vm7, v12, v29;
	v41 =	vsel vm3, $0x40278D36, v31  }
0x31a: {  	v3 =	vld [tilespmem:s18+$0x3E00];
	v15 =	vsel vm1, v15, v19;
	v50 =	vcvt.s32.f32 v21;
	v10 =	vsel vm2, v10, v17  }
0x31b: {  	v42 =	vld [tilespmem:s18+$0x6480];
	vm3 =	veq.s32 v23, $0x0;
	v59 =	vsel vm0, $0xBFA00000, v22;
	v20 =	vsel vm2, $0xBF400000, v20  }
0x31c: {  	v43 =	vld [tilespmem:s18+$0x2880];
	v39 =	vadd.s32 $0xFFFFFFFF, v13;
	v2 =	vsel vm6, v14, v2;
	vm8 =	vgt.f32 v24, v4  }
0x31d: {  	v44 =	vld [tilespmem:s18+$0x280];
	v12 =	vsel vm4, $0x40490FDB, v41;
	v14 =	vsel vm1, $0xBF400000, v59;
	v2 =	vsel vm7, v26, v2  }
0x31e: {  	v46 =	vld [tilespmem:s18+$0x3E80];
	v4 =	vsel vm8, v24, v4;
	v12 =	vsel vm5, $0x406A9280, v12;
	v53 =	vmul.f32 $-1.570312500e+00, v50  }
0x31f: {  	v47 =	vld [tilespmem:s18+$0x2900];
	v57 =	vmul.f32 $-4.837512970e-04, v50;
	v19 =	vmul.f32 $-7.549790120e-08, v50;
	v45 =	vsel vm6, $0x40860A92, v12  }
0x320: {  	v48 =	vld [tilespmem:s18+$0x300];
	v11 =	vsel vm8, v11, v2;
	vm9 =	vgt.f32 v27, v4;
	v4 =	vsel vm7, $0x4096CBE4, v45  }
0x321: {  	v49 =	vld [tilespmem:s18+$0x6500];
	v11 =	vsel vm9, v28, v11;
	v23 =	vadd.f32 v53, v5;
	v4 =	vsel vm8, $0x40A78D36, v4  }
0x322: {  	v51 =	vld [tilespmem:s18+$0x3F00];
	v11 =	vmul.f32 $2.617993950e-01, v11;
	v18 =	vsel vm1, v3, v18;
	vm10 =	vgt.f32 v43, v10  }
0x323: {  	s20 =	sor.u32 s22, s20;
	vm11 =	vgt.f32 v44, v15;
	v4 =	vsel vm9, $0x40B84E89, v4;
	v16 =	vsel vm10, v42, v16  }
0x324: {  	v54 =	vld [tilespmem:s18+$0x2980];
	s20 =	sor.u32 $0x380, s20;
	v12 =	vsel vm11, v46, v18;
	v10 =	vsel vm10, v43, v10;
	v15 =	vsel vm11, v44, v15  }
0x325: {  	v38 =	vld [tilespmem:s20+$0x0];
	v23 =	vadd.f32 v57, v23;
	v20 =	vsel vm10, $0xBE800000, v20;
	v4 =	vadd.f32 v11, v4  }
0x326: {  	v56 =	vld [tilespmem:s18+$0x6580];
	v14 =	vsel vm11, $0xBE800000, v14;
	vm12 =	vgt.f32 v47, v10;
	vm13 =	vgt.f32 v48, v15  }
0x327: {  	v58 =	vld [tilespmem:s18+$0x2A00];
	v11 =	vsel vm12, v49, v16;
	v12 =	vsel vm13, v51, v12;
	v52 =	vmul.f32 $1.591549370e-01, v4  }
0x328: {  	v44 =	vld [tilespmem:s18+$0x1400];
	v19 =	vadd.f32 v19, v23;
	v10 =	vsel vm12, v47, v10;
	v15 =	vsel vm13, v48, v15  }
0x329: {  	v20 =	vsel vm12, $0x3E800000, v20;
	v14 =	vsel vm13, $0x3E800000, v14;
	v55 =	vtrunc.f32 v52  }
0x32a: {  	v60 =	vld [tilespmem:s18+$0x6600];
	vm15 =	vgt.f32 v54, v10;
	vm8 =	vgt.f32 v38, v15;
	v25 =	vcvt.f32.s32 v55  }
0x32b: {  	v37 =	vmul.f32 v19, v19;
	v10 =	vsel vm15, v54, v10;
	v11 =	vsel vm15, v56, v11  }
0x32c: {  	v62 =	vld [tilespmem:s18+$0x2A80];
	v20 =	vsel vm15, $0x3F400000, v20;
	v15 =	vsel vm8, v38, v15;
	v61 =	vcvt.s32.f32 v25  }
0x32d: {  	v49 =	vld [tilespmem:s18+$0x1480];
	v59 =	vsel vm8, $0x3F400000, v14;
	vm4 =	vgt.f32 v58, v10;
	vm9 =	vgt.f32 v44, v15  }
0x32e: {  	v34 =	vld [tilespmem:s18+$0x2B00];
	v40 =	vmul.f32 $2.443315680e-05, v37;
	v10 =	vsel vm4, v58, v10;
	v32 =	vadd.f32 $-1.000000000e+00, v61  }
0x32f: {  	v35 =	vld [tilespmem:s18+$0x6680];
	v42 =	vsel vm4, v60, v11;
	v20 =	vsel vm4, $0x3FA00000, v20;
	vm14 =	vlt.f32 v52, v61  }
0x330: {  	v63 =	vld [tilespmem:s18+$0x6780];
	v45 =	vmul.f32 $-1.951529560e-04, v37;
	v55 =	vsel vm9, v44, v15;
	v21 =	vsel vm14, v32, v61  }
0x331: {  	v33 =	vld [tilespmem:s18+$0x6700];
	[tilespmem:s18+$0xDC80] =	vst v6;
	vm6 =	vgt.f32 v62, v10;
	v6 =	vadd.f32 $-1.388731650e-03, v40;
	v21 =	vmul.f32 $-6.283185480e+00, v21  }
0x332: {  	v36 =	vld [tilespmem:s18+$0x2B80];
	v60 =	vsel vm9, $0x3FA00000, v59;
	vm11 =	vgt.f32 v49, v55;
	v10 =	vsel vm6, v62, v10  }
0x333: {  	v51 =	vld [tilespmem:s18+$0x3F80];
	v47 =	vadd.f32 $8.332161230e-03, v45;
	v6 =	vmul.f32 v6, v37;
	v4 =	vadd.f32 v21, v4  }
0x334: {  	[tilespmem:s18+$0xDD80] =	vst v9;
	v46 =	vld [tilespmem:s18+$0x5000];
	v48 =	vsel vm6, $0x3FE00000, v20;
	v9 =	vsel vm6, v35, v42;
	vm7 =	vgt.f32 v34, v10  }
0x335: {  	v53 =	vld [tilespmem:s18+$0x1500];
	v11 =	vmul.f32 v47, v37;
	v6 =	vadd.f32 $4.166664560e-02, v6;
	v43 =	vadd.f32 $-6.283185480e+00, v4  }
0x336: {  	v54 =	vld [tilespmem:s18+$0x5080];
	v50 =	vsel vm7, v34, v10;
	v52 =	vmul.f32 v37, v19;
	vm5 =	vgt.f32 v4, $3.141592740e+00  }
0x337: {  	v41 =	vld [tilespmem:s18+$0x5100];
	v9 =	vsel vm7, v33, v9;
	v6 =	vmul.f32 v6, v37;
	v4 =	vsel vm5, v43, v4  }
0x338: {  	v56 =	vld [tilespmem:s18+$0x1580];
	v10 =	vsel vm8, v51, v12;
	v11 =	vadd.f32 $-1.666665520e-01, v11;
	v4 =	vadd.f32 v4, v5  }
0x339: {  	[tilespmem:s18+$0xDE00] =	vst v8;
	v57 =	vld [tilespmem:s18+$0x5180];
	vm10 =	vgt.f32 v36, v50;
	v8 =	vsel vm9, v46, v10;
	v6 =	vadd.f32 $-5.000000000e-01, v6  }
0x33a: {  	v9 =	vsel vm10, v63, v9;
	v11 =	vmul.f32 v11, v52;
	[tilespmem:s18+$0xDF00] =	vst v4;
	v4 =	vsel vm11, v49, v55  }
0x33b: {  	v8 =	vsel vm11, v54, v8;
	v6 =	vmul.f32 v6, v37;
	vm12 =	vgt.f32 v53, v4  }
0x33c: {  	v9 =	vmul.f32 $5.000000000e-01, v9;
	v58 =	vadd.f32 v11, v19;
	v4 =	vsel vm12, v53, v4  }
0x33d: {  	v6 =	vadd.f32 $1.000000000e+00, v6;
	v8 =	vsel vm12, v41, v8;
	vm13 =	vgt.f32 v56, v4  }
0x33e: {  	v5 =	vsel vm7, $0x40100000, v48;
	v4 =	vsel vm11, $0x3FE00000, v60;
	v8 =	vsel vm13, v57, v8  }
0x33f: {  	v61 =	vsel vm3, v58, v6;
	v4 =	vsel vm12, $0x40100000, v4;
	v8 =	vmul.f32 $5.000000000e-01, v8  }
0x340: {  	v6 =	vsel vm3, v6, v58;
	v62 =	vsub.f32 $0.0e+00, v61;
	v4 =	vsel vm13, $0x40300000, v4  }
0x341: {  	v5 =	vsel vm10, $0x40300000, v5;
	v63 =	vsub.f32 $0.0e+00, v6;
	v4 =	vadd.f32 v8, v4  }
0x342: {  	vm15 =	vlt.u32 v39, $0x2;
	vm14 =	vgt.u32 v13, $0x1;
	v5 =	vadd.f32 v9, v5  }
0x343: {  	[tilespmem:s18+$0xDE80] =	vst v7;
	v2 =	vld [tilespmem:s18+$0xC800];
	v7 =	vsel vm14, v62, v61;
	v6 =	vsel vm15, v63, v6;
	v8 =	vsub.f32 $0.0e+00, v4  }
0x344: {  	v3 =	vld [tilespmem:s18+$0xC900];
	v9 =	vmul.f32 v7, v5;
	v4 =	vmul.f32 v6, v4  }
0x345: {  	v5 =	vmul.f32 v6, v5;
	v7 =	vmul.f32 v7, v8  }
0x346: {  	v4 =	vadd.f32 v9, v4  }
0x347: {  	v5 =	vadd.f32 v5, v7  }
0x348: {  	v2 =	vadd.f32 v4, v2  }
0x349: {  	v3 =	vadd.f32 v5, v3  }
0x34a: {  	[tilespmem:s18+$0xDC00] =	vst v2  }
.Ltmp7:
0x34b: {  	[tilespmem:s18+$0xDD00] =	vst v3;
	(pc) =	sbr.rel .LBB2_10-.Ltmp7, $4  }
0x34c: {  	[hbm4b:s8+s4] =	stream.linear.scatter [tilespmem:s2], [sflag:$0x3], $0x1400, $0x38;
	[tilespmem:$0x12000] =	vst v63  }
0x34d: {  	_ =	swait.ge [sflag:s16], $0x1400  }
0x34e: {  	s24 =	simm.s32 $0xF000;
	s25 =	simm.s32 $0x1400;
	[sflag:s16] =	ssyncset.done $0x0  }
0x34f: {  	s26 =	simm.s32 $0x2800;
	s28 =	simm.s32 $0x3C00;
	[sflag:s16] =	ssyncadd.s32 $0xFFFFEC00  }
.LBB2_11:
0x350: {  	_ =	sfence.sel $0x180000  }
0x351: {  	[bflag:$0x0] =	sbarrier.arrive $0xFFFF  }
0x352: {  	_ =	strace $0x90000047  }
0x353: {  	s0 =	stileid.u32;
	[bflag:$0x2] =	sbarrier.arrive $0xFFFF  }
0x354: {  	p0 =	sne.s32 s0, $0x0;
	s0 =	rddreg [dreg:$0x5]  }
0x355: {  	s0 =	sadd.s32 @!p0 $0x100000, s0  }
0x356: {  	[sflag:s0] =	ssyncadd.tile.s32 @!p0 $0x1;
	_ =	shalt  }
.Lfunc_end2:
_tile_overlayer_lowered:
.L_overlay_start_2:
0x357: {  	(tag) =	ssettag $0x2  }
0x358: {  	s0 =	rddreg [dreg:$0x0];
	s2 =	stileid.u32  }
0x359: {  	s1 =	rddreg [dreg:$0x1];
	p0 =	sne.s32 s2, $0x0  }
0x35a: {  	s3 =	rddreg [dreg:$0x2];
	[bflag:$0x3] =	sbarrier.arrive $0xFFFF;
	s2 =	simm.s32 @!p0 $0x1C03  }
0x35b: {  	[timem:s3], [sflag:s2] =	dma.local @!p0 [hbm:s0], s1  }
0x35c: {  	s0 =	simm.s32 @!p0 $0x3  }
0x35d: {  	_ =	swait.ge @!p0 [sflag:s0], s1  }
0x35e: {  	s1 =	ssub.s32 @!p0 $0x0, s1;
	[sflag:s0] =	ssyncset.done @!p0 $0x0  }
0x35f: {  	[sflag:s0] =	ssyncadd.s32 @!p0 s1  }
0x360: {  	[bflag:$0x3] =	sbarrier.arrive $0xFFFF  }
0x361: {  	_ =	shalt  }

</sc_bundles>
